<compile_context>
chip_gen: v7x
topology: tpu7x:2x2x1
jax: 0.10.2.dev20260603
libtpu: 0.0.44.dev20260713+nightly
codegen_flags: <defaults>
</compile_context>

<pallas_src>
import functools

import jax
import jax.numpy as jnp
from jax import lax
from jax.experimental import pallas as pl
from jax.experimental.pallas import tpu as pltpu
from jax.experimental.pallas import tpu_sc as plsc

NC, NS = 2, 16
D = 32
V = 1000000
B = 4096 * 50
BPT = B // NS
DPS = D // NC
CH = 62464
LCH = 62976
TAIL = 128

_mesh = plsc.VectorSubcoreMesh(core_axis_name="c", subcore_axis_name="s")


@functools.partial(
    pl.kernel,
    out_type=jax.ShapeDtypeStruct((D, B), jnp.float32),
    mesh=_mesh,
    scratch_types=[
        pltpu.VMEM_SHARED((V,), jnp.float32),
        pltpu.VMEM((1, BPT), jnp.int32),
        pltpu.VMEM((BPT,), jnp.float32),
        pltpu.VMEM((BPT,), jnp.float32),
        pltpu.VMEM((TAIL,), jnp.float32),
        pltpu.SemaphoreType.DMA,
        pltpu.SemaphoreType.DMA,
        pltpu.SemaphoreType.DMA((2,)),
    ],
)
def _gather_kernel(idx_hbm, table_hbm, tail_hbm, out_hbm, slab, idx_v,
                   vals0, vals1, tail_v, ssem, gsem, osem):
    sc = lax.axis_index("c")
    sid = lax.axis_index("s")
    vals = (vals0, vals1)
    pltpu.sync_copy(idx_hbm.at[sid], idx_v)

    def plane(k):
        return sc * DPS + k

    def stage_start(k):
        @pl.when(sid < NS - 1)
        def _mid():
            pltpu.async_copy(table_hbm.at[plane(k), pl.ds(sid * CH, CH)],
                             slab.at[pl.ds(sid * CH, CH)], ssem)

        @pl.when(sid == NS - 1)
        def _last():
            pltpu.async_copy(
                table_hbm.at[plane(k), pl.ds((NS - 1) * CH, LCH)],
                slab.at[pl.ds((NS - 1) * CH, LCH)], ssem)
            pltpu.async_copy(tail_hbm.at[pl.ds(plane(k) * TAIL, TAIL)],
                             tail_v, ssem)

    def stage_wait(k):
        @pl.when(sid < NS - 1)
        def _mid():
            pltpu.make_async_copy(
                table_hbm.at[plane(k), pl.ds(sid * CH, CH)],
                slab.at[pl.ds(sid * CH, CH)], ssem).wait()

        @pl.when(sid == NS - 1)
        def _last():
            pltpu.make_async_copy(
                table_hbm.at[plane(k), pl.ds((NS - 1) * CH, LCH)],
                slab.at[pl.ds((NS - 1) * CH, LCH)], ssem).wait()
            pltpu.make_async_copy(tail_hbm.at[pl.ds(plane(k) * TAIL, TAIL)],
                                  tail_v, ssem).wait()
            pltpu.sync_copy(tail_v, slab.at[pl.ds(V - TAIL, TAIL)])

    def out_ref(k):
        return out_hbm.at[plane(k), pl.ds(sid * BPT, BPT)]

    stage_start(0)
    for k in range(DPS):
        b = k % 2
        stage_wait(k)
        plsc.subcore_barrier()
        if k >= 2:
            pltpu.make_async_copy(vals[b], out_ref(k - 2), osem.at[b]).wait()
        pltpu.async_copy(slab.at[idx_v.at[0]], vals[b], gsem).wait()
        pltpu.async_copy(vals[b], out_ref(k), osem.at[b])
        plsc.subcore_barrier()
        if k + 1 < DPS:
            stage_start(k + 1)
    pltpu.make_async_copy(vals[DPS % 2], out_ref(DPS - 2),
                          osem.at[DPS % 2]).wait()
    pltpu.make_async_copy(vals[(DPS - 1) % 2], out_ref(DPS - 1),
                          osem.at[(DPS - 1) % 2]).wait()


def kernel(inputs, table):
    idx = inputs.reshape(NS, 1, BPT).astype(jnp.int32)
    table_t = table.T
    tail = table_t[:, V - TAIL:].reshape(D * TAIL)
    out_t = _gather_kernel(idx, table_t, tail)
    return out_t.T

# --- scband reference (transcript-rebuilt; emitter-appended) ---
"""Pipeline reference for scband-categorylayer-4191888081409 (READ-ONLY COPY).

The authoritative reference and input builder live on the scoring server;
editing this copy changes nothing except your own understanding.
"""

import jax, jax.numpy as jnp
import numpy as np

CATEGORIES = 1000000
EMBED_DIM = 32

def setup_inputs(seed: int = 0) -> dict:
    key = jax.random.key(seed)
    k_idx, k_tab = jax.random.split(key)
    inputs = jax.random.randint(k_idx, (4096, 50), 0, CATEGORIES, dtype=jnp.int64 if jax.config.jax_enable_x64 else jnp.int32)
    table = jax.random.normal(k_tab, (CATEGORIES, EMBED_DIM), dtype=jnp.float32)
    return {"inputs": inputs, "table": table}

def reference(inputs, table):
    # nn.Embedding lookup: gather rows of the table, then flatten to [-1, output_dim]
    catedembed = jnp.take(table, inputs, axis=0)  # [4096, 50, 32]
    output = catedembed.reshape((-1, EMBED_DIM))   # [204800, 32]
    return output

if __name__ == "__main__":
    import jax
    _d = setup_inputs()
    print(jax.jit(kernel)(*tuple(_d.values())))

</pallas_src>

<mosaic_0001>
#map = affine_map<(d0, d1) -> (0, 0, 0)>
#map1 = affine_map<(d0, d1) -> (0, 0)>
#map2 = affine_map<(d0, d1) -> (0)>
module attributes {stable_mosaic.version = 14 : i64} {
  func.func @_gather_kernel(%arg0: i32, %arg1: i32, %arg2: memref<16x1x12800xi32, #tpu.memory_space<hbm>>, %arg3: memref<32x1000000xf32, #tpu.memory_space<hbm>>, %arg4: memref<4096xf32, #tpu.memory_space<hbm>>, %arg5: memref<32x204800xf32, #tpu.memory_space<hbm>>, %arg6: memref<1000000xf32, #tpu.memory_space<vmem_shared>>, %arg7: memref<1x12800xi32, #tpu.memory_space<vmem>>, %arg8: memref<12800xf32, #tpu.memory_space<vmem>>, %arg9: memref<12800xf32, #tpu.memory_space<vmem>>, %arg10: memref<128xf32, #tpu.memory_space<vmem>>, %arg11: memref<!tpu.dma_semaphore, #tpu.memory_space<semaphore_mem>>, %arg12: memref<!tpu.dma_semaphore, #tpu.memory_space<semaphore_mem>>, %arg13: memref<2x!tpu.dma_semaphore, #tpu.memory_space<semaphore_mem>>) attributes {dimension_semantics = [#tpu.dimension_semantics<core_parallel>, #tpu.dimension_semantics<subcore_parallel>], iteration_bounds = array<i64: 2, 16>, scalar_prefetch = 0 : i64, scratch_operands = 8 : i64, tpu.core_type = #tpu.core_type<sc_vector_subcore>, window_params = [{transform_indices = #map}, {transform_indices = #map1}, {transform_indices = #map2}, {transform_indices = #map1}]} {
    "tpu.region"() ({
      %run_scoped3A = tpu.sem_alloc : memref<!tpu.dma_semaphore, #tpu.memory_space<semaphore_mem>>
      %dma_start3A_951 = arith.constant 0 : i32
      %dma_start3A_952 = arith.constant 0 : i32
      %dma_start3A_953 = tpu.memref_slice %arg2[%arg1, %dma_start3A_951, %dma_start3A_952] : memref<16x1x12800xi32, #tpu.memory_space<hbm>> -> memref<1x1x12800xi32, #tpu.memory_space<hbm>>
      %dma_start3A_954 = tpu.memref_squeeze %dma_start3A_953 : memref<1x1x12800xi32, #tpu.memory_space<hbm>> -> memref<1x12800xi32, #tpu.memory_space<hbm>>
      %dma_start3A_955 = arith.constant 0 : i32
      %dma_start3A_956 = arith.constant 0 : i32
      %dma_start3A_957 = tpu.memref_slice %arg2[%arg1, %dma_start3A_955, %dma_start3A_956] : memref<16x1x12800xi32, #tpu.memory_space<hbm>> -> memref<1x1x12800xi32, #tpu.memory_space<hbm>>
      %dma_start3A_958 = tpu.memref_squeeze %dma_start3A_957 : memref<1x1x12800xi32, #tpu.memory_space<hbm>> -> memref<1x12800xi32, #tpu.memory_space<hbm>>
      tpu.enqueue_dma source(%dma_start3A_958 : memref<1x12800xi32, #tpu.memory_space<hbm>>) target(%arg7 : memref<1x12800xi32, #tpu.memory_space<vmem>>) target_semaphore(%run_scoped3A : memref<!tpu.dma_semaphore, #tpu.memory_space<semaphore_mem>>)
      %dma_wait3A_959 = arith.constant 0 : i32
      %dma_wait3A_960 = arith.constant 0 : i32
      %dma_wait3A_961 = tpu.memref_slice %arg2[%arg1, %dma_wait3A_959, %dma_wait3A_960] : memref<16x1x12800xi32, #tpu.memory_space<hbm>> -> memref<1x1x12800xi32, #tpu.memory_space<hbm>>
      %dma_wait3A_962 = tpu.memref_squeeze %dma_wait3A_961 : memref<1x1x12800xi32, #tpu.memory_space<hbm>> -> memref<1x12800xi32, #tpu.memory_space<hbm>>
      %dma_wait3A_963 = arith.constant 0 : i32
      %dma_wait3A_964 = arith.constant 0 : i32
      %dma_wait3A_965 = tpu.memref_slice %arg2[%arg1, %dma_wait3A_963, %dma_wait3A_964] : memref<16x1x12800xi32, #tpu.memory_space<hbm>> -> memref<1x1x12800xi32, #tpu.memory_space<hbm>>
      %dma_wait3A_966 = tpu.memref_squeeze %dma_wait3A_965 : memref<1x1x12800xi32, #tpu.memory_space<hbm>> -> memref<1x12800xi32, #tpu.memory_space<hbm>>
      tpu.wait_dma2 semaphore(%run_scoped3A : memref<!tpu.dma_semaphore, #tpu.memory_space<semaphore_mem>>) src(%dma_wait3A_966 : memref<1x12800xi32, #tpu.memory_space<hbm>>) dst(%arg7 : memref<1x12800xi32, #tpu.memory_space<vmem>>)
      tpu.yield
    }) : () -> ()
    %lt3A = arith.constant 15 : i32
    %lt3A_0 = arith.cmpi slt, %arg1, %lt3A : i32
    %convert_element_type3A = arith.extui %lt3A_0 : i1 to i32
    %cond3A = arith.constant 0 : i32
    %cond3A_1 = arith.cmpi ne, %convert_element_type3A, %cond3A : i32
    scf.if %cond3A_1 {
      %mul3A_951 = arith.constant 16 : i32
      %mul3A_952 = arith.muli %arg0, %mul3A_951 : i32
      %add3A_953 = arith.constant 0 : i32
      %add3A_954 = arith.addi %mul3A_952, %add3A_953 : i32
      %mul3A_955 = arith.constant 62464 : i32
      %mul3A_956 = arith.muli %arg1, %mul3A_955 : i32
      %mul3A_957 = arith.constant 62464 : i32
      %mul3A_958 = arith.muli %arg1, %mul3A_957 : i32
      %dma_start3A_959 = tpu.memref_slice %arg6[%mul3A_958] : memref<1000000xf32, #tpu.memory_space<vmem_shared>> -> memref<62464xf32, #tpu.memory_space<vmem_shared>>
      %dma_start3A_960 = tpu.memref_slice %arg3[%add3A_954, %mul3A_956] : memref<32x1000000xf32, #tpu.memory_space<hbm>> -> memref<1x62464xf32, #tpu.memory_space<hbm>>
      %dma_start3A_961 = tpu.memref_squeeze %dma_start3A_960 : memref<1x62464xf32, #tpu.memory_space<hbm>> -> memref<62464xf32, #tpu.memory_space<hbm>>
      tpu.enqueue_dma source(%dma_start3A_961 : memref<62464xf32, #tpu.memory_space<hbm>>) target(%dma_start3A_959 : memref<62464xf32, #tpu.memory_space<vmem_shared>>) target_semaphore(%arg11 : memref<!tpu.dma_semaphore, #tpu.memory_space<semaphore_mem>>)
    } else {
    }
    %eq3A = arith.constant 15 : i32
    %eq3A_2 = arith.cmpi eq, %arg1, %eq3A : i32
    %convert_element_type3A_3 = arith.extui %eq3A_2 : i1 to i32
    %cond3A_4 = arith.constant 0 : i32
    %cond3A_5 = arith.cmpi ne, %convert_element_type3A_3, %cond3A_4 : i32
    scf.if %cond3A_5 {
      %mul3A_951 = arith.constant 16 : i32
      %mul3A_952 = arith.muli %arg0, %mul3A_951 : i32
      %add3A_953 = arith.constant 0 : i32
      %add3A_954 = arith.addi %mul3A_952, %add3A_953 : i32
      %dma_start3A_955 = arith.constant 936960 : i32
      %dma_start3A_956 = tpu.memref_slice %arg6[%dma_start3A_955] : memref<1000000xf32, #tpu.memory_space<vmem_shared>> -> memref<62976xf32, #tpu.memory_space<vmem_shared>>
      %dma_start3A_957 = arith.constant 936960 : i32
      %dma_start3A_958 = tpu.memref_slice %arg3[%add3A_954, %dma_start3A_957] : memref<32x1000000xf32, #tpu.memory_space<hbm>> -> memref<1x62976xf32, #tpu.memory_space<hbm>>
      %dma_start3A_959 = tpu.memref_squeeze %dma_start3A_958 : memref<1x62976xf32, #tpu.memory_space<hbm>> -> memref<62976xf32, #tpu.memory_space<hbm>>
      tpu.enqueue_dma source(%dma_start3A_959 : memref<62976xf32, #tpu.memory_space<hbm>>) target(%dma_start3A_956 : memref<62976xf32, #tpu.memory_space<vmem_shared>>) target_semaphore(%arg11 : memref<!tpu.dma_semaphore, #tpu.memory_space<semaphore_mem>>)
      %mul3A_960 = arith.constant 16 : i32
      %mul3A_961 = arith.muli %arg0, %mul3A_960 : i32
      %add3A_962 = arith.constant 0 : i32
      %add3A_963 = arith.addi %mul3A_961, %add3A_962 : i32
      %mul3A_964 = arith.constant 128 : i32
      %mul3A_965 = arith.muli %add3A_963, %mul3A_964 : i32
      %dma_start3A_966 = tpu.memref_slice %arg4[%mul3A_965] : memref<4096xf32, #tpu.memory_space<hbm>> -> memref<128xf32, #tpu.memory_space<hbm>>
      %dma_start3A_967 = tpu.memref_slice %arg4[%mul3A_965] : memref<4096xf32, #tpu.memory_space<hbm>> -> memref<128xf32, #tpu.memory_space<hbm>>
      tpu.enqueue_dma source(%dma_start3A_967 : memref<128xf32, #tpu.memory_space<hbm>>) target(%arg10 : memref<128xf32, #tpu.memory_space<vmem>>) target_semaphore(%arg11 : memref<!tpu.dma_semaphore, #tpu.memory_space<semaphore_mem>>)
    } else {
    }
    %lt3A_6 = arith.constant 15 : i32
    %lt3A_7 = arith.cmpi slt, %arg1, %lt3A_6 : i32
    %convert_element_type3A_8 = arith.extui %lt3A_7 : i1 to i32
    %cond3A_9 = arith.constant 0 : i32
    %cond3A_10 = arith.cmpi ne, %convert_element_type3A_8, %cond3A_9 : i32
    scf.if %cond3A_10 {
      %mul3A_951 = arith.constant 16 : i32
      %mul3A_952 = arith.muli %arg0, %mul3A_951 : i32
      %add3A_953 = arith.constant 0 : i32
      %add3A_954 = arith.addi %mul3A_952, %add3A_953 : i32
      %mul3A_955 = arith.constant 62464 : i32
      %mul3A_956 = arith.muli %arg1, %mul3A_955 : i32
      %mul3A_957 = arith.constant 62464 : i32
      %mul3A_958 = arith.muli %arg1, %mul3A_957 : i32
      %dma_wait3A_959 = tpu.memref_slice %arg6[%mul3A_958] : memref<1000000xf32, #tpu.memory_space<vmem_shared>> -> memref<62464xf32, #tpu.memory_space<vmem_shared>>
      %dma_wait3A_960 = tpu.memref_slice %arg3[%add3A_954, %mul3A_956] : memref<32x1000000xf32, #tpu.memory_space<hbm>> -> memref<1x62464xf32, #tpu.memory_space<hbm>>
      %dma_wait3A_961 = tpu.memref_squeeze %dma_wait3A_960 : memref<1x62464xf32, #tpu.memory_space<hbm>> -> memref<62464xf32, #tpu.memory_space<hbm>>
      tpu.wait_dma2 semaphore(%arg11 : memref<!tpu.dma_semaphore, #tpu.memory_space<semaphore_mem>>) src(%dma_wait3A_961 : memref<62464xf32, #tpu.memory_space<hbm>>) dst(%dma_wait3A_959 : memref<62464xf32, #tpu.memory_space<vmem_shared>>)
    } else {
    }
    %eq3A_11 = arith.constant 15 : i32
    %eq3A_12 = arith.cmpi eq, %arg1, %eq3A_11 : i32
    %convert_element_type3A_13 = arith.extui %eq3A_12 : i1 to i32
    %cond3A_14 = arith.constant 0 : i32
    %cond3A_15 = arith.cmpi ne, %convert_element_type3A_13, %cond3A_14 : i32
    scf.if %cond3A_15 {
      %mul3A_951 = arith.constant 16 : i32
      %mul3A_952 = arith.muli %arg0, %mul3A_951 : i32
      %add3A_953 = arith.constant 0 : i32
      %add3A_954 = arith.addi %mul3A_952, %add3A_953 : i32
      %dma_wait3A_955 = arith.constant 936960 : i32
      %dma_wait3A_956 = tpu.memref_slice %arg6[%dma_wait3A_955] : memref<1000000xf32, #tpu.memory_space<vmem_shared>> -> memref<62976xf32, #tpu.memory_space<vmem_shared>>
      %dma_wait3A_957 = arith.constant 936960 : i32
      %dma_wait3A_958 = tpu.memref_slice %arg3[%add3A_954, %dma_wait3A_957] : memref<32x1000000xf32, #tpu.memory_space<hbm>> -> memref<1x62976xf32, #tpu.memory_space<hbm>>
      %dma_wait3A_959 = tpu.memref_squeeze %dma_wait3A_958 : memref<1x62976xf32, #tpu.memory_space<hbm>> -> memref<62976xf32, #tpu.memory_space<hbm>>
      tpu.wait_dma2 semaphore(%arg11 : memref<!tpu.dma_semaphore, #tpu.memory_space<semaphore_mem>>) src(%dma_wait3A_959 : memref<62976xf32, #tpu.memory_space<hbm>>) dst(%dma_wait3A_956 : memref<62976xf32, #tpu.memory_space<vmem_shared>>)
      %mul3A_960 = arith.constant 16 : i32
      %mul3A_961 = arith.muli %arg0, %mul3A_960 : i32
      %add3A_962 = arith.constant 0 : i32
      %add3A_963 = arith.addi %mul3A_961, %add3A_962 : i32
      %mul3A_964 = arith.constant 128 : i32
      %mul3A_965 = arith.muli %add3A_963, %mul3A_964 : i32
      %dma_wait3A_966 = tpu.memref_slice %arg4[%mul3A_965] : memref<4096xf32, #tpu.memory_space<hbm>> -> memref<128xf32, #tpu.memory_space<hbm>>
      %dma_wait3A_967 = tpu.memref_slice %arg4[%mul3A_965] : memref<4096xf32, #tpu.memory_space<hbm>> -> memref<128xf32, #tpu.memory_space<hbm>>
      tpu.wait_dma2 semaphore(%arg11 : memref<!tpu.dma_semaphore, #tpu.memory_space<semaphore_mem>>) src(%dma_wait3A_967 : memref<128xf32, #tpu.memory_space<hbm>>) dst(%arg10 : memref<128xf32, #tpu.memory_space<vmem>>)
      "tpu.region"() ({
        %run_scoped3A = tpu.sem_alloc : memref<!tpu.dma_semaphore, #tpu.memory_space<semaphore_mem>>
        %dma_start3A_968 = arith.constant 999872 : i32
        %dma_start3A_969 = tpu.memref_slice %arg6[%dma_start3A_968] : memref<1000000xf32, #tpu.memory_space<vmem_shared>> -> memref<128xf32, #tpu.memory_space<vmem_shared>>
        %dma_start3A_970 = arith.constant 999872 : i32
        %dma_start3A_971 = tpu.memref_slice %arg6[%dma_start3A_970] : memref<1000000xf32, #tpu.memory_space<vmem_shared>> -> memref<128xf32, #tpu.memory_space<vmem_shared>>
        tpu.enqueue_dma source(%arg10 : memref<128xf32, #tpu.memory_space<vmem>>) target(%dma_start3A_971 : memref<128xf32, #tpu.memory_space<vmem_shared>>) target_semaphore(%run_scoped3A : memref<!tpu.dma_semaphore, #tpu.memory_space<semaphore_mem>>)
        %dma_wait3A_972 = arith.constant 999872 : i32
        %dma_wait3A_973 = tpu.memref_slice %arg6[%dma_wait3A_972] : memref<1000000xf32, #tpu.memory_space<vmem_shared>> -> memref<128xf32, #tpu.memory_space<vmem_shared>>
        %dma_wait3A_974 = arith.constant 999872 : i32
        %dma_wait3A_975 = tpu.memref_slice %arg6[%dma_wait3A_974] : memref<1000000xf32, #tpu.memory_space<vmem_shared>> -> memref<128xf32, #tpu.memory_space<vmem_shared>>
        tpu.wait_dma2 semaphore(%run_scoped3A : memref<!tpu.dma_semaphore, #tpu.memory_space<semaphore_mem>>) src(%arg10 : memref<128xf32, #tpu.memory_space<vmem>>) dst(%dma_wait3A_975 : memref<128xf32, #tpu.memory_space<vmem_shared>>)
        tpu.yield
      }) : () -> ()
    } else {
    }
    %barrier3A = arith.constant 0 : index
    tpu.barrier barrier_id(%barrier3A)
    %dma_start3A = arith.constant 0 : i32
    %dma_start3A_16 = arith.constant 0 : i32
    %dma_start3A_17 = tpu.memref_slice %arg7[%dma_start3A, %dma_start3A_16] : memref<1x12800xi32, #tpu.memory_space<vmem>> -> memref<1x12800xi32, #tpu.memory_space<vmem>>
    %dma_start3A_18 = tpu.memref_squeeze %dma_start3A_17 : memref<1x12800xi32, #tpu.memory_space<vmem>> -> memref<12800xi32, #tpu.memory_space<vmem>>
    %dma_start3A_19 = arith.constant 0 : i32
    %dma_start3A_20 = tpu.memref_slice %arg6[%dma_start3A_19] : memref<1000000xf32, #tpu.memory_space<vmem_shared>> -> memref<1000000xf32, #tpu.memory_space<vmem_shared>>
    tpu.enqueue_indirect_dma source(%dma_start3A_20 : memref<1000000xf32, #tpu.memory_space<vmem_shared>>) target(%arg8 : memref<12800xf32, #tpu.memory_space<vmem>>) offsets(%dma_start3A_18 : memref<12800xi32, #tpu.memory_space<vmem>>) semaphore(%arg12 : memref<!tpu.dma_semaphore, #tpu.memory_space<semaphore_mem>>)
    %dma_wait3A = arith.constant 0 : i32
    %dma_wait3A_21 = arith.constant 0 : i32
    %dma_wait3A_22 = tpu.memref_slice %arg7[%dma_wait3A, %dma_wait3A_21] : memref<1x12800xi32, #tpu.memory_space<vmem>> -> memref<1x12800xi32, #tpu.memory_space<vmem>>
    %dma_wait3A_23 = tpu.memref_squeeze %dma_wait3A_22 : memref<1x12800xi32, #tpu.memory_space<vmem>> -> memref<12800xi32, #tpu.memory_space<vmem>>
    %dma_wait3A_24 = arith.constant 0 : i32
    %dma_wait3A_25 = tpu.memref_slice %arg6[%dma_wait3A_24] : memref<1000000xf32, #tpu.memory_space<vmem_shared>> -> memref<1000000xf32, #tpu.memory_space<vmem_shared>>
    tpu.wait_indirect_dma semaphore(%arg12 : memref<!tpu.dma_semaphore, #tpu.memory_space<semaphore_mem>>) src(%dma_wait3A_25 : memref<1000000xf32, #tpu.memory_space<vmem_shared>>) dst(%arg8 : memref<12800xf32, #tpu.memory_space<vmem>>)
    %mul3A = arith.constant 16 : i32
    %mul3A_26 = arith.muli %arg0, %mul3A : i32
    %add3A = arith.constant 0 : i32
    %add3A_27 = arith.addi %mul3A_26, %add3A : i32
    %mul3A_28 = arith.constant 12800 : i32
    %mul3A_29 = arith.muli %arg1, %mul3A_28 : i32
    %dma_start3A_30 = arith.constant 0 : i32
    %dma_start3A_31 = tpu.memref_slice %arg5[%add3A_27, %mul3A_29] : memref<32x204800xf32, #tpu.memory_space<hbm>> -> memref<1x12800xf32, #tpu.memory_space<hbm>>
    %dma_start3A_32 = tpu.memref_squeeze %dma_start3A_31 : memref<1x12800xf32, #tpu.memory_space<hbm>> -> memref<12800xf32, #tpu.memory_space<hbm>>
    %dma_start3A_33 = tpu.memref_slice %arg13[%dma_start3A_30] : memref<2x!tpu.dma_semaphore, #tpu.memory_space<semaphore_mem>> -> memref<1x!tpu.dma_semaphore, #tpu.memory_space<semaphore_mem>>
    %dma_start3A_34 = tpu.memref_squeeze %dma_start3A_33 : memref<1x!tpu.dma_semaphore, #tpu.memory_space<semaphore_mem>> -> memref<!tpu.dma_semaphore, #tpu.memory_space<semaphore_mem>>
    %dma_start3A_35 = tpu.memref_slice %arg5[%add3A_27, %mul3A_29] : memref<32x204800xf32, #tpu.memory_space<hbm>> -> memref<1x12800xf32, #tpu.memory_space<hbm>>
    %dma_start3A_36 = tpu.memref_squeeze %dma_start3A_35 : memref<1x12800xf32, #tpu.memory_space<hbm>> -> memref<12800xf32, #tpu.memory_space<hbm>>
    tpu.enqueue_dma source(%arg8 : memref<12800xf32, #tpu.memory_space<vmem>>) target(%dma_start3A_36 : memref<12800xf32, #tpu.memory_space<hbm>>) target_semaphore(%dma_start3A_34 : memref<!tpu.dma_semaphore, #tpu.memory_space<semaphore_mem>>)
    %barrier3A_37 = arith.constant 0 : index
    tpu.barrier barrier_id(%barrier3A_37)
    %lt3A_38 = arith.constant 15 : i32
    %lt3A_39 = arith.cmpi slt, %arg1, %lt3A_38 : i32
    %convert_element_type3A_40 = arith.extui %lt3A_39 : i1 to i32
    %cond3A_41 = arith.constant 0 : i32
    %cond3A_42 = arith.cmpi ne, %convert_element_type3A_40, %cond3A_41 : i32
    scf.if %cond3A_42 {
      %mul3A_951 = arith.constant 16 : i32
      %mul3A_952 = arith.muli %arg0, %mul3A_951 : i32
      %add3A_953 = arith.constant 1 : i32
      %add3A_954 = arith.addi %mul3A_952, %add3A_953 : i32
      %mul3A_955 = arith.constant 62464 : i32
      %mul3A_956 = arith.muli %arg1, %mul3A_955 : i32
      %mul3A_957 = arith.constant 62464 : i32
      %mul3A_958 = arith.muli %arg1, %mul3A_957 : i32
      %dma_start3A_959 = tpu.memref_slice %arg6[%mul3A_958] : memref<1000000xf32, #tpu.memory_space<vmem_shared>> -> memref<62464xf32, #tpu.memory_space<vmem_shared>>
      %dma_start3A_960 = tpu.memref_slice %arg3[%add3A_954, %mul3A_956] : memref<32x1000000xf32, #tpu.memory_space<hbm>> -> memref<1x62464xf32, #tpu.memory_space<hbm>>
      %dma_start3A_961 = tpu.memref_squeeze %dma_start3A_960 : memref<1x62464xf32, #tpu.memory_space<hbm>> -> memref<62464xf32, #tpu.memory_space<hbm>>
      tpu.enqueue_dma source(%dma_start3A_961 : memref<62464xf32, #tpu.memory_space<hbm>>) target(%dma_start3A_959 : memref<62464xf32, #tpu.memory_space<vmem_shared>>) target_semaphore(%arg11 : memref<!tpu.dma_semaphore, #tpu.memory_space<semaphore_mem>>)
    } else {
    }
    %eq3A_43 = arith.constant 15 : i32
    %eq3A_44 = arith.cmpi eq, %arg1, %eq3A_43 : i32
    %convert_element_type3A_45 = arith.extui %eq3A_44 : i1 to i32
    %cond3A_46 = arith.constant 0 : i32
    %cond3A_47 = arith.cmpi ne, %convert_element_type3A_45, %cond3A_46 : i32
    scf.if %cond3A_47 {
      %mul3A_951 = arith.constant 16 : i32
      %mul3A_952 = arith.muli %arg0, %mul3A_951 : i32
      %add3A_953 = arith.constant 1 : i32
      %add3A_954 = arith.addi %mul3A_952, %add3A_953 : i32
      %dma_start3A_955 = arith.constant 936960 : i32
      %dma_start3A_956 = tpu.memref_slice %arg6[%dma_start3A_955] : memref<1000000xf32, #tpu.memory_space<vmem_shared>> -> memref<62976xf32, #tpu.memory_space<vmem_shared>>
      %dma_start3A_957 = arith.constant 936960 : i32
      %dma_start3A_958 = tpu.memref_slice %arg3[%add3A_954, %dma_start3A_957] : memref<32x1000000xf32, #tpu.memory_space<hbm>> -> memref<1x62976xf32, #tpu.memory_space<hbm>>
      %dma_start3A_959 = tpu.memref_squeeze %dma_start3A_958 : memref<1x62976xf32, #tpu.memory_space<hbm>> -> memref<62976xf32, #tpu.memory_space<hbm>>
      tpu.enqueue_dma source(%dma_start3A_959 : memref<62976xf32, #tpu.memory_space<hbm>>) target(%dma_start3A_956 : memref<62976xf32, #tpu.memory_space<vmem_shared>>) target_semaphore(%arg11 : memref<!tpu.dma_semaphore, #tpu.memory_space<semaphore_mem>>)
      %mul3A_960 = arith.constant 16 : i32
      %mul3A_961 = arith.muli %arg0, %mul3A_960 : i32
      %add3A_962 = arith.constant 1 : i32
      %add3A_963 = arith.addi %mul3A_961, %add3A_962 : i32
      %mul3A_964 = arith.constant 128 : i32
      %mul3A_965 = arith.muli %add3A_963, %mul3A_964 : i32
      %dma_start3A_966 = tpu.memref_slice %arg4[%mul3A_965] : memref<4096xf32, #tpu.memory_space<hbm>> -> memref<128xf32, #tpu.memory_space<hbm>>
      %dma_start3A_967 = tpu.memref_slice %arg4[%mul3A_965] : memref<4096xf32, #tpu.memory_space<hbm>> -> memref<128xf32, #tpu.memory_space<hbm>>
      tpu.enqueue_dma source(%dma_start3A_967 : memref<128xf32, #tpu.memory_space<hbm>>) target(%arg10 : memref<128xf32, #tpu.memory_space<vmem>>) target_semaphore(%arg11 : memref<!tpu.dma_semaphore, #tpu.memory_space<semaphore_mem>>)
    } else {
    }
    %lt3A_48 = arith.constant 15 : i32
    %lt3A_49 = arith.cmpi slt, %arg1, %lt3A_48 : i32
    %convert_element_type3A_50 = arith.extui %lt3A_49 : i1 to i32
    %cond3A_51 = arith.constant 0 : i32
    %cond3A_52 = arith.cmpi ne, %convert_element_type3A_50, %cond3A_51 : i32
    scf.if %cond3A_52 {
      %mul3A_951 = arith.constant 16 : i32
      %mul3A_952 = arith.muli %arg0, %mul3A_951 : i32
      %add3A_953 = arith.constant 1 : i32
      %add3A_954 = arith.addi %mul3A_952, %add3A_953 : i32
      %mul3A_955 = arith.constant 62464 : i32
      %mul3A_956 = arith.muli %arg1, %mul3A_955 : i32
      %mul3A_957 = arith.constant 62464 : i32
      %mul3A_958 = arith.muli %arg1, %mul3A_957 : i32
      %dma_wait3A_959 = tpu.memref_slice %arg6[%mul3A_958] : memref<1000000xf32, #tpu.memory_space<vmem_shared>> -> memref<62464xf32, #tpu.memory_space<vmem_shared>>
      %dma_wait3A_960 = tpu.memref_slice %arg3[%add3A_954, %mul3A_956] : memref<32x1000000xf32, #tpu.memory_space<hbm>> -> memref<1x62464xf32, #tpu.memory_space<hbm>>
      %dma_wait3A_961 = tpu.memref_squeeze %dma_wait3A_960 : memref<1x62464xf32, #tpu.memory_space<hbm>> -> memref<62464xf32, #tpu.memory_space<hbm>>
      tpu.wait_dma2 semaphore(%arg11 : memref<!tpu.dma_semaphore, #tpu.memory_space<semaphore_mem>>) src(%dma_wait3A_961 : memref<62464xf32, #tpu.memory_space<hbm>>) dst(%dma_wait3A_959 : memref<62464xf32, #tpu.memory_space<vmem_shared>>)
    } else {
    }
    %eq3A_53 = arith.constant 15 : i32
    %eq3A_54 = arith.cmpi eq, %arg1, %eq3A_53 : i32
    %convert_element_type3A_55 = arith.extui %eq3A_54 : i1 to i32
    %cond3A_56 = arith.constant 0 : i32
    %cond3A_57 = arith.cmpi ne, %convert_element_type3A_55, %cond3A_56 : i32
    scf.if %cond3A_57 {
      %mul3A_951 = arith.constant 16 : i32
      %mul3A_952 = arith.muli %arg0, %mul3A_951 : i32
      %add3A_953 = arith.constant 1 : i32
      %add3A_954 = arith.addi %mul3A_952, %add3A_953 : i32
      %dma_wait3A_955 = arith.constant 936960 : i32
      %dma_wait3A_956 = tpu.memref_slice %arg6[%dma_wait3A_955] : memref<1000000xf32, #tpu.memory_space<vmem_shared>> -> memref<62976xf32, #tpu.memory_space<vmem_shared>>
      %dma_wait3A_957 = arith.constant 936960 : i32
      %dma_wait3A_958 = tpu.memref_slice %arg3[%add3A_954, %dma_wait3A_957] : memref<32x1000000xf32, #tpu.memory_space<hbm>> -> memref<1x62976xf32, #tpu.memory_space<hbm>>
      %dma_wait3A_959 = tpu.memref_squeeze %dma_wait3A_958 : memref<1x62976xf32, #tpu.memory_space<hbm>> -> memref<62976xf32, #tpu.memory_space<hbm>>
      tpu.wait_dma2 semaphore(%arg11 : memref<!tpu.dma_semaphore, #tpu.memory_space<semaphore_mem>>) src(%dma_wait3A_959 : memref<62976xf32, #tpu.memory_space<hbm>>) dst(%dma_wait3A_956 : memref<62976xf32, #tpu.memory_space<vmem_shared>>)
      %mul3A_960 = arith.constant 16 : i32
      %mul3A_961 = arith.muli %arg0, %mul3A_960 : i32
      %add3A_962 = arith.constant 1 : i32
      %add3A_963 = arith.addi %mul3A_961, %add3A_962 : i32
      %mul3A_964 = arith.constant 128 : i32
      %mul3A_965 = arith.muli %add3A_963, %mul3A_964 : i32
      %dma_wait3A_966 = tpu.memref_slice %arg4[%mul3A_965] : memref<4096xf32, #tpu.memory_space<hbm>> -> memref<128xf32, #tpu.memory_space<hbm>>
      %dma_wait3A_967 = tpu.memref_slice %arg4[%mul3A_965] : memref<4096xf32, #tpu.memory_space<hbm>> -> memref<128xf32, #tpu.memory_space<hbm>>
      tpu.wait_dma2 semaphore(%arg11 : memref<!tpu.dma_semaphore, #tpu.memory_space<semaphore_mem>>) src(%dma_wait3A_967 : memref<128xf32, #tpu.memory_space<hbm>>) dst(%arg10 : memref<128xf32, #tpu.memory_space<vmem>>)
      "tpu.region"() ({
        %run_scoped3A = tpu.sem_alloc : memref<!tpu.dma_semaphore, #tpu.memory_space<semaphore_mem>>
        %dma_start3A_968 = arith.constant 999872 : i32
        %dma_start3A_969 = tpu.memref_slice %arg6[%dma_start3A_968] : memref<1000000xf32, #tpu.memory_space<vmem_shared>> -> memref<128xf32, #tpu.memory_space<vmem_shared>>
        %dma_start3A_970 = arith.constant 999872 : i32
        %dma_start3A_971 = tpu.memref_slice %arg6[%dma_start3A_970] : memref<1000000xf32, #tpu.memory_space<vmem_shared>> -> memref<128xf32, #tpu.memory_space<vmem_shared>>
        tpu.enqueue_dma source(%arg10 : memref<128xf32, #tpu.memory_space<vmem>>) target(%dma_start3A_971 : memref<128xf32, #tpu.memory_space<vmem_shared>>) target_semaphore(%run_scoped3A : memref<!tpu.dma_semaphore, #tpu.memory_space<semaphore_mem>>)
        %dma_wait3A_972 = arith.constant 999872 : i32
        %dma_wait3A_973 = tpu.memref_slice %arg6[%dma_wait3A_972] : memref<1000000xf32, #tpu.memory_space<vmem_shared>> -> memref<128xf32, #tpu.memory_space<vmem_shared>>
        %dma_wait3A_974 = arith.constant 999872 : i32
        %dma_wait3A_975 = tpu.memref_slice %arg6[%dma_wait3A_974] : memref<1000000xf32, #tpu.memory_space<vmem_shared>> -> memref<128xf32, #tpu.memory_space<vmem_shared>>
        tpu.wait_dma2 semaphore(%run_scoped3A : memref<!tpu.dma_semaphore, #tpu.memory_space<semaphore_mem>>) src(%arg10 : memref<128xf32, #tpu.memory_space<vmem>>) dst(%dma_wait3A_975 : memref<128xf32, #tpu.memory_space<vmem_shared>>)
        tpu.yield
      }) : () -> ()
    } else {
    }
    %barrier3A_58 = arith.constant 0 : index
    tpu.barrier barrier_id(%barrier3A_58)
    %dma_start3A_59 = arith.constant 0 : i32
    %dma_start3A_60 = arith.constant 0 : i32
    %dma_start3A_61 = tpu.memref_slice %arg7[%dma_start3A_59, %dma_start3A_60] : memref<1x12800xi32, #tpu.memory_space<vmem>> -> memref<1x12800xi32, #tpu.memory_space<vmem>>
    %dma_start3A_62 = tpu.memref_squeeze %dma_start3A_61 : memref<1x12800xi32, #tpu.memory_space<vmem>> -> memref<12800xi32, #tpu.memory_space<vmem>>
    %dma_start3A_63 = arith.constant 0 : i32
    %dma_start3A_64 = tpu.memref_slice %arg6[%dma_start3A_63] : memref<1000000xf32, #tpu.memory_space<vmem_shared>> -> memref<1000000xf32, #tpu.memory_space<vmem_shared>>
    tpu.enqueue_indirect_dma source(%dma_start3A_64 : memref<1000000xf32, #tpu.memory_space<vmem_shared>>) target(%arg9 : memref<12800xf32, #tpu.memory_space<vmem>>) offsets(%dma_start3A_62 : memref<12800xi32, #tpu.memory_space<vmem>>) semaphore(%arg12 : memref<!tpu.dma_semaphore, #tpu.memory_space<semaphore_mem>>)
    %dma_wait3A_65 = arith.constant 0 : i32
    %dma_wait3A_66 = arith.constant 0 : i32
    %dma_wait3A_67 = tpu.memref_slice %arg7[%dma_wait3A_65, %dma_wait3A_66] : memref<1x12800xi32, #tpu.memory_space<vmem>> -> memref<1x12800xi32, #tpu.memory_space<vmem>>
    %dma_wait3A_68 = tpu.memref_squeeze %dma_wait3A_67 : memref<1x12800xi32, #tpu.memory_space<vmem>> -> memref<12800xi32, #tpu.memory_space<vmem>>
    %dma_wait3A_69 = arith.constant 0 : i32
    %dma_wait3A_70 = tpu.memref_slice %arg6[%dma_wait3A_69] : memref<1000000xf32, #tpu.memory_space<vmem_shared>> -> memref<1000000xf32, #tpu.memory_space<vmem_shared>>
    tpu.wait_indirect_dma semaphore(%arg12 : memref<!tpu.dma_semaphore, #tpu.memory_space<semaphore_mem>>) src(%dma_wait3A_70 : memref<1000000xf32, #tpu.memory_space<vmem_shared>>) dst(%arg9 : memref<12800xf32, #tpu.memory_space<vmem>>)
    %mul3A_71 = arith.constant 16 : i32
    %mul3A_72 = arith.muli %arg0, %mul3A_71 : i32
    %add3A_73 = arith.constant 1 : i32
    %add3A_74 = arith.addi %mul3A_72, %add3A_73 : i32
    %mul3A_75 = arith.constant 12800 : i32
    %mul3A_76 = arith.muli %arg1, %mul3A_75 : i32
    %dma_start3A_77 = arith.constant 1 : i32
    %dma_start3A_78 = tpu.memref_slice %arg5[%add3A_74, %mul3A_76] : memref<32x204800xf32, #tpu.memory_space<hbm>> -> memref<1x12800xf32, #tpu.memory_space<hbm>>
    %dma_start3A_79 = tpu.memref_squeeze %dma_start3A_78 : memref<1x12800xf32, #tpu.memory_space<hbm>> -> memref<12800xf32, #tpu.memory_space<hbm>>
    %dma_start3A_80 = tpu.memref_slice %arg13[%dma_start3A_77] : memref<2x!tpu.dma_semaphore, #tpu.memory_space<semaphore_mem>> -> memref<1x!tpu.dma_semaphore, #tpu.memory_space<semaphore_mem>>
    %dma_start3A_81 = tpu.memref_squeeze %dma_start3A_80 : memref<1x!tpu.dma_semaphore, #tpu.memory_space<semaphore_mem>> -> memref<!tpu.dma_semaphore, #tpu.memory_space<semaphore_mem>>
    %dma_start3A_82 = tpu.memref_slice %arg5[%add3A_74, %mul3A_76] : memref<32x204800xf32, #tpu.memory_space<hbm>> -> memref<1x12800xf32, #tpu.memory_space<hbm>>
    %dma_start3A_83 = tpu.memref_squeeze %dma_start3A_82 : memref<1x12800xf32, #tpu.memory_space<hbm>> -> memref<12800xf32, #tpu.memory_space<hbm>>
    tpu.enqueue_dma source(%arg9 : memref<12800xf32, #tpu.memory_space<vmem>>) target(%dma_start3A_83 : memref<12800xf32, #tpu.memory_space<hbm>>) target_semaphore(%dma_start3A_81 : memref<!tpu.dma_semaphore, #tpu.memory_space<semaphore_mem>>)
    %barrier3A_84 = arith.constant 0 : index
    tpu.barrier barrier_id(%barrier3A_84)
    %lt3A_85 = arith.constant 15 : i32
    %lt3A_86 = arith.cmpi slt, %arg1, %lt3A_85 : i32
    %convert_element_type3A_87 = arith.extui %lt3A_86 : i1 to i32
    %cond3A_88 = arith.constant 0 : i32
    %cond3A_89 = arith.cmpi ne, %convert_element_type3A_87, %cond3A_88 : i32
    scf.if %cond3A_89 {
      %mul3A_951 = arith.constant 16 : i32
      %mul3A_952 = arith.muli %arg0, %mul3A_951 : i32
      %add3A_953 = arith.constant 2 : i32
      %add3A_954 = arith.addi %mul3A_952, %add3A_953 : i32
      %mul3A_955 = arith.constant 62464 : i32
      %mul3A_956 = arith.muli %arg1, %mul3A_955 : i32
      %mul3A_957 = arith.constant 62464 : i32
      %mul3A_958 = arith.muli %arg1, %mul3A_957 : i32
      %dma_start3A_959 = tpu.memref_slice %arg6[%mul3A_958] : memref<1000000xf32, #tpu.memory_space<vmem_shared>> -> memref<62464xf32, #tpu.memory_space<vmem_shared>>
      %dma_start3A_960 = tpu.memref_slice %arg3[%add3A_954, %mul3A_956] : memref<32x1000000xf32, #tpu.memory_space<hbm>> -> memref<1x62464xf32, #tpu.memory_space<hbm>>
      %dma_start3A_961 = tpu.memref_squeeze %dma_start3A_960 : memref<1x62464xf32, #tpu.memory_space<hbm>> -> memref<62464xf32, #tpu.memory_space<hbm>>
      tpu.enqueue_dma source(%dma_start3A_961 : memref<62464xf32, #tpu.memory_space<hbm>>) target(%dma_start3A_959 : memref<62464xf32, #tpu.memory_space<vmem_shared>>) target_semaphore(%arg11 : memref<!tpu.dma_semaphore, #tpu.memory_space<semaphore_mem>>)
    } else {
    }
    %eq3A_90 = arith.constant 15 : i32
    %eq3A_91 = arith.cmpi eq, %arg1, %eq3A_90 : i32
    %convert_element_type3A_92 = arith.extui %eq3A_91 : i1 to i32
    %cond3A_93 = arith.constant 0 : i32
    %cond3A_94 = arith.cmpi ne, %convert_element_type3A_92, %cond3A_93 : i32
    scf.if %cond3A_94 {
      %mul3A_951 = arith.constant 16 : i32
      %mul3A_952 = arith.muli %arg0, %mul3A_951 : i32
      %add3A_953 = arith.constant 2 : i32
      %add3A_954 = arith.addi %mul3A_952, %add3A_953 : i32
      %dma_start3A_955 = arith.constant 936960 : i32
      %dma_start3A_956 = tpu.memref_slice %arg6[%dma_start3A_955] : memref<1000000xf32, #tpu.memory_space<vmem_shared>> -> memref<62976xf32, #tpu.memory_space<vmem_shared>>
      %dma_start3A_957 = arith.constant 936960 : i32
      %dma_start3A_958 = tpu.memref_slice %arg3[%add3A_954, %dma_start3A_957] : memref<32x1000000xf32, #tpu.memory_space<hbm>> -> memref<1x62976xf32, #tpu.memory_space<hbm>>
      %dma_start3A_959 = tpu.memref_squeeze %dma_start3A_958 : memref<1x62976xf32, #tpu.memory_space<hbm>> -> memref<62976xf32, #tpu.memory_space<hbm>>
      tpu.enqueue_dma source(%dma_start3A_959 : memref<62976xf32, #tpu.memory_space<hbm>>) target(%dma_start3A_956 : memref<62976xf32, #tpu.memory_space<vmem_shared>>) target_semaphore(%arg11 : memref<!tpu.dma_semaphore, #tpu.memory_space<semaphore_mem>>)
      %mul3A_960 = arith.constant 16 : i32
      %mul3A_961 = arith.muli %arg0, %mul3A_960 : i32
      %add3A_962 = arith.constant 2 : i32
      %add3A_963 = arith.addi %mul3A_961, %add3A_962 : i32
      %mul3A_964 = arith.constant 128 : i32
      %mul3A_965 = arith.muli %add3A_963, %mul3A_964 : i32
      %dma_start3A_966 = tpu.memref_slice %arg4[%mul3A_965] : memref<4096xf32, #tpu.memory_space<hbm>> -> memref<128xf32, #tpu.memory_space<hbm>>
      %dma_start3A_967 = tpu.memref_slice %arg4[%mul3A_965] : memref<4096xf32, #tpu.memory_space<hbm>> -> memref<128xf32, #tpu.memory_space<hbm>>
      tpu.enqueue_dma source(%dma_start3A_967 : memref<128xf32, #tpu.memory_space<hbm>>) target(%arg10 : memref<128xf32, #tpu.memory_space<vmem>>) target_semaphore(%arg11 : memref<!tpu.dma_semaphore, #tpu.memory_space<semaphore_mem>>)
    } else {
    }
    %lt3A_95 = arith.constant 15 : i32
    %lt3A_96 = arith.cmpi slt, %arg1, %lt3A_95 : i32
    %convert_element_type3A_97 = arith.extui %lt3A_96 : i1 to i32
    %cond3A_98 = arith.constant 0 : i32
    %cond3A_99 = arith.cmpi ne, %convert_element_type3A_97, %cond3A_98 : i32
    scf.if %cond3A_99 {
      %mul3A_951 = arith.constant 16 : i32
      %mul3A_952 = arith.muli %arg0, %mul3A_951 : i32
      %add3A_953 = arith.constant 2 : i32
      %add3A_954 = arith.addi %mul3A_952, %add3A_953 : i32
      %mul3A_955 = arith.constant 62464 : i32
      %mul3A_956 = arith.muli %arg1, %mul3A_955 : i32
      %mul3A_957 = arith.constant 62464 : i32
      %mul3A_958 = arith.muli %arg1, %mul3A_957 : i32
      %dma_wait3A_959 = tpu.memref_slice %arg6[%mul3A_958] : memref<1000000xf32, #tpu.memory_space<vmem_shared>> -> memref<62464xf32, #tpu.memory_space<vmem_shared>>
      %dma_wait3A_960 = tpu.memref_slice %arg3[%add3A_954, %mul3A_956] : memref<32x1000000xf32, #tpu.memory_space<hbm>> -> memref<1x62464xf32, #tpu.memory_space<hbm>>
      %dma_wait3A_961 = tpu.memref_squeeze %dma_wait3A_960 : memref<1x62464xf32, #tpu.memory_space<hbm>> -> memref<62464xf32, #tpu.memory_space<hbm>>
      tpu.wait_dma2 semaphore(%arg11 : memref<!tpu.dma_semaphore, #tpu.memory_space<semaphore_mem>>) src(%dma_wait3A_961 : memref<62464xf32, #tpu.memory_space<hbm>>) dst(%dma_wait3A_959 : memref<62464xf32, #tpu.memory_space<vmem_shared>>)
    } else {
    }
    %eq3A_100 = arith.constant 15 : i32
    %eq3A_101 = arith.cmpi eq, %arg1, %eq3A_100 : i32
    %convert_element_type3A_102 = arith.extui %eq3A_101 : i1 to i32
    %cond3A_103 = arith.constant 0 : i32
    %cond3A_104 = arith.cmpi ne, %convert_element_type3A_102, %cond3A_103 : i32
    scf.if %cond3A_104 {
      %mul3A_951 = arith.constant 16 : i32
      %mul3A_952 = arith.muli %arg0, %mul3A_951 : i32
      %add3A_953 = arith.constant 2 : i32
      %add3A_954 = arith.addi %mul3A_952, %add3A_953 : i32
      %dma_wait3A_955 = arith.constant 936960 : i32
      %dma_wait3A_956 = tpu.memref_slice %arg6[%dma_wait3A_955] : memref<1000000xf32, #tpu.memory_space<vmem_shared>> -> memref<62976xf32, #tpu.memory_space<vmem_shared>>
      %dma_wait3A_957 = arith.constant 936960 : i32
      %dma_wait3A_958 = tpu.memref_slice %arg3[%add3A_954, %dma_wait3A_957] : memref<32x1000000xf32, #tpu.memory_space<hbm>> -> memref<1x62976xf32, #tpu.memory_space<hbm>>
      %dma_wait3A_959 = tpu.memref_squeeze %dma_wait3A_958 : memref<1x62976xf32, #tpu.memory_space<hbm>> -> memref<62976xf32, #tpu.memory_space<hbm>>
      tpu.wait_dma2 semaphore(%arg11 : memref<!tpu.dma_semaphore, #tpu.memory_space<semaphore_mem>>) src(%dma_wait3A_959 : memref<62976xf32, #tpu.memory_space<hbm>>) dst(%dma_wait3A_956 : memref<62976xf32, #tpu.memory_space<vmem_shared>>)
      %mul3A_960 = arith.constant 16 : i32
      %mul3A_961 = arith.muli %arg0, %mul3A_960 : i32
      %add3A_962 = arith.constant 2 : i32
      %add3A_963 = arith.addi %mul3A_961, %add3A_962 : i32
      %mul3A_964 = arith.constant 128 : i32
      %mul3A_965 = arith.muli %add3A_963, %mul3A_964 : i32
      %dma_wait3A_966 = tpu.memref_slice %arg4[%mul3A_965] : memref<4096xf32, #tpu.memory_space<hbm>> -> memref<128xf32, #tpu.memory_space<hbm>>
      %dma_wait3A_967 = tpu.memref_slice %arg4[%mul3A_965] : memref<4096xf32, #tpu.memory_space<hbm>> -> memref<128xf32, #tpu.memory_space<hbm>>
      tpu.wait_dma2 semaphore(%arg11 : memref<!tpu.dma_semaphore, #tpu.memory_space<semaphore_mem>>) src(%dma_wait3A_967 : memref<128xf32, #tpu.memory_space<hbm>>) dst(%arg10 : memref<128xf32, #tpu.memory_space<vmem>>)
      "tpu.region"() ({
        %run_scoped3A = tpu.sem_alloc : memref<!tpu.dma_semaphore, #tpu.memory_space<semaphore_mem>>
        %dma_start3A_968 = arith.constant 999872 : i32
        %dma_start3A_969 = tpu.memref_slice %arg6[%dma_start3A_968] : memref<1000000xf32, #tpu.memory_space<vmem_shared>> -> memref<128xf32, #tpu.memory_space<vmem_shared>>
        %dma_start3A_970 = arith.constant 999872 : i32
        %dma_start3A_971 = tpu.memref_slice %arg6[%dma_start3A_970] : memref<1000000xf32, #tpu.memory_space<vmem_shared>> -> memref<128xf32, #tpu.memory_space<vmem_shared>>
        tpu.enqueue_dma source(%arg10 : memref<128xf32, #tpu.memory_space<vmem>>) target(%dma_start3A_971 : memref<128xf32, #tpu.memory_space<vmem_shared>>) target_semaphore(%run_scoped3A : memref<!tpu.dma_semaphore, #tpu.memory_space<semaphore_mem>>)
        %dma_wait3A_972 = arith.constant 999872 : i32
        %dma_wait3A_973 = tpu.memref_slice %arg6[%dma_wait3A_972] : memref<1000000xf32, #tpu.memory_space<vmem_shared>> -> memref<128xf32, #tpu.memory_space<vmem_shared>>
        %dma_wait3A_974 = arith.constant 999872 : i32
        %dma_wait3A_975 = tpu.memref_slice %arg6[%dma_wait3A_974] : memref<1000000xf32, #tpu.memory_space<vmem_shared>> -> memref<128xf32, #tpu.memory_space<vmem_shared>>
        tpu.wait_dma2 semaphore(%run_scoped3A : memref<!tpu.dma_semaphore, #tpu.memory_space<semaphore_mem>>) src(%arg10 : memref<128xf32, #tpu.memory_space<vmem>>) dst(%dma_wait3A_975 : memref<128xf32, #tpu.memory_space<vmem_shared>>)
        tpu.yield
      }) : () -> ()
    } else {
    }
    %barrier3A_105 = arith.constant 0 : index
    tpu.barrier barrier_id(%barrier3A_105)
    %mul3A_106 = arith.constant 16 : i32
    %mul3A_107 = arith.muli %arg0, %mul3A_106 : i32
    %add3A_108 = arith.constant 0 : i32
    %add3A_109 = arith.addi %mul3A_107, %add3A_108 : i32
    %mul3A_110 = arith.constant 12800 : i32
    %mul3A_111 = arith.muli %arg1, %mul3A_110 : i32
    %dma_wait3A_112 = arith.constant 0 : i32
    %dma_wait3A_113 = tpu.memref_slice %arg5[%add3A_109, %mul3A_111] : memref<32x204800xf32, #tpu.memory_space<hbm>> -> memref<1x12800xf32, #tpu.memory_space<hbm>>
    %dma_wait3A_114 = tpu.memref_squeeze %dma_wait3A_113 : memref<1x12800xf32, #tpu.memory_space<hbm>> -> memref<12800xf32, #tpu.memory_space<hbm>>
    %dma_wait3A_115 = tpu.memref_slice %arg13[%dma_wait3A_112] : memref<2x!tpu.dma_semaphore, #tpu.memory_space<semaphore_mem>> -> memref<1x!tpu.dma_semaphore, #tpu.memory_space<semaphore_mem>>
    %dma_wait3A_116 = tpu.memref_squeeze %dma_wait3A_115 : memref<1x!tpu.dma_semaphore, #tpu.memory_space<semaphore_mem>> -> memref<!tpu.dma_semaphore, #tpu.memory_space<semaphore_mem>>
    %dma_wait3A_117 = tpu.memref_slice %arg5[%add3A_109, %mul3A_111] : memref<32x204800xf32, #tpu.memory_space<hbm>> -> memref<1x12800xf32, #tpu.memory_space<hbm>>
    %dma_wait3A_118 = tpu.memref_squeeze %dma_wait3A_117 : memref<1x12800xf32, #tpu.memory_space<hbm>> -> memref<12800xf32, #tpu.memory_space<hbm>>
    tpu.wait_dma2 semaphore(%dma_wait3A_116 : memref<!tpu.dma_semaphore, #tpu.memory_space<semaphore_mem>>) src(%arg8 : memref<12800xf32, #tpu.memory_space<vmem>>) dst(%dma_wait3A_118 : memref<12800xf32, #tpu.memory_space<hbm>>)
    %dma_start3A_119 = arith.constant 0 : i32
    %dma_start3A_120 = arith.constant 0 : i32
    %dma_start3A_121 = tpu.memref_slice %arg7[%dma_start3A_119, %dma_start3A_120] : memref<1x12800xi32, #tpu.memory_space<vmem>> -> memref<1x12800xi32, #tpu.memory_space<vmem>>
    %dma_start3A_122 = tpu.memref_squeeze %dma_start3A_121 : memref<1x12800xi32, #tpu.memory_space<vmem>> -> memref<12800xi32, #tpu.memory_space<vmem>>
    %dma_start3A_123 = arith.constant 0 : i32
    %dma_start3A_124 = tpu.memref_slice %arg6[%dma_start3A_123] : memref<1000000xf32, #tpu.memory_space<vmem_shared>> -> memref<1000000xf32, #tpu.memory_space<vmem_shared>>
    tpu.enqueue_indirect_dma source(%dma_start3A_124 : memref<1000000xf32, #tpu.memory_space<vmem_shared>>) target(%arg8 : memref<12800xf32, #tpu.memory_space<vmem>>) offsets(%dma_start3A_122 : memref<12800xi32, #tpu.memory_space<vmem>>) semaphore(%arg12 : memref<!tpu.dma_semaphore, #tpu.memory_space<semaphore_mem>>)
    %dma_wait3A_125 = arith.constant 0 : i32
    %dma_wait3A_126 = arith.constant 0 : i32
    %dma_wait3A_127 = tpu.memref_slice %arg7[%dma_wait3A_125, %dma_wait3A_126] : memref<1x12800xi32, #tpu.memory_space<vmem>> -> memref<1x12800xi32, #tpu.memory_space<vmem>>
    %dma_wait3A_128 = tpu.memref_squeeze %dma_wait3A_127 : memref<1x12800xi32, #tpu.memory_space<vmem>> -> memref<12800xi32, #tpu.memory_space<vmem>>
    %dma_wait3A_129 = arith.constant 0 : i32
    %dma_wait3A_130 = tpu.memref_slice %arg6[%dma_wait3A_129] : memref<1000000xf32, #tpu.memory_space<vmem_shared>> -> memref<1000000xf32, #tpu.memory_space<vmem_shared>>
    tpu.wait_indirect_dma semaphore(%arg12 : memref<!tpu.dma_semaphore, #tpu.memory_space<semaphore_mem>>) src(%dma_wait3A_130 : memref<1000000xf32, #tpu.memory_space<vmem_shared>>) dst(%arg8 : memref<12800xf32, #tpu.memory_space<vmem>>)
    %mul3A_131 = arith.constant 16 : i32
    %mul3A_132 = arith.muli %arg0, %mul3A_131 : i32
    %add3A_133 = arith.constant 2 : i32
    %add3A_134 = arith.addi %mul3A_132, %add3A_133 : i32
    %mul3A_135 = arith.constant 12800 : i32
    %mul3A_136 = arith.muli %arg1, %mul3A_135 : i32
    %dma_start3A_137 = arith.constant 0 : i32
    %dma_start3A_138 = tpu.memref_slice %arg5[%add3A_134, %mul3A_136] : memref<32x204800xf32, #tpu.memory_space<hbm>> -> memref<1x12800xf32, #tpu.memory_space<hbm>>
    %dma_start3A_139 = tpu.memref_squeeze %dma_start3A_138 : memref<1x12800xf32, #tpu.memory_space<hbm>> -> memref<12800xf32, #tpu.memory_space<hbm>>
    %dma_start3A_140 = tpu.memref_slice %arg13[%dma_start3A_137] : memref<2x!tpu.dma_semaphore, #tpu.memory_space<semaphore_mem>> -> memref<1x!tpu.dma_semaphore, #tpu.memory_space<semaphore_mem>>
    %dma_start3A_141 = tpu.memref_squeeze %dma_start3A_140 : memref<1x!tpu.dma_semaphore, #tpu.memory_space<semaphore_mem>> -> memref<!tpu.dma_semaphore, #tpu.memory_space<semaphore_mem>>
    %dma_start3A_142 = tpu.memref_slice %arg5[%add3A_134, %mul3A_136] : memref<32x204800xf32, #tpu.memory_space<hbm>> -> memref<1x12800xf32, #tpu.memory_space<hbm>>
    %dma_start3A_143 = tpu.memref_squeeze %dma_start3A_142 : memref<1x12800xf32, #tpu.memory_space<hbm>> -> memref<12800xf32, #tpu.memory_space<hbm>>
    tpu.enqueue_dma source(%arg8 : memref<12800xf32, #tpu.memory_space<vmem>>) target(%dma_start3A_143 : memref<12800xf32, #tpu.memory_space<hbm>>) target_semaphore(%dma_start3A_141 : memref<!tpu.dma_semaphore, #tpu.memory_space<semaphore_mem>>)
    %barrier3A_144 = arith.constant 0 : index
    tpu.barrier barrier_id(%barrier3A_144)
    %lt3A_145 = arith.constant 15 : i32
    %lt3A_146 = arith.cmpi slt, %arg1, %lt3A_145 : i32
    %convert_element_type3A_147 = arith.extui %lt3A_146 : i1 to i32
    %cond3A_148 = arith.constant 0 : i32
    %cond3A_149 = arith.cmpi ne, %convert_element_type3A_147, %cond3A_148 : i32
    scf.if %cond3A_149 {
      %mul3A_951 = arith.constant 16 : i32
      %mul3A_952 = arith.muli %arg0, %mul3A_951 : i32
      %add3A_953 = arith.constant 3 : i32
      %add3A_954 = arith.addi %mul3A_952, %add3A_953 : i32
      %mul3A_955 = arith.constant 62464 : i32
      %mul3A_956 = arith.muli %arg1, %mul3A_955 : i32
      %mul3A_957 = arith.constant 62464 : i32
      %mul3A_958 = arith.muli %arg1, %mul3A_957 : i32
      %dma_start3A_959 = tpu.memref_slice %arg6[%mul3A_958] : memref<1000000xf32, #tpu.memory_space<vmem_shared>> -> memref<62464xf32, #tpu.memory_space<vmem_shared>>
      %dma_start3A_960 = tpu.memref_slice %arg3[%add3A_954, %mul3A_956] : memref<32x1000000xf32, #tpu.memory_space<hbm>> -> memref<1x62464xf32, #tpu.memory_space<hbm>>
      %dma_start3A_961 = tpu.memref_squeeze %dma_start3A_960 : memref<1x62464xf32, #tpu.memory_space<hbm>> -> memref<62464xf32, #tpu.memory_space<hbm>>
      tpu.enqueue_dma source(%dma_start3A_961 : memref<62464xf32, #tpu.memory_space<hbm>>) target(%dma_start3A_959 : memref<62464xf32, #tpu.memory_space<vmem_shared>>) target_semaphore(%arg11 : memref<!tpu.dma_semaphore, #tpu.memory_space<semaphore_mem>>)
    } else {
    }
    %eq3A_150 = arith.constant 15 : i32
    %eq3A_151 = arith.cmpi eq, %arg1, %eq3A_150 : i32
    %convert_element_type3A_152 = arith.extui %eq3A_151 : i1 to i32
    %cond3A_153 = arith.constant 0 : i32
    %cond3A_154 = arith.cmpi ne, %convert_element_type3A_152, %cond3A_153 : i32
    scf.if %cond3A_154 {
      %mul3A_951 = arith.constant 16 : i32
      %mul3A_952 = arith.muli %arg0, %mul3A_951 : i32
      %add3A_953 = arith.constant 3 : i32
      %add3A_954 = arith.addi %mul3A_952, %add3A_953 : i32
      %dma_start3A_955 = arith.constant 936960 : i32
      %dma_start3A_956 = tpu.memref_slice %arg6[%dma_start3A_955] : memref<1000000xf32, #tpu.memory_space<vmem_shared>> -> memref<62976xf32, #tpu.memory_space<vmem_shared>>
      %dma_start3A_957 = arith.constant 936960 : i32
      %dma_start3A_958 = tpu.memref_slice %arg3[%add3A_954, %dma_start3A_957] : memref<32x1000000xf32, #tpu.memory_space<hbm>> -> memref<1x62976xf32, #tpu.memory_space<hbm>>
      %dma_start3A_959 = tpu.memref_squeeze %dma_start3A_958 : memref<1x62976xf32, #tpu.memory_space<hbm>> -> memref<62976xf32, #tpu.memory_space<hbm>>
      tpu.enqueue_dma source(%dma_start3A_959 : memref<62976xf32, #tpu.memory_space<hbm>>) target(%dma_start3A_956 : memref<62976xf32, #tpu.memory_space<vmem_shared>>) target_semaphore(%arg11 : memref<!tpu.dma_semaphore, #tpu.memory_space<semaphore_mem>>)
      %mul3A_960 = arith.constant 16 : i32
      %mul3A_961 = arith.muli %arg0, %mul3A_960 : i32
      %add3A_962 = arith.constant 3 : i32
      %add3A_963 = arith.addi %mul3A_961, %add3A_962 : i32
      %mul3A_964 = arith.constant 128 : i32
      %mul3A_965 = arith.muli %add3A_963, %mul3A_964 : i32
      %dma_start3A_966 = tpu.memref_slice %arg4[%mul3A_965] : memref<4096xf32, #tpu.memory_space<hbm>> -> memref<128xf32, #tpu.memory_space<hbm>>
      %dma_start3A_967 = tpu.memref_slice %arg4[%mul3A_965] : memref<4096xf32, #tpu.memory_space<hbm>> -> memref<128xf32, #tpu.memory_space<hbm>>
      tpu.enqueue_dma source(%dma_start3A_967 : memref<128xf32, #tpu.memory_space<hbm>>) target(%arg10 : memref<128xf32, #tpu.memory_space<vmem>>) target_semaphore(%arg11 : memref<!tpu.dma_semaphore, #tpu.memory_space<semaphore_mem>>)
    } else {
    }
    %lt3A_155 = arith.constant 15 : i32
    %lt3A_156 = arith.cmpi slt, %arg1, %lt3A_155 : i32
    %convert_element_type3A_157 = arith.extui %lt3A_156 : i1 to i32
    %cond3A_158 = arith.constant 0 : i32
    %cond3A_159 = arith.cmpi ne, %convert_element_type3A_157, %cond3A_158 : i32
    scf.if %cond3A_159 {
      %mul3A_951 = arith.constant 16 : i32
      %mul3A_952 = arith.muli %arg0, %mul3A_951 : i32
      %add3A_953 = arith.constant 3 : i32
      %add3A_954 = arith.addi %mul3A_952, %add3A_953 : i32
      %mul3A_955 = arith.constant 62464 : i32
      %mul3A_956 = arith.muli %arg1, %mul3A_955 : i32
      %mul3A_957 = arith.constant 62464 : i32
      %mul3A_958 = arith.muli %arg1, %mul3A_957 : i32
      %dma_wait3A_959 = tpu.memref_slice %arg6[%mul3A_958] : memref<1000000xf32, #tpu.memory_space<vmem_shared>> -> memref<62464xf32, #tpu.memory_space<vmem_shared>>
      %dma_wait3A_960 = tpu.memref_slice %arg3[%add3A_954, %mul3A_956] : memref<32x1000000xf32, #tpu.memory_space<hbm>> -> memref<1x62464xf32, #tpu.memory_space<hbm>>
      %dma_wait3A_961 = tpu.memref_squeeze %dma_wait3A_960 : memref<1x62464xf32, #tpu.memory_space<hbm>> -> memref<62464xf32, #tpu.memory_space<hbm>>
      tpu.wait_dma2 semaphore(%arg11 : memref<!tpu.dma_semaphore, #tpu.memory_space<semaphore_mem>>) src(%dma_wait3A_961 : memref<62464xf32, #tpu.memory_space<hbm>>) dst(%dma_wait3A_959 : memref<62464xf32, #tpu.memory_space<vmem_shared>>)
    } else {
    }
    %eq3A_160 = arith.constant 15 : i32
    %eq3A_161 = arith.cmpi eq, %arg1, %eq3A_160 : i32
    %convert_element_type3A_162 = arith.extui %eq3A_161 : i1 to i32
    %cond3A_163 = arith.constant 0 : i32
    %cond3A_164 = arith.cmpi ne, %convert_element_type3A_162, %cond3A_163 : i32
    scf.if %cond3A_164 {
      %mul3A_951 = arith.constant 16 : i32
      %mul3A_952 = arith.muli %arg0, %mul3A_951 : i32
      %add3A_953 = arith.constant 3 : i32
      %add3A_954 = arith.addi %mul3A_952, %add3A_953 : i32
      %dma_wait3A_955 = arith.constant 936960 : i32
      %dma_wait3A_956 = tpu.memref_slice %arg6[%dma_wait3A_955] : memref<1000000xf32, #tpu.memory_space<vmem_shared>> -> memref<62976xf32, #tpu.memory_space<vmem_shared>>
      %dma_wait3A_957 = arith.constant 936960 : i32
      %dma_wait3A_958 = tpu.memref_slice %arg3[%add3A_954, %dma_wait3A_957] : memref<32x1000000xf32, #tpu.memory_space<hbm>> -> memref<1x62976xf32, #tpu.memory_space<hbm>>
      %dma_wait3A_959 = tpu.memref_squeeze %dma_wait3A_958 : memref<1x62976xf32, #tpu.memory_space<hbm>> -> memref<62976xf32, #tpu.memory_space<hbm>>
      tpu.wait_dma2 semaphore(%arg11 : memref<!tpu.dma_semaphore, #tpu.memory_space<semaphore_mem>>) src(%dma_wait3A_959 : memref<62976xf32, #tpu.memory_space<hbm>>) dst(%dma_wait3A_956 : memref<62976xf32, #tpu.memory_space<vmem_shared>>)
      %mul3A_960 = arith.constant 16 : i32
      %mul3A_961 = arith.muli %arg0, %mul3A_960 : i32
      %add3A_962 = arith.constant 3 : i32
      %add3A_963 = arith.addi %mul3A_961, %add3A_962 : i32
      %mul3A_964 = arith.constant 128 : i32
      %mul3A_965 = arith.muli %add3A_963, %mul3A_964 : i32
      %dma_wait3A_966 = tpu.memref_slice %arg4[%mul3A_965] : memref<4096xf32, #tpu.memory_space<hbm>> -> memref<128xf32, #tpu.memory_space<hbm>>
      %dma_wait3A_967 = tpu.memref_slice %arg4[%mul3A_965] : memref<4096xf32, #tpu.memory_space<hbm>> -> memref<128xf32, #tpu.memory_space<hbm>>
      tpu.wait_dma2 semaphore(%arg11 : memref<!tpu.dma_semaphore, #tpu.memory_space<semaphore_mem>>) src(%dma_wait3A_967 : memref<128xf32, #tpu.memory_space<hbm>>) dst(%arg10 : memref<128xf32, #tpu.memory_space<vmem>>)
      "tpu.region"() ({
        %run_scoped3A = tpu.sem_alloc : memref<!tpu.dma_semaphore, #tpu.memory_space<semaphore_mem>>
        %dma_start3A_968 = arith.constant 999872 : i32
        %dma_start3A_969 = tpu.memref_slice %arg6[%dma_start3A_968] : memref<1000000xf32, #tpu.memory_space<vmem_shared>> -> memref<128xf32, #tpu.memory_space<vmem_shared>>
        %dma_start3A_970 = arith.constant 999872 : i32
        %dma_start3A_971 = tpu.memref_slice %arg6[%dma_start3A_970] : memref<1000000xf32, #tpu.memory_space<vmem_shared>> -> memref<128xf32, #tpu.memory_space<vmem_shared>>
        tpu.enqueue_dma source(%arg10 : memref<128xf32, #tpu.memory_space<vmem>>) target(%dma_start3A_971 : memref<128xf32, #tpu.memory_space<vmem_shared>>) target_semaphore(%run_scoped3A : memref<!tpu.dma_semaphore, #tpu.memory_space<semaphore_mem>>)
        %dma_wait3A_972 = arith.constant 999872 : i32
        %dma_wait3A_973 = tpu.memref_slice %arg6[%dma_wait3A_972] : memref<1000000xf32, #tpu.memory_space<vmem_shared>> -> memref<128xf32, #tpu.memory_space<vmem_shared>>
        %dma_wait3A_974 = arith.constant 999872 : i32
        %dma_wait3A_975 = tpu.memref_slice %arg6[%dma_wait3A_974] : memref<1000000xf32, #tpu.memory_space<vmem_shared>> -> memref<128xf32, #tpu.memory_space<vmem_shared>>
        tpu.wait_dma2 semaphore(%run_scoped3A : memref<!tpu.dma_semaphore, #tpu.memory_space<semaphore_mem>>) src(%arg10 : memref<128xf32, #tpu.memory_space<vmem>>) dst(%dma_wait3A_975 : memref<128xf32, #tpu.memory_space<vmem_shared>>)
        tpu.yield
      }) : () -> ()
    } else {
    }
    %barrier3A_165 = arith.constant 0 : index
    tpu.barrier barrier_id(%barrier3A_165)
    %mul3A_166 = arith.constant 16 : i32
    %mul3A_167 = arith.muli %arg0, %mul3A_166 : i32
    %add3A_168 = arith.constant 1 : i32
    %add3A_169 = arith.addi %mul3A_167, %add3A_168 : i32
    %mul3A_170 = arith.constant 12800 : i32
    %mul3A_171 = arith.muli %arg1, %mul3A_170 : i32
    %dma_wait3A_172 = arith.constant 1 : i32
    %dma_wait3A_173 = tpu.memref_slice %arg5[%add3A_169, %mul3A_171] : memref<32x204800xf32, #tpu.memory_space<hbm>> -> memref<1x12800xf32, #tpu.memory_space<hbm>>
    %dma_wait3A_174 = tpu.memref_squeeze %dma_wait3A_173 : memref<1x12800xf32, #tpu.memory_space<hbm>> -> memref<12800xf32, #tpu.memory_space<hbm>>
    %dma_wait3A_175 = tpu.memref_slice %arg13[%dma_wait3A_172] : memref<2x!tpu.dma_semaphore, #tpu.memory_space<semaphore_mem>> -> memref<1x!tpu.dma_semaphore, #tpu.memory_space<semaphore_mem>>
    %dma_wait3A_176 = tpu.memref_squeeze %dma_wait3A_175 : memref<1x!tpu.dma_semaphore, #tpu.memory_space<semaphore_mem>> -> memref<!tpu.dma_semaphore, #tpu.memory_space<semaphore_mem>>
    %dma_wait3A_177 = tpu.memref_slice %arg5[%add3A_169, %mul3A_171] : memref<32x204800xf32, #tpu.memory_space<hbm>> -> memref<1x12800xf32, #tpu.memory_space<hbm>>
    %dma_wait3A_178 = tpu.memref_squeeze %dma_wait3A_177 : memref<1x12800xf32, #tpu.memory_space<hbm>> -> memref<12800xf32, #tpu.memory_space<hbm>>
    tpu.wait_dma2 semaphore(%dma_wait3A_176 : memref<!tpu.dma_semaphore, #tpu.memory_space<semaphore_mem>>) src(%arg9 : memref<12800xf32, #tpu.memory_space<vmem>>) dst(%dma_wait3A_178 : memref<12800xf32, #tpu.memory_space<hbm>>)
    %dma_start3A_179 = arith.constant 0 : i32
    %dma_start3A_180 = arith.constant 0 : i32
    %dma_start3A_181 = tpu.memref_slice %arg7[%dma_start3A_179, %dma_start3A_180] : memref<1x12800xi32, #tpu.memory_space<vmem>> -> memref<1x12800xi32, #tpu.memory_space<vmem>>
    %dma_start3A_182 = tpu.memref_squeeze %dma_start3A_181 : memref<1x12800xi32, #tpu.memory_space<vmem>> -> memref<12800xi32, #tpu.memory_space<vmem>>
    %dma_start3A_183 = arith.constant 0 : i32
    %dma_start3A_184 = tpu.memref_slice %arg6[%dma_start3A_183] : memref<1000000xf32, #tpu.memory_space<vmem_shared>> -> memref<1000000xf32, #tpu.memory_space<vmem_shared>>
    tpu.enqueue_indirect_dma source(%dma_start3A_184 : memref<1000000xf32, #tpu.memory_space<vmem_shared>>) target(%arg9 : memref<12800xf32, #tpu.memory_space<vmem>>) offsets(%dma_start3A_182 : memref<12800xi32, #tpu.memory_space<vmem>>) semaphore(%arg12 : memref<!tpu.dma_semaphore, #tpu.memory_space<semaphore_mem>>)
    %dma_wait3A_185 = arith.constant 0 : i32
    %dma_wait3A_186 = arith.constant 0 : i32
    %dma_wait3A_187 = tpu.memref_slice %arg7[%dma_wait3A_185, %dma_wait3A_186] : memref<1x12800xi32, #tpu.memory_space<vmem>> -> memref<1x12800xi32, #tpu.memory_space<vmem>>
    %dma_wait3A_188 = tpu.memref_squeeze %dma_wait3A_187 : memref<1x12800xi32, #tpu.memory_space<vmem>> -> memref<12800xi32, #tpu.memory_space<vmem>>
    %dma_wait3A_189 = arith.constant 0 : i32
    %dma_wait3A_190 = tpu.memref_slice %arg6[%dma_wait3A_189] : memref<1000000xf32, #tpu.memory_space<vmem_shared>> -> memref<1000000xf32, #tpu.memory_space<vmem_shared>>
    tpu.wait_indirect_dma semaphore(%arg12 : memref<!tpu.dma_semaphore, #tpu.memory_space<semaphore_mem>>) src(%dma_wait3A_190 : memref<1000000xf32, #tpu.memory_space<vmem_shared>>) dst(%arg9 : memref<12800xf32, #tpu.memory_space<vmem>>)
    %mul3A_191 = arith.constant 16 : i32
    %mul3A_192 = arith.muli %arg0, %mul3A_191 : i32
    %add3A_193 = arith.constant 3 : i32
    %add3A_194 = arith.addi %mul3A_192, %add3A_193 : i32
    %mul3A_195 = arith.constant 12800 : i32
    %mul3A_196 = arith.muli %arg1, %mul3A_195 : i32
    %dma_start3A_197 = arith.constant 1 : i32
    %dma_start3A_198 = tpu.memref_slice %arg5[%add3A_194, %mul3A_196] : memref<32x204800xf32, #tpu.memory_space<hbm>> -> memref<1x12800xf32, #tpu.memory_space<hbm>>
    %dma_start3A_199 = tpu.memref_squeeze %dma_start3A_198 : memref<1x12800xf32, #tpu.memory_space<hbm>> -> memref<12800xf32, #tpu.memory_space<hbm>>
    %dma_start3A_200 = tpu.memref_slice %arg13[%dma_start3A_197] : memref<2x!tpu.dma_semaphore, #tpu.memory_space<semaphore_mem>> -> memref<1x!tpu.dma_semaphore, #tpu.memory_space<semaphore_mem>>
    %dma_start3A_201 = tpu.memref_squeeze %dma_start3A_200 : memref<1x!tpu.dma_semaphore, #tpu.memory_space<semaphore_mem>> -> memref<!tpu.dma_semaphore, #tpu.memory_space<semaphore_mem>>
    %dma_start3A_202 = tpu.memref_slice %arg5[%add3A_194, %mul3A_196] : memref<32x204800xf32, #tpu.memory_space<hbm>> -> memref<1x12800xf32, #tpu.memory_space<hbm>>
    %dma_start3A_203 = tpu.memref_squeeze %dma_start3A_202 : memref<1x12800xf32, #tpu.memory_space<hbm>> -> memref<12800xf32, #tpu.memory_space<hbm>>
    tpu.enqueue_dma source(%arg9 : memref<12800xf32, #tpu.memory_space<vmem>>) target(%dma_start3A_203 : memref<12800xf32, #tpu.memory_space<hbm>>) target_semaphore(%dma_start3A_201 : memref<!tpu.dma_semaphore, #tpu.memory_space<semaphore_mem>>)
    %barrier3A_204 = arith.constant 0 : index
    tpu.barrier barrier_id(%barrier3A_204)
    %lt3A_205 = arith.constant 15 : i32
    %lt3A_206 = arith.cmpi slt, %arg1, %lt3A_205 : i32
    %convert_element_type3A_207 = arith.extui %lt3A_206 : i1 to i32
    %cond3A_208 = arith.constant 0 : i32
    %cond3A_209 = arith.cmpi ne, %convert_element_type3A_207, %cond3A_208 : i32
    scf.if %cond3A_209 {
      %mul3A_951 = arith.constant 16 : i32
      %mul3A_952 = arith.muli %arg0, %mul3A_951 : i32
      %add3A_953 = arith.constant 4 : i32
      %add3A_954 = arith.addi %mul3A_952, %add3A_953 : i32
      %mul3A_955 = arith.constant 62464 : i32
      %mul3A_956 = arith.muli %arg1, %mul3A_955 : i32
      %mul3A_957 = arith.constant 62464 : i32
      %mul3A_958 = arith.muli %arg1, %mul3A_957 : i32
      %dma_start3A_959 = tpu.memref_slice %arg6[%mul3A_958] : memref<1000000xf32, #tpu.memory_space<vmem_shared>> -> memref<62464xf32, #tpu.memory_space<vmem_shared>>
      %dma_start3A_960 = tpu.memref_slice %arg3[%add3A_954, %mul3A_956] : memref<32x1000000xf32, #tpu.memory_space<hbm>> -> memref<1x62464xf32, #tpu.memory_space<hbm>>
      %dma_start3A_961 = tpu.memref_squeeze %dma_start3A_960 : memref<1x62464xf32, #tpu.memory_space<hbm>> -> memref<62464xf32, #tpu.memory_space<hbm>>
      tpu.enqueue_dma source(%dma_start3A_961 : memref<62464xf32, #tpu.memory_space<hbm>>) target(%dma_start3A_959 : memref<62464xf32, #tpu.memory_space<vmem_shared>>) target_semaphore(%arg11 : memref<!tpu.dma_semaphore, #tpu.memory_space<semaphore_mem>>)
    } else {
    }
    %eq3A_210 = arith.constant 15 : i32
    %eq3A_211 = arith.cmpi eq, %arg1, %eq3A_210 : i32
    %convert_element_type3A_212 = arith.extui %eq3A_211 : i1 to i32
    %cond3A_213 = arith.constant 0 : i32
    %cond3A_214 = arith.cmpi ne, %convert_element_type3A_212, %cond3A_213 : i32
    scf.if %cond3A_214 {
      %mul3A_951 = arith.constant 16 : i32
      %mul3A_952 = arith.muli %arg0, %mul3A_951 : i32
      %add3A_953 = arith.constant 4 : i32
      %add3A_954 = arith.addi %mul3A_952, %add3A_953 : i32
      %dma_start3A_955 = arith.constant 936960 : i32
      %dma_start3A_956 = tpu.memref_slice %arg6[%dma_start3A_955] : memref<1000000xf32, #tpu.memory_space<vmem_shared>> -> memref<62976xf32, #tpu.memory_space<vmem_shared>>
      %dma_start3A_957 = arith.constant 936960 : i32
      %dma_start3A_958 = tpu.memref_slice %arg3[%add3A_954, %dma_start3A_957] : memref<32x1000000xf32, #tpu.memory_space<hbm>> -> memref<1x62976xf32, #tpu.memory_space<hbm>>
      %dma_start3A_959 = tpu.memref_squeeze %dma_start3A_958 : memref<1x62976xf32, #tpu.memory_space<hbm>> -> memref<62976xf32, #tpu.memory_space<hbm>>
      tpu.enqueue_dma source(%dma_start3A_959 : memref<62976xf32, #tpu.memory_space<hbm>>) target(%dma_start3A_956 : memref<62976xf32, #tpu.memory_space<vmem_shared>>) target_semaphore(%arg11 : memref<!tpu.dma_semaphore, #tpu.memory_space<semaphore_mem>>)
      %mul3A_960 = arith.constant 16 : i32
      %mul3A_961 = arith.muli %arg0, %mul3A_960 : i32
      %add3A_962 = arith.constant 4 : i32
      %add3A_963 = arith.addi %mul3A_961, %add3A_962 : i32
      %mul3A_964 = arith.constant 128 : i32
      %mul3A_965 = arith.muli %add3A_963, %mul3A_964 : i32
      %dma_start3A_966 = tpu.memref_slice %arg4[%mul3A_965] : memref<4096xf32, #tpu.memory_space<hbm>> -> memref<128xf32, #tpu.memory_space<hbm>>
      %dma_start3A_967 = tpu.memref_slice %arg4[%mul3A_965] : memref<4096xf32, #tpu.memory_space<hbm>> -> memref<128xf32, #tpu.memory_space<hbm>>
      tpu.enqueue_dma source(%dma_start3A_967 : memref<128xf32, #tpu.memory_space<hbm>>) target(%arg10 : memref<128xf32, #tpu.memory_space<vmem>>) target_semaphore(%arg11 : memref<!tpu.dma_semaphore, #tpu.memory_space<semaphore_mem>>)
    } else {
    }
    %lt3A_215 = arith.constant 15 : i32
    %lt3A_216 = arith.cmpi slt, %arg1, %lt3A_215 : i32
    %convert_element_type3A_217 = arith.extui %lt3A_216 : i1 to i32
    %cond3A_218 = arith.constant 0 : i32
    %cond3A_219 = arith.cmpi ne, %convert_element_type3A_217, %cond3A_218 : i32
    scf.if %cond3A_219 {
      %mul3A_951 = arith.constant 16 : i32
      %mul3A_952 = arith.muli %arg0, %mul3A_951 : i32
      %add3A_953 = arith.constant 4 : i32
      %add3A_954 = arith.addi %mul3A_952, %add3A_953 : i32
      %mul3A_955 = arith.constant 62464 : i32
      %mul3A_956 = arith.muli %arg1, %mul3A_955 : i32
      %mul3A_957 = arith.constant 62464 : i32
      %mul3A_958 = arith.muli %arg1, %mul3A_957 : i32
      %dma_wait3A_959 = tpu.memref_slice %arg6[%mul3A_958] : memref<1000000xf32, #tpu.memory_space<vmem_shared>> -> memref<62464xf32, #tpu.memory_space<vmem_shared>>
      %dma_wait3A_960 = tpu.memref_slice %arg3[%add3A_954, %mul3A_956] : memref<32x1000000xf32, #tpu.memory_space<hbm>> -> memref<1x62464xf32, #tpu.memory_space<hbm>>
      %dma_wait3A_961 = tpu.memref_squeeze %dma_wait3A_960 : memref<1x62464xf32, #tpu.memory_space<hbm>> -> memref<62464xf32, #tpu.memory_space<hbm>>
      tpu.wait_dma2 semaphore(%arg11 : memref<!tpu.dma_semaphore, #tpu.memory_space<semaphore_mem>>) src(%dma_wait3A_961 : memref<62464xf32, #tpu.memory_space<hbm>>) dst(%dma_wait3A_959 : memref<62464xf32, #tpu.memory_space<vmem_shared>>)
    } else {
    }
    %eq3A_220 = arith.constant 15 : i32
    %eq3A_221 = arith.cmpi eq, %arg1, %eq3A_220 : i32
    %convert_element_type3A_222 = arith.extui %eq3A_221 : i1 to i32
    %cond3A_223 = arith.constant 0 : i32
    %cond3A_224 = arith.cmpi ne, %convert_element_type3A_222, %cond3A_223 : i32
    scf.if %cond3A_224 {
      %mul3A_951 = arith.constant 16 : i32
      %mul3A_952 = arith.muli %arg0, %mul3A_951 : i32
      %add3A_953 = arith.constant 4 : i32
      %add3A_954 = arith.addi %mul3A_952, %add3A_953 : i32
      %dma_wait3A_955 = arith.constant 936960 : i32
      %dma_wait3A_956 = tpu.memref_slice %arg6[%dma_wait3A_955] : memref<1000000xf32, #tpu.memory_space<vmem_shared>> -> memref<62976xf32, #tpu.memory_space<vmem_shared>>
      %dma_wait3A_957 = arith.constant 936960 : i32
      %dma_wait3A_958 = tpu.memref_slice %arg3[%add3A_954, %dma_wait3A_957] : memref<32x1000000xf32, #tpu.memory_space<hbm>> -> memref<1x62976xf32, #tpu.memory_space<hbm>>
      %dma_wait3A_959 = tpu.memref_squeeze %dma_wait3A_958 : memref<1x62976xf32, #tpu.memory_space<hbm>> -> memref<62976xf32, #tpu.memory_space<hbm>>
      tpu.wait_dma2 semaphore(%arg11 : memref<!tpu.dma_semaphore, #tpu.memory_space<semaphore_mem>>) src(%dma_wait3A_959 : memref<62976xf32, #tpu.memory_space<hbm>>) dst(%dma_wait3A_956 : memref<62976xf32, #tpu.memory_space<vmem_shared>>)
      %mul3A_960 = arith.constant 16 : i32
      %mul3A_961 = arith.muli %arg0, %mul3A_960 : i32
      %add3A_962 = arith.constant 4 : i32
      %add3A_963 = arith.addi %mul3A_961, %add3A_962 : i32
      %mul3A_964 = arith.constant 128 : i32
      %mul3A_965 = arith.muli %add3A_963, %mul3A_964 : i32
      %dma_wait3A_966 = tpu.memref_slice %arg4[%mul3A_965] : memref<4096xf32, #tpu.memory_space<hbm>> -> memref<128xf32, #tpu.memory_space<hbm>>
      %dma_wait3A_967 = tpu.memref_slice %arg4[%mul3A_965] : memref<4096xf32, #tpu.memory_space<hbm>> -> memref<128xf32, #tpu.memory_space<hbm>>
      tpu.wait_dma2 semaphore(%arg11 : memref<!tpu.dma_semaphore, #tpu.memory_space<semaphore_mem>>) src(%dma_wait3A_967 : memref<128xf32, #tpu.memory_space<hbm>>) dst(%arg10 : memref<128xf32, #tpu.memory_space<vmem>>)
      "tpu.region"() ({
        %run_scoped3A = tpu.sem_alloc : memref<!tpu.dma_semaphore, #tpu.memory_space<semaphore_mem>>
        %dma_start3A_968 = arith.constant 999872 : i32
        %dma_start3A_969 = tpu.memref_slice %arg6[%dma_start3A_968] : memref<1000000xf32, #tpu.memory_space<vmem_shared>> -> memref<128xf32, #tpu.memory_space<vmem_shared>>
        %dma_start3A_970 = arith.constant 999872 : i32
        %dma_start3A_971 = tpu.memref_slice %arg6[%dma_start3A_970] : memref<1000000xf32, #tpu.memory_space<vmem_shared>> -> memref<128xf32, #tpu.memory_space<vmem_shared>>
        tpu.enqueue_dma source(%arg10 : memref<128xf32, #tpu.memory_space<vmem>>) target(%dma_start3A_971 : memref<128xf32, #tpu.memory_space<vmem_shared>>) target_semaphore(%run_scoped3A : memref<!tpu.dma_semaphore, #tpu.memory_space<semaphore_mem>>)
        %dma_wait3A_972 = arith.constant 999872 : i32
        %dma_wait3A_973 = tpu.memref_slice %arg6[%dma_wait3A_972] : memref<1000000xf32, #tpu.memory_space<vmem_shared>> -> memref<128xf32, #tpu.memory_space<vmem_shared>>
        %dma_wait3A_974 = arith.constant 999872 : i32
        %dma_wait3A_975 = tpu.memref_slice %arg6[%dma_wait3A_974] : memref<1000000xf32, #tpu.memory_space<vmem_shared>> -> memref<128xf32, #tpu.memory_space<vmem_shared>>
        tpu.wait_dma2 semaphore(%run_scoped3A : memref<!tpu.dma_semaphore, #tpu.memory_space<semaphore_mem>>) src(%arg10 : memref<128xf32, #tpu.memory_space<vmem>>) dst(%dma_wait3A_975 : memref<128xf32, #tpu.memory_space<vmem_shared>>)
        tpu.yield
      }) : () -> ()
    } else {
    }
    %barrier3A_225 = arith.constant 0 : index
    tpu.barrier barrier_id(%barrier3A_225)
    %mul3A_226 = arith.constant 16 : i32
    %mul3A_227 = arith.muli %arg0, %mul3A_226 : i32
    %add3A_228 = arith.constant 2 : i32
    %add3A_229 = arith.addi %mul3A_227, %add3A_228 : i32
    %mul3A_230 = arith.constant 12800 : i32
    %mul3A_231 = arith.muli %arg1, %mul3A_230 : i32
    %dma_wait3A_232 = arith.constant 0 : i32
    %dma_wait3A_233 = tpu.memref_slice %arg5[%add3A_229, %mul3A_231] : memref<32x204800xf32, #tpu.memory_space<hbm>> -> memref<1x12800xf32, #tpu.memory_space<hbm>>
    %dma_wait3A_234 = tpu.memref_squeeze %dma_wait3A_233 : memref<1x12800xf32, #tpu.memory_space<hbm>> -> memref<12800xf32, #tpu.memory_space<hbm>>
    %dma_wait3A_235 = tpu.memref_slice %arg13[%dma_wait3A_232] : memref<2x!tpu.dma_semaphore, #tpu.memory_space<semaphore_mem>> -> memref<1x!tpu.dma_semaphore, #tpu.memory_space<semaphore_mem>>
    %dma_wait3A_236 = tpu.memref_squeeze %dma_wait3A_235 : memref<1x!tpu.dma_semaphore, #tpu.memory_space<semaphore_mem>> -> memref<!tpu.dma_semaphore, #tpu.memory_space<semaphore_mem>>
    %dma_wait3A_237 = tpu.memref_slice %arg5[%add3A_229, %mul3A_231] : memref<32x204800xf32, #tpu.memory_space<hbm>> -> memref<1x12800xf32, #tpu.memory_space<hbm>>
    %dma_wait3A_238 = tpu.memref_squeeze %dma_wait3A_237 : memref<1x12800xf32, #tpu.memory_space<hbm>> -> memref<12800xf32, #tpu.memory_space<hbm>>
    tpu.wait_dma2 semaphore(%dma_wait3A_236 : memref<!tpu.dma_semaphore, #tpu.memory_space<semaphore_mem>>) src(%arg8 : memref<12800xf32, #tpu.memory_space<vmem>>) dst(%dma_wait3A_238 : memref<12800xf32, #tpu.memory_space<hbm>>)
    %dma_start3A_239 = arith.constant 0 : i32
    %dma_start3A_240 = arith.constant 0 : i32
    %dma_start3A_241 = tpu.memref_slice %arg7[%dma_start3A_239, %dma_start3A_240] : memref<1x12800xi32, #tpu.memory_space<vmem>> -> memref<1x12800xi32, #tpu.memory_space<vmem>>
    %dma_start3A_242 = tpu.memref_squeeze %dma_start3A_241 : memref<1x12800xi32, #tpu.memory_space<vmem>> -> memref<12800xi32, #tpu.memory_space<vmem>>
    %dma_start3A_243 = arith.constant 0 : i32
    %dma_start3A_244 = tpu.memref_slice %arg6[%dma_start3A_243] : memref<1000000xf32, #tpu.memory_space<vmem_shared>> -> memref<1000000xf32, #tpu.memory_space<vmem_shared>>
    tpu.enqueue_indirect_dma source(%dma_start3A_244 : memref<1000000xf32, #tpu.memory_space<vmem_shared>>) target(%arg8 : memref<12800xf32, #tpu.memory_space<vmem>>) offsets(%dma_start3A_242 : memref<12800xi32, #tpu.memory_space<vmem>>) semaphore(%arg12 : memref<!tpu.dma_semaphore, #tpu.memory_space<semaphore_mem>>)
    %dma_wait3A_245 = arith.constant 0 : i32
    %dma_wait3A_246 = arith.constant 0 : i32
    %dma_wait3A_247 = tpu.memref_slice %arg7[%dma_wait3A_245, %dma_wait3A_246] : memref<1x12800xi32, #tpu.memory_space<vmem>> -> memref<1x12800xi32, #tpu.memory_space<vmem>>
    %dma_wait3A_248 = tpu.memref_squeeze %dma_wait3A_247 : memref<1x12800xi32, #tpu.memory_space<vmem>> -> memref<12800xi32, #tpu.memory_space<vmem>>
    %dma_wait3A_249 = arith.constant 0 : i32
    %dma_wait3A_250 = tpu.memref_slice %arg6[%dma_wait3A_249] : memref<1000000xf32, #tpu.memory_space<vmem_shared>> -> memref<1000000xf32, #tpu.memory_space<vmem_shared>>
    tpu.wait_indirect_dma semaphore(%arg12 : memref<!tpu.dma_semaphore, #tpu.memory_space<semaphore_mem>>) src(%dma_wait3A_250 : memref<1000000xf32, #tpu.memory_space<vmem_shared>>) dst(%arg8 : memref<12800xf32, #tpu.memory_space<vmem>>)
    %mul3A_251 = arith.constant 16 : i32
    %mul3A_252 = arith.muli %arg0, %mul3A_251 : i32
    %add3A_253 = arith.constant 4 : i32
    %add3A_254 = arith.addi %mul3A_252, %add3A_253 : i32
    %mul3A_255 = arith.constant 12800 : i32
    %mul3A_256 = arith.muli %arg1, %mul3A_255 : i32
    %dma_start3A_257 = arith.constant 0 : i32
    %dma_start3A_258 = tpu.memref_slice %arg5[%add3A_254, %mul3A_256] : memref<32x204800xf32, #tpu.memory_space<hbm>> -> memref<1x12800xf32, #tpu.memory_space<hbm>>
    %dma_start3A_259 = tpu.memref_squeeze %dma_start3A_258 : memref<1x12800xf32, #tpu.memory_space<hbm>> -> memref<12800xf32, #tpu.memory_space<hbm>>
    %dma_start3A_260 = tpu.memref_slice %arg13[%dma_start3A_257] : memref<2x!tpu.dma_semaphore, #tpu.memory_space<semaphore_mem>> -> memref<1x!tpu.dma_semaphore, #tpu.memory_space<semaphore_mem>>
    %dma_start3A_261 = tpu.memref_squeeze %dma_start3A_260 : memref<1x!tpu.dma_semaphore, #tpu.memory_space<semaphore_mem>> -> memref<!tpu.dma_semaphore, #tpu.memory_space<semaphore_mem>>
    %dma_start3A_262 = tpu.memref_slice %arg5[%add3A_254, %mul3A_256] : memref<32x204800xf32, #tpu.memory_space<hbm>> -> memref<1x12800xf32, #tpu.memory_space<hbm>>
    %dma_start3A_263 = tpu.memref_squeeze %dma_start3A_262 : memref<1x12800xf32, #tpu.memory_space<hbm>> -> memref<12800xf32, #tpu.memory_space<hbm>>
    tpu.enqueue_dma source(%arg8 : memref<12800xf32, #tpu.memory_space<vmem>>) target(%dma_start3A_263 : memref<12800xf32, #tpu.memory_space<hbm>>) target_semaphore(%dma_start3A_261 : memref<!tpu.dma_semaphore, #tpu.memory_space<semaphore_mem>>)
    %barrier3A_264 = arith.constant 0 : index
    tpu.barrier barrier_id(%barrier3A_264)
    %lt3A_265 = arith.constant 15 : i32
    %lt3A_266 = arith.cmpi slt, %arg1, %lt3A_265 : i32
    %convert_element_type3A_267 = arith.extui %lt3A_266 : i1 to i32
    %cond3A_268 = arith.constant 0 : i32
    %cond3A_269 = arith.cmpi ne, %convert_element_type3A_267, %cond3A_268 : i32
    scf.if %cond3A_269 {
      %mul3A_951 = arith.constant 16 : i32
      %mul3A_952 = arith.muli %arg0, %mul3A_951 : i32
      %add3A_953 = arith.constant 5 : i32
      %add3A_954 = arith.addi %mul3A_952, %add3A_953 : i32
      %mul3A_955 = arith.constant 62464 : i32
      %mul3A_956 = arith.muli %arg1, %mul3A_955 : i32
      %mul3A_957 = arith.constant 62464 : i32
      %mul3A_958 = arith.muli %arg1, %mul3A_957 : i32
      %dma_start3A_959 = tpu.memref_slice %arg6[%mul3A_958] : memref<1000000xf32, #tpu.memory_space<vmem_shared>> -> memref<62464xf32, #tpu.memory_space<vmem_shared>>
      %dma_start3A_960 = tpu.memref_slice %arg3[%add3A_954, %mul3A_956] : memref<32x1000000xf32, #tpu.memory_space<hbm>> -> memref<1x62464xf32, #tpu.memory_space<hbm>>
      %dma_start3A_961 = tpu.memref_squeeze %dma_start3A_960 : memref<1x62464xf32, #tpu.memory_space<hbm>> -> memref<62464xf32, #tpu.memory_space<hbm>>
      tpu.enqueue_dma source(%dma_start3A_961 : memref<62464xf32, #tpu.memory_space<hbm>>) target(%dma_start3A_959 : memref<62464xf32, #tpu.memory_space<vmem_shared>>) target_semaphore(%arg11 : memref<!tpu.dma_semaphore, #tpu.memory_space<semaphore_mem>>)
    } else {
    }
    %eq3A_270 = arith.constant 15 : i32
    %eq3A_271 = arith.cmpi eq, %arg1, %eq3A_270 : i32
    %convert_element_type3A_272 = arith.extui %eq3A_271 : i1 to i32
    %cond3A_273 = arith.constant 0 : i32
    %cond3A_274 = arith.cmpi ne, %convert_element_type3A_272, %cond3A_273 : i32
    scf.if %cond3A_274 {
      %mul3A_951 = arith.constant 16 : i32
      %mul3A_952 = arith.muli %arg0, %mul3A_951 : i32
      %add3A_953 = arith.constant 5 : i32
      %add3A_954 = arith.addi %mul3A_952, %add3A_953 : i32
      %dma_start3A_955 = arith.constant 936960 : i32
      %dma_start3A_956 = tpu.memref_slice %arg6[%dma_start3A_955] : memref<1000000xf32, #tpu.memory_space<vmem_shared>> -> memref<62976xf32, #tpu.memory_space<vmem_shared>>
      %dma_start3A_957 = arith.constant 936960 : i32
      %dma_start3A_958 = tpu.memref_slice %arg3[%add3A_954, %dma_start3A_957] : memref<32x1000000xf32, #tpu.memory_space<hbm>> -> memref<1x62976xf32, #tpu.memory_space<hbm>>
      %dma_start3A_959 = tpu.memref_squeeze %dma_start3A_958 : memref<1x62976xf32, #tpu.memory_space<hbm>> -> memref<62976xf32, #tpu.memory_space<hbm>>
      tpu.enqueue_dma source(%dma_start3A_959 : memref<62976xf32, #tpu.memory_space<hbm>>) target(%dma_start3A_956 : memref<62976xf32, #tpu.memory_space<vmem_shared>>) target_semaphore(%arg11 : memref<!tpu.dma_semaphore, #tpu.memory_space<semaphore_mem>>)
      %mul3A_960 = arith.constant 16 : i32
      %mul3A_961 = arith.muli %arg0, %mul3A_960 : i32
      %add3A_962 = arith.constant 5 : i32
      %add3A_963 = arith.addi %mul3A_961, %add3A_962 : i32
      %mul3A_964 = arith.constant 128 : i32
      %mul3A_965 = arith.muli %add3A_963, %mul3A_964 : i32
      %dma_start3A_966 = tpu.memref_slice %arg4[%mul3A_965] : memref<4096xf32, #tpu.memory_space<hbm>> -> memref<128xf32, #tpu.memory_space<hbm>>
      %dma_start3A_967 = tpu.memref_slice %arg4[%mul3A_965] : memref<4096xf32, #tpu.memory_space<hbm>> -> memref<128xf32, #tpu.memory_space<hbm>>
      tpu.enqueue_dma source(%dma_start3A_967 : memref<128xf32, #tpu.memory_space<hbm>>) target(%arg10 : memref<128xf32, #tpu.memory_space<vmem>>) target_semaphore(%arg11 : memref<!tpu.dma_semaphore, #tpu.memory_space<semaphore_mem>>)
    } else {
    }
    %lt3A_275 = arith.constant 15 : i32
    %lt3A_276 = arith.cmpi slt, %arg1, %lt3A_275 : i32
    %convert_element_type3A_277 = arith.extui %lt3A_276 : i1 to i32
    %cond3A_278 = arith.constant 0 : i32
    %cond3A_279 = arith.cmpi ne, %convert_element_type3A_277, %cond3A_278 : i32
    scf.if %cond3A_279 {
      %mul3A_951 = arith.constant 16 : i32
      %mul3A_952 = arith.muli %arg0, %mul3A_951 : i32
      %add3A_953 = arith.constant 5 : i32
      %add3A_954 = arith.addi %mul3A_952, %add3A_953 : i32
      %mul3A_955 = arith.constant 62464 : i32
      %mul3A_956 = arith.muli %arg1, %mul3A_955 : i32
      %mul3A_957 = arith.constant 62464 : i32
      %mul3A_958 = arith.muli %arg1, %mul3A_957 : i32
      %dma_wait3A_959 = tpu.memref_slice %arg6[%mul3A_958] : memref<1000000xf32, #tpu.memory_space<vmem_shared>> -> memref<62464xf32, #tpu.memory_space<vmem_shared>>
      %dma_wait3A_960 = tpu.memref_slice %arg3[%add3A_954, %mul3A_956] : memref<32x1000000xf32, #tpu.memory_space<hbm>> -> memref<1x62464xf32, #tpu.memory_space<hbm>>
      %dma_wait3A_961 = tpu.memref_squeeze %dma_wait3A_960 : memref<1x62464xf32, #tpu.memory_space<hbm>> -> memref<62464xf32, #tpu.memory_space<hbm>>
      tpu.wait_dma2 semaphore(%arg11 : memref<!tpu.dma_semaphore, #tpu.memory_space<semaphore_mem>>) src(%dma_wait3A_961 : memref<62464xf32, #tpu.memory_space<hbm>>) dst(%dma_wait3A_959 : memref<62464xf32, #tpu.memory_space<vmem_shared>>)
    } else {
    }
    %eq3A_280 = arith.constant 15 : i32
    %eq3A_281 = arith.cmpi eq, %arg1, %eq3A_280 : i32
    %convert_element_type3A_282 = arith.extui %eq3A_281 : i1 to i32
    %cond3A_283 = arith.constant 0 : i32
    %cond3A_284 = arith.cmpi ne, %convert_element_type3A_282, %cond3A_283 : i32
    scf.if %cond3A_284 {
      %mul3A_951 = arith.constant 16 : i32
      %mul3A_952 = arith.muli %arg0, %mul3A_951 : i32
      %add3A_953 = arith.constant 5 : i32
      %add3A_954 = arith.addi %mul3A_952, %add3A_953 : i32
      %dma_wait3A_955 = arith.constant 936960 : i32
      %dma_wait3A_956 = tpu.memref_slice %arg6[%dma_wait3A_955] : memref<1000000xf32, #tpu.memory_space<vmem_shared>> -> memref<62976xf32, #tpu.memory_space<vmem_shared>>
      %dma_wait3A_957 = arith.constant 936960 : i32
      %dma_wait3A_958 = tpu.memref_slice %arg3[%add3A_954, %dma_wait3A_957] : memref<32x1000000xf32, #tpu.memory_space<hbm>> -> memref<1x62976xf32, #tpu.memory_space<hbm>>
      %dma_wait3A_959 = tpu.memref_squeeze %dma_wait3A_958 : memref<1x62976xf32, #tpu.memory_space<hbm>> -> memref<62976xf32, #tpu.memory_space<hbm>>
      tpu.wait_dma2 semaphore(%arg11 : memref<!tpu.dma_semaphore, #tpu.memory_space<semaphore_mem>>) src(%dma_wait3A_959 : memref<62976xf32, #tpu.memory_space<hbm>>) dst(%dma_wait3A_956 : memref<62976xf32, #tpu.memory_space<vmem_shared>>)
      %mul3A_960 = arith.constant 16 : i32
      %mul3A_961 = arith.muli %arg0, %mul3A_960 : i32
      %add3A_962 = arith.constant 5 : i32
      %add3A_963 = arith.addi %mul3A_961, %add3A_962 : i32
      %mul3A_964 = arith.constant 128 : i32
      %mul3A_965 = arith.muli %add3A_963, %mul3A_964 : i32
      %dma_wait3A_966 = tpu.memref_slice %arg4[%mul3A_965] : memref<4096xf32, #tpu.memory_space<hbm>> -> memref<128xf32, #tpu.memory_space<hbm>>
      %dma_wait3A_967 = tpu.memref_slice %arg4[%mul3A_965] : memref<4096xf32, #tpu.memory_space<hbm>> -> memref<128xf32, #tpu.memory_space<hbm>>
      tpu.wait_dma2 semaphore(%arg11 : memref<!tpu.dma_semaphore, #tpu.memory_space<semaphore_mem>>) src(%dma_wait3A_967 : memref<128xf32, #tpu.memory_space<hbm>>) dst(%arg10 : memref<128xf32, #tpu.memory_space<vmem>>)
      "tpu.region"() ({
        %run_scoped3A = tpu.sem_alloc : memref<!tpu.dma_semaphore, #tpu.memory_space<semaphore_mem>>
        %dma_start3A_968 = arith.constant 999872 : i32
        %dma_start3A_969 = tpu.memref_slice %arg6[%dma_start3A_968] : memref<1000000xf32, #tpu.memory_space<vmem_shared>> -> memref<128xf32, #tpu.memory_space<vmem_shared>>
        %dma_start3A_970 = arith.constant 999872 : i32
        %dma_start3A_971 = tpu.memref_slice %arg6[%dma_start3A_970] : memref<1000000xf32, #tpu.memory_space<vmem_shared>> -> memref<128xf32, #tpu.memory_space<vmem_shared>>
        tpu.enqueue_dma source(%arg10 : memref<128xf32, #tpu.memory_space<vmem>>) target(%dma_start3A_971 : memref<128xf32, #tpu.memory_space<vmem_shared>>) target_semaphore(%run_scoped3A : memref<!tpu.dma_semaphore, #tpu.memory_space<semaphore_mem>>)
        %dma_wait3A_972 = arith.constant 999872 : i32
        %dma_wait3A_973 = tpu.memref_slice %arg6[%dma_wait3A_972] : memref<1000000xf32, #tpu.memory_space<vmem_shared>> -> memref<128xf32, #tpu.memory_space<vmem_shared>>
        %dma_wait3A_974 = arith.constant 999872 : i32
        %dma_wait3A_975 = tpu.memref_slice %arg6[%dma_wait3A_974] : memref<1000000xf32, #tpu.memory_space<vmem_shared>> -> memref<128xf32, #tpu.memory_space<vmem_shared>>
        tpu.wait_dma2 semaphore(%run_scoped3A : memref<!tpu.dma_semaphore, #tpu.memory_space<semaphore_mem>>) src(%arg10 : memref<128xf32, #tpu.memory_space<vmem>>) dst(%dma_wait3A_975 : memref<128xf32, #tpu.memory_space<vmem_shared>>)
        tpu.yield
      }) : () -> ()
    } else {
    }
    %barrier3A_285 = arith.constant 0 : index
    tpu.barrier barrier_id(%barrier3A_285)
    %mul3A_286 = arith.constant 16 : i32
    %mul3A_287 = arith.muli %arg0, %mul3A_286 : i32
    %add3A_288 = arith.constant 3 : i32
    %add3A_289 = arith.addi %mul3A_287, %add3A_288 : i32
    %mul3A_290 = arith.constant 12800 : i32
    %mul3A_291 = arith.muli %arg1, %mul3A_290 : i32
    %dma_wait3A_292 = arith.constant 1 : i32
    %dma_wait3A_293 = tpu.memref_slice %arg5[%add3A_289, %mul3A_291] : memref<32x204800xf32, #tpu.memory_space<hbm>> -> memref<1x12800xf32, #tpu.memory_space<hbm>>
    %dma_wait3A_294 = tpu.memref_squeeze %dma_wait3A_293 : memref<1x12800xf32, #tpu.memory_space<hbm>> -> memref<12800xf32, #tpu.memory_space<hbm>>
    %dma_wait3A_295 = tpu.memref_slice %arg13[%dma_wait3A_292] : memref<2x!tpu.dma_semaphore, #tpu.memory_space<semaphore_mem>> -> memref<1x!tpu.dma_semaphore, #tpu.memory_space<semaphore_mem>>
    %dma_wait3A_296 = tpu.memref_squeeze %dma_wait3A_295 : memref<1x!tpu.dma_semaphore, #tpu.memory_space<semaphore_mem>> -> memref<!tpu.dma_semaphore, #tpu.memory_space<semaphore_mem>>
    %dma_wait3A_297 = tpu.memref_slice %arg5[%add3A_289, %mul3A_291] : memref<32x204800xf32, #tpu.memory_space<hbm>> -> memref<1x12800xf32, #tpu.memory_space<hbm>>
    %dma_wait3A_298 = tpu.memref_squeeze %dma_wait3A_297 : memref<1x12800xf32, #tpu.memory_space<hbm>> -> memref<12800xf32, #tpu.memory_space<hbm>>
    tpu.wait_dma2 semaphore(%dma_wait3A_296 : memref<!tpu.dma_semaphore, #tpu.memory_space<semaphore_mem>>) src(%arg9 : memref<12800xf32, #tpu.memory_space<vmem>>) dst(%dma_wait3A_298 : memref<12800xf32, #tpu.memory_space<hbm>>)
    %dma_start3A_299 = arith.constant 0 : i32
    %dma_start3A_300 = arith.constant 0 : i32
    %dma_start3A_301 = tpu.memref_slice %arg7[%dma_start3A_299, %dma_start3A_300] : memref<1x12800xi32, #tpu.memory_space<vmem>> -> memref<1x12800xi32, #tpu.memory_space<vmem>>
    %dma_start3A_302 = tpu.memref_squeeze %dma_start3A_301 : memref<1x12800xi32, #tpu.memory_space<vmem>> -> memref<12800xi32, #tpu.memory_space<vmem>>
    %dma_start3A_303 = arith.constant 0 : i32
    %dma_start3A_304 = tpu.memref_slice %arg6[%dma_start3A_303] : memref<1000000xf32, #tpu.memory_space<vmem_shared>> -> memref<1000000xf32, #tpu.memory_space<vmem_shared>>
    tpu.enqueue_indirect_dma source(%dma_start3A_304 : memref<1000000xf32, #tpu.memory_space<vmem_shared>>) target(%arg9 : memref<12800xf32, #tpu.memory_space<vmem>>) offsets(%dma_start3A_302 : memref<12800xi32, #tpu.memory_space<vmem>>) semaphore(%arg12 : memref<!tpu.dma_semaphore, #tpu.memory_space<semaphore_mem>>)
    %dma_wait3A_305 = arith.constant 0 : i32
    %dma_wait3A_306 = arith.constant 0 : i32
    %dma_wait3A_307 = tpu.memref_slice %arg7[%dma_wait3A_305, %dma_wait3A_306] : memref<1x12800xi32, #tpu.memory_space<vmem>> -> memref<1x12800xi32, #tpu.memory_space<vmem>>
    %dma_wait3A_308 = tpu.memref_squeeze %dma_wait3A_307 : memref<1x12800xi32, #tpu.memory_space<vmem>> -> memref<12800xi32, #tpu.memory_space<vmem>>
    %dma_wait3A_309 = arith.constant 0 : i32
    %dma_wait3A_310 = tpu.memref_slice %arg6[%dma_wait3A_309] : memref<1000000xf32, #tpu.memory_space<vmem_shared>> -> memref<1000000xf32, #tpu.memory_space<vmem_shared>>
    tpu.wait_indirect_dma semaphore(%arg12 : memref<!tpu.dma_semaphore, #tpu.memory_space<semaphore_mem>>) src(%dma_wait3A_310 : memref<1000000xf32, #tpu.memory_space<vmem_shared>>) dst(%arg9 : memref<12800xf32, #tpu.memory_space<vmem>>)
    %mul3A_311 = arith.constant 16 : i32
    %mul3A_312 = arith.muli %arg0, %mul3A_311 : i32
    %add3A_313 = arith.constant 5 : i32
    %add3A_314 = arith.addi %mul3A_312, %add3A_313 : i32
    %mul3A_315 = arith.constant 12800 : i32
    %mul3A_316 = arith.muli %arg1, %mul3A_315 : i32
    %dma_start3A_317 = arith.constant 1 : i32
    %dma_start3A_318 = tpu.memref_slice %arg5[%add3A_314, %mul3A_316] : memref<32x204800xf32, #tpu.memory_space<hbm>> -> memref<1x12800xf32, #tpu.memory_space<hbm>>
    %dma_start3A_319 = tpu.memref_squeeze %dma_start3A_318 : memref<1x12800xf32, #tpu.memory_space<hbm>> -> memref<12800xf32, #tpu.memory_space<hbm>>
    %dma_start3A_320 = tpu.memref_slice %arg13[%dma_start3A_317] : memref<2x!tpu.dma_semaphore, #tpu.memory_space<semaphore_mem>> -> memref<1x!tpu.dma_semaphore, #tpu.memory_space<semaphore_mem>>
    %dma_start3A_321 = tpu.memref_squeeze %dma_start3A_320 : memref<1x!tpu.dma_semaphore, #tpu.memory_space<semaphore_mem>> -> memref<!tpu.dma_semaphore, #tpu.memory_space<semaphore_mem>>
    %dma_start3A_322 = tpu.memref_slice %arg5[%add3A_314, %mul3A_316] : memref<32x204800xf32, #tpu.memory_space<hbm>> -> memref<1x12800xf32, #tpu.memory_space<hbm>>
    %dma_start3A_323 = tpu.memref_squeeze %dma_start3A_322 : memref<1x12800xf32, #tpu.memory_space<hbm>> -> memref<12800xf32, #tpu.memory_space<hbm>>
    tpu.enqueue_dma source(%arg9 : memref<12800xf32, #tpu.memory_space<vmem>>) target(%dma_start3A_323 : memref<12800xf32, #tpu.memory_space<hbm>>) target_semaphore(%dma_start3A_321 : memref<!tpu.dma_semaphore, #tpu.memory_space<semaphore_mem>>)
    %barrier3A_324 = arith.constant 0 : index
    tpu.barrier barrier_id(%barrier3A_324)
    %lt3A_325 = arith.constant 15 : i32
    %lt3A_326 = arith.cmpi slt, %arg1, %lt3A_325 : i32
    %convert_element_type3A_327 = arith.extui %lt3A_326 : i1 to i32
    %cond3A_328 = arith.constant 0 : i32
    %cond3A_329 = arith.cmpi ne, %convert_element_type3A_327, %cond3A_328 : i32
    scf.if %cond3A_329 {
      %mul3A_951 = arith.constant 16 : i32
      %mul3A_952 = arith.muli %arg0, %mul3A_951 : i32
      %add3A_953 = arith.constant 6 : i32
      %add3A_954 = arith.addi %mul3A_952, %add3A_953 : i32
      %mul3A_955 = arith.constant 62464 : i32
      %mul3A_956 = arith.muli %arg1, %mul3A_955 : i32
      %mul3A_957 = arith.constant 62464 : i32
      %mul3A_958 = arith.muli %arg1, %mul3A_957 : i32
      %dma_start3A_959 = tpu.memref_slice %arg6[%mul3A_958] : memref<1000000xf32, #tpu.memory_space<vmem_shared>> -> memref<62464xf32, #tpu.memory_space<vmem_shared>>
      %dma_start3A_960 = tpu.memref_slice %arg3[%add3A_954, %mul3A_956] : memref<32x1000000xf32, #tpu.memory_space<hbm>> -> memref<1x62464xf32, #tpu.memory_space<hbm>>
      %dma_start3A_961 = tpu.memref_squeeze %dma_start3A_960 : memref<1x62464xf32, #tpu.memory_space<hbm>> -> memref<62464xf32, #tpu.memory_space<hbm>>
      tpu.enqueue_dma source(%dma_start3A_961 : memref<62464xf32, #tpu.memory_space<hbm>>) target(%dma_start3A_959 : memref<62464xf32, #tpu.memory_space<vmem_shared>>) target_semaphore(%arg11 : memref<!tpu.dma_semaphore, #tpu.memory_space<semaphore_mem>>)
    } else {
    }
    %eq3A_330 = arith.constant 15 : i32
    %eq3A_331 = arith.cmpi eq, %arg1, %eq3A_330 : i32
    %convert_element_type3A_332 = arith.extui %eq3A_331 : i1 to i32
    %cond3A_333 = arith.constant 0 : i32
    %cond3A_334 = arith.cmpi ne, %convert_element_type3A_332, %cond3A_333 : i32
    scf.if %cond3A_334 {
      %mul3A_951 = arith.constant 16 : i32
      %mul3A_952 = arith.muli %arg0, %mul3A_951 : i32
      %add3A_953 = arith.constant 6 : i32
      %add3A_954 = arith.addi %mul3A_952, %add3A_953 : i32
      %dma_start3A_955 = arith.constant 936960 : i32
      %dma_start3A_956 = tpu.memref_slice %arg6[%dma_start3A_955] : memref<1000000xf32, #tpu.memory_space<vmem_shared>> -> memref<62976xf32, #tpu.memory_space<vmem_shared>>
      %dma_start3A_957 = arith.constant 936960 : i32
      %dma_start3A_958 = tpu.memref_slice %arg3[%add3A_954, %dma_start3A_957] : memref<32x1000000xf32, #tpu.memory_space<hbm>> -> memref<1x62976xf32, #tpu.memory_space<hbm>>
      %dma_start3A_959 = tpu.memref_squeeze %dma_start3A_958 : memref<1x62976xf32, #tpu.memory_space<hbm>> -> memref<62976xf32, #tpu.memory_space<hbm>>
      tpu.enqueue_dma source(%dma_start3A_959 : memref<62976xf32, #tpu.memory_space<hbm>>) target(%dma_start3A_956 : memref<62976xf32, #tpu.memory_space<vmem_shared>>) target_semaphore(%arg11 : memref<!tpu.dma_semaphore, #tpu.memory_space<semaphore_mem>>)
      %mul3A_960 = arith.constant 16 : i32
      %mul3A_961 = arith.muli %arg0, %mul3A_960 : i32
      %add3A_962 = arith.constant 6 : i32
      %add3A_963 = arith.addi %mul3A_961, %add3A_962 : i32
      %mul3A_964 = arith.constant 128 : i32
      %mul3A_965 = arith.muli %add3A_963, %mul3A_964 : i32
      %dma_start3A_966 = tpu.memref_slice %arg4[%mul3A_965] : memref<4096xf32, #tpu.memory_space<hbm>> -> memref<128xf32, #tpu.memory_space<hbm>>
      %dma_start3A_967 = tpu.memref_slice %arg4[%mul3A_965] : memref<4096xf32, #tpu.memory_space<hbm>> -> memref<128xf32, #tpu.memory_space<hbm>>
      tpu.enqueue_dma source(%dma_start3A_967 : memref<128xf32, #tpu.memory_space<hbm>>) target(%arg10 : memref<128xf32, #tpu.memory_space<vmem>>) target_semaphore(%arg11 : memref<!tpu.dma_semaphore, #tpu.memory_space<semaphore_mem>>)
    } else {
    }
    %lt3A_335 = arith.constant 15 : i32
    %lt3A_336 = arith.cmpi slt, %arg1, %lt3A_335 : i32
    %convert_element_type3A_337 = arith.extui %lt3A_336 : i1 to i32
    %cond3A_338 = arith.constant 0 : i32
    %cond3A_339 = arith.cmpi ne, %convert_element_type3A_337, %cond3A_338 : i32
    scf.if %cond3A_339 {
      %mul3A_951 = arith.constant 16 : i32
      %mul3A_952 = arith.muli %arg0, %mul3A_951 : i32
      %add3A_953 = arith.constant 6 : i32
      %add3A_954 = arith.addi %mul3A_952, %add3A_953 : i32
      %mul3A_955 = arith.constant 62464 : i32
      %mul3A_956 = arith.muli %arg1, %mul3A_955 : i32
      %mul3A_957 = arith.constant 62464 : i32
      %mul3A_958 = arith.muli %arg1, %mul3A_957 : i32
      %dma_wait3A_959 = tpu.memref_slice %arg6[%mul3A_958] : memref<1000000xf32, #tpu.memory_space<vmem_shared>> -> memref<62464xf32, #tpu.memory_space<vmem_shared>>
      %dma_wait3A_960 = tpu.memref_slice %arg3[%add3A_954, %mul3A_956] : memref<32x1000000xf32, #tpu.memory_space<hbm>> -> memref<1x62464xf32, #tpu.memory_space<hbm>>
      %dma_wait3A_961 = tpu.memref_squeeze %dma_wait3A_960 : memref<1x62464xf32, #tpu.memory_space<hbm>> -> memref<62464xf32, #tpu.memory_space<hbm>>
      tpu.wait_dma2 semaphore(%arg11 : memref<!tpu.dma_semaphore, #tpu.memory_space<semaphore_mem>>) src(%dma_wait3A_961 : memref<62464xf32, #tpu.memory_space<hbm>>) dst(%dma_wait3A_959 : memref<62464xf32, #tpu.memory_space<vmem_shared>>)
    } else {
    }
    %eq3A_340 = arith.constant 15 : i32
    %eq3A_341 = arith.cmpi eq, %arg1, %eq3A_340 : i32
    %convert_element_type3A_342 = arith.extui %eq3A_341 : i1 to i32
    %cond3A_343 = arith.constant 0 : i32
    %cond3A_344 = arith.cmpi ne, %convert_element_type3A_342, %cond3A_343 : i32
    scf.if %cond3A_344 {
      %mul3A_951 = arith.constant 16 : i32
      %mul3A_952 = arith.muli %arg0, %mul3A_951 : i32
      %add3A_953 = arith.constant 6 : i32
      %add3A_954 = arith.addi %mul3A_952, %add3A_953 : i32
      %dma_wait3A_955 = arith.constant 936960 : i32
      %dma_wait3A_956 = tpu.memref_slice %arg6[%dma_wait3A_955] : memref<1000000xf32, #tpu.memory_space<vmem_shared>> -> memref<62976xf32, #tpu.memory_space<vmem_shared>>
      %dma_wait3A_957 = arith.constant 936960 : i32
      %dma_wait3A_958 = tpu.memref_slice %arg3[%add3A_954, %dma_wait3A_957] : memref<32x1000000xf32, #tpu.memory_space<hbm>> -> memref<1x62976xf32, #tpu.memory_space<hbm>>
      %dma_wait3A_959 = tpu.memref_squeeze %dma_wait3A_958 : memref<1x62976xf32, #tpu.memory_space<hbm>> -> memref<62976xf32, #tpu.memory_space<hbm>>
      tpu.wait_dma2 semaphore(%arg11 : memref<!tpu.dma_semaphore, #tpu.memory_space<semaphore_mem>>) src(%dma_wait3A_959 : memref<62976xf32, #tpu.memory_space<hbm>>) dst(%dma_wait3A_956 : memref<62976xf32, #tpu.memory_space<vmem_shared>>)
      %mul3A_960 = arith.constant 16 : i32
      %mul3A_961 = arith.muli %arg0, %mul3A_960 : i32
      %add3A_962 = arith.constant 6 : i32
      %add3A_963 = arith.addi %mul3A_961, %add3A_962 : i32
      %mul3A_964 = arith.constant 128 : i32
      %mul3A_965 = arith.muli %add3A_963, %mul3A_964 : i32
      %dma_wait3A_966 = tpu.memref_slice %arg4[%mul3A_965] : memref<4096xf32, #tpu.memory_space<hbm>> -> memref<128xf32, #tpu.memory_space<hbm>>
      %dma_wait3A_967 = tpu.memref_slice %arg4[%mul3A_965] : memref<4096xf32, #tpu.memory_space<hbm>> -> memref<128xf32, #tpu.memory_space<hbm>>
      tpu.wait_dma2 semaphore(%arg11 : memref<!tpu.dma_semaphore, #tpu.memory_space<semaphore_mem>>) src(%dma_wait3A_967 : memref<128xf32, #tpu.memory_space<hbm>>) dst(%arg10 : memref<128xf32, #tpu.memory_space<vmem>>)
      "tpu.region"() ({
        %run_scoped3A = tpu.sem_alloc : memref<!tpu.dma_semaphore, #tpu.memory_space<semaphore_mem>>
        %dma_start3A_968 = arith.constant 999872 : i32
        %dma_start3A_969 = tpu.memref_slice %arg6[%dma_start3A_968] : memref<1000000xf32, #tpu.memory_space<vmem_shared>> -> memref<128xf32, #tpu.memory_space<vmem_shared>>
        %dma_start3A_970 = arith.constant 999872 : i32
        %dma_start3A_971 = tpu.memref_slice %arg6[%dma_start3A_970] : memref<1000000xf32, #tpu.memory_space<vmem_shared>> -> memref<128xf32, #tpu.memory_space<vmem_shared>>
        tpu.enqueue_dma source(%arg10 : memref<128xf32, #tpu.memory_space<vmem>>) target(%dma_start3A_971 : memref<128xf32, #tpu.memory_space<vmem_shared>>) target_semaphore(%run_scoped3A : memref<!tpu.dma_semaphore, #tpu.memory_space<semaphore_mem>>)
        %dma_wait3A_972 = arith.constant 999872 : i32
        %dma_wait3A_973 = tpu.memref_slice %arg6[%dma_wait3A_972] : memref<1000000xf32, #tpu.memory_space<vmem_shared>> -> memref<128xf32, #tpu.memory_space<vmem_shared>>
        %dma_wait3A_974 = arith.constant 999872 : i32
        %dma_wait3A_975 = tpu.memref_slice %arg6[%dma_wait3A_974] : memref<1000000xf32, #tpu.memory_space<vmem_shared>> -> memref<128xf32, #tpu.memory_space<vmem_shared>>
        tpu.wait_dma2 semaphore(%run_scoped3A : memref<!tpu.dma_semaphore, #tpu.memory_space<semaphore_mem>>) src(%arg10 : memref<128xf32, #tpu.memory_space<vmem>>) dst(%dma_wait3A_975 : memref<128xf32, #tpu.memory_space<vmem_shared>>)
        tpu.yield
      }) : () -> ()
    } else {
    }
    %barrier3A_345 = arith.constant 0 : index
    tpu.barrier barrier_id(%barrier3A_345)
    %mul3A_346 = arith.constant 16 : i32
    %mul3A_347 = arith.muli %arg0, %mul3A_346 : i32
    %add3A_348 = arith.constant 4 : i32
    %add3A_349 = arith.addi %mul3A_347, %add3A_348 : i32
    %mul3A_350 = arith.constant 12800 : i32
    %mul3A_351 = arith.muli %arg1, %mul3A_350 : i32
    %dma_wait3A_352 = arith.constant 0 : i32
    %dma_wait3A_353 = tpu.memref_slice %arg5[%add3A_349, %mul3A_351] : memref<32x204800xf32, #tpu.memory_space<hbm>> -> memref<1x12800xf32, #tpu.memory_space<hbm>>
    %dma_wait3A_354 = tpu.memref_squeeze %dma_wait3A_353 : memref<1x12800xf32, #tpu.memory_space<hbm>> -> memref<12800xf32, #tpu.memory_space<hbm>>
    %dma_wait3A_355 = tpu.memref_slice %arg13[%dma_wait3A_352] : memref<2x!tpu.dma_semaphore, #tpu.memory_space<semaphore_mem>> -> memref<1x!tpu.dma_semaphore, #tpu.memory_space<semaphore_mem>>
    %dma_wait3A_356 = tpu.memref_squeeze %dma_wait3A_355 : memref<1x!tpu.dma_semaphore, #tpu.memory_space<semaphore_mem>> -> memref<!tpu.dma_semaphore, #tpu.memory_space<semaphore_mem>>
    %dma_wait3A_357 = tpu.memref_slice %arg5[%add3A_349, %mul3A_351] : memref<32x204800xf32, #tpu.memory_space<hbm>> -> memref<1x12800xf32, #tpu.memory_space<hbm>>
    %dma_wait3A_358 = tpu.memref_squeeze %dma_wait3A_357 : memref<1x12800xf32, #tpu.memory_space<hbm>> -> memref<12800xf32, #tpu.memory_space<hbm>>
    tpu.wait_dma2 semaphore(%dma_wait3A_356 : memref<!tpu.dma_semaphore, #tpu.memory_space<semaphore_mem>>) src(%arg8 : memref<12800xf32, #tpu.memory_space<vmem>>) dst(%dma_wait3A_358 : memref<12800xf32, #tpu.memory_space<hbm>>)
    %dma_start3A_359 = arith.constant 0 : i32
    %dma_start3A_360 = arith.constant 0 : i32
    %dma_start3A_361 = tpu.memref_slice %arg7[%dma_start3A_359, %dma_start3A_360] : memref<1x12800xi32, #tpu.memory_space<vmem>> -> memref<1x12800xi32, #tpu.memory_space<vmem>>
    %dma_start3A_362 = tpu.memref_squeeze %dma_start3A_361 : memref<1x12800xi32, #tpu.memory_space<vmem>> -> memref<12800xi32, #tpu.memory_space<vmem>>
    %dma_start3A_363 = arith.constant 0 : i32
    %dma_start3A_364 = tpu.memref_slice %arg6[%dma_start3A_363] : memref<1000000xf32, #tpu.memory_space<vmem_shared>> -> memref<1000000xf32, #tpu.memory_space<vmem_shared>>
    tpu.enqueue_indirect_dma source(%dma_start3A_364 : memref<1000000xf32, #tpu.memory_space<vmem_shared>>) target(%arg8 : memref<12800xf32, #tpu.memory_space<vmem>>) offsets(%dma_start3A_362 : memref<12800xi32, #tpu.memory_space<vmem>>) semaphore(%arg12 : memref<!tpu.dma_semaphore, #tpu.memory_space<semaphore_mem>>)
    %dma_wait3A_365 = arith.constant 0 : i32
    %dma_wait3A_366 = arith.constant 0 : i32
    %dma_wait3A_367 = tpu.memref_slice %arg7[%dma_wait3A_365, %dma_wait3A_366] : memref<1x12800xi32, #tpu.memory_space<vmem>> -> memref<1x12800xi32, #tpu.memory_space<vmem>>
    %dma_wait3A_368 = tpu.memref_squeeze %dma_wait3A_367 : memref<1x12800xi32, #tpu.memory_space<vmem>> -> memref<12800xi32, #tpu.memory_space<vmem>>
    %dma_wait3A_369 = arith.constant 0 : i32
    %dma_wait3A_370 = tpu.memref_slice %arg6[%dma_wait3A_369] : memref<1000000xf32, #tpu.memory_space<vmem_shared>> -> memref<1000000xf32, #tpu.memory_space<vmem_shared>>
    tpu.wait_indirect_dma semaphore(%arg12 : memref<!tpu.dma_semaphore, #tpu.memory_space<semaphore_mem>>) src(%dma_wait3A_370 : memref<1000000xf32, #tpu.memory_space<vmem_shared>>) dst(%arg8 : memref<12800xf32, #tpu.memory_space<vmem>>)
    %mul3A_371 = arith.constant 16 : i32
    %mul3A_372 = arith.muli %arg0, %mul3A_371 : i32
    %add3A_373 = arith.constant 6 : i32
    %add3A_374 = arith.addi %mul3A_372, %add3A_373 : i32
    %mul3A_375 = arith.constant 12800 : i32
    %mul3A_376 = arith.muli %arg1, %mul3A_375 : i32
    %dma_start3A_377 = arith.constant 0 : i32
    %dma_start3A_378 = tpu.memref_slice %arg5[%add3A_374, %mul3A_376] : memref<32x204800xf32, #tpu.memory_space<hbm>> -> memref<1x12800xf32, #tpu.memory_space<hbm>>
    %dma_start3A_379 = tpu.memref_squeeze %dma_start3A_378 : memref<1x12800xf32, #tpu.memory_space<hbm>> -> memref<12800xf32, #tpu.memory_space<hbm>>
    %dma_start3A_380 = tpu.memref_slice %arg13[%dma_start3A_377] : memref<2x!tpu.dma_semaphore, #tpu.memory_space<semaphore_mem>> -> memref<1x!tpu.dma_semaphore, #tpu.memory_space<semaphore_mem>>
    %dma_start3A_381 = tpu.memref_squeeze %dma_start3A_380 : memref<1x!tpu.dma_semaphore, #tpu.memory_space<semaphore_mem>> -> memref<!tpu.dma_semaphore, #tpu.memory_space<semaphore_mem>>
    %dma_start3A_382 = tpu.memref_slice %arg5[%add3A_374, %mul3A_376] : memref<32x204800xf32, #tpu.memory_space<hbm>> -> memref<1x12800xf32, #tpu.memory_space<hbm>>
    %dma_start3A_383 = tpu.memref_squeeze %dma_start3A_382 : memref<1x12800xf32, #tpu.memory_space<hbm>> -> memref<12800xf32, #tpu.memory_space<hbm>>
    tpu.enqueue_dma source(%arg8 : memref<12800xf32, #tpu.memory_space<vmem>>) target(%dma_start3A_383 : memref<12800xf32, #tpu.memory_space<hbm>>) target_semaphore(%dma_start3A_381 : memref<!tpu.dma_semaphore, #tpu.memory_space<semaphore_mem>>)
    %barrier3A_384 = arith.constant 0 : index
    tpu.barrier barrier_id(%barrier3A_384)
    %lt3A_385 = arith.constant 15 : i32
    %lt3A_386 = arith.cmpi slt, %arg1, %lt3A_385 : i32
    %convert_element_type3A_387 = arith.extui %lt3A_386 : i1 to i32
    %cond3A_388 = arith.constant 0 : i32
    %cond3A_389 = arith.cmpi ne, %convert_element_type3A_387, %cond3A_388 : i32
    scf.if %cond3A_389 {
      %mul3A_951 = arith.constant 16 : i32
      %mul3A_952 = arith.muli %arg0, %mul3A_951 : i32
      %add3A_953 = arith.constant 7 : i32
      %add3A_954 = arith.addi %mul3A_952, %add3A_953 : i32
      %mul3A_955 = arith.constant 62464 : i32
      %mul3A_956 = arith.muli %arg1, %mul3A_955 : i32
      %mul3A_957 = arith.constant 62464 : i32
      %mul3A_958 = arith.muli %arg1, %mul3A_957 : i32
      %dma_start3A_959 = tpu.memref_slice %arg6[%mul3A_958] : memref<1000000xf32, #tpu.memory_space<vmem_shared>> -> memref<62464xf32, #tpu.memory_space<vmem_shared>>
      %dma_start3A_960 = tpu.memref_slice %arg3[%add3A_954, %mul3A_956] : memref<32x1000000xf32, #tpu.memory_space<hbm>> -> memref<1x62464xf32, #tpu.memory_space<hbm>>
      %dma_start3A_961 = tpu.memref_squeeze %dma_start3A_960 : memref<1x62464xf32, #tpu.memory_space<hbm>> -> memref<62464xf32, #tpu.memory_space<hbm>>
      tpu.enqueue_dma source(%dma_start3A_961 : memref<62464xf32, #tpu.memory_space<hbm>>) target(%dma_start3A_959 : memref<62464xf32, #tpu.memory_space<vmem_shared>>) target_semaphore(%arg11 : memref<!tpu.dma_semaphore, #tpu.memory_space<semaphore_mem>>)
    } else {
    }
    %eq3A_390 = arith.constant 15 : i32
    %eq3A_391 = arith.cmpi eq, %arg1, %eq3A_390 : i32
    %convert_element_type3A_392 = arith.extui %eq3A_391 : i1 to i32
    %cond3A_393 = arith.constant 0 : i32
    %cond3A_394 = arith.cmpi ne, %convert_element_type3A_392, %cond3A_393 : i32
    scf.if %cond3A_394 {
      %mul3A_951 = arith.constant 16 : i32
      %mul3A_952 = arith.muli %arg0, %mul3A_951 : i32
      %add3A_953 = arith.constant 7 : i32
      %add3A_954 = arith.addi %mul3A_952, %add3A_953 : i32
      %dma_start3A_955 = arith.constant 936960 : i32
      %dma_start3A_956 = tpu.memref_slice %arg6[%dma_start3A_955] : memref<1000000xf32, #tpu.memory_space<vmem_shared>> -> memref<62976xf32, #tpu.memory_space<vmem_shared>>
      %dma_start3A_957 = arith.constant 936960 : i32
      %dma_start3A_958 = tpu.memref_slice %arg3[%add3A_954, %dma_start3A_957] : memref<32x1000000xf32, #tpu.memory_space<hbm>> -> memref<1x62976xf32, #tpu.memory_space<hbm>>
      %dma_start3A_959 = tpu.memref_squeeze %dma_start3A_958 : memref<1x62976xf32, #tpu.memory_space<hbm>> -> memref<62976xf32, #tpu.memory_space<hbm>>
      tpu.enqueue_dma source(%dma_start3A_959 : memref<62976xf32, #tpu.memory_space<hbm>>) target(%dma_start3A_956 : memref<62976xf32, #tpu.memory_space<vmem_shared>>) target_semaphore(%arg11 : memref<!tpu.dma_semaphore, #tpu.memory_space<semaphore_mem>>)
      %mul3A_960 = arith.constant 16 : i32
      %mul3A_961 = arith.muli %arg0, %mul3A_960 : i32
      %add3A_962 = arith.constant 7 : i32
      %add3A_963 = arith.addi %mul3A_961, %add3A_962 : i32
      %mul3A_964 = arith.constant 128 : i32
      %mul3A_965 = arith.muli %add3A_963, %mul3A_964 : i32
      %dma_start3A_966 = tpu.memref_slice %arg4[%mul3A_965] : memref<4096xf32, #tpu.memory_space<hbm>> -> memref<128xf32, #tpu.memory_space<hbm>>
      %dma_start3A_967 = tpu.memref_slice %arg4[%mul3A_965] : memref<4096xf32, #tpu.memory_space<hbm>> -> memref<128xf32, #tpu.memory_space<hbm>>
      tpu.enqueue_dma source(%dma_start3A_967 : memref<128xf32, #tpu.memory_space<hbm>>) target(%arg10 : memref<128xf32, #tpu.memory_space<vmem>>) target_semaphore(%arg11 : memref<!tpu.dma_semaphore, #tpu.memory_space<semaphore_mem>>)
    } else {
    }
    %lt3A_395 = arith.constant 15 : i32
    %lt3A_396 = arith.cmpi slt, %arg1, %lt3A_395 : i32
    %convert_element_type3A_397 = arith.extui %lt3A_396 : i1 to i32
    %cond3A_398 = arith.constant 0 : i32
    %cond3A_399 = arith.cmpi ne, %convert_element_type3A_397, %cond3A_398 : i32
    scf.if %cond3A_399 {
      %mul3A_951 = arith.constant 16 : i32
      %mul3A_952 = arith.muli %arg0, %mul3A_951 : i32
      %add3A_953 = arith.constant 7 : i32
      %add3A_954 = arith.addi %mul3A_952, %add3A_953 : i32
      %mul3A_955 = arith.constant 62464 : i32
      %mul3A_956 = arith.muli %arg1, %mul3A_955 : i32
      %mul3A_957 = arith.constant 62464 : i32
      %mul3A_958 = arith.muli %arg1, %mul3A_957 : i32
      %dma_wait3A_959 = tpu.memref_slice %arg6[%mul3A_958] : memref<1000000xf32, #tpu.memory_space<vmem_shared>> -> memref<62464xf32, #tpu.memory_space<vmem_shared>>
      %dma_wait3A_960 = tpu.memref_slice %arg3[%add3A_954, %mul3A_956] : memref<32x1000000xf32, #tpu.memory_space<hbm>> -> memref<1x62464xf32, #tpu.memory_space<hbm>>
      %dma_wait3A_961 = tpu.memref_squeeze %dma_wait3A_960 : memref<1x62464xf32, #tpu.memory_space<hbm>> -> memref<62464xf32, #tpu.memory_space<hbm>>
      tpu.wait_dma2 semaphore(%arg11 : memref<!tpu.dma_semaphore, #tpu.memory_space<semaphore_mem>>) src(%dma_wait3A_961 : memref<62464xf32, #tpu.memory_space<hbm>>) dst(%dma_wait3A_959 : memref<62464xf32, #tpu.memory_space<vmem_shared>>)
    } else {
    }
    %eq3A_400 = arith.constant 15 : i32
    %eq3A_401 = arith.cmpi eq, %arg1, %eq3A_400 : i32
    %convert_element_type3A_402 = arith.extui %eq3A_401 : i1 to i32
    %cond3A_403 = arith.constant 0 : i32
    %cond3A_404 = arith.cmpi ne, %convert_element_type3A_402, %cond3A_403 : i32
    scf.if %cond3A_404 {
      %mul3A_951 = arith.constant 16 : i32
      %mul3A_952 = arith.muli %arg0, %mul3A_951 : i32
      %add3A_953 = arith.constant 7 : i32
      %add3A_954 = arith.addi %mul3A_952, %add3A_953 : i32
      %dma_wait3A_955 = arith.constant 936960 : i32
      %dma_wait3A_956 = tpu.memref_slice %arg6[%dma_wait3A_955] : memref<1000000xf32, #tpu.memory_space<vmem_shared>> -> memref<62976xf32, #tpu.memory_space<vmem_shared>>
      %dma_wait3A_957 = arith.constant 936960 : i32
      %dma_wait3A_958 = tpu.memref_slice %arg3[%add3A_954, %dma_wait3A_957] : memref<32x1000000xf32, #tpu.memory_space<hbm>> -> memref<1x62976xf32, #tpu.memory_space<hbm>>
      %dma_wait3A_959 = tpu.memref_squeeze %dma_wait3A_958 : memref<1x62976xf32, #tpu.memory_space<hbm>> -> memref<62976xf32, #tpu.memory_space<hbm>>
      tpu.wait_dma2 semaphore(%arg11 : memref<!tpu.dma_semaphore, #tpu.memory_space<semaphore_mem>>) src(%dma_wait3A_959 : memref<62976xf32, #tpu.memory_space<hbm>>) dst(%dma_wait3A_956 : memref<62976xf32, #tpu.memory_space<vmem_shared>>)
      %mul3A_960 = arith.constant 16 : i32
      %mul3A_961 = arith.muli %arg0, %mul3A_960 : i32
      %add3A_962 = arith.constant 7 : i32
      %add3A_963 = arith.addi %mul3A_961, %add3A_962 : i32
      %mul3A_964 = arith.constant 128 : i32
      %mul3A_965 = arith.muli %add3A_963, %mul3A_964 : i32
      %dma_wait3A_966 = tpu.memref_slice %arg4[%mul3A_965] : memref<4096xf32, #tpu.memory_space<hbm>> -> memref<128xf32, #tpu.memory_space<hbm>>
      %dma_wait3A_967 = tpu.memref_slice %arg4[%mul3A_965] : memref<4096xf32, #tpu.memory_space<hbm>> -> memref<128xf32, #tpu.memory_space<hbm>>
      tpu.wait_dma2 semaphore(%arg11 : memref<!tpu.dma_semaphore, #tpu.memory_space<semaphore_mem>>) src(%dma_wait3A_967 : memref<128xf32, #tpu.memory_space<hbm>>) dst(%arg10 : memref<128xf32, #tpu.memory_space<vmem>>)
      "tpu.region"() ({
        %run_scoped3A = tpu.sem_alloc : memref<!tpu.dma_semaphore, #tpu.memory_space<semaphore_mem>>
        %dma_start3A_968 = arith.constant 999872 : i32
        %dma_start3A_969 = tpu.memref_slice %arg6[%dma_start3A_968] : memref<1000000xf32, #tpu.memory_space<vmem_shared>> -> memref<128xf32, #tpu.memory_space<vmem_shared>>
        %dma_start3A_970 = arith.constant 999872 : i32
        %dma_start3A_971 = tpu.memref_slice %arg6[%dma_start3A_970] : memref<1000000xf32, #tpu.memory_space<vmem_shared>> -> memref<128xf32, #tpu.memory_space<vmem_shared>>
        tpu.enqueue_dma source(%arg10 : memref<128xf32, #tpu.memory_space<vmem>>) target(%dma_start3A_971 : memref<128xf32, #tpu.memory_space<vmem_shared>>) target_semaphore(%run_scoped3A : memref<!tpu.dma_semaphore, #tpu.memory_space<semaphore_mem>>)
        %dma_wait3A_972 = arith.constant 999872 : i32
        %dma_wait3A_973 = tpu.memref_slice %arg6[%dma_wait3A_972] : memref<1000000xf32, #tpu.memory_space<vmem_shared>> -> memref<128xf32, #tpu.memory_space<vmem_shared>>
        %dma_wait3A_974 = arith.constant 999872 : i32
        %dma_wait3A_975 = tpu.memref_slice %arg6[%dma_wait3A_974] : memref<1000000xf32, #tpu.memory_space<vmem_shared>> -> memref<128xf32, #tpu.memory_space<vmem_shared>>
        tpu.wait_dma2 semaphore(%run_scoped3A : memref<!tpu.dma_semaphore, #tpu.memory_space<semaphore_mem>>) src(%arg10 : memref<128xf32, #tpu.memory_space<vmem>>) dst(%dma_wait3A_975 : memref<128xf32, #tpu.memory_space<vmem_shared>>)
        tpu.yield
      }) : () -> ()
    } else {
    }
    %barrier3A_405 = arith.constant 0 : index
    tpu.barrier barrier_id(%barrier3A_405)
    %mul3A_406 = arith.constant 16 : i32
    %mul3A_407 = arith.muli %arg0, %mul3A_406 : i32
    %add3A_408 = arith.constant 5 : i32
    %add3A_409 = arith.addi %mul3A_407, %add3A_408 : i32
    %mul3A_410 = arith.constant 12800 : i32
    %mul3A_411 = arith.muli %arg1, %mul3A_410 : i32
    %dma_wait3A_412 = arith.constant 1 : i32
    %dma_wait3A_413 = tpu.memref_slice %arg5[%add3A_409, %mul3A_411] : memref<32x204800xf32, #tpu.memory_space<hbm>> -> memref<1x12800xf32, #tpu.memory_space<hbm>>
    %dma_wait3A_414 = tpu.memref_squeeze %dma_wait3A_413 : memref<1x12800xf32, #tpu.memory_space<hbm>> -> memref<12800xf32, #tpu.memory_space<hbm>>
    %dma_wait3A_415 = tpu.memref_slice %arg13[%dma_wait3A_412] : memref<2x!tpu.dma_semaphore, #tpu.memory_space<semaphore_mem>> -> memref<1x!tpu.dma_semaphore, #tpu.memory_space<semaphore_mem>>
    %dma_wait3A_416 = tpu.memref_squeeze %dma_wait3A_415 : memref<1x!tpu.dma_semaphore, #tpu.memory_space<semaphore_mem>> -> memref<!tpu.dma_semaphore, #tpu.memory_space<semaphore_mem>>
    %dma_wait3A_417 = tpu.memref_slice %arg5[%add3A_409, %mul3A_411] : memref<32x204800xf32, #tpu.memory_space<hbm>> -> memref<1x12800xf32, #tpu.memory_space<hbm>>
    %dma_wait3A_418 = tpu.memref_squeeze %dma_wait3A_417 : memref<1x12800xf32, #tpu.memory_space<hbm>> -> memref<12800xf32, #tpu.memory_space<hbm>>
    tpu.wait_dma2 semaphore(%dma_wait3A_416 : memref<!tpu.dma_semaphore, #tpu.memory_space<semaphore_mem>>) src(%arg9 : memref<12800xf32, #tpu.memory_space<vmem>>) dst(%dma_wait3A_418 : memref<12800xf32, #tpu.memory_space<hbm>>)
    %dma_start3A_419 = arith.constant 0 : i32
    %dma_start3A_420 = arith.constant 0 : i32
    %dma_start3A_421 = tpu.memref_slice %arg7[%dma_start3A_419, %dma_start3A_420] : memref<1x12800xi32, #tpu.memory_space<vmem>> -> memref<1x12800xi32, #tpu.memory_space<vmem>>
    %dma_start3A_422 = tpu.memref_squeeze %dma_start3A_421 : memref<1x12800xi32, #tpu.memory_space<vmem>> -> memref<12800xi32, #tpu.memory_space<vmem>>
    %dma_start3A_423 = arith.constant 0 : i32
    %dma_start3A_424 = tpu.memref_slice %arg6[%dma_start3A_423] : memref<1000000xf32, #tpu.memory_space<vmem_shared>> -> memref<1000000xf32, #tpu.memory_space<vmem_shared>>
    tpu.enqueue_indirect_dma source(%dma_start3A_424 : memref<1000000xf32, #tpu.memory_space<vmem_shared>>) target(%arg9 : memref<12800xf32, #tpu.memory_space<vmem>>) offsets(%dma_start3A_422 : memref<12800xi32, #tpu.memory_space<vmem>>) semaphore(%arg12 : memref<!tpu.dma_semaphore, #tpu.memory_space<semaphore_mem>>)
    %dma_wait3A_425 = arith.constant 0 : i32
    %dma_wait3A_426 = arith.constant 0 : i32
    %dma_wait3A_427 = tpu.memref_slice %arg7[%dma_wait3A_425, %dma_wait3A_426] : memref<1x12800xi32, #tpu.memory_space<vmem>> -> memref<1x12800xi32, #tpu.memory_space<vmem>>
    %dma_wait3A_428 = tpu.memref_squeeze %dma_wait3A_427 : memref<1x12800xi32, #tpu.memory_space<vmem>> -> memref<12800xi32, #tpu.memory_space<vmem>>
    %dma_wait3A_429 = arith.constant 0 : i32
    %dma_wait3A_430 = tpu.memref_slice %arg6[%dma_wait3A_429] : memref<1000000xf32, #tpu.memory_space<vmem_shared>> -> memref<1000000xf32, #tpu.memory_space<vmem_shared>>
    tpu.wait_indirect_dma semaphore(%arg12 : memref<!tpu.dma_semaphore, #tpu.memory_space<semaphore_mem>>) src(%dma_wait3A_430 : memref<1000000xf32, #tpu.memory_space<vmem_shared>>) dst(%arg9 : memref<12800xf32, #tpu.memory_space<vmem>>)
    %mul3A_431 = arith.constant 16 : i32
    %mul3A_432 = arith.muli %arg0, %mul3A_431 : i32
    %add3A_433 = arith.constant 7 : i32
    %add3A_434 = arith.addi %mul3A_432, %add3A_433 : i32
    %mul3A_435 = arith.constant 12800 : i32
    %mul3A_436 = arith.muli %arg1, %mul3A_435 : i32
    %dma_start3A_437 = arith.constant 1 : i32
    %dma_start3A_438 = tpu.memref_slice %arg5[%add3A_434, %mul3A_436] : memref<32x204800xf32, #tpu.memory_space<hbm>> -> memref<1x12800xf32, #tpu.memory_space<hbm>>
    %dma_start3A_439 = tpu.memref_squeeze %dma_start3A_438 : memref<1x12800xf32, #tpu.memory_space<hbm>> -> memref<12800xf32, #tpu.memory_space<hbm>>
    %dma_start3A_440 = tpu.memref_slice %arg13[%dma_start3A_437] : memref<2x!tpu.dma_semaphore, #tpu.memory_space<semaphore_mem>> -> memref<1x!tpu.dma_semaphore, #tpu.memory_space<semaphore_mem>>
    %dma_start3A_441 = tpu.memref_squeeze %dma_start3A_440 : memref<1x!tpu.dma_semaphore, #tpu.memory_space<semaphore_mem>> -> memref<!tpu.dma_semaphore, #tpu.memory_space<semaphore_mem>>
    %dma_start3A_442 = tpu.memref_slice %arg5[%add3A_434, %mul3A_436] : memref<32x204800xf32, #tpu.memory_space<hbm>> -> memref<1x12800xf32, #tpu.memory_space<hbm>>
    %dma_start3A_443 = tpu.memref_squeeze %dma_start3A_442 : memref<1x12800xf32, #tpu.memory_space<hbm>> -> memref<12800xf32, #tpu.memory_space<hbm>>
    tpu.enqueue_dma source(%arg9 : memref<12800xf32, #tpu.memory_space<vmem>>) target(%dma_start3A_443 : memref<12800xf32, #tpu.memory_space<hbm>>) target_semaphore(%dma_start3A_441 : memref<!tpu.dma_semaphore, #tpu.memory_space<semaphore_mem>>)
    %barrier3A_444 = arith.constant 0 : index
    tpu.barrier barrier_id(%barrier3A_444)
    %lt3A_445 = arith.constant 15 : i32
    %lt3A_446 = arith.cmpi slt, %arg1, %lt3A_445 : i32
    %convert_element_type3A_447 = arith.extui %lt3A_446 : i1 to i32
    %cond3A_448 = arith.constant 0 : i32
    %cond3A_449 = arith.cmpi ne, %convert_element_type3A_447, %cond3A_448 : i32
    scf.if %cond3A_449 {
      %mul3A_951 = arith.constant 16 : i32
      %mul3A_952 = arith.muli %arg0, %mul3A_951 : i32
      %add3A_953 = arith.constant 8 : i32
      %add3A_954 = arith.addi %mul3A_952, %add3A_953 : i32
      %mul3A_955 = arith.constant 62464 : i32
      %mul3A_956 = arith.muli %arg1, %mul3A_955 : i32
      %mul3A_957 = arith.constant 62464 : i32
      %mul3A_958 = arith.muli %arg1, %mul3A_957 : i32
      %dma_start3A_959 = tpu.memref_slice %arg6[%mul3A_958] : memref<1000000xf32, #tpu.memory_space<vmem_shared>> -> memref<62464xf32, #tpu.memory_space<vmem_shared>>
      %dma_start3A_960 = tpu.memref_slice %arg3[%add3A_954, %mul3A_956] : memref<32x1000000xf32, #tpu.memory_space<hbm>> -> memref<1x62464xf32, #tpu.memory_space<hbm>>
      %dma_start3A_961 = tpu.memref_squeeze %dma_start3A_960 : memref<1x62464xf32, #tpu.memory_space<hbm>> -> memref<62464xf32, #tpu.memory_space<hbm>>
      tpu.enqueue_dma source(%dma_start3A_961 : memref<62464xf32, #tpu.memory_space<hbm>>) target(%dma_start3A_959 : memref<62464xf32, #tpu.memory_space<vmem_shared>>) target_semaphore(%arg11 : memref<!tpu.dma_semaphore, #tpu.memory_space<semaphore_mem>>)
    } else {
    }
    %eq3A_450 = arith.constant 15 : i32
    %eq3A_451 = arith.cmpi eq, %arg1, %eq3A_450 : i32
    %convert_element_type3A_452 = arith.extui %eq3A_451 : i1 to i32
    %cond3A_453 = arith.constant 0 : i32
    %cond3A_454 = arith.cmpi ne, %convert_element_type3A_452, %cond3A_453 : i32
    scf.if %cond3A_454 {
      %mul3A_951 = arith.constant 16 : i32
      %mul3A_952 = arith.muli %arg0, %mul3A_951 : i32
      %add3A_953 = arith.constant 8 : i32
      %add3A_954 = arith.addi %mul3A_952, %add3A_953 : i32
      %dma_start3A_955 = arith.constant 936960 : i32
      %dma_start3A_956 = tpu.memref_slice %arg6[%dma_start3A_955] : memref<1000000xf32, #tpu.memory_space<vmem_shared>> -> memref<62976xf32, #tpu.memory_space<vmem_shared>>
      %dma_start3A_957 = arith.constant 936960 : i32
      %dma_start3A_958 = tpu.memref_slice %arg3[%add3A_954, %dma_start3A_957] : memref<32x1000000xf32, #tpu.memory_space<hbm>> -> memref<1x62976xf32, #tpu.memory_space<hbm>>
      %dma_start3A_959 = tpu.memref_squeeze %dma_start3A_958 : memref<1x62976xf32, #tpu.memory_space<hbm>> -> memref<62976xf32, #tpu.memory_space<hbm>>
      tpu.enqueue_dma source(%dma_start3A_959 : memref<62976xf32, #tpu.memory_space<hbm>>) target(%dma_start3A_956 : memref<62976xf32, #tpu.memory_space<vmem_shared>>) target_semaphore(%arg11 : memref<!tpu.dma_semaphore, #tpu.memory_space<semaphore_mem>>)
      %mul3A_960 = arith.constant 16 : i32
      %mul3A_961 = arith.muli %arg0, %mul3A_960 : i32
      %add3A_962 = arith.constant 8 : i32
      %add3A_963 = arith.addi %mul3A_961, %add3A_962 : i32
      %mul3A_964 = arith.constant 128 : i32
      %mul3A_965 = arith.muli %add3A_963, %mul3A_964 : i32
      %dma_start3A_966 = tpu.memref_slice %arg4[%mul3A_965] : memref<4096xf32, #tpu.memory_space<hbm>> -> memref<128xf32, #tpu.memory_space<hbm>>
      %dma_start3A_967 = tpu.memref_slice %arg4[%mul3A_965] : memref<4096xf32, #tpu.memory_space<hbm>> -> memref<128xf32, #tpu.memory_space<hbm>>
      tpu.enqueue_dma source(%dma_start3A_967 : memref<128xf32, #tpu.memory_space<hbm>>) target(%arg10 : memref<128xf32, #tpu.memory_space<vmem>>) target_semaphore(%arg11 : memref<!tpu.dma_semaphore, #tpu.memory_space<semaphore_mem>>)
    } else {
    }
    %lt3A_455 = arith.constant 15 : i32
    %lt3A_456 = arith.cmpi slt, %arg1, %lt3A_455 : i32
    %convert_element_type3A_457 = arith.extui %lt3A_456 : i1 to i32
    %cond3A_458 = arith.constant 0 : i32
    %cond3A_459 = arith.cmpi ne, %convert_element_type3A_457, %cond3A_458 : i32
    scf.if %cond3A_459 {
      %mul3A_951 = arith.constant 16 : i32
      %mul3A_952 = arith.muli %arg0, %mul3A_951 : i32
      %add3A_953 = arith.constant 8 : i32
      %add3A_954 = arith.addi %mul3A_952, %add3A_953 : i32
      %mul3A_955 = arith.constant 62464 : i32
      %mul3A_956 = arith.muli %arg1, %mul3A_955 : i32
      %mul3A_957 = arith.constant 62464 : i32
      %mul3A_958 = arith.muli %arg1, %mul3A_957 : i32
      %dma_wait3A_959 = tpu.memref_slice %arg6[%mul3A_958] : memref<1000000xf32, #tpu.memory_space<vmem_shared>> -> memref<62464xf32, #tpu.memory_space<vmem_shared>>
      %dma_wait3A_960 = tpu.memref_slice %arg3[%add3A_954, %mul3A_956] : memref<32x1000000xf32, #tpu.memory_space<hbm>> -> memref<1x62464xf32, #tpu.memory_space<hbm>>
      %dma_wait3A_961 = tpu.memref_squeeze %dma_wait3A_960 : memref<1x62464xf32, #tpu.memory_space<hbm>> -> memref<62464xf32, #tpu.memory_space<hbm>>
      tpu.wait_dma2 semaphore(%arg11 : memref<!tpu.dma_semaphore, #tpu.memory_space<semaphore_mem>>) src(%dma_wait3A_961 : memref<62464xf32, #tpu.memory_space<hbm>>) dst(%dma_wait3A_959 : memref<62464xf32, #tpu.memory_space<vmem_shared>>)
    } else {
    }
    %eq3A_460 = arith.constant 15 : i32
    %eq3A_461 = arith.cmpi eq, %arg1, %eq3A_460 : i32
    %convert_element_type3A_462 = arith.extui %eq3A_461 : i1 to i32
    %cond3A_463 = arith.constant 0 : i32
    %cond3A_464 = arith.cmpi ne, %convert_element_type3A_462, %cond3A_463 : i32
    scf.if %cond3A_464 {
      %mul3A_951 = arith.constant 16 : i32
      %mul3A_952 = arith.muli %arg0, %mul3A_951 : i32
      %add3A_953 = arith.constant 8 : i32
      %add3A_954 = arith.addi %mul3A_952, %add3A_953 : i32
      %dma_wait3A_955 = arith.constant 936960 : i32
      %dma_wait3A_956 = tpu.memref_slice %arg6[%dma_wait3A_955] : memref<1000000xf32, #tpu.memory_space<vmem_shared>> -> memref<62976xf32, #tpu.memory_space<vmem_shared>>
      %dma_wait3A_957 = arith.constant 936960 : i32
      %dma_wait3A_958 = tpu.memref_slice %arg3[%add3A_954, %dma_wait3A_957] : memref<32x1000000xf32, #tpu.memory_space<hbm>> -> memref<1x62976xf32, #tpu.memory_space<hbm>>
      %dma_wait3A_959 = tpu.memref_squeeze %dma_wait3A_958 : memref<1x62976xf32, #tpu.memory_space<hbm>> -> memref<62976xf32, #tpu.memory_space<hbm>>
      tpu.wait_dma2 semaphore(%arg11 : memref<!tpu.dma_semaphore, #tpu.memory_space<semaphore_mem>>) src(%dma_wait3A_959 : memref<62976xf32, #tpu.memory_space<hbm>>) dst(%dma_wait3A_956 : memref<62976xf32, #tpu.memory_space<vmem_shared>>)
      %mul3A_960 = arith.constant 16 : i32
      %mul3A_961 = arith.muli %arg0, %mul3A_960 : i32
      %add3A_962 = arith.constant 8 : i32
      %add3A_963 = arith.addi %mul3A_961, %add3A_962 : i32
      %mul3A_964 = arith.constant 128 : i32
      %mul3A_965 = arith.muli %add3A_963, %mul3A_964 : i32
      %dma_wait3A_966 = tpu.memref_slice %arg4[%mul3A_965] : memref<4096xf32, #tpu.memory_space<hbm>> -> memref<128xf32, #tpu.memory_space<hbm>>
      %dma_wait3A_967 = tpu.memref_slice %arg4[%mul3A_965] : memref<4096xf32, #tpu.memory_space<hbm>> -> memref<128xf32, #tpu.memory_space<hbm>>
      tpu.wait_dma2 semaphore(%arg11 : memref<!tpu.dma_semaphore, #tpu.memory_space<semaphore_mem>>) src(%dma_wait3A_967 : memref<128xf32, #tpu.memory_space<hbm>>) dst(%arg10 : memref<128xf32, #tpu.memory_space<vmem>>)
      "tpu.region"() ({
        %run_scoped3A = tpu.sem_alloc : memref<!tpu.dma_semaphore, #tpu.memory_space<semaphore_mem>>
        %dma_start3A_968 = arith.constant 999872 : i32
        %dma_start3A_969 = tpu.memref_slice %arg6[%dma_start3A_968] : memref<1000000xf32, #tpu.memory_space<vmem_shared>> -> memref<128xf32, #tpu.memory_space<vmem_shared>>
        %dma_start3A_970 = arith.constant 999872 : i32
        %dma_start3A_971 = tpu.memref_slice %arg6[%dma_start3A_970] : memref<1000000xf32, #tpu.memory_space<vmem_shared>> -> memref<128xf32, #tpu.memory_space<vmem_shared>>
        tpu.enqueue_dma source(%arg10 : memref<128xf32, #tpu.memory_space<vmem>>) target(%dma_start3A_971 : memref<128xf32, #tpu.memory_space<vmem_shared>>) target_semaphore(%run_scoped3A : memref<!tpu.dma_semaphore, #tpu.memory_space<semaphore_mem>>)
        %dma_wait3A_972 = arith.constant 999872 : i32
        %dma_wait3A_973 = tpu.memref_slice %arg6[%dma_wait3A_972] : memref<1000000xf32, #tpu.memory_space<vmem_shared>> -> memref<128xf32, #tpu.memory_space<vmem_shared>>
        %dma_wait3A_974 = arith.constant 999872 : i32
        %dma_wait3A_975 = tpu.memref_slice %arg6[%dma_wait3A_974] : memref<1000000xf32, #tpu.memory_space<vmem_shared>> -> memref<128xf32, #tpu.memory_space<vmem_shared>>
        tpu.wait_dma2 semaphore(%run_scoped3A : memref<!tpu.dma_semaphore, #tpu.memory_space<semaphore_mem>>) src(%arg10 : memref<128xf32, #tpu.memory_space<vmem>>) dst(%dma_wait3A_975 : memref<128xf32, #tpu.memory_space<vmem_shared>>)
        tpu.yield
      }) : () -> ()
    } else {
    }
    %barrier3A_465 = arith.constant 0 : index
    tpu.barrier barrier_id(%barrier3A_465)
    %mul3A_466 = arith.constant 16 : i32
    %mul3A_467 = arith.muli %arg0, %mul3A_466 : i32
    %add3A_468 = arith.constant 6 : i32
    %add3A_469 = arith.addi %mul3A_467, %add3A_468 : i32
    %mul3A_470 = arith.constant 12800 : i32
    %mul3A_471 = arith.muli %arg1, %mul3A_470 : i32
    %dma_wait3A_472 = arith.constant 0 : i32
    %dma_wait3A_473 = tpu.memref_slice %arg5[%add3A_469, %mul3A_471] : memref<32x204800xf32, #tpu.memory_space<hbm>> -> memref<1x12800xf32, #tpu.memory_space<hbm>>
    %dma_wait3A_474 = tpu.memref_squeeze %dma_wait3A_473 : memref<1x12800xf32, #tpu.memory_space<hbm>> -> memref<12800xf32, #tpu.memory_space<hbm>>
    %dma_wait3A_475 = tpu.memref_slice %arg13[%dma_wait3A_472] : memref<2x!tpu.dma_semaphore, #tpu.memory_space<semaphore_mem>> -> memref<1x!tpu.dma_semaphore, #tpu.memory_space<semaphore_mem>>
    %dma_wait3A_476 = tpu.memref_squeeze %dma_wait3A_475 : memref<1x!tpu.dma_semaphore, #tpu.memory_space<semaphore_mem>> -> memref<!tpu.dma_semaphore, #tpu.memory_space<semaphore_mem>>
    %dma_wait3A_477 = tpu.memref_slice %arg5[%add3A_469, %mul3A_471] : memref<32x204800xf32, #tpu.memory_space<hbm>> -> memref<1x12800xf32, #tpu.memory_space<hbm>>
    %dma_wait3A_478 = tpu.memref_squeeze %dma_wait3A_477 : memref<1x12800xf32, #tpu.memory_space<hbm>> -> memref<12800xf32, #tpu.memory_space<hbm>>
    tpu.wait_dma2 semaphore(%dma_wait3A_476 : memref<!tpu.dma_semaphore, #tpu.memory_space<semaphore_mem>>) src(%arg8 : memref<12800xf32, #tpu.memory_space<vmem>>) dst(%dma_wait3A_478 : memref<12800xf32, #tpu.memory_space<hbm>>)
    %dma_start3A_479 = arith.constant 0 : i32
    %dma_start3A_480 = arith.constant 0 : i32
    %dma_start3A_481 = tpu.memref_slice %arg7[%dma_start3A_479, %dma_start3A_480] : memref<1x12800xi32, #tpu.memory_space<vmem>> -> memref<1x12800xi32, #tpu.memory_space<vmem>>
    %dma_start3A_482 = tpu.memref_squeeze %dma_start3A_481 : memref<1x12800xi32, #tpu.memory_space<vmem>> -> memref<12800xi32, #tpu.memory_space<vmem>>
    %dma_start3A_483 = arith.constant 0 : i32
    %dma_start3A_484 = tpu.memref_slice %arg6[%dma_start3A_483] : memref<1000000xf32, #tpu.memory_space<vmem_shared>> -> memref<1000000xf32, #tpu.memory_space<vmem_shared>>
    tpu.enqueue_indirect_dma source(%dma_start3A_484 : memref<1000000xf32, #tpu.memory_space<vmem_shared>>) target(%arg8 : memref<12800xf32, #tpu.memory_space<vmem>>) offsets(%dma_start3A_482 : memref<12800xi32, #tpu.memory_space<vmem>>) semaphore(%arg12 : memref<!tpu.dma_semaphore, #tpu.memory_space<semaphore_mem>>)
    %dma_wait3A_485 = arith.constant 0 : i32
    %dma_wait3A_486 = arith.constant 0 : i32
    %dma_wait3A_487 = tpu.memref_slice %arg7[%dma_wait3A_485, %dma_wait3A_486] : memref<1x12800xi32, #tpu.memory_space<vmem>> -> memref<1x12800xi32, #tpu.memory_space<vmem>>
    %dma_wait3A_488 = tpu.memref_squeeze %dma_wait3A_487 : memref<1x12800xi32, #tpu.memory_space<vmem>> -> memref<12800xi32, #tpu.memory_space<vmem>>
    %dma_wait3A_489 = arith.constant 0 : i32
    %dma_wait3A_490 = tpu.memref_slice %arg6[%dma_wait3A_489] : memref<1000000xf32, #tpu.memory_space<vmem_shared>> -> memref<1000000xf32, #tpu.memory_space<vmem_shared>>
    tpu.wait_indirect_dma semaphore(%arg12 : memref<!tpu.dma_semaphore, #tpu.memory_space<semaphore_mem>>) src(%dma_wait3A_490 : memref<1000000xf32, #tpu.memory_space<vmem_shared>>) dst(%arg8 : memref<12800xf32, #tpu.memory_space<vmem>>)
    %mul3A_491 = arith.constant 16 : i32
    %mul3A_492 = arith.muli %arg0, %mul3A_491 : i32
    %add3A_493 = arith.constant 8 : i32
    %add3A_494 = arith.addi %mul3A_492, %add3A_493 : i32
    %mul3A_495 = arith.constant 12800 : i32
    %mul3A_496 = arith.muli %arg1, %mul3A_495 : i32
    %dma_start3A_497 = arith.constant 0 : i32
    %dma_start3A_498 = tpu.memref_slice %arg5[%add3A_494, %mul3A_496] : memref<32x204800xf32, #tpu.memory_space<hbm>> -> memref<1x12800xf32, #tpu.memory_space<hbm>>
    %dma_start3A_499 = tpu.memref_squeeze %dma_start3A_498 : memref<1x12800xf32, #tpu.memory_space<hbm>> -> memref<12800xf32, #tpu.memory_space<hbm>>
    %dma_start3A_500 = tpu.memref_slice %arg13[%dma_start3A_497] : memref<2x!tpu.dma_semaphore, #tpu.memory_space<semaphore_mem>> -> memref<1x!tpu.dma_semaphore, #tpu.memory_space<semaphore_mem>>
    %dma_start3A_501 = tpu.memref_squeeze %dma_start3A_500 : memref<1x!tpu.dma_semaphore, #tpu.memory_space<semaphore_mem>> -> memref<!tpu.dma_semaphore, #tpu.memory_space<semaphore_mem>>
    %dma_start3A_502 = tpu.memref_slice %arg5[%add3A_494, %mul3A_496] : memref<32x204800xf32, #tpu.memory_space<hbm>> -> memref<1x12800xf32, #tpu.memory_space<hbm>>
    %dma_start3A_503 = tpu.memref_squeeze %dma_start3A_502 : memref<1x12800xf32, #tpu.memory_space<hbm>> -> memref<12800xf32, #tpu.memory_space<hbm>>
    tpu.enqueue_dma source(%arg8 : memref<12800xf32, #tpu.memory_space<vmem>>) target(%dma_start3A_503 : memref<12800xf32, #tpu.memory_space<hbm>>) target_semaphore(%dma_start3A_501 : memref<!tpu.dma_semaphore, #tpu.memory_space<semaphore_mem>>)
    %barrier3A_504 = arith.constant 0 : index
    tpu.barrier barrier_id(%barrier3A_504)
    %lt3A_505 = arith.constant 15 : i32
    %lt3A_506 = arith.cmpi slt, %arg1, %lt3A_505 : i32
    %convert_element_type3A_507 = arith.extui %lt3A_506 : i1 to i32
    %cond3A_508 = arith.constant 0 : i32
    %cond3A_509 = arith.cmpi ne, %convert_element_type3A_507, %cond3A_508 : i32
    scf.if %cond3A_509 {
      %mul3A_951 = arith.constant 16 : i32
      %mul3A_952 = arith.muli %arg0, %mul3A_951 : i32
      %add3A_953 = arith.constant 9 : i32
      %add3A_954 = arith.addi %mul3A_952, %add3A_953 : i32
      %mul3A_955 = arith.constant 62464 : i32
      %mul3A_956 = arith.muli %arg1, %mul3A_955 : i32
      %mul3A_957 = arith.constant 62464 : i32
      %mul3A_958 = arith.muli %arg1, %mul3A_957 : i32
      %dma_start3A_959 = tpu.memref_slice %arg6[%mul3A_958] : memref<1000000xf32, #tpu.memory_space<vmem_shared>> -> memref<62464xf32, #tpu.memory_space<vmem_shared>>
      %dma_start3A_960 = tpu.memref_slice %arg3[%add3A_954, %mul3A_956] : memref<32x1000000xf32, #tpu.memory_space<hbm>> -> memref<1x62464xf32, #tpu.memory_space<hbm>>
      %dma_start3A_961 = tpu.memref_squeeze %dma_start3A_960 : memref<1x62464xf32, #tpu.memory_space<hbm>> -> memref<62464xf32, #tpu.memory_space<hbm>>
      tpu.enqueue_dma source(%dma_start3A_961 : memref<62464xf32, #tpu.memory_space<hbm>>) target(%dma_start3A_959 : memref<62464xf32, #tpu.memory_space<vmem_shared>>) target_semaphore(%arg11 : memref<!tpu.dma_semaphore, #tpu.memory_space<semaphore_mem>>)
    } else {
    }
    %eq3A_510 = arith.constant 15 : i32
    %eq3A_511 = arith.cmpi eq, %arg1, %eq3A_510 : i32
    %convert_element_type3A_512 = arith.extui %eq3A_511 : i1 to i32
    %cond3A_513 = arith.constant 0 : i32
    %cond3A_514 = arith.cmpi ne, %convert_element_type3A_512, %cond3A_513 : i32
    scf.if %cond3A_514 {
      %mul3A_951 = arith.constant 16 : i32
      %mul3A_952 = arith.muli %arg0, %mul3A_951 : i32
      %add3A_953 = arith.constant 9 : i32
      %add3A_954 = arith.addi %mul3A_952, %add3A_953 : i32
      %dma_start3A_955 = arith.constant 936960 : i32
      %dma_start3A_956 = tpu.memref_slice %arg6[%dma_start3A_955] : memref<1000000xf32, #tpu.memory_space<vmem_shared>> -> memref<62976xf32, #tpu.memory_space<vmem_shared>>
      %dma_start3A_957 = arith.constant 936960 : i32
      %dma_start3A_958 = tpu.memref_slice %arg3[%add3A_954, %dma_start3A_957] : memref<32x1000000xf32, #tpu.memory_space<hbm>> -> memref<1x62976xf32, #tpu.memory_space<hbm>>
      %dma_start3A_959 = tpu.memref_squeeze %dma_start3A_958 : memref<1x62976xf32, #tpu.memory_space<hbm>> -> memref<62976xf32, #tpu.memory_space<hbm>>
      tpu.enqueue_dma source(%dma_start3A_959 : memref<62976xf32, #tpu.memory_space<hbm>>) target(%dma_start3A_956 : memref<62976xf32, #tpu.memory_space<vmem_shared>>) target_semaphore(%arg11 : memref<!tpu.dma_semaphore, #tpu.memory_space<semaphore_mem>>)
      %mul3A_960 = arith.constant 16 : i32
      %mul3A_961 = arith.muli %arg0, %mul3A_960 : i32
      %add3A_962 = arith.constant 9 : i32
      %add3A_963 = arith.addi %mul3A_961, %add3A_962 : i32
      %mul3A_964 = arith.constant 128 : i32
      %mul3A_965 = arith.muli %add3A_963, %mul3A_964 : i32
      %dma_start3A_966 = tpu.memref_slice %arg4[%mul3A_965] : memref<4096xf32, #tpu.memory_space<hbm>> -> memref<128xf32, #tpu.memory_space<hbm>>
      %dma_start3A_967 = tpu.memref_slice %arg4[%mul3A_965] : memref<4096xf32, #tpu.memory_space<hbm>> -> memref<128xf32, #tpu.memory_space<hbm>>
      tpu.enqueue_dma source(%dma_start3A_967 : memref<128xf32, #tpu.memory_space<hbm>>) target(%arg10 : memref<128xf32, #tpu.memory_space<vmem>>) target_semaphore(%arg11 : memref<!tpu.dma_semaphore, #tpu.memory_space<semaphore_mem>>)
    } else {
    }
    %lt3A_515 = arith.constant 15 : i32
    %lt3A_516 = arith.cmpi slt, %arg1, %lt3A_515 : i32
    %convert_element_type3A_517 = arith.extui %lt3A_516 : i1 to i32
    %cond3A_518 = arith.constant 0 : i32
    %cond3A_519 = arith.cmpi ne, %convert_element_type3A_517, %cond3A_518 : i32
    scf.if %cond3A_519 {
      %mul3A_951 = arith.constant 16 : i32
      %mul3A_952 = arith.muli %arg0, %mul3A_951 : i32
      %add3A_953 = arith.constant 9 : i32
      %add3A_954 = arith.addi %mul3A_952, %add3A_953 : i32
      %mul3A_955 = arith.constant 62464 : i32
      %mul3A_956 = arith.muli %arg1, %mul3A_955 : i32
      %mul3A_957 = arith.constant 62464 : i32
      %mul3A_958 = arith.muli %arg1, %mul3A_957 : i32
      %dma_wait3A_959 = tpu.memref_slice %arg6[%mul3A_958] : memref<1000000xf32, #tpu.memory_space<vmem_shared>> -> memref<62464xf32, #tpu.memory_space<vmem_shared>>
      %dma_wait3A_960 = tpu.memref_slice %arg3[%add3A_954, %mul3A_956] : memref<32x1000000xf32, #tpu.memory_space<hbm>> -> memref<1x62464xf32, #tpu.memory_space<hbm>>
      %dma_wait3A_961 = tpu.memref_squeeze %dma_wait3A_960 : memref<1x62464xf32, #tpu.memory_space<hbm>> -> memref<62464xf32, #tpu.memory_space<hbm>>
      tpu.wait_dma2 semaphore(%arg11 : memref<!tpu.dma_semaphore, #tpu.memory_space<semaphore_mem>>) src(%dma_wait3A_961 : memref<62464xf32, #tpu.memory_space<hbm>>) dst(%dma_wait3A_959 : memref<62464xf32, #tpu.memory_space<vmem_shared>>)
    } else {
    }
    %eq3A_520 = arith.constant 15 : i32
    %eq3A_521 = arith.cmpi eq, %arg1, %eq3A_520 : i32
    %convert_element_type3A_522 = arith.extui %eq3A_521 : i1 to i32
    %cond3A_523 = arith.constant 0 : i32
    %cond3A_524 = arith.cmpi ne, %convert_element_type3A_522, %cond3A_523 : i32
    scf.if %cond3A_524 {
      %mul3A_951 = arith.constant 16 : i32
      %mul3A_952 = arith.muli %arg0, %mul3A_951 : i32
      %add3A_953 = arith.constant 9 : i32
      %add3A_954 = arith.addi %mul3A_952, %add3A_953 : i32
      %dma_wait3A_955 = arith.constant 936960 : i32
      %dma_wait3A_956 = tpu.memref_slice %arg6[%dma_wait3A_955] : memref<1000000xf32, #tpu.memory_space<vmem_shared>> -> memref<62976xf32, #tpu.memory_space<vmem_shared>>
      %dma_wait3A_957 = arith.constant 936960 : i32
      %dma_wait3A_958 = tpu.memref_slice %arg3[%add3A_954, %dma_wait3A_957] : memref<32x1000000xf32, #tpu.memory_space<hbm>> -> memref<1x62976xf32, #tpu.memory_space<hbm>>
      %dma_wait3A_959 = tpu.memref_squeeze %dma_wait3A_958 : memref<1x62976xf32, #tpu.memory_space<hbm>> -> memref<62976xf32, #tpu.memory_space<hbm>>
      tpu.wait_dma2 semaphore(%arg11 : memref<!tpu.dma_semaphore, #tpu.memory_space<semaphore_mem>>) src(%dma_wait3A_959 : memref<62976xf32, #tpu.memory_space<hbm>>) dst(%dma_wait3A_956 : memref<62976xf32, #tpu.memory_space<vmem_shared>>)
      %mul3A_960 = arith.constant 16 : i32
      %mul3A_961 = arith.muli %arg0, %mul3A_960 : i32
      %add3A_962 = arith.constant 9 : i32
      %add3A_963 = arith.addi %mul3A_961, %add3A_962 : i32
      %mul3A_964 = arith.constant 128 : i32
      %mul3A_965 = arith.muli %add3A_963, %mul3A_964 : i32
      %dma_wait3A_966 = tpu.memref_slice %arg4[%mul3A_965] : memref<4096xf32, #tpu.memory_space<hbm>> -> memref<128xf32, #tpu.memory_space<hbm>>
      %dma_wait3A_967 = tpu.memref_slice %arg4[%mul3A_965] : memref<4096xf32, #tpu.memory_space<hbm>> -> memref<128xf32, #tpu.memory_space<hbm>>
      tpu.wait_dma2 semaphore(%arg11 : memref<!tpu.dma_semaphore, #tpu.memory_space<semaphore_mem>>) src(%dma_wait3A_967 : memref<128xf32, #tpu.memory_space<hbm>>) dst(%arg10 : memref<128xf32, #tpu.memory_space<vmem>>)
      "tpu.region"() ({
        %run_scoped3A = tpu.sem_alloc : memref<!tpu.dma_semaphore, #tpu.memory_space<semaphore_mem>>
        %dma_start3A_968 = arith.constant 999872 : i32
        %dma_start3A_969 = tpu.memref_slice %arg6[%dma_start3A_968] : memref<1000000xf32, #tpu.memory_space<vmem_shared>> -> memref<128xf32, #tpu.memory_space<vmem_shared>>
        %dma_start3A_970 = arith.constant 999872 : i32
        %dma_start3A_971 = tpu.memref_slice %arg6[%dma_start3A_970] : memref<1000000xf32, #tpu.memory_space<vmem_shared>> -> memref<128xf32, #tpu.memory_space<vmem_shared>>
        tpu.enqueue_dma source(%arg10 : memref<128xf32, #tpu.memory_space<vmem>>) target(%dma_start3A_971 : memref<128xf32, #tpu.memory_space<vmem_shared>>) target_semaphore(%run_scoped3A : memref<!tpu.dma_semaphore, #tpu.memory_space<semaphore_mem>>)
        %dma_wait3A_972 = arith.constant 999872 : i32
        %dma_wait3A_973 = tpu.memref_slice %arg6[%dma_wait3A_972] : memref<1000000xf32, #tpu.memory_space<vmem_shared>> -> memref<128xf32, #tpu.memory_space<vmem_shared>>
        %dma_wait3A_974 = arith.constant 999872 : i32
        %dma_wait3A_975 = tpu.memref_slice %arg6[%dma_wait3A_974] : memref<1000000xf32, #tpu.memory_space<vmem_shared>> -> memref<128xf32, #tpu.memory_space<vmem_shared>>
        tpu.wait_dma2 semaphore(%run_scoped3A : memref<!tpu.dma_semaphore, #tpu.memory_space<semaphore_mem>>) src(%arg10 : memref<128xf32, #tpu.memory_space<vmem>>) dst(%dma_wait3A_975 : memref<128xf32, #tpu.memory_space<vmem_shared>>)
        tpu.yield
      }) : () -> ()
    } else {
    }
    %barrier3A_525 = arith.constant 0 : index
    tpu.barrier barrier_id(%barrier3A_525)
    %mul3A_526 = arith.constant 16 : i32
    %mul3A_527 = arith.muli %arg0, %mul3A_526 : i32
    %add3A_528 = arith.constant 7 : i32
    %add3A_529 = arith.addi %mul3A_527, %add3A_528 : i32
    %mul3A_530 = arith.constant 12800 : i32
    %mul3A_531 = arith.muli %arg1, %mul3A_530 : i32
    %dma_wait3A_532 = arith.constant 1 : i32
    %dma_wait3A_533 = tpu.memref_slice %arg5[%add3A_529, %mul3A_531] : memref<32x204800xf32, #tpu.memory_space<hbm>> -> memref<1x12800xf32, #tpu.memory_space<hbm>>
    %dma_wait3A_534 = tpu.memref_squeeze %dma_wait3A_533 : memref<1x12800xf32, #tpu.memory_space<hbm>> -> memref<12800xf32, #tpu.memory_space<hbm>>
    %dma_wait3A_535 = tpu.memref_slice %arg13[%dma_wait3A_532] : memref<2x!tpu.dma_semaphore, #tpu.memory_space<semaphore_mem>> -> memref<1x!tpu.dma_semaphore, #tpu.memory_space<semaphore_mem>>
    %dma_wait3A_536 = tpu.memref_squeeze %dma_wait3A_535 : memref<1x!tpu.dma_semaphore, #tpu.memory_space<semaphore_mem>> -> memref<!tpu.dma_semaphore, #tpu.memory_space<semaphore_mem>>
    %dma_wait3A_537 = tpu.memref_slice %arg5[%add3A_529, %mul3A_531] : memref<32x204800xf32, #tpu.memory_space<hbm>> -> memref<1x12800xf32, #tpu.memory_space<hbm>>
    %dma_wait3A_538 = tpu.memref_squeeze %dma_wait3A_537 : memref<1x12800xf32, #tpu.memory_space<hbm>> -> memref<12800xf32, #tpu.memory_space<hbm>>
    tpu.wait_dma2 semaphore(%dma_wait3A_536 : memref<!tpu.dma_semaphore, #tpu.memory_space<semaphore_mem>>) src(%arg9 : memref<12800xf32, #tpu.memory_space<vmem>>) dst(%dma_wait3A_538 : memref<12800xf32, #tpu.memory_space<hbm>>)
    %dma_start3A_539 = arith.constant 0 : i32
    %dma_start3A_540 = arith.constant 0 : i32
    %dma_start3A_541 = tpu.memref_slice %arg7[%dma_start3A_539, %dma_start3A_540] : memref<1x12800xi32, #tpu.memory_space<vmem>> -> memref<1x12800xi32, #tpu.memory_space<vmem>>
    %dma_start3A_542 = tpu.memref_squeeze %dma_start3A_541 : memref<1x12800xi32, #tpu.memory_space<vmem>> -> memref<12800xi32, #tpu.memory_space<vmem>>
    %dma_start3A_543 = arith.constant 0 : i32
    %dma_start3A_544 = tpu.memref_slice %arg6[%dma_start3A_543] : memref<1000000xf32, #tpu.memory_space<vmem_shared>> -> memref<1000000xf32, #tpu.memory_space<vmem_shared>>
    tpu.enqueue_indirect_dma source(%dma_start3A_544 : memref<1000000xf32, #tpu.memory_space<vmem_shared>>) target(%arg9 : memref<12800xf32, #tpu.memory_space<vmem>>) offsets(%dma_start3A_542 : memref<12800xi32, #tpu.memory_space<vmem>>) semaphore(%arg12 : memref<!tpu.dma_semaphore, #tpu.memory_space<semaphore_mem>>)
    %dma_wait3A_545 = arith.constant 0 : i32
    %dma_wait3A_546 = arith.constant 0 : i32
    %dma_wait3A_547 = tpu.memref_slice %arg7[%dma_wait3A_545, %dma_wait3A_546] : memref<1x12800xi32, #tpu.memory_space<vmem>> -> memref<1x12800xi32, #tpu.memory_space<vmem>>
    %dma_wait3A_548 = tpu.memref_squeeze %dma_wait3A_547 : memref<1x12800xi32, #tpu.memory_space<vmem>> -> memref<12800xi32, #tpu.memory_space<vmem>>
    %dma_wait3A_549 = arith.constant 0 : i32
    %dma_wait3A_550 = tpu.memref_slice %arg6[%dma_wait3A_549] : memref<1000000xf32, #tpu.memory_space<vmem_shared>> -> memref<1000000xf32, #tpu.memory_space<vmem_shared>>
    tpu.wait_indirect_dma semaphore(%arg12 : memref<!tpu.dma_semaphore, #tpu.memory_space<semaphore_mem>>) src(%dma_wait3A_550 : memref<1000000xf32, #tpu.memory_space<vmem_shared>>) dst(%arg9 : memref<12800xf32, #tpu.memory_space<vmem>>)
    %mul3A_551 = arith.constant 16 : i32
    %mul3A_552 = arith.muli %arg0, %mul3A_551 : i32
    %add3A_553 = arith.constant 9 : i32
    %add3A_554 = arith.addi %mul3A_552, %add3A_553 : i32
    %mul3A_555 = arith.constant 12800 : i32
    %mul3A_556 = arith.muli %arg1, %mul3A_555 : i32
    %dma_start3A_557 = arith.constant 1 : i32
    %dma_start3A_558 = tpu.memref_slice %arg5[%add3A_554, %mul3A_556] : memref<32x204800xf32, #tpu.memory_space<hbm>> -> memref<1x12800xf32, #tpu.memory_space<hbm>>
    %dma_start3A_559 = tpu.memref_squeeze %dma_start3A_558 : memref<1x12800xf32, #tpu.memory_space<hbm>> -> memref<12800xf32, #tpu.memory_space<hbm>>
    %dma_start3A_560 = tpu.memref_slice %arg13[%dma_start3A_557] : memref<2x!tpu.dma_semaphore, #tpu.memory_space<semaphore_mem>> -> memref<1x!tpu.dma_semaphore, #tpu.memory_space<semaphore_mem>>
    %dma_start3A_561 = tpu.memref_squeeze %dma_start3A_560 : memref<1x!tpu.dma_semaphore, #tpu.memory_space<semaphore_mem>> -> memref<!tpu.dma_semaphore, #tpu.memory_space<semaphore_mem>>
    %dma_start3A_562 = tpu.memref_slice %arg5[%add3A_554, %mul3A_556] : memref<32x204800xf32, #tpu.memory_space<hbm>> -> memref<1x12800xf32, #tpu.memory_space<hbm>>
    %dma_start3A_563 = tpu.memref_squeeze %dma_start3A_562 : memref<1x12800xf32, #tpu.memory_space<hbm>> -> memref<12800xf32, #tpu.memory_space<hbm>>
    tpu.enqueue_dma source(%arg9 : memref<12800xf32, #tpu.memory_space<vmem>>) target(%dma_start3A_563 : memref<12800xf32, #tpu.memory_space<hbm>>) target_semaphore(%dma_start3A_561 : memref<!tpu.dma_semaphore, #tpu.memory_space<semaphore_mem>>)
    %barrier3A_564 = arith.constant 0 : index
    tpu.barrier barrier_id(%barrier3A_564)
    %lt3A_565 = arith.constant 15 : i32
    %lt3A_566 = arith.cmpi slt, %arg1, %lt3A_565 : i32
    %convert_element_type3A_567 = arith.extui %lt3A_566 : i1 to i32
    %cond3A_568 = arith.constant 0 : i32
    %cond3A_569 = arith.cmpi ne, %convert_element_type3A_567, %cond3A_568 : i32
    scf.if %cond3A_569 {
      %mul3A_951 = arith.constant 16 : i32
      %mul3A_952 = arith.muli %arg0, %mul3A_951 : i32
      %add3A_953 = arith.constant 10 : i32
      %add3A_954 = arith.addi %mul3A_952, %add3A_953 : i32
      %mul3A_955 = arith.constant 62464 : i32
      %mul3A_956 = arith.muli %arg1, %mul3A_955 : i32
      %mul3A_957 = arith.constant 62464 : i32
      %mul3A_958 = arith.muli %arg1, %mul3A_957 : i32
      %dma_start3A_959 = tpu.memref_slice %arg6[%mul3A_958] : memref<1000000xf32, #tpu.memory_space<vmem_shared>> -> memref<62464xf32, #tpu.memory_space<vmem_shared>>
      %dma_start3A_960 = tpu.memref_slice %arg3[%add3A_954, %mul3A_956] : memref<32x1000000xf32, #tpu.memory_space<hbm>> -> memref<1x62464xf32, #tpu.memory_space<hbm>>
      %dma_start3A_961 = tpu.memref_squeeze %dma_start3A_960 : memref<1x62464xf32, #tpu.memory_space<hbm>> -> memref<62464xf32, #tpu.memory_space<hbm>>
      tpu.enqueue_dma source(%dma_start3A_961 : memref<62464xf32, #tpu.memory_space<hbm>>) target(%dma_start3A_959 : memref<62464xf32, #tpu.memory_space<vmem_shared>>) target_semaphore(%arg11 : memref<!tpu.dma_semaphore, #tpu.memory_space<semaphore_mem>>)
    } else {
    }
    %eq3A_570 = arith.constant 15 : i32
    %eq3A_571 = arith.cmpi eq, %arg1, %eq3A_570 : i32
    %convert_element_type3A_572 = arith.extui %eq3A_571 : i1 to i32
    %cond3A_573 = arith.constant 0 : i32
    %cond3A_574 = arith.cmpi ne, %convert_element_type3A_572, %cond3A_573 : i32
    scf.if %cond3A_574 {
      %mul3A_951 = arith.constant 16 : i32
      %mul3A_952 = arith.muli %arg0, %mul3A_951 : i32
      %add3A_953 = arith.constant 10 : i32
      %add3A_954 = arith.addi %mul3A_952, %add3A_953 : i32
      %dma_start3A_955 = arith.constant 936960 : i32
      %dma_start3A_956 = tpu.memref_slice %arg6[%dma_start3A_955] : memref<1000000xf32, #tpu.memory_space<vmem_shared>> -> memref<62976xf32, #tpu.memory_space<vmem_shared>>
      %dma_start3A_957 = arith.constant 936960 : i32
      %dma_start3A_958 = tpu.memref_slice %arg3[%add3A_954, %dma_start3A_957] : memref<32x1000000xf32, #tpu.memory_space<hbm>> -> memref<1x62976xf32, #tpu.memory_space<hbm>>
      %dma_start3A_959 = tpu.memref_squeeze %dma_start3A_958 : memref<1x62976xf32, #tpu.memory_space<hbm>> -> memref<62976xf32, #tpu.memory_space<hbm>>
      tpu.enqueue_dma source(%dma_start3A_959 : memref<62976xf32, #tpu.memory_space<hbm>>) target(%dma_start3A_956 : memref<62976xf32, #tpu.memory_space<vmem_shared>>) target_semaphore(%arg11 : memref<!tpu.dma_semaphore, #tpu.memory_space<semaphore_mem>>)
      %mul3A_960 = arith.constant 16 : i32
      %mul3A_961 = arith.muli %arg0, %mul3A_960 : i32
      %add3A_962 = arith.constant 10 : i32
      %add3A_963 = arith.addi %mul3A_961, %add3A_962 : i32
      %mul3A_964 = arith.constant 128 : i32
      %mul3A_965 = arith.muli %add3A_963, %mul3A_964 : i32
      %dma_start3A_966 = tpu.memref_slice %arg4[%mul3A_965] : memref<4096xf32, #tpu.memory_space<hbm>> -> memref<128xf32, #tpu.memory_space<hbm>>
      %dma_start3A_967 = tpu.memref_slice %arg4[%mul3A_965] : memref<4096xf32, #tpu.memory_space<hbm>> -> memref<128xf32, #tpu.memory_space<hbm>>
      tpu.enqueue_dma source(%dma_start3A_967 : memref<128xf32, #tpu.memory_space<hbm>>) target(%arg10 : memref<128xf32, #tpu.memory_space<vmem>>) target_semaphore(%arg11 : memref<!tpu.dma_semaphore, #tpu.memory_space<semaphore_mem>>)
    } else {
    }
    %lt3A_575 = arith.constant 15 : i32
    %lt3A_576 = arith.cmpi slt, %arg1, %lt3A_575 : i32
    %convert_element_type3A_577 = arith.extui %lt3A_576 : i1 to i32
    %cond3A_578 = arith.constant 0 : i32
    %cond3A_579 = arith.cmpi ne, %convert_element_type3A_577, %cond3A_578 : i32
    scf.if %cond3A_579 {
      %mul3A_951 = arith.constant 16 : i32
      %mul3A_952 = arith.muli %arg0, %mul3A_951 : i32
      %add3A_953 = arith.constant 10 : i32
      %add3A_954 = arith.addi %mul3A_952, %add3A_953 : i32
      %mul3A_955 = arith.constant 62464 : i32
      %mul3A_956 = arith.muli %arg1, %mul3A_955 : i32
      %mul3A_957 = arith.constant 62464 : i32
      %mul3A_958 = arith.muli %arg1, %mul3A_957 : i32
      %dma_wait3A_959 = tpu.memref_slice %arg6[%mul3A_958] : memref<1000000xf32, #tpu.memory_space<vmem_shared>> -> memref<62464xf32, #tpu.memory_space<vmem_shared>>
      %dma_wait3A_960 = tpu.memref_slice %arg3[%add3A_954, %mul3A_956] : memref<32x1000000xf32, #tpu.memory_space<hbm>> -> memref<1x62464xf32, #tpu.memory_space<hbm>>
      %dma_wait3A_961 = tpu.memref_squeeze %dma_wait3A_960 : memref<1x62464xf32, #tpu.memory_space<hbm>> -> memref<62464xf32, #tpu.memory_space<hbm>>
      tpu.wait_dma2 semaphore(%arg11 : memref<!tpu.dma_semaphore, #tpu.memory_space<semaphore_mem>>) src(%dma_wait3A_961 : memref<62464xf32, #tpu.memory_space<hbm>>) dst(%dma_wait3A_959 : memref<62464xf32, #tpu.memory_space<vmem_shared>>)
    } else {
    }
    %eq3A_580 = arith.constant 15 : i32
    %eq3A_581 = arith.cmpi eq, %arg1, %eq3A_580 : i32
    %convert_element_type3A_582 = arith.extui %eq3A_581 : i1 to i32
    %cond3A_583 = arith.constant 0 : i32
    %cond3A_584 = arith.cmpi ne, %convert_element_type3A_582, %cond3A_583 : i32
    scf.if %cond3A_584 {
      %mul3A_951 = arith.constant 16 : i32
      %mul3A_952 = arith.muli %arg0, %mul3A_951 : i32
      %add3A_953 = arith.constant 10 : i32
      %add3A_954 = arith.addi %mul3A_952, %add3A_953 : i32
      %dma_wait3A_955 = arith.constant 936960 : i32
      %dma_wait3A_956 = tpu.memref_slice %arg6[%dma_wait3A_955] : memref<1000000xf32, #tpu.memory_space<vmem_shared>> -> memref<62976xf32, #tpu.memory_space<vmem_shared>>
      %dma_wait3A_957 = arith.constant 936960 : i32
      %dma_wait3A_958 = tpu.memref_slice %arg3[%add3A_954, %dma_wait3A_957] : memref<32x1000000xf32, #tpu.memory_space<hbm>> -> memref<1x62976xf32, #tpu.memory_space<hbm>>
      %dma_wait3A_959 = tpu.memref_squeeze %dma_wait3A_958 : memref<1x62976xf32, #tpu.memory_space<hbm>> -> memref<62976xf32, #tpu.memory_space<hbm>>
      tpu.wait_dma2 semaphore(%arg11 : memref<!tpu.dma_semaphore, #tpu.memory_space<semaphore_mem>>) src(%dma_wait3A_959 : memref<62976xf32, #tpu.memory_space<hbm>>) dst(%dma_wait3A_956 : memref<62976xf32, #tpu.memory_space<vmem_shared>>)
      %mul3A_960 = arith.constant 16 : i32
      %mul3A_961 = arith.muli %arg0, %mul3A_960 : i32
      %add3A_962 = arith.constant 10 : i32
      %add3A_963 = arith.addi %mul3A_961, %add3A_962 : i32
      %mul3A_964 = arith.constant 128 : i32
      %mul3A_965 = arith.muli %add3A_963, %mul3A_964 : i32
      %dma_wait3A_966 = tpu.memref_slice %arg4[%mul3A_965] : memref<4096xf32, #tpu.memory_space<hbm>> -> memref<128xf32, #tpu.memory_space<hbm>>
      %dma_wait3A_967 = tpu.memref_slice %arg4[%mul3A_965] : memref<4096xf32, #tpu.memory_space<hbm>> -> memref<128xf32, #tpu.memory_space<hbm>>
      tpu.wait_dma2 semaphore(%arg11 : memref<!tpu.dma_semaphore, #tpu.memory_space<semaphore_mem>>) src(%dma_wait3A_967 : memref<128xf32, #tpu.memory_space<hbm>>) dst(%arg10 : memref<128xf32, #tpu.memory_space<vmem>>)
      "tpu.region"() ({
        %run_scoped3A = tpu.sem_alloc : memref<!tpu.dma_semaphore, #tpu.memory_space<semaphore_mem>>
        %dma_start3A_968 = arith.constant 999872 : i32
        %dma_start3A_969 = tpu.memref_slice %arg6[%dma_start3A_968] : memref<1000000xf32, #tpu.memory_space<vmem_shared>> -> memref<128xf32, #tpu.memory_space<vmem_shared>>
        %dma_start3A_970 = arith.constant 999872 : i32
        %dma_start3A_971 = tpu.memref_slice %arg6[%dma_start3A_970] : memref<1000000xf32, #tpu.memory_space<vmem_shared>> -> memref<128xf32, #tpu.memory_space<vmem_shared>>
        tpu.enqueue_dma source(%arg10 : memref<128xf32, #tpu.memory_space<vmem>>) target(%dma_start3A_971 : memref<128xf32, #tpu.memory_space<vmem_shared>>) target_semaphore(%run_scoped3A : memref<!tpu.dma_semaphore, #tpu.memory_space<semaphore_mem>>)
        %dma_wait3A_972 = arith.constant 999872 : i32
        %dma_wait3A_973 = tpu.memref_slice %arg6[%dma_wait3A_972] : memref<1000000xf32, #tpu.memory_space<vmem_shared>> -> memref<128xf32, #tpu.memory_space<vmem_shared>>
        %dma_wait3A_974 = arith.constant 999872 : i32
        %dma_wait3A_975 = tpu.memref_slice %arg6[%dma_wait3A_974] : memref<1000000xf32, #tpu.memory_space<vmem_shared>> -> memref<128xf32, #tpu.memory_space<vmem_shared>>
        tpu.wait_dma2 semaphore(%run_scoped3A : memref<!tpu.dma_semaphore, #tpu.memory_space<semaphore_mem>>) src(%arg10 : memref<128xf32, #tpu.memory_space<vmem>>) dst(%dma_wait3A_975 : memref<128xf32, #tpu.memory_space<vmem_shared>>)
        tpu.yield
      }) : () -> ()
    } else {
    }
    %barrier3A_585 = arith.constant 0 : index
    tpu.barrier barrier_id(%barrier3A_585)
    %mul3A_586 = arith.constant 16 : i32
    %mul3A_587 = arith.muli %arg0, %mul3A_586 : i32
    %add3A_588 = arith.constant 8 : i32
    %add3A_589 = arith.addi %mul3A_587, %add3A_588 : i32
    %mul3A_590 = arith.constant 12800 : i32
    %mul3A_591 = arith.muli %arg1, %mul3A_590 : i32
    %dma_wait3A_592 = arith.constant 0 : i32
    %dma_wait3A_593 = tpu.memref_slice %arg5[%add3A_589, %mul3A_591] : memref<32x204800xf32, #tpu.memory_space<hbm>> -> memref<1x12800xf32, #tpu.memory_space<hbm>>
    %dma_wait3A_594 = tpu.memref_squeeze %dma_wait3A_593 : memref<1x12800xf32, #tpu.memory_space<hbm>> -> memref<12800xf32, #tpu.memory_space<hbm>>
    %dma_wait3A_595 = tpu.memref_slice %arg13[%dma_wait3A_592] : memref<2x!tpu.dma_semaphore, #tpu.memory_space<semaphore_mem>> -> memref<1x!tpu.dma_semaphore, #tpu.memory_space<semaphore_mem>>
    %dma_wait3A_596 = tpu.memref_squeeze %dma_wait3A_595 : memref<1x!tpu.dma_semaphore, #tpu.memory_space<semaphore_mem>> -> memref<!tpu.dma_semaphore, #tpu.memory_space<semaphore_mem>>
    %dma_wait3A_597 = tpu.memref_slice %arg5[%add3A_589, %mul3A_591] : memref<32x204800xf32, #tpu.memory_space<hbm>> -> memref<1x12800xf32, #tpu.memory_space<hbm>>
    %dma_wait3A_598 = tpu.memref_squeeze %dma_wait3A_597 : memref<1x12800xf32, #tpu.memory_space<hbm>> -> memref<12800xf32, #tpu.memory_space<hbm>>
    tpu.wait_dma2 semaphore(%dma_wait3A_596 : memref<!tpu.dma_semaphore, #tpu.memory_space<semaphore_mem>>) src(%arg8 : memref<12800xf32, #tpu.memory_space<vmem>>) dst(%dma_wait3A_598 : memref<12800xf32, #tpu.memory_space<hbm>>)
    %dma_start3A_599 = arith.constant 0 : i32
    %dma_start3A_600 = arith.constant 0 : i32
    %dma_start3A_601 = tpu.memref_slice %arg7[%dma_start3A_599, %dma_start3A_600] : memref<1x12800xi32, #tpu.memory_space<vmem>> -> memref<1x12800xi32, #tpu.memory_space<vmem>>
    %dma_start3A_602 = tpu.memref_squeeze %dma_start3A_601 : memref<1x12800xi32, #tpu.memory_space<vmem>> -> memref<12800xi32, #tpu.memory_space<vmem>>
    %dma_start3A_603 = arith.constant 0 : i32
    %dma_start3A_604 = tpu.memref_slice %arg6[%dma_start3A_603] : memref<1000000xf32, #tpu.memory_space<vmem_shared>> -> memref<1000000xf32, #tpu.memory_space<vmem_shared>>
    tpu.enqueue_indirect_dma source(%dma_start3A_604 : memref<1000000xf32, #tpu.memory_space<vmem_shared>>) target(%arg8 : memref<12800xf32, #tpu.memory_space<vmem>>) offsets(%dma_start3A_602 : memref<12800xi32, #tpu.memory_space<vmem>>) semaphore(%arg12 : memref<!tpu.dma_semaphore, #tpu.memory_space<semaphore_mem>>)
    %dma_wait3A_605 = arith.constant 0 : i32
    %dma_wait3A_606 = arith.constant 0 : i32
    %dma_wait3A_607 = tpu.memref_slice %arg7[%dma_wait3A_605, %dma_wait3A_606] : memref<1x12800xi32, #tpu.memory_space<vmem>> -> memref<1x12800xi32, #tpu.memory_space<vmem>>
    %dma_wait3A_608 = tpu.memref_squeeze %dma_wait3A_607 : memref<1x12800xi32, #tpu.memory_space<vmem>> -> memref<12800xi32, #tpu.memory_space<vmem>>
    %dma_wait3A_609 = arith.constant 0 : i32
    %dma_wait3A_610 = tpu.memref_slice %arg6[%dma_wait3A_609] : memref<1000000xf32, #tpu.memory_space<vmem_shared>> -> memref<1000000xf32, #tpu.memory_space<vmem_shared>>
    tpu.wait_indirect_dma semaphore(%arg12 : memref<!tpu.dma_semaphore, #tpu.memory_space<semaphore_mem>>) src(%dma_wait3A_610 : memref<1000000xf32, #tpu.memory_space<vmem_shared>>) dst(%arg8 : memref<12800xf32, #tpu.memory_space<vmem>>)
    %mul3A_611 = arith.constant 16 : i32
    %mul3A_612 = arith.muli %arg0, %mul3A_611 : i32
    %add3A_613 = arith.constant 10 : i32
    %add3A_614 = arith.addi %mul3A_612, %add3A_613 : i32
    %mul3A_615 = arith.constant 12800 : i32
    %mul3A_616 = arith.muli %arg1, %mul3A_615 : i32
    %dma_start3A_617 = arith.constant 0 : i32
    %dma_start3A_618 = tpu.memref_slice %arg5[%add3A_614, %mul3A_616] : memref<32x204800xf32, #tpu.memory_space<hbm>> -> memref<1x12800xf32, #tpu.memory_space<hbm>>
    %dma_start3A_619 = tpu.memref_squeeze %dma_start3A_618 : memref<1x12800xf32, #tpu.memory_space<hbm>> -> memref<12800xf32, #tpu.memory_space<hbm>>
    %dma_start3A_620 = tpu.memref_slice %arg13[%dma_start3A_617] : memref<2x!tpu.dma_semaphore, #tpu.memory_space<semaphore_mem>> -> memref<1x!tpu.dma_semaphore, #tpu.memory_space<semaphore_mem>>
    %dma_start3A_621 = tpu.memref_squeeze %dma_start3A_620 : memref<1x!tpu.dma_semaphore, #tpu.memory_space<semaphore_mem>> -> memref<!tpu.dma_semaphore, #tpu.memory_space<semaphore_mem>>
    %dma_start3A_622 = tpu.memref_slice %arg5[%add3A_614, %mul3A_616] : memref<32x204800xf32, #tpu.memory_space<hbm>> -> memref<1x12800xf32, #tpu.memory_space<hbm>>
    %dma_start3A_623 = tpu.memref_squeeze %dma_start3A_622 : memref<1x12800xf32, #tpu.memory_space<hbm>> -> memref<12800xf32, #tpu.memory_space<hbm>>
    tpu.enqueue_dma source(%arg8 : memref<12800xf32, #tpu.memory_space<vmem>>) target(%dma_start3A_623 : memref<12800xf32, #tpu.memory_space<hbm>>) target_semaphore(%dma_start3A_621 : memref<!tpu.dma_semaphore, #tpu.memory_space<semaphore_mem>>)
    %barrier3A_624 = arith.constant 0 : index
    tpu.barrier barrier_id(%barrier3A_624)
    %lt3A_625 = arith.constant 15 : i32
    %lt3A_626 = arith.cmpi slt, %arg1, %lt3A_625 : i32
    %convert_element_type3A_627 = arith.extui %lt3A_626 : i1 to i32
    %cond3A_628 = arith.constant 0 : i32
    %cond3A_629 = arith.cmpi ne, %convert_element_type3A_627, %cond3A_628 : i32
    scf.if %cond3A_629 {
      %mul3A_951 = arith.constant 16 : i32
      %mul3A_952 = arith.muli %arg0, %mul3A_951 : i32
      %add3A_953 = arith.constant 11 : i32
      %add3A_954 = arith.addi %mul3A_952, %add3A_953 : i32
      %mul3A_955 = arith.constant 62464 : i32
      %mul3A_956 = arith.muli %arg1, %mul3A_955 : i32
      %mul3A_957 = arith.constant 62464 : i32
      %mul3A_958 = arith.muli %arg1, %mul3A_957 : i32
      %dma_start3A_959 = tpu.memref_slice %arg6[%mul3A_958] : memref<1000000xf32, #tpu.memory_space<vmem_shared>> -> memref<62464xf32, #tpu.memory_space<vmem_shared>>
      %dma_start3A_960 = tpu.memref_slice %arg3[%add3A_954, %mul3A_956] : memref<32x1000000xf32, #tpu.memory_space<hbm>> -> memref<1x62464xf32, #tpu.memory_space<hbm>>
      %dma_start3A_961 = tpu.memref_squeeze %dma_start3A_960 : memref<1x62464xf32, #tpu.memory_space<hbm>> -> memref<62464xf32, #tpu.memory_space<hbm>>
      tpu.enqueue_dma source(%dma_start3A_961 : memref<62464xf32, #tpu.memory_space<hbm>>) target(%dma_start3A_959 : memref<62464xf32, #tpu.memory_space<vmem_shared>>) target_semaphore(%arg11 : memref<!tpu.dma_semaphore, #tpu.memory_space<semaphore_mem>>)
    } else {
    }
    %eq3A_630 = arith.constant 15 : i32
    %eq3A_631 = arith.cmpi eq, %arg1, %eq3A_630 : i32
    %convert_element_type3A_632 = arith.extui %eq3A_631 : i1 to i32
    %cond3A_633 = arith.constant 0 : i32
    %cond3A_634 = arith.cmpi ne, %convert_element_type3A_632, %cond3A_633 : i32
    scf.if %cond3A_634 {
      %mul3A_951 = arith.constant 16 : i32
      %mul3A_952 = arith.muli %arg0, %mul3A_951 : i32
      %add3A_953 = arith.constant 11 : i32
      %add3A_954 = arith.addi %mul3A_952, %add3A_953 : i32
      %dma_start3A_955 = arith.constant 936960 : i32
      %dma_start3A_956 = tpu.memref_slice %arg6[%dma_start3A_955] : memref<1000000xf32, #tpu.memory_space<vmem_shared>> -> memref<62976xf32, #tpu.memory_space<vmem_shared>>
      %dma_start3A_957 = arith.constant 936960 : i32
      %dma_start3A_958 = tpu.memref_slice %arg3[%add3A_954, %dma_start3A_957] : memref<32x1000000xf32, #tpu.memory_space<hbm>> -> memref<1x62976xf32, #tpu.memory_space<hbm>>
      %dma_start3A_959 = tpu.memref_squeeze %dma_start3A_958 : memref<1x62976xf32, #tpu.memory_space<hbm>> -> memref<62976xf32, #tpu.memory_space<hbm>>
      tpu.enqueue_dma source(%dma_start3A_959 : memref<62976xf32, #tpu.memory_space<hbm>>) target(%dma_start3A_956 : memref<62976xf32, #tpu.memory_space<vmem_shared>>) target_semaphore(%arg11 : memref<!tpu.dma_semaphore, #tpu.memory_space<semaphore_mem>>)
      %mul3A_960 = arith.constant 16 : i32
      %mul3A_961 = arith.muli %arg0, %mul3A_960 : i32
      %add3A_962 = arith.constant 11 : i32
      %add3A_963 = arith.addi %mul3A_961, %add3A_962 : i32
      %mul3A_964 = arith.constant 128 : i32
      %mul3A_965 = arith.muli %add3A_963, %mul3A_964 : i32
      %dma_start3A_966 = tpu.memref_slice %arg4[%mul3A_965] : memref<4096xf32, #tpu.memory_space<hbm>> -> memref<128xf32, #tpu.memory_space<hbm>>
      %dma_start3A_967 = tpu.memref_slice %arg4[%mul3A_965] : memref<4096xf32, #tpu.memory_space<hbm>> -> memref<128xf32, #tpu.memory_space<hbm>>
      tpu.enqueue_dma source(%dma_start3A_967 : memref<128xf32, #tpu.memory_space<hbm>>) target(%arg10 : memref<128xf32, #tpu.memory_space<vmem>>) target_semaphore(%arg11 : memref<!tpu.dma_semaphore, #tpu.memory_space<semaphore_mem>>)
    } else {
    }
    %lt3A_635 = arith.constant 15 : i32
    %lt3A_636 = arith.cmpi slt, %arg1, %lt3A_635 : i32
    %convert_element_type3A_637 = arith.extui %lt3A_636 : i1 to i32
    %cond3A_638 = arith.constant 0 : i32
    %cond3A_639 = arith.cmpi ne, %convert_element_type3A_637, %cond3A_638 : i32
    scf.if %cond3A_639 {
      %mul3A_951 = arith.constant 16 : i32
      %mul3A_952 = arith.muli %arg0, %mul3A_951 : i32
      %add3A_953 = arith.constant 11 : i32
      %add3A_954 = arith.addi %mul3A_952, %add3A_953 : i32
      %mul3A_955 = arith.constant 62464 : i32
      %mul3A_956 = arith.muli %arg1, %mul3A_955 : i32
      %mul3A_957 = arith.constant 62464 : i32
      %mul3A_958 = arith.muli %arg1, %mul3A_957 : i32
      %dma_wait3A_959 = tpu.memref_slice %arg6[%mul3A_958] : memref<1000000xf32, #tpu.memory_space<vmem_shared>> -> memref<62464xf32, #tpu.memory_space<vmem_shared>>
      %dma_wait3A_960 = tpu.memref_slice %arg3[%add3A_954, %mul3A_956] : memref<32x1000000xf32, #tpu.memory_space<hbm>> -> memref<1x62464xf32, #tpu.memory_space<hbm>>
      %dma_wait3A_961 = tpu.memref_squeeze %dma_wait3A_960 : memref<1x62464xf32, #tpu.memory_space<hbm>> -> memref<62464xf32, #tpu.memory_space<hbm>>
      tpu.wait_dma2 semaphore(%arg11 : memref<!tpu.dma_semaphore, #tpu.memory_space<semaphore_mem>>) src(%dma_wait3A_961 : memref<62464xf32, #tpu.memory_space<hbm>>) dst(%dma_wait3A_959 : memref<62464xf32, #tpu.memory_space<vmem_shared>>)
    } else {
    }
    %eq3A_640 = arith.constant 15 : i32
    %eq3A_641 = arith.cmpi eq, %arg1, %eq3A_640 : i32
    %convert_element_type3A_642 = arith.extui %eq3A_641 : i1 to i32
    %cond3A_643 = arith.constant 0 : i32
    %cond3A_644 = arith.cmpi ne, %convert_element_type3A_642, %cond3A_643 : i32
    scf.if %cond3A_644 {
      %mul3A_951 = arith.constant 16 : i32
      %mul3A_952 = arith.muli %arg0, %mul3A_951 : i32
      %add3A_953 = arith.constant 11 : i32
      %add3A_954 = arith.addi %mul3A_952, %add3A_953 : i32
      %dma_wait3A_955 = arith.constant 936960 : i32
      %dma_wait3A_956 = tpu.memref_slice %arg6[%dma_wait3A_955] : memref<1000000xf32, #tpu.memory_space<vmem_shared>> -> memref<62976xf32, #tpu.memory_space<vmem_shared>>
      %dma_wait3A_957 = arith.constant 936960 : i32
      %dma_wait3A_958 = tpu.memref_slice %arg3[%add3A_954, %dma_wait3A_957] : memref<32x1000000xf32, #tpu.memory_space<hbm>> -> memref<1x62976xf32, #tpu.memory_space<hbm>>
      %dma_wait3A_959 = tpu.memref_squeeze %dma_wait3A_958 : memref<1x62976xf32, #tpu.memory_space<hbm>> -> memref<62976xf32, #tpu.memory_space<hbm>>
      tpu.wait_dma2 semaphore(%arg11 : memref<!tpu.dma_semaphore, #tpu.memory_space<semaphore_mem>>) src(%dma_wait3A_959 : memref<62976xf32, #tpu.memory_space<hbm>>) dst(%dma_wait3A_956 : memref<62976xf32, #tpu.memory_space<vmem_shared>>)
      %mul3A_960 = arith.constant 16 : i32
      %mul3A_961 = arith.muli %arg0, %mul3A_960 : i32
      %add3A_962 = arith.constant 11 : i32
      %add3A_963 = arith.addi %mul3A_961, %add3A_962 : i32
      %mul3A_964 = arith.constant 128 : i32
      %mul3A_965 = arith.muli %add3A_963, %mul3A_964 : i32
      %dma_wait3A_966 = tpu.memref_slice %arg4[%mul3A_965] : memref<4096xf32, #tpu.memory_space<hbm>> -> memref<128xf32, #tpu.memory_space<hbm>>
      %dma_wait3A_967 = tpu.memref_slice %arg4[%mul3A_965] : memref<4096xf32, #tpu.memory_space<hbm>> -> memref<128xf32, #tpu.memory_space<hbm>>
      tpu.wait_dma2 semaphore(%arg11 : memref<!tpu.dma_semaphore, #tpu.memory_space<semaphore_mem>>) src(%dma_wait3A_967 : memref<128xf32, #tpu.memory_space<hbm>>) dst(%arg10 : memref<128xf32, #tpu.memory_space<vmem>>)
      "tpu.region"() ({
        %run_scoped3A = tpu.sem_alloc : memref<!tpu.dma_semaphore, #tpu.memory_space<semaphore_mem>>
        %dma_start3A_968 = arith.constant 999872 : i32
        %dma_start3A_969 = tpu.memref_slice %arg6[%dma_start3A_968] : memref<1000000xf32, #tpu.memory_space<vmem_shared>> -> memref<128xf32, #tpu.memory_space<vmem_shared>>
        %dma_start3A_970 = arith.constant 999872 : i32
        %dma_start3A_971 = tpu.memref_slice %arg6[%dma_start3A_970] : memref<1000000xf32, #tpu.memory_space<vmem_shared>> -> memref<128xf32, #tpu.memory_space<vmem_shared>>
        tpu.enqueue_dma source(%arg10 : memref<128xf32, #tpu.memory_space<vmem>>) target(%dma_start3A_971 : memref<128xf32, #tpu.memory_space<vmem_shared>>) target_semaphore(%run_scoped3A : memref<!tpu.dma_semaphore, #tpu.memory_space<semaphore_mem>>)
        %dma_wait3A_972 = arith.constant 999872 : i32
        %dma_wait3A_973 = tpu.memref_slice %arg6[%dma_wait3A_972] : memref<1000000xf32, #tpu.memory_space<vmem_shared>> -> memref<128xf32, #tpu.memory_space<vmem_shared>>
        %dma_wait3A_974 = arith.constant 999872 : i32
        %dma_wait3A_975 = tpu.memref_slice %arg6[%dma_wait3A_974] : memref<1000000xf32, #tpu.memory_space<vmem_shared>> -> memref<128xf32, #tpu.memory_space<vmem_shared>>
        tpu.wait_dma2 semaphore(%run_scoped3A : memref<!tpu.dma_semaphore, #tpu.memory_space<semaphore_mem>>) src(%arg10 : memref<128xf32, #tpu.memory_space<vmem>>) dst(%dma_wait3A_975 : memref<128xf32, #tpu.memory_space<vmem_shared>>)
        tpu.yield
      }) : () -> ()
    } else {
    }
    %barrier3A_645 = arith.constant 0 : index
    tpu.barrier barrier_id(%barrier3A_645)
    %mul3A_646 = arith.constant 16 : i32
    %mul3A_647 = arith.muli %arg0, %mul3A_646 : i32
    %add3A_648 = arith.constant 9 : i32
    %add3A_649 = arith.addi %mul3A_647, %add3A_648 : i32
    %mul3A_650 = arith.constant 12800 : i32
    %mul3A_651 = arith.muli %arg1, %mul3A_650 : i32
    %dma_wait3A_652 = arith.constant 1 : i32
    %dma_wait3A_653 = tpu.memref_slice %arg5[%add3A_649, %mul3A_651] : memref<32x204800xf32, #tpu.memory_space<hbm>> -> memref<1x12800xf32, #tpu.memory_space<hbm>>
    %dma_wait3A_654 = tpu.memref_squeeze %dma_wait3A_653 : memref<1x12800xf32, #tpu.memory_space<hbm>> -> memref<12800xf32, #tpu.memory_space<hbm>>
    %dma_wait3A_655 = tpu.memref_slice %arg13[%dma_wait3A_652] : memref<2x!tpu.dma_semaphore, #tpu.memory_space<semaphore_mem>> -> memref<1x!tpu.dma_semaphore, #tpu.memory_space<semaphore_mem>>
    %dma_wait3A_656 = tpu.memref_squeeze %dma_wait3A_655 : memref<1x!tpu.dma_semaphore, #tpu.memory_space<semaphore_mem>> -> memref<!tpu.dma_semaphore, #tpu.memory_space<semaphore_mem>>
    %dma_wait3A_657 = tpu.memref_slice %arg5[%add3A_649, %mul3A_651] : memref<32x204800xf32, #tpu.memory_space<hbm>> -> memref<1x12800xf32, #tpu.memory_space<hbm>>
    %dma_wait3A_658 = tpu.memref_squeeze %dma_wait3A_657 : memref<1x12800xf32, #tpu.memory_space<hbm>> -> memref<12800xf32, #tpu.memory_space<hbm>>
    tpu.wait_dma2 semaphore(%dma_wait3A_656 : memref<!tpu.dma_semaphore, #tpu.memory_space<semaphore_mem>>) src(%arg9 : memref<12800xf32, #tpu.memory_space<vmem>>) dst(%dma_wait3A_658 : memref<12800xf32, #tpu.memory_space<hbm>>)
    %dma_start3A_659 = arith.constant 0 : i32
    %dma_start3A_660 = arith.constant 0 : i32
    %dma_start3A_661 = tpu.memref_slice %arg7[%dma_start3A_659, %dma_start3A_660] : memref<1x12800xi32, #tpu.memory_space<vmem>> -> memref<1x12800xi32, #tpu.memory_space<vmem>>
    %dma_start3A_662 = tpu.memref_squeeze %dma_start3A_661 : memref<1x12800xi32, #tpu.memory_space<vmem>> -> memref<12800xi32, #tpu.memory_space<vmem>>
    %dma_start3A_663 = arith.constant 0 : i32
    %dma_start3A_664 = tpu.memref_slice %arg6[%dma_start3A_663] : memref<1000000xf32, #tpu.memory_space<vmem_shared>> -> memref<1000000xf32, #tpu.memory_space<vmem_shared>>
    tpu.enqueue_indirect_dma source(%dma_start3A_664 : memref<1000000xf32, #tpu.memory_space<vmem_shared>>) target(%arg9 : memref<12800xf32, #tpu.memory_space<vmem>>) offsets(%dma_start3A_662 : memref<12800xi32, #tpu.memory_space<vmem>>) semaphore(%arg12 : memref<!tpu.dma_semaphore, #tpu.memory_space<semaphore_mem>>)
    %dma_wait3A_665 = arith.constant 0 : i32
    %dma_wait3A_666 = arith.constant 0 : i32
    %dma_wait3A_667 = tpu.memref_slice %arg7[%dma_wait3A_665, %dma_wait3A_666] : memref<1x12800xi32, #tpu.memory_space<vmem>> -> memref<1x12800xi32, #tpu.memory_space<vmem>>
    %dma_wait3A_668 = tpu.memref_squeeze %dma_wait3A_667 : memref<1x12800xi32, #tpu.memory_space<vmem>> -> memref<12800xi32, #tpu.memory_space<vmem>>
    %dma_wait3A_669 = arith.constant 0 : i32
    %dma_wait3A_670 = tpu.memref_slice %arg6[%dma_wait3A_669] : memref<1000000xf32, #tpu.memory_space<vmem_shared>> -> memref<1000000xf32, #tpu.memory_space<vmem_shared>>
    tpu.wait_indirect_dma semaphore(%arg12 : memref<!tpu.dma_semaphore, #tpu.memory_space<semaphore_mem>>) src(%dma_wait3A_670 : memref<1000000xf32, #tpu.memory_space<vmem_shared>>) dst(%arg9 : memref<12800xf32, #tpu.memory_space<vmem>>)
    %mul3A_671 = arith.constant 16 : i32
    %mul3A_672 = arith.muli %arg0, %mul3A_671 : i32
    %add3A_673 = arith.constant 11 : i32
    %add3A_674 = arith.addi %mul3A_672, %add3A_673 : i32
    %mul3A_675 = arith.constant 12800 : i32
    %mul3A_676 = arith.muli %arg1, %mul3A_675 : i32
    %dma_start3A_677 = arith.constant 1 : i32
    %dma_start3A_678 = tpu.memref_slice %arg5[%add3A_674, %mul3A_676] : memref<32x204800xf32, #tpu.memory_space<hbm>> -> memref<1x12800xf32, #tpu.memory_space<hbm>>
    %dma_start3A_679 = tpu.memref_squeeze %dma_start3A_678 : memref<1x12800xf32, #tpu.memory_space<hbm>> -> memref<12800xf32, #tpu.memory_space<hbm>>
    %dma_start3A_680 = tpu.memref_slice %arg13[%dma_start3A_677] : memref<2x!tpu.dma_semaphore, #tpu.memory_space<semaphore_mem>> -> memref<1x!tpu.dma_semaphore, #tpu.memory_space<semaphore_mem>>
    %dma_start3A_681 = tpu.memref_squeeze %dma_start3A_680 : memref<1x!tpu.dma_semaphore, #tpu.memory_space<semaphore_mem>> -> memref<!tpu.dma_semaphore, #tpu.memory_space<semaphore_mem>>
    %dma_start3A_682 = tpu.memref_slice %arg5[%add3A_674, %mul3A_676] : memref<32x204800xf32, #tpu.memory_space<hbm>> -> memref<1x12800xf32, #tpu.memory_space<hbm>>
    %dma_start3A_683 = tpu.memref_squeeze %dma_start3A_682 : memref<1x12800xf32, #tpu.memory_space<hbm>> -> memref<12800xf32, #tpu.memory_space<hbm>>
    tpu.enqueue_dma source(%arg9 : memref<12800xf32, #tpu.memory_space<vmem>>) target(%dma_start3A_683 : memref<12800xf32, #tpu.memory_space<hbm>>) target_semaphore(%dma_start3A_681 : memref<!tpu.dma_semaphore, #tpu.memory_space<semaphore_mem>>)
    %barrier3A_684 = arith.constant 0 : index
    tpu.barrier barrier_id(%barrier3A_684)
    %lt3A_685 = arith.constant 15 : i32
    %lt3A_686 = arith.cmpi slt, %arg1, %lt3A_685 : i32
    %convert_element_type3A_687 = arith.extui %lt3A_686 : i1 to i32
    %cond3A_688 = arith.constant 0 : i32
    %cond3A_689 = arith.cmpi ne, %convert_element_type3A_687, %cond3A_688 : i32
    scf.if %cond3A_689 {
      %mul3A_951 = arith.constant 16 : i32
      %mul3A_952 = arith.muli %arg0, %mul3A_951 : i32
      %add3A_953 = arith.constant 12 : i32
      %add3A_954 = arith.addi %mul3A_952, %add3A_953 : i32
      %mul3A_955 = arith.constant 62464 : i32
      %mul3A_956 = arith.muli %arg1, %mul3A_955 : i32
      %mul3A_957 = arith.constant 62464 : i32
      %mul3A_958 = arith.muli %arg1, %mul3A_957 : i32
      %dma_start3A_959 = tpu.memref_slice %arg6[%mul3A_958] : memref<1000000xf32, #tpu.memory_space<vmem_shared>> -> memref<62464xf32, #tpu.memory_space<vmem_shared>>
      %dma_start3A_960 = tpu.memref_slice %arg3[%add3A_954, %mul3A_956] : memref<32x1000000xf32, #tpu.memory_space<hbm>> -> memref<1x62464xf32, #tpu.memory_space<hbm>>
      %dma_start3A_961 = tpu.memref_squeeze %dma_start3A_960 : memref<1x62464xf32, #tpu.memory_space<hbm>> -> memref<62464xf32, #tpu.memory_space<hbm>>
      tpu.enqueue_dma source(%dma_start3A_961 : memref<62464xf32, #tpu.memory_space<hbm>>) target(%dma_start3A_959 : memref<62464xf32, #tpu.memory_space<vmem_shared>>) target_semaphore(%arg11 : memref<!tpu.dma_semaphore, #tpu.memory_space<semaphore_mem>>)
    } else {
    }
    %eq3A_690 = arith.constant 15 : i32
    %eq3A_691 = arith.cmpi eq, %arg1, %eq3A_690 : i32
    %convert_element_type3A_692 = arith.extui %eq3A_691 : i1 to i32
    %cond3A_693 = arith.constant 0 : i32
    %cond3A_694 = arith.cmpi ne, %convert_element_type3A_692, %cond3A_693 : i32
    scf.if %cond3A_694 {
      %mul3A_951 = arith.constant 16 : i32
      %mul3A_952 = arith.muli %arg0, %mul3A_951 : i32
      %add3A_953 = arith.constant 12 : i32
      %add3A_954 = arith.addi %mul3A_952, %add3A_953 : i32
      %dma_start3A_955 = arith.constant 936960 : i32
      %dma_start3A_956 = tpu.memref_slice %arg6[%dma_start3A_955] : memref<1000000xf32, #tpu.memory_space<vmem_shared>> -> memref<62976xf32, #tpu.memory_space<vmem_shared>>
      %dma_start3A_957 = arith.constant 936960 : i32
      %dma_start3A_958 = tpu.memref_slice %arg3[%add3A_954, %dma_start3A_957] : memref<32x1000000xf32, #tpu.memory_space<hbm>> -> memref<1x62976xf32, #tpu.memory_space<hbm>>
      %dma_start3A_959 = tpu.memref_squeeze %dma_start3A_958 : memref<1x62976xf32, #tpu.memory_space<hbm>> -> memref<62976xf32, #tpu.memory_space<hbm>>
      tpu.enqueue_dma source(%dma_start3A_959 : memref<62976xf32, #tpu.memory_space<hbm>>) target(%dma_start3A_956 : memref<62976xf32, #tpu.memory_space<vmem_shared>>) target_semaphore(%arg11 : memref<!tpu.dma_semaphore, #tpu.memory_space<semaphore_mem>>)
      %mul3A_960 = arith.constant 16 : i32
      %mul3A_961 = arith.muli %arg0, %mul3A_960 : i32
      %add3A_962 = arith.constant 12 : i32
      %add3A_963 = arith.addi %mul3A_961, %add3A_962 : i32
      %mul3A_964 = arith.constant 128 : i32
      %mul3A_965 = arith.muli %add3A_963, %mul3A_964 : i32
      %dma_start3A_966 = tpu.memref_slice %arg4[%mul3A_965] : memref<4096xf32, #tpu.memory_space<hbm>> -> memref<128xf32, #tpu.memory_space<hbm>>
      %dma_start3A_967 = tpu.memref_slice %arg4[%mul3A_965] : memref<4096xf32, #tpu.memory_space<hbm>> -> memref<128xf32, #tpu.memory_space<hbm>>
      tpu.enqueue_dma source(%dma_start3A_967 : memref<128xf32, #tpu.memory_space<hbm>>) target(%arg10 : memref<128xf32, #tpu.memory_space<vmem>>) target_semaphore(%arg11 : memref<!tpu.dma_semaphore, #tpu.memory_space<semaphore_mem>>)
    } else {
    }
    %lt3A_695 = arith.constant 15 : i32
    %lt3A_696 = arith.cmpi slt, %arg1, %lt3A_695 : i32
    %convert_element_type3A_697 = arith.extui %lt3A_696 : i1 to i32
    %cond3A_698 = arith.constant 0 : i32
    %cond3A_699 = arith.cmpi ne, %convert_element_type3A_697, %cond3A_698 : i32
    scf.if %cond3A_699 {
      %mul3A_951 = arith.constant 16 : i32
      %mul3A_952 = arith.muli %arg0, %mul3A_951 : i32
      %add3A_953 = arith.constant 12 : i32
      %add3A_954 = arith.addi %mul3A_952, %add3A_953 : i32
      %mul3A_955 = arith.constant 62464 : i32
      %mul3A_956 = arith.muli %arg1, %mul3A_955 : i32
      %mul3A_957 = arith.constant 62464 : i32
      %mul3A_958 = arith.muli %arg1, %mul3A_957 : i32
      %dma_wait3A_959 = tpu.memref_slice %arg6[%mul3A_958] : memref<1000000xf32, #tpu.memory_space<vmem_shared>> -> memref<62464xf32, #tpu.memory_space<vmem_shared>>
      %dma_wait3A_960 = tpu.memref_slice %arg3[%add3A_954, %mul3A_956] : memref<32x1000000xf32, #tpu.memory_space<hbm>> -> memref<1x62464xf32, #tpu.memory_space<hbm>>
      %dma_wait3A_961 = tpu.memref_squeeze %dma_wait3A_960 : memref<1x62464xf32, #tpu.memory_space<hbm>> -> memref<62464xf32, #tpu.memory_space<hbm>>
      tpu.wait_dma2 semaphore(%arg11 : memref<!tpu.dma_semaphore, #tpu.memory_space<semaphore_mem>>) src(%dma_wait3A_961 : memref<62464xf32, #tpu.memory_space<hbm>>) dst(%dma_wait3A_959 : memref<62464xf32, #tpu.memory_space<vmem_shared>>)
    } else {
    }
    %eq3A_700 = arith.constant 15 : i32
    %eq3A_701 = arith.cmpi eq, %arg1, %eq3A_700 : i32
    %convert_element_type3A_702 = arith.extui %eq3A_701 : i1 to i32
    %cond3A_703 = arith.constant 0 : i32
    %cond3A_704 = arith.cmpi ne, %convert_element_type3A_702, %cond3A_703 : i32
    scf.if %cond3A_704 {
      %mul3A_951 = arith.constant 16 : i32
      %mul3A_952 = arith.muli %arg0, %mul3A_951 : i32
      %add3A_953 = arith.constant 12 : i32
      %add3A_954 = arith.addi %mul3A_952, %add3A_953 : i32
      %dma_wait3A_955 = arith.constant 936960 : i32
      %dma_wait3A_956 = tpu.memref_slice %arg6[%dma_wait3A_955] : memref<1000000xf32, #tpu.memory_space<vmem_shared>> -> memref<62976xf32, #tpu.memory_space<vmem_shared>>
      %dma_wait3A_957 = arith.constant 936960 : i32
      %dma_wait3A_958 = tpu.memref_slice %arg3[%add3A_954, %dma_wait3A_957] : memref<32x1000000xf32, #tpu.memory_space<hbm>> -> memref<1x62976xf32, #tpu.memory_space<hbm>>
      %dma_wait3A_959 = tpu.memref_squeeze %dma_wait3A_958 : memref<1x62976xf32, #tpu.memory_space<hbm>> -> memref<62976xf32, #tpu.memory_space<hbm>>
      tpu.wait_dma2 semaphore(%arg11 : memref<!tpu.dma_semaphore, #tpu.memory_space<semaphore_mem>>) src(%dma_wait3A_959 : memref<62976xf32, #tpu.memory_space<hbm>>) dst(%dma_wait3A_956 : memref<62976xf32, #tpu.memory_space<vmem_shared>>)
      %mul3A_960 = arith.constant 16 : i32
      %mul3A_961 = arith.muli %arg0, %mul3A_960 : i32
      %add3A_962 = arith.constant 12 : i32
      %add3A_963 = arith.addi %mul3A_961, %add3A_962 : i32
      %mul3A_964 = arith.constant 128 : i32
      %mul3A_965 = arith.muli %add3A_963, %mul3A_964 : i32
      %dma_wait3A_966 = tpu.memref_slice %arg4[%mul3A_965] : memref<4096xf32, #tpu.memory_space<hbm>> -> memref<128xf32, #tpu.memory_space<hbm>>
      %dma_wait3A_967 = tpu.memref_slice %arg4[%mul3A_965] : memref<4096xf32, #tpu.memory_space<hbm>> -> memref<128xf32, #tpu.memory_space<hbm>>
      tpu.wait_dma2 semaphore(%arg11 : memref<!tpu.dma_semaphore, #tpu.memory_space<semaphore_mem>>) src(%dma_wait3A_967 : memref<128xf32, #tpu.memory_space<hbm>>) dst(%arg10 : memref<128xf32, #tpu.memory_space<vmem>>)
      "tpu.region"() ({
        %run_scoped3A = tpu.sem_alloc : memref<!tpu.dma_semaphore, #tpu.memory_space<semaphore_mem>>
        %dma_start3A_968 = arith.constant 999872 : i32
        %dma_start3A_969 = tpu.memref_slice %arg6[%dma_start3A_968] : memref<1000000xf32, #tpu.memory_space<vmem_shared>> -> memref<128xf32, #tpu.memory_space<vmem_shared>>
        %dma_start3A_970 = arith.constant 999872 : i32
        %dma_start3A_971 = tpu.memref_slice %arg6[%dma_start3A_970] : memref<1000000xf32, #tpu.memory_space<vmem_shared>> -> memref<128xf32, #tpu.memory_space<vmem_shared>>
        tpu.enqueue_dma source(%arg10 : memref<128xf32, #tpu.memory_space<vmem>>) target(%dma_start3A_971 : memref<128xf32, #tpu.memory_space<vmem_shared>>) target_semaphore(%run_scoped3A : memref<!tpu.dma_semaphore, #tpu.memory_space<semaphore_mem>>)
        %dma_wait3A_972 = arith.constant 999872 : i32
        %dma_wait3A_973 = tpu.memref_slice %arg6[%dma_wait3A_972] : memref<1000000xf32, #tpu.memory_space<vmem_shared>> -> memref<128xf32, #tpu.memory_space<vmem_shared>>
        %dma_wait3A_974 = arith.constant 999872 : i32
        %dma_wait3A_975 = tpu.memref_slice %arg6[%dma_wait3A_974] : memref<1000000xf32, #tpu.memory_space<vmem_shared>> -> memref<128xf32, #tpu.memory_space<vmem_shared>>
        tpu.wait_dma2 semaphore(%run_scoped3A : memref<!tpu.dma_semaphore, #tpu.memory_space<semaphore_mem>>) src(%arg10 : memref<128xf32, #tpu.memory_space<vmem>>) dst(%dma_wait3A_975 : memref<128xf32, #tpu.memory_space<vmem_shared>>)
        tpu.yield
      }) : () -> ()
    } else {
    }
    %barrier3A_705 = arith.constant 0 : index
    tpu.barrier barrier_id(%barrier3A_705)
    %mul3A_706 = arith.constant 16 : i32
    %mul3A_707 = arith.muli %arg0, %mul3A_706 : i32
    %add3A_708 = arith.constant 10 : i32
    %add3A_709 = arith.addi %mul3A_707, %add3A_708 : i32
    %mul3A_710 = arith.constant 12800 : i32
    %mul3A_711 = arith.muli %arg1, %mul3A_710 : i32
    %dma_wait3A_712 = arith.constant 0 : i32
    %dma_wait3A_713 = tpu.memref_slice %arg5[%add3A_709, %mul3A_711] : memref<32x204800xf32, #tpu.memory_space<hbm>> -> memref<1x12800xf32, #tpu.memory_space<hbm>>
    %dma_wait3A_714 = tpu.memref_squeeze %dma_wait3A_713 : memref<1x12800xf32, #tpu.memory_space<hbm>> -> memref<12800xf32, #tpu.memory_space<hbm>>
    %dma_wait3A_715 = tpu.memref_slice %arg13[%dma_wait3A_712] : memref<2x!tpu.dma_semaphore, #tpu.memory_space<semaphore_mem>> -> memref<1x!tpu.dma_semaphore, #tpu.memory_space<semaphore_mem>>
    %dma_wait3A_716 = tpu.memref_squeeze %dma_wait3A_715 : memref<1x!tpu.dma_semaphore, #tpu.memory_space<semaphore_mem>> -> memref<!tpu.dma_semaphore, #tpu.memory_space<semaphore_mem>>
    %dma_wait3A_717 = tpu.memref_slice %arg5[%add3A_709, %mul3A_711] : memref<32x204800xf32, #tpu.memory_space<hbm>> -> memref<1x12800xf32, #tpu.memory_space<hbm>>
    %dma_wait3A_718 = tpu.memref_squeeze %dma_wait3A_717 : memref<1x12800xf32, #tpu.memory_space<hbm>> -> memref<12800xf32, #tpu.memory_space<hbm>>
    tpu.wait_dma2 semaphore(%dma_wait3A_716 : memref<!tpu.dma_semaphore, #tpu.memory_space<semaphore_mem>>) src(%arg8 : memref<12800xf32, #tpu.memory_space<vmem>>) dst(%dma_wait3A_718 : memref<12800xf32, #tpu.memory_space<hbm>>)
    %dma_start3A_719 = arith.constant 0 : i32
    %dma_start3A_720 = arith.constant 0 : i32
    %dma_start3A_721 = tpu.memref_slice %arg7[%dma_start3A_719, %dma_start3A_720] : memref<1x12800xi32, #tpu.memory_space<vmem>> -> memref<1x12800xi32, #tpu.memory_space<vmem>>
    %dma_start3A_722 = tpu.memref_squeeze %dma_start3A_721 : memref<1x12800xi32, #tpu.memory_space<vmem>> -> memref<12800xi32, #tpu.memory_space<vmem>>
    %dma_start3A_723 = arith.constant 0 : i32
    %dma_start3A_724 = tpu.memref_slice %arg6[%dma_start3A_723] : memref<1000000xf32, #tpu.memory_space<vmem_shared>> -> memref<1000000xf32, #tpu.memory_space<vmem_shared>>
    tpu.enqueue_indirect_dma source(%dma_start3A_724 : memref<1000000xf32, #tpu.memory_space<vmem_shared>>) target(%arg8 : memref<12800xf32, #tpu.memory_space<vmem>>) offsets(%dma_start3A_722 : memref<12800xi32, #tpu.memory_space<vmem>>) semaphore(%arg12 : memref<!tpu.dma_semaphore, #tpu.memory_space<semaphore_mem>>)
    %dma_wait3A_725 = arith.constant 0 : i32
    %dma_wait3A_726 = arith.constant 0 : i32
    %dma_wait3A_727 = tpu.memref_slice %arg7[%dma_wait3A_725, %dma_wait3A_726] : memref<1x12800xi32, #tpu.memory_space<vmem>> -> memref<1x12800xi32, #tpu.memory_space<vmem>>
    %dma_wait3A_728 = tpu.memref_squeeze %dma_wait3A_727 : memref<1x12800xi32, #tpu.memory_space<vmem>> -> memref<12800xi32, #tpu.memory_space<vmem>>
    %dma_wait3A_729 = arith.constant 0 : i32
    %dma_wait3A_730 = tpu.memref_slice %arg6[%dma_wait3A_729] : memref<1000000xf32, #tpu.memory_space<vmem_shared>> -> memref<1000000xf32, #tpu.memory_space<vmem_shared>>
    tpu.wait_indirect_dma semaphore(%arg12 : memref<!tpu.dma_semaphore, #tpu.memory_space<semaphore_mem>>) src(%dma_wait3A_730 : memref<1000000xf32, #tpu.memory_space<vmem_shared>>) dst(%arg8 : memref<12800xf32, #tpu.memory_space<vmem>>)
    %mul3A_731 = arith.constant 16 : i32
    %mul3A_732 = arith.muli %arg0, %mul3A_731 : i32
    %add3A_733 = arith.constant 12 : i32
    %add3A_734 = arith.addi %mul3A_732, %add3A_733 : i32
    %mul3A_735 = arith.constant 12800 : i32
    %mul3A_736 = arith.muli %arg1, %mul3A_735 : i32
    %dma_start3A_737 = arith.constant 0 : i32
    %dma_start3A_738 = tpu.memref_slice %arg5[%add3A_734, %mul3A_736] : memref<32x204800xf32, #tpu.memory_space<hbm>> -> memref<1x12800xf32, #tpu.memory_space<hbm>>
    %dma_start3A_739 = tpu.memref_squeeze %dma_start3A_738 : memref<1x12800xf32, #tpu.memory_space<hbm>> -> memref<12800xf32, #tpu.memory_space<hbm>>
    %dma_start3A_740 = tpu.memref_slice %arg13[%dma_start3A_737] : memref<2x!tpu.dma_semaphore, #tpu.memory_space<semaphore_mem>> -> memref<1x!tpu.dma_semaphore, #tpu.memory_space<semaphore_mem>>
    %dma_start3A_741 = tpu.memref_squeeze %dma_start3A_740 : memref<1x!tpu.dma_semaphore, #tpu.memory_space<semaphore_mem>> -> memref<!tpu.dma_semaphore, #tpu.memory_space<semaphore_mem>>
    %dma_start3A_742 = tpu.memref_slice %arg5[%add3A_734, %mul3A_736] : memref<32x204800xf32, #tpu.memory_space<hbm>> -> memref<1x12800xf32, #tpu.memory_space<hbm>>
    %dma_start3A_743 = tpu.memref_squeeze %dma_start3A_742 : memref<1x12800xf32, #tpu.memory_space<hbm>> -> memref<12800xf32, #tpu.memory_space<hbm>>
    tpu.enqueue_dma source(%arg8 : memref<12800xf32, #tpu.memory_space<vmem>>) target(%dma_start3A_743 : memref<12800xf32, #tpu.memory_space<hbm>>) target_semaphore(%dma_start3A_741 : memref<!tpu.dma_semaphore, #tpu.memory_space<semaphore_mem>>)
    %barrier3A_744 = arith.constant 0 : index
    tpu.barrier barrier_id(%barrier3A_744)
    %lt3A_745 = arith.constant 15 : i32
    %lt3A_746 = arith.cmpi slt, %arg1, %lt3A_745 : i32
    %convert_element_type3A_747 = arith.extui %lt3A_746 : i1 to i32
    %cond3A_748 = arith.constant 0 : i32
    %cond3A_749 = arith.cmpi ne, %convert_element_type3A_747, %cond3A_748 : i32
    scf.if %cond3A_749 {
      %mul3A_951 = arith.constant 16 : i32
      %mul3A_952 = arith.muli %arg0, %mul3A_951 : i32
      %add3A_953 = arith.constant 13 : i32
      %add3A_954 = arith.addi %mul3A_952, %add3A_953 : i32
      %mul3A_955 = arith.constant 62464 : i32
      %mul3A_956 = arith.muli %arg1, %mul3A_955 : i32
      %mul3A_957 = arith.constant 62464 : i32
      %mul3A_958 = arith.muli %arg1, %mul3A_957 : i32
      %dma_start3A_959 = tpu.memref_slice %arg6[%mul3A_958] : memref<1000000xf32, #tpu.memory_space<vmem_shared>> -> memref<62464xf32, #tpu.memory_space<vmem_shared>>
      %dma_start3A_960 = tpu.memref_slice %arg3[%add3A_954, %mul3A_956] : memref<32x1000000xf32, #tpu.memory_space<hbm>> -> memref<1x62464xf32, #tpu.memory_space<hbm>>
      %dma_start3A_961 = tpu.memref_squeeze %dma_start3A_960 : memref<1x62464xf32, #tpu.memory_space<hbm>> -> memref<62464xf32, #tpu.memory_space<hbm>>
      tpu.enqueue_dma source(%dma_start3A_961 : memref<62464xf32, #tpu.memory_space<hbm>>) target(%dma_start3A_959 : memref<62464xf32, #tpu.memory_space<vmem_shared>>) target_semaphore(%arg11 : memref<!tpu.dma_semaphore, #tpu.memory_space<semaphore_mem>>)
    } else {
    }
    %eq3A_750 = arith.constant 15 : i32
    %eq3A_751 = arith.cmpi eq, %arg1, %eq3A_750 : i32
    %convert_element_type3A_752 = arith.extui %eq3A_751 : i1 to i32
    %cond3A_753 = arith.constant 0 : i32
    %cond3A_754 = arith.cmpi ne, %convert_element_type3A_752, %cond3A_753 : i32
    scf.if %cond3A_754 {
      %mul3A_951 = arith.constant 16 : i32
      %mul3A_952 = arith.muli %arg0, %mul3A_951 : i32
      %add3A_953 = arith.constant 13 : i32
      %add3A_954 = arith.addi %mul3A_952, %add3A_953 : i32
      %dma_start3A_955 = arith.constant 936960 : i32
      %dma_start3A_956 = tpu.memref_slice %arg6[%dma_start3A_955] : memref<1000000xf32, #tpu.memory_space<vmem_shared>> -> memref<62976xf32, #tpu.memory_space<vmem_shared>>
      %dma_start3A_957 = arith.constant 936960 : i32
      %dma_start3A_958 = tpu.memref_slice %arg3[%add3A_954, %dma_start3A_957] : memref<32x1000000xf32, #tpu.memory_space<hbm>> -> memref<1x62976xf32, #tpu.memory_space<hbm>>
      %dma_start3A_959 = tpu.memref_squeeze %dma_start3A_958 : memref<1x62976xf32, #tpu.memory_space<hbm>> -> memref<62976xf32, #tpu.memory_space<hbm>>
      tpu.enqueue_dma source(%dma_start3A_959 : memref<62976xf32, #tpu.memory_space<hbm>>) target(%dma_start3A_956 : memref<62976xf32, #tpu.memory_space<vmem_shared>>) target_semaphore(%arg11 : memref<!tpu.dma_semaphore, #tpu.memory_space<semaphore_mem>>)
      %mul3A_960 = arith.constant 16 : i32
      %mul3A_961 = arith.muli %arg0, %mul3A_960 : i32
      %add3A_962 = arith.constant 13 : i32
      %add3A_963 = arith.addi %mul3A_961, %add3A_962 : i32
      %mul3A_964 = arith.constant 128 : i32
      %mul3A_965 = arith.muli %add3A_963, %mul3A_964 : i32
      %dma_start3A_966 = tpu.memref_slice %arg4[%mul3A_965] : memref<4096xf32, #tpu.memory_space<hbm>> -> memref<128xf32, #tpu.memory_space<hbm>>
      %dma_start3A_967 = tpu.memref_slice %arg4[%mul3A_965] : memref<4096xf32, #tpu.memory_space<hbm>> -> memref<128xf32, #tpu.memory_space<hbm>>
      tpu.enqueue_dma source(%dma_start3A_967 : memref<128xf32, #tpu.memory_space<hbm>>) target(%arg10 : memref<128xf32, #tpu.memory_space<vmem>>) target_semaphore(%arg11 : memref<!tpu.dma_semaphore, #tpu.memory_space<semaphore_mem>>)
    } else {
    }
    %lt3A_755 = arith.constant 15 : i32
    %lt3A_756 = arith.cmpi slt, %arg1, %lt3A_755 : i32
    %convert_element_type3A_757 = arith.extui %lt3A_756 : i1 to i32
    %cond3A_758 = arith.constant 0 : i32
    %cond3A_759 = arith.cmpi ne, %convert_element_type3A_757, %cond3A_758 : i32
    scf.if %cond3A_759 {
      %mul3A_951 = arith.constant 16 : i32
      %mul3A_952 = arith.muli %arg0, %mul3A_951 : i32
      %add3A_953 = arith.constant 13 : i32
      %add3A_954 = arith.addi %mul3A_952, %add3A_953 : i32
      %mul3A_955 = arith.constant 62464 : i32
      %mul3A_956 = arith.muli %arg1, %mul3A_955 : i32
      %mul3A_957 = arith.constant 62464 : i32
      %mul3A_958 = arith.muli %arg1, %mul3A_957 : i32
      %dma_wait3A_959 = tpu.memref_slice %arg6[%mul3A_958] : memref<1000000xf32, #tpu.memory_space<vmem_shared>> -> memref<62464xf32, #tpu.memory_space<vmem_shared>>
      %dma_wait3A_960 = tpu.memref_slice %arg3[%add3A_954, %mul3A_956] : memref<32x1000000xf32, #tpu.memory_space<hbm>> -> memref<1x62464xf32, #tpu.memory_space<hbm>>
      %dma_wait3A_961 = tpu.memref_squeeze %dma_wait3A_960 : memref<1x62464xf32, #tpu.memory_space<hbm>> -> memref<62464xf32, #tpu.memory_space<hbm>>
      tpu.wait_dma2 semaphore(%arg11 : memref<!tpu.dma_semaphore, #tpu.memory_space<semaphore_mem>>) src(%dma_wait3A_961 : memref<62464xf32, #tpu.memory_space<hbm>>) dst(%dma_wait3A_959 : memref<62464xf32, #tpu.memory_space<vmem_shared>>)
    } else {
    }
    %eq3A_760 = arith.constant 15 : i32
    %eq3A_761 = arith.cmpi eq, %arg1, %eq3A_760 : i32
    %convert_element_type3A_762 = arith.extui %eq3A_761 : i1 to i32
    %cond3A_763 = arith.constant 0 : i32
    %cond3A_764 = arith.cmpi ne, %convert_element_type3A_762, %cond3A_763 : i32
    scf.if %cond3A_764 {
      %mul3A_951 = arith.constant 16 : i32
      %mul3A_952 = arith.muli %arg0, %mul3A_951 : i32
      %add3A_953 = arith.constant 13 : i32
      %add3A_954 = arith.addi %mul3A_952, %add3A_953 : i32
      %dma_wait3A_955 = arith.constant 936960 : i32
      %dma_wait3A_956 = tpu.memref_slice %arg6[%dma_wait3A_955] : memref<1000000xf32, #tpu.memory_space<vmem_shared>> -> memref<62976xf32, #tpu.memory_space<vmem_shared>>
      %dma_wait3A_957 = arith.constant 936960 : i32
      %dma_wait3A_958 = tpu.memref_slice %arg3[%add3A_954, %dma_wait3A_957] : memref<32x1000000xf32, #tpu.memory_space<hbm>> -> memref<1x62976xf32, #tpu.memory_space<hbm>>
      %dma_wait3A_959 = tpu.memref_squeeze %dma_wait3A_958 : memref<1x62976xf32, #tpu.memory_space<hbm>> -> memref<62976xf32, #tpu.memory_space<hbm>>
      tpu.wait_dma2 semaphore(%arg11 : memref<!tpu.dma_semaphore, #tpu.memory_space<semaphore_mem>>) src(%dma_wait3A_959 : memref<62976xf32, #tpu.memory_space<hbm>>) dst(%dma_wait3A_956 : memref<62976xf32, #tpu.memory_space<vmem_shared>>)
      %mul3A_960 = arith.constant 16 : i32
      %mul3A_961 = arith.muli %arg0, %mul3A_960 : i32
      %add3A_962 = arith.constant 13 : i32
      %add3A_963 = arith.addi %mul3A_961, %add3A_962 : i32
      %mul3A_964 = arith.constant 128 : i32
      %mul3A_965 = arith.muli %add3A_963, %mul3A_964 : i32
      %dma_wait3A_966 = tpu.memref_slice %arg4[%mul3A_965] : memref<4096xf32, #tpu.memory_space<hbm>> -> memref<128xf32, #tpu.memory_space<hbm>>
      %dma_wait3A_967 = tpu.memref_slice %arg4[%mul3A_965] : memref<4096xf32, #tpu.memory_space<hbm>> -> memref<128xf32, #tpu.memory_space<hbm>>
      tpu.wait_dma2 semaphore(%arg11 : memref<!tpu.dma_semaphore, #tpu.memory_space<semaphore_mem>>) src(%dma_wait3A_967 : memref<128xf32, #tpu.memory_space<hbm>>) dst(%arg10 : memref<128xf32, #tpu.memory_space<vmem>>)
      "tpu.region"() ({
        %run_scoped3A = tpu.sem_alloc : memref<!tpu.dma_semaphore, #tpu.memory_space<semaphore_mem>>
        %dma_start3A_968 = arith.constant 999872 : i32
        %dma_start3A_969 = tpu.memref_slice %arg6[%dma_start3A_968] : memref<1000000xf32, #tpu.memory_space<vmem_shared>> -> memref<128xf32, #tpu.memory_space<vmem_shared>>
        %dma_start3A_970 = arith.constant 999872 : i32
        %dma_start3A_971 = tpu.memref_slice %arg6[%dma_start3A_970] : memref<1000000xf32, #tpu.memory_space<vmem_shared>> -> memref<128xf32, #tpu.memory_space<vmem_shared>>
        tpu.enqueue_dma source(%arg10 : memref<128xf32, #tpu.memory_space<vmem>>) target(%dma_start3A_971 : memref<128xf32, #tpu.memory_space<vmem_shared>>) target_semaphore(%run_scoped3A : memref<!tpu.dma_semaphore, #tpu.memory_space<semaphore_mem>>)
        %dma_wait3A_972 = arith.constant 999872 : i32
        %dma_wait3A_973 = tpu.memref_slice %arg6[%dma_wait3A_972] : memref<1000000xf32, #tpu.memory_space<vmem_shared>> -> memref<128xf32, #tpu.memory_space<vmem_shared>>
        %dma_wait3A_974 = arith.constant 999872 : i32
        %dma_wait3A_975 = tpu.memref_slice %arg6[%dma_wait3A_974] : memref<1000000xf32, #tpu.memory_space<vmem_shared>> -> memref<128xf32, #tpu.memory_space<vmem_shared>>
        tpu.wait_dma2 semaphore(%run_scoped3A : memref<!tpu.dma_semaphore, #tpu.memory_space<semaphore_mem>>) src(%arg10 : memref<128xf32, #tpu.memory_space<vmem>>) dst(%dma_wait3A_975 : memref<128xf32, #tpu.memory_space<vmem_shared>>)
        tpu.yield
      }) : () -> ()
    } else {
    }
    %barrier3A_765 = arith.constant 0 : index
    tpu.barrier barrier_id(%barrier3A_765)
    %mul3A_766 = arith.constant 16 : i32
    %mul3A_767 = arith.muli %arg0, %mul3A_766 : i32
    %add3A_768 = arith.constant 11 : i32
    %add3A_769 = arith.addi %mul3A_767, %add3A_768 : i32
    %mul3A_770 = arith.constant 12800 : i32
    %mul3A_771 = arith.muli %arg1, %mul3A_770 : i32
    %dma_wait3A_772 = arith.constant 1 : i32
    %dma_wait3A_773 = tpu.memref_slice %arg5[%add3A_769, %mul3A_771] : memref<32x204800xf32, #tpu.memory_space<hbm>> -> memref<1x12800xf32, #tpu.memory_space<hbm>>
    %dma_wait3A_774 = tpu.memref_squeeze %dma_wait3A_773 : memref<1x12800xf32, #tpu.memory_space<hbm>> -> memref<12800xf32, #tpu.memory_space<hbm>>
    %dma_wait3A_775 = tpu.memref_slice %arg13[%dma_wait3A_772] : memref<2x!tpu.dma_semaphore, #tpu.memory_space<semaphore_mem>> -> memref<1x!tpu.dma_semaphore, #tpu.memory_space<semaphore_mem>>
    %dma_wait3A_776 = tpu.memref_squeeze %dma_wait3A_775 : memref<1x!tpu.dma_semaphore, #tpu.memory_space<semaphore_mem>> -> memref<!tpu.dma_semaphore, #tpu.memory_space<semaphore_mem>>
    %dma_wait3A_777 = tpu.memref_slice %arg5[%add3A_769, %mul3A_771] : memref<32x204800xf32, #tpu.memory_space<hbm>> -> memref<1x12800xf32, #tpu.memory_space<hbm>>
    %dma_wait3A_778 = tpu.memref_squeeze %dma_wait3A_777 : memref<1x12800xf32, #tpu.memory_space<hbm>> -> memref<12800xf32, #tpu.memory_space<hbm>>
    tpu.wait_dma2 semaphore(%dma_wait3A_776 : memref<!tpu.dma_semaphore, #tpu.memory_space<semaphore_mem>>) src(%arg9 : memref<12800xf32, #tpu.memory_space<vmem>>) dst(%dma_wait3A_778 : memref<12800xf32, #tpu.memory_space<hbm>>)
    %dma_start3A_779 = arith.constant 0 : i32
    %dma_start3A_780 = arith.constant 0 : i32
    %dma_start3A_781 = tpu.memref_slice %arg7[%dma_start3A_779, %dma_start3A_780] : memref<1x12800xi32, #tpu.memory_space<vmem>> -> memref<1x12800xi32, #tpu.memory_space<vmem>>
    %dma_start3A_782 = tpu.memref_squeeze %dma_start3A_781 : memref<1x12800xi32, #tpu.memory_space<vmem>> -> memref<12800xi32, #tpu.memory_space<vmem>>
    %dma_start3A_783 = arith.constant 0 : i32
    %dma_start3A_784 = tpu.memref_slice %arg6[%dma_start3A_783] : memref<1000000xf32, #tpu.memory_space<vmem_shared>> -> memref<1000000xf32, #tpu.memory_space<vmem_shared>>
    tpu.enqueue_indirect_dma source(%dma_start3A_784 : memref<1000000xf32, #tpu.memory_space<vmem_shared>>) target(%arg9 : memref<12800xf32, #tpu.memory_space<vmem>>) offsets(%dma_start3A_782 : memref<12800xi32, #tpu.memory_space<vmem>>) semaphore(%arg12 : memref<!tpu.dma_semaphore, #tpu.memory_space<semaphore_mem>>)
    %dma_wait3A_785 = arith.constant 0 : i32
    %dma_wait3A_786 = arith.constant 0 : i32
    %dma_wait3A_787 = tpu.memref_slice %arg7[%dma_wait3A_785, %dma_wait3A_786] : memref<1x12800xi32, #tpu.memory_space<vmem>> -> memref<1x12800xi32, #tpu.memory_space<vmem>>
    %dma_wait3A_788 = tpu.memref_squeeze %dma_wait3A_787 : memref<1x12800xi32, #tpu.memory_space<vmem>> -> memref<12800xi32, #tpu.memory_space<vmem>>
    %dma_wait3A_789 = arith.constant 0 : i32
    %dma_wait3A_790 = tpu.memref_slice %arg6[%dma_wait3A_789] : memref<1000000xf32, #tpu.memory_space<vmem_shared>> -> memref<1000000xf32, #tpu.memory_space<vmem_shared>>
    tpu.wait_indirect_dma semaphore(%arg12 : memref<!tpu.dma_semaphore, #tpu.memory_space<semaphore_mem>>) src(%dma_wait3A_790 : memref<1000000xf32, #tpu.memory_space<vmem_shared>>) dst(%arg9 : memref<12800xf32, #tpu.memory_space<vmem>>)
    %mul3A_791 = arith.constant 16 : i32
    %mul3A_792 = arith.muli %arg0, %mul3A_791 : i32
    %add3A_793 = arith.constant 13 : i32
    %add3A_794 = arith.addi %mul3A_792, %add3A_793 : i32
    %mul3A_795 = arith.constant 12800 : i32
    %mul3A_796 = arith.muli %arg1, %mul3A_795 : i32
    %dma_start3A_797 = arith.constant 1 : i32
    %dma_start3A_798 = tpu.memref_slice %arg5[%add3A_794, %mul3A_796] : memref<32x204800xf32, #tpu.memory_space<hbm>> -> memref<1x12800xf32, #tpu.memory_space<hbm>>
    %dma_start3A_799 = tpu.memref_squeeze %dma_start3A_798 : memref<1x12800xf32, #tpu.memory_space<hbm>> -> memref<12800xf32, #tpu.memory_space<hbm>>
    %dma_start3A_800 = tpu.memref_slice %arg13[%dma_start3A_797] : memref<2x!tpu.dma_semaphore, #tpu.memory_space<semaphore_mem>> -> memref<1x!tpu.dma_semaphore, #tpu.memory_space<semaphore_mem>>
    %dma_start3A_801 = tpu.memref_squeeze %dma_start3A_800 : memref<1x!tpu.dma_semaphore, #tpu.memory_space<semaphore_mem>> -> memref<!tpu.dma_semaphore, #tpu.memory_space<semaphore_mem>>
    %dma_start3A_802 = tpu.memref_slice %arg5[%add3A_794, %mul3A_796] : memref<32x204800xf32, #tpu.memory_space<hbm>> -> memref<1x12800xf32, #tpu.memory_space<hbm>>
    %dma_start3A_803 = tpu.memref_squeeze %dma_start3A_802 : memref<1x12800xf32, #tpu.memory_space<hbm>> -> memref<12800xf32, #tpu.memory_space<hbm>>
    tpu.enqueue_dma source(%arg9 : memref<12800xf32, #tpu.memory_space<vmem>>) target(%dma_start3A_803 : memref<12800xf32, #tpu.memory_space<hbm>>) target_semaphore(%dma_start3A_801 : memref<!tpu.dma_semaphore, #tpu.memory_space<semaphore_mem>>)
    %barrier3A_804 = arith.constant 0 : index
    tpu.barrier barrier_id(%barrier3A_804)
    %lt3A_805 = arith.constant 15 : i32
    %lt3A_806 = arith.cmpi slt, %arg1, %lt3A_805 : i32
    %convert_element_type3A_807 = arith.extui %lt3A_806 : i1 to i32
    %cond3A_808 = arith.constant 0 : i32
    %cond3A_809 = arith.cmpi ne, %convert_element_type3A_807, %cond3A_808 : i32
    scf.if %cond3A_809 {
      %mul3A_951 = arith.constant 16 : i32
      %mul3A_952 = arith.muli %arg0, %mul3A_951 : i32
      %add3A_953 = arith.constant 14 : i32
      %add3A_954 = arith.addi %mul3A_952, %add3A_953 : i32
      %mul3A_955 = arith.constant 62464 : i32
      %mul3A_956 = arith.muli %arg1, %mul3A_955 : i32
      %mul3A_957 = arith.constant 62464 : i32
      %mul3A_958 = arith.muli %arg1, %mul3A_957 : i32
      %dma_start3A_959 = tpu.memref_slice %arg6[%mul3A_958] : memref<1000000xf32, #tpu.memory_space<vmem_shared>> -> memref<62464xf32, #tpu.memory_space<vmem_shared>>
      %dma_start3A_960 = tpu.memref_slice %arg3[%add3A_954, %mul3A_956] : memref<32x1000000xf32, #tpu.memory_space<hbm>> -> memref<1x62464xf32, #tpu.memory_space<hbm>>
      %dma_start3A_961 = tpu.memref_squeeze %dma_start3A_960 : memref<1x62464xf32, #tpu.memory_space<hbm>> -> memref<62464xf32, #tpu.memory_space<hbm>>
      tpu.enqueue_dma source(%dma_start3A_961 : memref<62464xf32, #tpu.memory_space<hbm>>) target(%dma_start3A_959 : memref<62464xf32, #tpu.memory_space<vmem_shared>>) target_semaphore(%arg11 : memref<!tpu.dma_semaphore, #tpu.memory_space<semaphore_mem>>)
    } else {
    }
    %eq3A_810 = arith.constant 15 : i32
    %eq3A_811 = arith.cmpi eq, %arg1, %eq3A_810 : i32
    %convert_element_type3A_812 = arith.extui %eq3A_811 : i1 to i32
    %cond3A_813 = arith.constant 0 : i32
    %cond3A_814 = arith.cmpi ne, %convert_element_type3A_812, %cond3A_813 : i32
    scf.if %cond3A_814 {
      %mul3A_951 = arith.constant 16 : i32
      %mul3A_952 = arith.muli %arg0, %mul3A_951 : i32
      %add3A_953 = arith.constant 14 : i32
      %add3A_954 = arith.addi %mul3A_952, %add3A_953 : i32
      %dma_start3A_955 = arith.constant 936960 : i32
      %dma_start3A_956 = tpu.memref_slice %arg6[%dma_start3A_955] : memref<1000000xf32, #tpu.memory_space<vmem_shared>> -> memref<62976xf32, #tpu.memory_space<vmem_shared>>
      %dma_start3A_957 = arith.constant 936960 : i32
      %dma_start3A_958 = tpu.memref_slice %arg3[%add3A_954, %dma_start3A_957] : memref<32x1000000xf32, #tpu.memory_space<hbm>> -> memref<1x62976xf32, #tpu.memory_space<hbm>>
      %dma_start3A_959 = tpu.memref_squeeze %dma_start3A_958 : memref<1x62976xf32, #tpu.memory_space<hbm>> -> memref<62976xf32, #tpu.memory_space<hbm>>
      tpu.enqueue_dma source(%dma_start3A_959 : memref<62976xf32, #tpu.memory_space<hbm>>) target(%dma_start3A_956 : memref<62976xf32, #tpu.memory_space<vmem_shared>>) target_semaphore(%arg11 : memref<!tpu.dma_semaphore, #tpu.memory_space<semaphore_mem>>)
      %mul3A_960 = arith.constant 16 : i32
      %mul3A_961 = arith.muli %arg0, %mul3A_960 : i32
      %add3A_962 = arith.constant 14 : i32
      %add3A_963 = arith.addi %mul3A_961, %add3A_962 : i32
      %mul3A_964 = arith.constant 128 : i32
      %mul3A_965 = arith.muli %add3A_963, %mul3A_964 : i32
      %dma_start3A_966 = tpu.memref_slice %arg4[%mul3A_965] : memref<4096xf32, #tpu.memory_space<hbm>> -> memref<128xf32, #tpu.memory_space<hbm>>
      %dma_start3A_967 = tpu.memref_slice %arg4[%mul3A_965] : memref<4096xf32, #tpu.memory_space<hbm>> -> memref<128xf32, #tpu.memory_space<hbm>>
      tpu.enqueue_dma source(%dma_start3A_967 : memref<128xf32, #tpu.memory_space<hbm>>) target(%arg10 : memref<128xf32, #tpu.memory_space<vmem>>) target_semaphore(%arg11 : memref<!tpu.dma_semaphore, #tpu.memory_space<semaphore_mem>>)
    } else {
    }
    %lt3A_815 = arith.constant 15 : i32
    %lt3A_816 = arith.cmpi slt, %arg1, %lt3A_815 : i32
    %convert_element_type3A_817 = arith.extui %lt3A_816 : i1 to i32
    %cond3A_818 = arith.constant 0 : i32
    %cond3A_819 = arith.cmpi ne, %convert_element_type3A_817, %cond3A_818 : i32
    scf.if %cond3A_819 {
      %mul3A_951 = arith.constant 16 : i32
      %mul3A_952 = arith.muli %arg0, %mul3A_951 : i32
      %add3A_953 = arith.constant 14 : i32
      %add3A_954 = arith.addi %mul3A_952, %add3A_953 : i32
      %mul3A_955 = arith.constant 62464 : i32
      %mul3A_956 = arith.muli %arg1, %mul3A_955 : i32
      %mul3A_957 = arith.constant 62464 : i32
      %mul3A_958 = arith.muli %arg1, %mul3A_957 : i32
      %dma_wait3A_959 = tpu.memref_slice %arg6[%mul3A_958] : memref<1000000xf32, #tpu.memory_space<vmem_shared>> -> memref<62464xf32, #tpu.memory_space<vmem_shared>>
      %dma_wait3A_960 = tpu.memref_slice %arg3[%add3A_954, %mul3A_956] : memref<32x1000000xf32, #tpu.memory_space<hbm>> -> memref<1x62464xf32, #tpu.memory_space<hbm>>
      %dma_wait3A_961 = tpu.memref_squeeze %dma_wait3A_960 : memref<1x62464xf32, #tpu.memory_space<hbm>> -> memref<62464xf32, #tpu.memory_space<hbm>>
      tpu.wait_dma2 semaphore(%arg11 : memref<!tpu.dma_semaphore, #tpu.memory_space<semaphore_mem>>) src(%dma_wait3A_961 : memref<62464xf32, #tpu.memory_space<hbm>>) dst(%dma_wait3A_959 : memref<62464xf32, #tpu.memory_space<vmem_shared>>)
    } else {
    }
    %eq3A_820 = arith.constant 15 : i32
    %eq3A_821 = arith.cmpi eq, %arg1, %eq3A_820 : i32
    %convert_element_type3A_822 = arith.extui %eq3A_821 : i1 to i32
    %cond3A_823 = arith.constant 0 : i32
    %cond3A_824 = arith.cmpi ne, %convert_element_type3A_822, %cond3A_823 : i32
    scf.if %cond3A_824 {
      %mul3A_951 = arith.constant 16 : i32
      %mul3A_952 = arith.muli %arg0, %mul3A_951 : i32
      %add3A_953 = arith.constant 14 : i32
      %add3A_954 = arith.addi %mul3A_952, %add3A_953 : i32
      %dma_wait3A_955 = arith.constant 936960 : i32
      %dma_wait3A_956 = tpu.memref_slice %arg6[%dma_wait3A_955] : memref<1000000xf32, #tpu.memory_space<vmem_shared>> -> memref<62976xf32, #tpu.memory_space<vmem_shared>>
      %dma_wait3A_957 = arith.constant 936960 : i32
      %dma_wait3A_958 = tpu.memref_slice %arg3[%add3A_954, %dma_wait3A_957] : memref<32x1000000xf32, #tpu.memory_space<hbm>> -> memref<1x62976xf32, #tpu.memory_space<hbm>>
      %dma_wait3A_959 = tpu.memref_squeeze %dma_wait3A_958 : memref<1x62976xf32, #tpu.memory_space<hbm>> -> memref<62976xf32, #tpu.memory_space<hbm>>
      tpu.wait_dma2 semaphore(%arg11 : memref<!tpu.dma_semaphore, #tpu.memory_space<semaphore_mem>>) src(%dma_wait3A_959 : memref<62976xf32, #tpu.memory_space<hbm>>) dst(%dma_wait3A_956 : memref<62976xf32, #tpu.memory_space<vmem_shared>>)
      %mul3A_960 = arith.constant 16 : i32
      %mul3A_961 = arith.muli %arg0, %mul3A_960 : i32
      %add3A_962 = arith.constant 14 : i32
      %add3A_963 = arith.addi %mul3A_961, %add3A_962 : i32
      %mul3A_964 = arith.constant 128 : i32
      %mul3A_965 = arith.muli %add3A_963, %mul3A_964 : i32
      %dma_wait3A_966 = tpu.memref_slice %arg4[%mul3A_965] : memref<4096xf32, #tpu.memory_space<hbm>> -> memref<128xf32, #tpu.memory_space<hbm>>
      %dma_wait3A_967 = tpu.memref_slice %arg4[%mul3A_965] : memref<4096xf32, #tpu.memory_space<hbm>> -> memref<128xf32, #tpu.memory_space<hbm>>
      tpu.wait_dma2 semaphore(%arg11 : memref<!tpu.dma_semaphore, #tpu.memory_space<semaphore_mem>>) src(%dma_wait3A_967 : memref<128xf32, #tpu.memory_space<hbm>>) dst(%arg10 : memref<128xf32, #tpu.memory_space<vmem>>)
      "tpu.region"() ({
        %run_scoped3A = tpu.sem_alloc : memref<!tpu.dma_semaphore, #tpu.memory_space<semaphore_mem>>
        %dma_start3A_968 = arith.constant 999872 : i32
        %dma_start3A_969 = tpu.memref_slice %arg6[%dma_start3A_968] : memref<1000000xf32, #tpu.memory_space<vmem_shared>> -> memref<128xf32, #tpu.memory_space<vmem_shared>>
        %dma_start3A_970 = arith.constant 999872 : i32
        %dma_start3A_971 = tpu.memref_slice %arg6[%dma_start3A_970] : memref<1000000xf32, #tpu.memory_space<vmem_shared>> -> memref<128xf32, #tpu.memory_space<vmem_shared>>
        tpu.enqueue_dma source(%arg10 : memref<128xf32, #tpu.memory_space<vmem>>) target(%dma_start3A_971 : memref<128xf32, #tpu.memory_space<vmem_shared>>) target_semaphore(%run_scoped3A : memref<!tpu.dma_semaphore, #tpu.memory_space<semaphore_mem>>)
        %dma_wait3A_972 = arith.constant 999872 : i32
        %dma_wait3A_973 = tpu.memref_slice %arg6[%dma_wait3A_972] : memref<1000000xf32, #tpu.memory_space<vmem_shared>> -> memref<128xf32, #tpu.memory_space<vmem_shared>>
        %dma_wait3A_974 = arith.constant 999872 : i32
        %dma_wait3A_975 = tpu.memref_slice %arg6[%dma_wait3A_974] : memref<1000000xf32, #tpu.memory_space<vmem_shared>> -> memref<128xf32, #tpu.memory_space<vmem_shared>>
        tpu.wait_dma2 semaphore(%run_scoped3A : memref<!tpu.dma_semaphore, #tpu.memory_space<semaphore_mem>>) src(%arg10 : memref<128xf32, #tpu.memory_space<vmem>>) dst(%dma_wait3A_975 : memref<128xf32, #tpu.memory_space<vmem_shared>>)
        tpu.yield
      }) : () -> ()
    } else {
    }
    %barrier3A_825 = arith.constant 0 : index
    tpu.barrier barrier_id(%barrier3A_825)
    %mul3A_826 = arith.constant 16 : i32
    %mul3A_827 = arith.muli %arg0, %mul3A_826 : i32
    %add3A_828 = arith.constant 12 : i32
    %add3A_829 = arith.addi %mul3A_827, %add3A_828 : i32
    %mul3A_830 = arith.constant 12800 : i32
    %mul3A_831 = arith.muli %arg1, %mul3A_830 : i32
    %dma_wait3A_832 = arith.constant 0 : i32
    %dma_wait3A_833 = tpu.memref_slice %arg5[%add3A_829, %mul3A_831] : memref<32x204800xf32, #tpu.memory_space<hbm>> -> memref<1x12800xf32, #tpu.memory_space<hbm>>
    %dma_wait3A_834 = tpu.memref_squeeze %dma_wait3A_833 : memref<1x12800xf32, #tpu.memory_space<hbm>> -> memref<12800xf32, #tpu.memory_space<hbm>>
    %dma_wait3A_835 = tpu.memref_slice %arg13[%dma_wait3A_832] : memref<2x!tpu.dma_semaphore, #tpu.memory_space<semaphore_mem>> -> memref<1x!tpu.dma_semaphore, #tpu.memory_space<semaphore_mem>>
    %dma_wait3A_836 = tpu.memref_squeeze %dma_wait3A_835 : memref<1x!tpu.dma_semaphore, #tpu.memory_space<semaphore_mem>> -> memref<!tpu.dma_semaphore, #tpu.memory_space<semaphore_mem>>
    %dma_wait3A_837 = tpu.memref_slice %arg5[%add3A_829, %mul3A_831] : memref<32x204800xf32, #tpu.memory_space<hbm>> -> memref<1x12800xf32, #tpu.memory_space<hbm>>
    %dma_wait3A_838 = tpu.memref_squeeze %dma_wait3A_837 : memref<1x12800xf32, #tpu.memory_space<hbm>> -> memref<12800xf32, #tpu.memory_space<hbm>>
    tpu.wait_dma2 semaphore(%dma_wait3A_836 : memref<!tpu.dma_semaphore, #tpu.memory_space<semaphore_mem>>) src(%arg8 : memref<12800xf32, #tpu.memory_space<vmem>>) dst(%dma_wait3A_838 : memref<12800xf32, #tpu.memory_space<hbm>>)
    %dma_start3A_839 = arith.constant 0 : i32
    %dma_start3A_840 = arith.constant 0 : i32
    %dma_start3A_841 = tpu.memref_slice %arg7[%dma_start3A_839, %dma_start3A_840] : memref<1x12800xi32, #tpu.memory_space<vmem>> -> memref<1x12800xi32, #tpu.memory_space<vmem>>
    %dma_start3A_842 = tpu.memref_squeeze %dma_start3A_841 : memref<1x12800xi32, #tpu.memory_space<vmem>> -> memref<12800xi32, #tpu.memory_space<vmem>>
    %dma_start3A_843 = arith.constant 0 : i32
    %dma_start3A_844 = tpu.memref_slice %arg6[%dma_start3A_843] : memref<1000000xf32, #tpu.memory_space<vmem_shared>> -> memref<1000000xf32, #tpu.memory_space<vmem_shared>>
    tpu.enqueue_indirect_dma source(%dma_start3A_844 : memref<1000000xf32, #tpu.memory_space<vmem_shared>>) target(%arg8 : memref<12800xf32, #tpu.memory_space<vmem>>) offsets(%dma_start3A_842 : memref<12800xi32, #tpu.memory_space<vmem>>) semaphore(%arg12 : memref<!tpu.dma_semaphore, #tpu.memory_space<semaphore_mem>>)
    %dma_wait3A_845 = arith.constant 0 : i32
    %dma_wait3A_846 = arith.constant 0 : i32
    %dma_wait3A_847 = tpu.memref_slice %arg7[%dma_wait3A_845, %dma_wait3A_846] : memref<1x12800xi32, #tpu.memory_space<vmem>> -> memref<1x12800xi32, #tpu.memory_space<vmem>>
    %dma_wait3A_848 = tpu.memref_squeeze %dma_wait3A_847 : memref<1x12800xi32, #tpu.memory_space<vmem>> -> memref<12800xi32, #tpu.memory_space<vmem>>
    %dma_wait3A_849 = arith.constant 0 : i32
    %dma_wait3A_850 = tpu.memref_slice %arg6[%dma_wait3A_849] : memref<1000000xf32, #tpu.memory_space<vmem_shared>> -> memref<1000000xf32, #tpu.memory_space<vmem_shared>>
    tpu.wait_indirect_dma semaphore(%arg12 : memref<!tpu.dma_semaphore, #tpu.memory_space<semaphore_mem>>) src(%dma_wait3A_850 : memref<1000000xf32, #tpu.memory_space<vmem_shared>>) dst(%arg8 : memref<12800xf32, #tpu.memory_space<vmem>>)
    %mul3A_851 = arith.constant 16 : i32
    %mul3A_852 = arith.muli %arg0, %mul3A_851 : i32
    %add3A_853 = arith.constant 14 : i32
    %add3A_854 = arith.addi %mul3A_852, %add3A_853 : i32
    %mul3A_855 = arith.constant 12800 : i32
    %mul3A_856 = arith.muli %arg1, %mul3A_855 : i32
    %dma_start3A_857 = arith.constant 0 : i32
    %dma_start3A_858 = tpu.memref_slice %arg5[%add3A_854, %mul3A_856] : memref<32x204800xf32, #tpu.memory_space<hbm>> -> memref<1x12800xf32, #tpu.memory_space<hbm>>
    %dma_start3A_859 = tpu.memref_squeeze %dma_start3A_858 : memref<1x12800xf32, #tpu.memory_space<hbm>> -> memref<12800xf32, #tpu.memory_space<hbm>>
    %dma_start3A_860 = tpu.memref_slice %arg13[%dma_start3A_857] : memref<2x!tpu.dma_semaphore, #tpu.memory_space<semaphore_mem>> -> memref<1x!tpu.dma_semaphore, #tpu.memory_space<semaphore_mem>>
    %dma_start3A_861 = tpu.memref_squeeze %dma_start3A_860 : memref<1x!tpu.dma_semaphore, #tpu.memory_space<semaphore_mem>> -> memref<!tpu.dma_semaphore, #tpu.memory_space<semaphore_mem>>
    %dma_start3A_862 = tpu.memref_slice %arg5[%add3A_854, %mul3A_856] : memref<32x204800xf32, #tpu.memory_space<hbm>> -> memref<1x12800xf32, #tpu.memory_space<hbm>>
    %dma_start3A_863 = tpu.memref_squeeze %dma_start3A_862 : memref<1x12800xf32, #tpu.memory_space<hbm>> -> memref<12800xf32, #tpu.memory_space<hbm>>
    tpu.enqueue_dma source(%arg8 : memref<12800xf32, #tpu.memory_space<vmem>>) target(%dma_start3A_863 : memref<12800xf32, #tpu.memory_space<hbm>>) target_semaphore(%dma_start3A_861 : memref<!tpu.dma_semaphore, #tpu.memory_space<semaphore_mem>>)
    %barrier3A_864 = arith.constant 0 : index
    tpu.barrier barrier_id(%barrier3A_864)
    %lt3A_865 = arith.constant 15 : i32
    %lt3A_866 = arith.cmpi slt, %arg1, %lt3A_865 : i32
    %convert_element_type3A_867 = arith.extui %lt3A_866 : i1 to i32
    %cond3A_868 = arith.constant 0 : i32
    %cond3A_869 = arith.cmpi ne, %convert_element_type3A_867, %cond3A_868 : i32
    scf.if %cond3A_869 {
      %mul3A_951 = arith.constant 16 : i32
      %mul3A_952 = arith.muli %arg0, %mul3A_951 : i32
      %add3A_953 = arith.constant 15 : i32
      %add3A_954 = arith.addi %mul3A_952, %add3A_953 : i32
      %mul3A_955 = arith.constant 62464 : i32
      %mul3A_956 = arith.muli %arg1, %mul3A_955 : i32
      %mul3A_957 = arith.constant 62464 : i32
      %mul3A_958 = arith.muli %arg1, %mul3A_957 : i32
      %dma_start3A_959 = tpu.memref_slice %arg6[%mul3A_958] : memref<1000000xf32, #tpu.memory_space<vmem_shared>> -> memref<62464xf32, #tpu.memory_space<vmem_shared>>
      %dma_start3A_960 = tpu.memref_slice %arg3[%add3A_954, %mul3A_956] : memref<32x1000000xf32, #tpu.memory_space<hbm>> -> memref<1x62464xf32, #tpu.memory_space<hbm>>
      %dma_start3A_961 = tpu.memref_squeeze %dma_start3A_960 : memref<1x62464xf32, #tpu.memory_space<hbm>> -> memref<62464xf32, #tpu.memory_space<hbm>>
      tpu.enqueue_dma source(%dma_start3A_961 : memref<62464xf32, #tpu.memory_space<hbm>>) target(%dma_start3A_959 : memref<62464xf32, #tpu.memory_space<vmem_shared>>) target_semaphore(%arg11 : memref<!tpu.dma_semaphore, #tpu.memory_space<semaphore_mem>>)
    } else {
    }
    %eq3A_870 = arith.constant 15 : i32
    %eq3A_871 = arith.cmpi eq, %arg1, %eq3A_870 : i32
    %convert_element_type3A_872 = arith.extui %eq3A_871 : i1 to i32
    %cond3A_873 = arith.constant 0 : i32
    %cond3A_874 = arith.cmpi ne, %convert_element_type3A_872, %cond3A_873 : i32
    scf.if %cond3A_874 {
      %mul3A_951 = arith.constant 16 : i32
      %mul3A_952 = arith.muli %arg0, %mul3A_951 : i32
      %add3A_953 = arith.constant 15 : i32
      %add3A_954 = arith.addi %mul3A_952, %add3A_953 : i32
      %dma_start3A_955 = arith.constant 936960 : i32
      %dma_start3A_956 = tpu.memref_slice %arg6[%dma_start3A_955] : memref<1000000xf32, #tpu.memory_space<vmem_shared>> -> memref<62976xf32, #tpu.memory_space<vmem_shared>>
      %dma_start3A_957 = arith.constant 936960 : i32
      %dma_start3A_958 = tpu.memref_slice %arg3[%add3A_954, %dma_start3A_957] : memref<32x1000000xf32, #tpu.memory_space<hbm>> -> memref<1x62976xf32, #tpu.memory_space<hbm>>
      %dma_start3A_959 = tpu.memref_squeeze %dma_start3A_958 : memref<1x62976xf32, #tpu.memory_space<hbm>> -> memref<62976xf32, #tpu.memory_space<hbm>>
      tpu.enqueue_dma source(%dma_start3A_959 : memref<62976xf32, #tpu.memory_space<hbm>>) target(%dma_start3A_956 : memref<62976xf32, #tpu.memory_space<vmem_shared>>) target_semaphore(%arg11 : memref<!tpu.dma_semaphore, #tpu.memory_space<semaphore_mem>>)
      %mul3A_960 = arith.constant 16 : i32
      %mul3A_961 = arith.muli %arg0, %mul3A_960 : i32
      %add3A_962 = arith.constant 15 : i32
      %add3A_963 = arith.addi %mul3A_961, %add3A_962 : i32
      %mul3A_964 = arith.constant 128 : i32
      %mul3A_965 = arith.muli %add3A_963, %mul3A_964 : i32
      %dma_start3A_966 = tpu.memref_slice %arg4[%mul3A_965] : memref<4096xf32, #tpu.memory_space<hbm>> -> memref<128xf32, #tpu.memory_space<hbm>>
      %dma_start3A_967 = tpu.memref_slice %arg4[%mul3A_965] : memref<4096xf32, #tpu.memory_space<hbm>> -> memref<128xf32, #tpu.memory_space<hbm>>
      tpu.enqueue_dma source(%dma_start3A_967 : memref<128xf32, #tpu.memory_space<hbm>>) target(%arg10 : memref<128xf32, #tpu.memory_space<vmem>>) target_semaphore(%arg11 : memref<!tpu.dma_semaphore, #tpu.memory_space<semaphore_mem>>)
    } else {
    }
    %lt3A_875 = arith.constant 15 : i32
    %lt3A_876 = arith.cmpi slt, %arg1, %lt3A_875 : i32
    %convert_element_type3A_877 = arith.extui %lt3A_876 : i1 to i32
    %cond3A_878 = arith.constant 0 : i32
    %cond3A_879 = arith.cmpi ne, %convert_element_type3A_877, %cond3A_878 : i32
    scf.if %cond3A_879 {
      %mul3A_951 = arith.constant 16 : i32
      %mul3A_952 = arith.muli %arg0, %mul3A_951 : i32
      %add3A_953 = arith.constant 15 : i32
      %add3A_954 = arith.addi %mul3A_952, %add3A_953 : i32
      %mul3A_955 = arith.constant 62464 : i32
      %mul3A_956 = arith.muli %arg1, %mul3A_955 : i32
      %mul3A_957 = arith.constant 62464 : i32
      %mul3A_958 = arith.muli %arg1, %mul3A_957 : i32
      %dma_wait3A_959 = tpu.memref_slice %arg6[%mul3A_958] : memref<1000000xf32, #tpu.memory_space<vmem_shared>> -> memref<62464xf32, #tpu.memory_space<vmem_shared>>
      %dma_wait3A_960 = tpu.memref_slice %arg3[%add3A_954, %mul3A_956] : memref<32x1000000xf32, #tpu.memory_space<hbm>> -> memref<1x62464xf32, #tpu.memory_space<hbm>>
      %dma_wait3A_961 = tpu.memref_squeeze %dma_wait3A_960 : memref<1x62464xf32, #tpu.memory_space<hbm>> -> memref<62464xf32, #tpu.memory_space<hbm>>
      tpu.wait_dma2 semaphore(%arg11 : memref<!tpu.dma_semaphore, #tpu.memory_space<semaphore_mem>>) src(%dma_wait3A_961 : memref<62464xf32, #tpu.memory_space<hbm>>) dst(%dma_wait3A_959 : memref<62464xf32, #tpu.memory_space<vmem_shared>>)
    } else {
    }
    %eq3A_880 = arith.constant 15 : i32
    %eq3A_881 = arith.cmpi eq, %arg1, %eq3A_880 : i32
    %convert_element_type3A_882 = arith.extui %eq3A_881 : i1 to i32
    %cond3A_883 = arith.constant 0 : i32
    %cond3A_884 = arith.cmpi ne, %convert_element_type3A_882, %cond3A_883 : i32
    scf.if %cond3A_884 {
      %mul3A_951 = arith.constant 16 : i32
      %mul3A_952 = arith.muli %arg0, %mul3A_951 : i32
      %add3A_953 = arith.constant 15 : i32
      %add3A_954 = arith.addi %mul3A_952, %add3A_953 : i32
      %dma_wait3A_955 = arith.constant 936960 : i32
      %dma_wait3A_956 = tpu.memref_slice %arg6[%dma_wait3A_955] : memref<1000000xf32, #tpu.memory_space<vmem_shared>> -> memref<62976xf32, #tpu.memory_space<vmem_shared>>
      %dma_wait3A_957 = arith.constant 936960 : i32
      %dma_wait3A_958 = tpu.memref_slice %arg3[%add3A_954, %dma_wait3A_957] : memref<32x1000000xf32, #tpu.memory_space<hbm>> -> memref<1x62976xf32, #tpu.memory_space<hbm>>
      %dma_wait3A_959 = tpu.memref_squeeze %dma_wait3A_958 : memref<1x62976xf32, #tpu.memory_space<hbm>> -> memref<62976xf32, #tpu.memory_space<hbm>>
      tpu.wait_dma2 semaphore(%arg11 : memref<!tpu.dma_semaphore, #tpu.memory_space<semaphore_mem>>) src(%dma_wait3A_959 : memref<62976xf32, #tpu.memory_space<hbm>>) dst(%dma_wait3A_956 : memref<62976xf32, #tpu.memory_space<vmem_shared>>)
      %mul3A_960 = arith.constant 16 : i32
      %mul3A_961 = arith.muli %arg0, %mul3A_960 : i32
      %add3A_962 = arith.constant 15 : i32
      %add3A_963 = arith.addi %mul3A_961, %add3A_962 : i32
      %mul3A_964 = arith.constant 128 : i32
      %mul3A_965 = arith.muli %add3A_963, %mul3A_964 : i32
      %dma_wait3A_966 = tpu.memref_slice %arg4[%mul3A_965] : memref<4096xf32, #tpu.memory_space<hbm>> -> memref<128xf32, #tpu.memory_space<hbm>>
      %dma_wait3A_967 = tpu.memref_slice %arg4[%mul3A_965] : memref<4096xf32, #tpu.memory_space<hbm>> -> memref<128xf32, #tpu.memory_space<hbm>>
      tpu.wait_dma2 semaphore(%arg11 : memref<!tpu.dma_semaphore, #tpu.memory_space<semaphore_mem>>) src(%dma_wait3A_967 : memref<128xf32, #tpu.memory_space<hbm>>) dst(%arg10 : memref<128xf32, #tpu.memory_space<vmem>>)
      "tpu.region"() ({
        %run_scoped3A = tpu.sem_alloc : memref<!tpu.dma_semaphore, #tpu.memory_space<semaphore_mem>>
        %dma_start3A_968 = arith.constant 999872 : i32
        %dma_start3A_969 = tpu.memref_slice %arg6[%dma_start3A_968] : memref<1000000xf32, #tpu.memory_space<vmem_shared>> -> memref<128xf32, #tpu.memory_space<vmem_shared>>
        %dma_start3A_970 = arith.constant 999872 : i32
        %dma_start3A_971 = tpu.memref_slice %arg6[%dma_start3A_970] : memref<1000000xf32, #tpu.memory_space<vmem_shared>> -> memref<128xf32, #tpu.memory_space<vmem_shared>>
        tpu.enqueue_dma source(%arg10 : memref<128xf32, #tpu.memory_space<vmem>>) target(%dma_start3A_971 : memref<128xf32, #tpu.memory_space<vmem_shared>>) target_semaphore(%run_scoped3A : memref<!tpu.dma_semaphore, #tpu.memory_space<semaphore_mem>>)
        %dma_wait3A_972 = arith.constant 999872 : i32
        %dma_wait3A_973 = tpu.memref_slice %arg6[%dma_wait3A_972] : memref<1000000xf32, #tpu.memory_space<vmem_shared>> -> memref<128xf32, #tpu.memory_space<vmem_shared>>
        %dma_wait3A_974 = arith.constant 999872 : i32
        %dma_wait3A_975 = tpu.memref_slice %arg6[%dma_wait3A_974] : memref<1000000xf32, #tpu.memory_space<vmem_shared>> -> memref<128xf32, #tpu.memory_space<vmem_shared>>
        tpu.wait_dma2 semaphore(%run_scoped3A : memref<!tpu.dma_semaphore, #tpu.memory_space<semaphore_mem>>) src(%arg10 : memref<128xf32, #tpu.memory_space<vmem>>) dst(%dma_wait3A_975 : memref<128xf32, #tpu.memory_space<vmem_shared>>)
        tpu.yield
      }) : () -> ()
    } else {
    }
    %barrier3A_885 = arith.constant 0 : index
    tpu.barrier barrier_id(%barrier3A_885)
    %mul3A_886 = arith.constant 16 : i32
    %mul3A_887 = arith.muli %arg0, %mul3A_886 : i32
    %add3A_888 = arith.constant 13 : i32
    %add3A_889 = arith.addi %mul3A_887, %add3A_888 : i32
    %mul3A_890 = arith.constant 12800 : i32
    %mul3A_891 = arith.muli %arg1, %mul3A_890 : i32
    %dma_wait3A_892 = arith.constant 1 : i32
    %dma_wait3A_893 = tpu.memref_slice %arg5[%add3A_889, %mul3A_891] : memref<32x204800xf32, #tpu.memory_space<hbm>> -> memref<1x12800xf32, #tpu.memory_space<hbm>>
    %dma_wait3A_894 = tpu.memref_squeeze %dma_wait3A_893 : memref<1x12800xf32, #tpu.memory_space<hbm>> -> memref<12800xf32, #tpu.memory_space<hbm>>
    %dma_wait3A_895 = tpu.memref_slice %arg13[%dma_wait3A_892] : memref<2x!tpu.dma_semaphore, #tpu.memory_space<semaphore_mem>> -> memref<1x!tpu.dma_semaphore, #tpu.memory_space<semaphore_mem>>
    %dma_wait3A_896 = tpu.memref_squeeze %dma_wait3A_895 : memref<1x!tpu.dma_semaphore, #tpu.memory_space<semaphore_mem>> -> memref<!tpu.dma_semaphore, #tpu.memory_space<semaphore_mem>>
    %dma_wait3A_897 = tpu.memref_slice %arg5[%add3A_889, %mul3A_891] : memref<32x204800xf32, #tpu.memory_space<hbm>> -> memref<1x12800xf32, #tpu.memory_space<hbm>>
    %dma_wait3A_898 = tpu.memref_squeeze %dma_wait3A_897 : memref<1x12800xf32, #tpu.memory_space<hbm>> -> memref<12800xf32, #tpu.memory_space<hbm>>
    tpu.wait_dma2 semaphore(%dma_wait3A_896 : memref<!tpu.dma_semaphore, #tpu.memory_space<semaphore_mem>>) src(%arg9 : memref<12800xf32, #tpu.memory_space<vmem>>) dst(%dma_wait3A_898 : memref<12800xf32, #tpu.memory_space<hbm>>)
    %dma_start3A_899 = arith.constant 0 : i32
    %dma_start3A_900 = arith.constant 0 : i32
    %dma_start3A_901 = tpu.memref_slice %arg7[%dma_start3A_899, %dma_start3A_900] : memref<1x12800xi32, #tpu.memory_space<vmem>> -> memref<1x12800xi32, #tpu.memory_space<vmem>>
    %dma_start3A_902 = tpu.memref_squeeze %dma_start3A_901 : memref<1x12800xi32, #tpu.memory_space<vmem>> -> memref<12800xi32, #tpu.memory_space<vmem>>
    %dma_start3A_903 = arith.constant 0 : i32
    %dma_start3A_904 = tpu.memref_slice %arg6[%dma_start3A_903] : memref<1000000xf32, #tpu.memory_space<vmem_shared>> -> memref<1000000xf32, #tpu.memory_space<vmem_shared>>
    tpu.enqueue_indirect_dma source(%dma_start3A_904 : memref<1000000xf32, #tpu.memory_space<vmem_shared>>) target(%arg9 : memref<12800xf32, #tpu.memory_space<vmem>>) offsets(%dma_start3A_902 : memref<12800xi32, #tpu.memory_space<vmem>>) semaphore(%arg12 : memref<!tpu.dma_semaphore, #tpu.memory_space<semaphore_mem>>)
    %dma_wait3A_905 = arith.constant 0 : i32
    %dma_wait3A_906 = arith.constant 0 : i32
    %dma_wait3A_907 = tpu.memref_slice %arg7[%dma_wait3A_905, %dma_wait3A_906] : memref<1x12800xi32, #tpu.memory_space<vmem>> -> memref<1x12800xi32, #tpu.memory_space<vmem>>
    %dma_wait3A_908 = tpu.memref_squeeze %dma_wait3A_907 : memref<1x12800xi32, #tpu.memory_space<vmem>> -> memref<12800xi32, #tpu.memory_space<vmem>>
    %dma_wait3A_909 = arith.constant 0 : i32
    %dma_wait3A_910 = tpu.memref_slice %arg6[%dma_wait3A_909] : memref<1000000xf32, #tpu.memory_space<vmem_shared>> -> memref<1000000xf32, #tpu.memory_space<vmem_shared>>
    tpu.wait_indirect_dma semaphore(%arg12 : memref<!tpu.dma_semaphore, #tpu.memory_space<semaphore_mem>>) src(%dma_wait3A_910 : memref<1000000xf32, #tpu.memory_space<vmem_shared>>) dst(%arg9 : memref<12800xf32, #tpu.memory_space<vmem>>)
    %mul3A_911 = arith.constant 16 : i32
    %mul3A_912 = arith.muli %arg0, %mul3A_911 : i32
    %add3A_913 = arith.constant 15 : i32
    %add3A_914 = arith.addi %mul3A_912, %add3A_913 : i32
    %mul3A_915 = arith.constant 12800 : i32
    %mul3A_916 = arith.muli %arg1, %mul3A_915 : i32
    %dma_start3A_917 = arith.constant 1 : i32
    %dma_start3A_918 = tpu.memref_slice %arg5[%add3A_914, %mul3A_916] : memref<32x204800xf32, #tpu.memory_space<hbm>> -> memref<1x12800xf32, #tpu.memory_space<hbm>>
    %dma_start3A_919 = tpu.memref_squeeze %dma_start3A_918 : memref<1x12800xf32, #tpu.memory_space<hbm>> -> memref<12800xf32, #tpu.memory_space<hbm>>
    %dma_start3A_920 = tpu.memref_slice %arg13[%dma_start3A_917] : memref<2x!tpu.dma_semaphore, #tpu.memory_space<semaphore_mem>> -> memref<1x!tpu.dma_semaphore, #tpu.memory_space<semaphore_mem>>
    %dma_start3A_921 = tpu.memref_squeeze %dma_start3A_920 : memref<1x!tpu.dma_semaphore, #tpu.memory_space<semaphore_mem>> -> memref<!tpu.dma_semaphore, #tpu.memory_space<semaphore_mem>>
    %dma_start3A_922 = tpu.memref_slice %arg5[%add3A_914, %mul3A_916] : memref<32x204800xf32, #tpu.memory_space<hbm>> -> memref<1x12800xf32, #tpu.memory_space<hbm>>
    %dma_start3A_923 = tpu.memref_squeeze %dma_start3A_922 : memref<1x12800xf32, #tpu.memory_space<hbm>> -> memref<12800xf32, #tpu.memory_space<hbm>>
    tpu.enqueue_dma source(%arg9 : memref<12800xf32, #tpu.memory_space<vmem>>) target(%dma_start3A_923 : memref<12800xf32, #tpu.memory_space<hbm>>) target_semaphore(%dma_start3A_921 : memref<!tpu.dma_semaphore, #tpu.memory_space<semaphore_mem>>)
    %barrier3A_924 = arith.constant 0 : index
    tpu.barrier barrier_id(%barrier3A_924)
    %mul3A_925 = arith.constant 16 : i32
    %mul3A_926 = arith.muli %arg0, %mul3A_925 : i32
    %add3A_927 = arith.constant 14 : i32
    %add3A_928 = arith.addi %mul3A_926, %add3A_927 : i32
    %mul3A_929 = arith.constant 12800 : i32
    %mul3A_930 = arith.muli %arg1, %mul3A_929 : i32
    %dma_wait3A_931 = arith.constant 0 : i32
    %dma_wait3A_932 = tpu.memref_slice %arg5[%add3A_928, %mul3A_930] : memref<32x204800xf32, #tpu.memory_space<hbm>> -> memref<1x12800xf32, #tpu.memory_space<hbm>>
    %dma_wait3A_933 = tpu.memref_squeeze %dma_wait3A_932 : memref<1x12800xf32, #tpu.memory_space<hbm>> -> memref<12800xf32, #tpu.memory_space<hbm>>
    %dma_wait3A_934 = tpu.memref_slice %arg13[%dma_wait3A_931] : memref<2x!tpu.dma_semaphore, #tpu.memory_space<semaphore_mem>> -> memref<1x!tpu.dma_semaphore, #tpu.memory_space<semaphore_mem>>
    %dma_wait3A_935 = tpu.memref_squeeze %dma_wait3A_934 : memref<1x!tpu.dma_semaphore, #tpu.memory_space<semaphore_mem>> -> memref<!tpu.dma_semaphore, #tpu.memory_space<semaphore_mem>>
    %dma_wait3A_936 = tpu.memref_slice %arg5[%add3A_928, %mul3A_930] : memref<32x204800xf32, #tpu.memory_space<hbm>> -> memref<1x12800xf32, #tpu.memory_space<hbm>>
    %dma_wait3A_937 = tpu.memref_squeeze %dma_wait3A_936 : memref<1x12800xf32, #tpu.memory_space<hbm>> -> memref<12800xf32, #tpu.memory_space<hbm>>
    tpu.wait_dma2 semaphore(%dma_wait3A_935 : memref<!tpu.dma_semaphore, #tpu.memory_space<semaphore_mem>>) src(%arg8 : memref<12800xf32, #tpu.memory_space<vmem>>) dst(%dma_wait3A_937 : memref<12800xf32, #tpu.memory_space<hbm>>)
    %mul3A_938 = arith.constant 16 : i32
    %mul3A_939 = arith.muli %arg0, %mul3A_938 : i32
    %add3A_940 = arith.constant 15 : i32
    %add3A_941 = arith.addi %mul3A_939, %add3A_940 : i32
    %mul3A_942 = arith.constant 12800 : i32
    %mul3A_943 = arith.muli %arg1, %mul3A_942 : i32
    %dma_wait3A_944 = arith.constant 1 : i32
    %dma_wait3A_945 = tpu.memref_slice %arg5[%add3A_941, %mul3A_943] : memref<32x204800xf32, #tpu.memory_space<hbm>> -> memref<1x12800xf32, #tpu.memory_space<hbm>>
    %dma_wait3A_946 = tpu.memref_squeeze %dma_wait3A_945 : memref<1x12800xf32, #tpu.memory_space<hbm>> -> memref<12800xf32, #tpu.memory_space<hbm>>
    %dma_wait3A_947 = tpu.memref_slice %arg13[%dma_wait3A_944] : memref<2x!tpu.dma_semaphore, #tpu.memory_space<semaphore_mem>> -> memref<1x!tpu.dma_semaphore, #tpu.memory_space<semaphore_mem>>
    %dma_wait3A_948 = tpu.memref_squeeze %dma_wait3A_947 : memref<1x!tpu.dma_semaphore, #tpu.memory_space<semaphore_mem>> -> memref<!tpu.dma_semaphore, #tpu.memory_space<semaphore_mem>>
    %dma_wait3A_949 = tpu.memref_slice %arg5[%add3A_941, %mul3A_943] : memref<32x204800xf32, #tpu.memory_space<hbm>> -> memref<1x12800xf32, #tpu.memory_space<hbm>>
    %dma_wait3A_950 = tpu.memref_squeeze %dma_wait3A_949 : memref<1x12800xf32, #tpu.memory_space<hbm>> -> memref<12800xf32, #tpu.memory_space<hbm>>
    tpu.wait_dma2 semaphore(%dma_wait3A_948 : memref<!tpu.dma_semaphore, #tpu.memory_space<semaphore_mem>>) src(%arg9 : memref<12800xf32, #tpu.memory_space<vmem>>) dst(%dma_wait3A_950 : memref<12800xf32, #tpu.memory_space<hbm>>)
    return
  }
}

</mosaic_0001>

<sc_bundles>
// kernel: kernel.3.cloned.1.call-start
scs
__scs_entry_jumppad:
0x0: {  	(pc) =	sbr.rel $0x88, $3  }
0x1: {  	(tag) =	ssettag $0x0;
	lr =	simm.s32 $0x1  }
0x2: {  	[smem:$0x3F9F] =	sst lr;
	_ =	strace $0xD0000000  }
0x3: {  	_ = 	snop  }
0x4: {  	_ = 	snop  }
0x5: {  	_ = 	snop  }
0x6: {  	_ = 	snop  }
0x7: {  	_ = 	snop  }
__scs_overlays_trampoline_lowered:
0x8: {  	[smem:$0x3FAE] =	sst s0  }
0x9: {  	[smem:$0x3FAF] =	sst s1  }
0xa: {  	[smem:$0x3FB0] =	sst s2  }
0xb: {  	[smem:$0x3FB1] =	sst s3  }
0xc: {  	[smem:$0x3FB2] =	sst s4  }
0xd: {  	[smem:$0x3FB3] =	sst s5  }
0xe: {  	[smem:$0x3FB4] =	sst s6  }
0xf: {  	[smem:$0x3FB5] =	sst s7  }
0x10: {  	[smem:$0x3FB6] =	sst s8  }
0x11: {  	[smem:$0x3FB7] =	sst s9;
	s0 =	simm.s32 @!p0 $0x0  }
0x12: {  	s1 =	sld [smem:$0x3F9D];
	s0 =	simm.s32 @p0 $0x1  }
0x13: {  	[smem:$0x3FB8] =	sst s0;
	s0 =	simm.s32 @!p1 $0x0  }
0x14: {  	s2 =	sld [smem:$0x3F9C];
	s0 =	simm.s32 @p1 $0x1  }
0x15: {  	[smem:$0x3FB9] =	sst s0;
	s0 =	simm.s32 @!p2 $0x0  }
0x16: {  	s3 =	sld [smem:$0x3FDB];
	s0 =	simm.s32 @p2 $0x1  }
0x17: {  	s4 =	simm.s32 $0x1BF5;
	[smem:$0x3FBB] =	sst s0  }
0x18: {  	s0 =	sld [smem:$0x3F9E];
	_ =	swait.ge [sflag:s4], $0x0  }
0x19: {  	s7 =	sld [smem:$0x3F9F]  }
0x1a: {  	s8 =	sadd.s32 $0xFFFFE003, lr  }
0x1b: {  	s9 =	sadd.s32 $0xFFFFFEF7, lr;
	s5 =	simm.s32 $0xFFFFFFFF;
	p2 =	slt.u32 s8, $0xFFFFF086  }
0x1c: {  	p1 =	slt.u32 s9, $0xF7A;
	s5 =	simm.s32 @!p2 $0x0  }
0x1d: {  	s5 =	simm.s32 @p1 $0x1;
	p0 =	seq.s32 s7, s2  }
0x1e: {  	s7 =	smul.u32 @!p0 $0xF7A, s2;
	p2 =	seq.s32 @!p0 s5, $0x0  }
0x1f: {  	s9 =	smul.u32 $0xF7A, s1;
	s8 =	simm.s32 @!p0 $0x1BF5;
	p2 =	por !p2, p0  }
0x20: {  	[sflag:s8] =	ssyncset.s32 @!p0 $0xFFFFF086;
	s6 =	sadd.s32 @!p0 s3, s7;
	s7 =	simm.s32 @!p0 $0x108  }
0x21: {  	s3 =	sadd.s32 s3, s9;
	s6 =	sadd.s32 @!p0 $0x88, s6;
	s7 =	simm.s32 @p2 $0x1082  }
0x22: {  	[simem:s7], [sflag:s8] =	dma.local @!p0 [hbm:s6], $0xF7A  }
0x23: {  	s9 =	sor.u32 $0xD0000000, s2;
	s6 =	simm.s32 $0x108;
	_ =	swait.ge @!p0 [sflag:s8], $0x0  }
0x24: {  	s3 =	sadd.s32 $0x88, s3;
	s6 =	simm.s32 @!p1 $0x1082;
	[sflag:s4] =	ssyncset.s32 $0xFFFFF086  }
0x25: {  	[simem:s6], [sflag:s4] =	dma.local [hbm:s3], $0xF7A  }
0x26: {  	[smem:$0x3F9F] =	sst s1;
	(tag) =	ssettag s2;
	_ =	strace s9  }
0x27: {  	s1 =	sld [smem:$0x3FAF]  }
0x28: {  	s2 =	sld [smem:$0x3FB0]  }
0x29: {  	s4 =	sld [smem:$0x3FB2]  }
0x2a: {  	p0 =	seq.s32 s5, $0x0;
	s5 =	sld [smem:$0x3FB3]  }
0x2b: {  	s6 =	sld [smem:$0x3FB4]  }
0x2c: {  	s7 =	sld [smem:$0x3FB5]  }
0x2d: {  	s3 =	simm.s32 $0x108;
	s8 =	sld [smem:$0x3FB6]  }
0x2e: {  	s3 =	simm.s32 @!p0 $0x1082;
	s9 =	sld [smem:$0x3FB7]  }
0x2f: {  	lr =	sadd.s32 s0, s3;
	s0 =	sld [smem:$0x3FAE]  }
0x30: {  	s3 =	sld [smem:$0x3FB1]  }
0x31: {  	[smem:$0x3FBA] =	sst s10  }
0x32: {  	s10 =	sld [smem:$0x3FB8];
	_ =	sdelay $0x3  }
0x33: {  	p0 =	seq.s32 s10, $0x1;
	s10 =	sld [smem:$0x3FBA];
	_ =	sdelay $0x3  }
0x34: {  	[smem:$0x3FBA] =	sst s10  }
0x35: {  	s10 =	sld [smem:$0x3FB9];
	_ =	sdelay $0x3  }
0x36: {  	p1 =	seq.s32 s10, $0x1;
	s10 =	sld [smem:$0x3FBA];
	_ =	sdelay $0x3  }
0x37: {  	[smem:$0x3FBA] =	sst s10  }
0x38: {  	s10 =	sld [smem:$0x3FBB]  }
0x39: {  	_ = 	snop;
	(pc) =	sbr.ind lr, $3  }
0x3a: {  	_ = 	snop  }
0x3b: {  	_ = 	snop  }
0x3c: {  	p2 =	seq.s32 s10, $0x1;
	s10 =	sld [smem:$0x3FBA]  }
0x3d: {  	_ =	shalt  }
0x3e: {  	_ =	shalt  }
0x3f: {  	_ =	shalt  }
0x40: {  	_ =	shalt  }
0x41: {  	_ =	shalt  }
0x42: {  	_ =	shalt  }
0x43: {  	_ =	shalt  }
0x44: {  	_ =	shalt  }
0x45: {  	_ =	shalt  }
0x46: {  	_ =	shalt  }
0x47: {  	_ =	shalt  }
0x48: {  	_ =	shalt  }
0x49: {  	_ =	shalt  }
0x4a: {  	_ =	shalt  }
0x4b: {  	_ =	shalt  }
0x4c: {  	_ =	shalt  }
0x4d: {  	_ =	shalt  }
0x4e: {  	_ =	shalt  }
0x4f: {  	_ =	shalt  }
0x50: {  	_ =	shalt  }
0x51: {  	_ =	shalt  }
0x52: {  	_ =	shalt  }
0x53: {  	_ =	shalt  }
0x54: {  	_ =	shalt  }
0x55: {  	_ =	shalt  }
0x56: {  	_ =	shalt  }
0x57: {  	_ =	shalt  }
0x58: {  	_ =	shalt  }
0x59: {  	_ =	shalt  }
0x5a: {  	_ =	shalt  }
0x5b: {  	_ =	shalt  }
0x5c: {  	_ =	shalt  }
0x5d: {  	_ =	shalt  }
0x5e: {  	_ =	shalt  }
0x5f: {  	_ =	shalt  }
0x60: {  	_ =	shalt  }
0x61: {  	_ =	shalt  }
0x62: {  	_ =	shalt  }
0x63: {  	_ =	shalt  }
0x64: {  	_ =	shalt  }
0x65: {  	_ =	shalt  }
0x66: {  	_ =	shalt  }
0x67: {  	_ =	shalt  }
0x68: {  	_ =	shalt  }
0x69: {  	_ =	shalt  }
0x6a: {  	_ =	shalt  }
0x6b: {  	_ =	shalt  }
0x6c: {  	_ =	shalt  }
0x6d: {  	_ =	shalt  }
0x6e: {  	_ =	shalt  }
0x6f: {  	_ =	shalt  }
0x70: {  	_ =	shalt  }
0x71: {  	_ =	shalt  }
0x72: {  	_ =	shalt  }
0x73: {  	_ =	shalt  }
0x74: {  	_ =	shalt  }
0x75: {  	_ =	shalt  }
0x76: {  	_ =	shalt  }
0x77: {  	_ =	shalt  }
0x78: {  	_ =	shalt  }
0x79: {  	_ =	shalt  }
0x7a: {  	_ =	shalt  }
0x7b: {  	_ =	shalt  }
0x7c: {  	_ =	shalt  }
0x7d: {  	_ =	shalt  }
0x7e: {  	_ =	shalt  }
0x7f: {  	_ =	shalt  }
0x80: {  	_ =	shalt  }
0x81: {  	_ =	shalt  }
0x82: {  	_ =	shalt  }
0x83: {  	_ =	shalt  }
0x84: {  	_ =	shalt  }
0x85: {  	_ =	shalt  }
0x86: {  	_ =	shalt  }
0x87: {  	_ =	shalt  }
.Lfunc_end0:
.L_simem_size_0:
called_computation_lowered:
.L_overlay_start_0:
0x88: {  	s2 =	sld [smem:$0x3FD9]  }
0x89: {  	s3 =	sld [smem:$0x3FFE];
	_ =	sdelay $0x1  }
0x8a: {  	s1 =	srdreg.scid  }
0x8b: {  	s0 =	sand.u32 $0x1, s1  }
0x8c: {  	s17 =	sshll.u32 s0, $0xA;
	s2 =	sadd.s32 s3, s2  }
0x8d: {  	s2 =	sadd.s32 s2, s17  }
0x8e: {  	[smem:$0x3FC6] =	sst s2  }
0x8f: {  	_ = 	snop  }
0x90: {  	s2 =	sld [smem:$0x3FC8]  }
0x91: {  	s18 =	sld [smem:$0x3FD0];
	(tm) =	ssettm $0x1  }
0x92: {  	s4 =	sld [smem:$0x3FFB];
	_ =	sdelay $0x3  }
0x93: {  	_ =	strace s4  }
0x94: {  	s4 =	sld [smem:$0x3FFC];
	_ =	sdelay $0x3  }
0x95: {  	_ =	strace s4  }
0x96: {  	s4 =	sld [smem:$0x3FFD];
	_ =	sdelay $0x3  }
0x97: {  	_ =	strace s4  }
0x98: {  	_ =	strace $0x8FFFFFFF  }
0x99: {  	s19 =	sld [smem:$0x3FDB];
	_ =	sdelay $0x1  }
0x9a: {  	s5 =	simm.s32 $_scs_section_size  }
0x9b: {  	s6 =	simm.s32 $_size__tile_overlayer_lowered;
	s7 =	simm.s32 $_tile_overlayer_lowered  }
0x9c: {  	s22 =	simm.s32 $0x1BFF;
	s21 =	sshll.u32 s7, $0x1;
	s4 =	sadd.s32 s5, s19  }
0x9d: {  	s8 =	simm.s32 $0x0;
	s20 =	sshll.u32 s6, $0x1;
	s6 =	sadd.s32 s21, s4  }
0x9e: {  	[timem:s8], [sflag:s22] =	dma.local [hbm:s6], s20  }
0x9f: {  	_ =	swait.ge [sflag:s22], s20  }
0xa0: {  	s5 =	ssub.s32 $0x0, s20;
	[sflag:s22] =	ssyncset.done $0x0  }
0xa1: {  	[sflag:s22] =	ssyncadd.s32 s5;
	_ =	sdelay $0x1  }
0xa2: {  	s23 =	simm.s32 $0x1B8B  }
0xa3: {  	_ =	swait.ge [sflag:s23], $0x1  }
0xa4: {  	[sflag:s23] =	ssyncset.done $0x0  }
0xa5: {  	s25 =	simm.s32 $0x1B8E;
	s24 =	sld [smem:$0x3FFE];
	[sflag:s23] =	ssyncadd.s32 $0xFFFFFFFF  }
0xa6: {  	s26 =	simm.s32 $execute0_lowered;
	[smem:$0x3FD2] =	sst s25  }
0xa7: {  	s6 =	sshll.u32 s26, $0x1;
	_ =	strace $0x80000046;
	[dreg:$0x1] =	wrdreg $0xFFFFFFFF  }
0xa8: {  	s28 =	simm.s32 $_size_execute0_lowered;
	s4 =	sadd.s32 s4, s6;
	[dreg:$0x0] =	wrdreg $0x0  }
0xa9: {  	s6 =	sshll.u32 s28, $0x1;
	[dreg:$0x2] =	wrdreg s4  }
0xaa: {  	[dreg:$0x3] =	wrdreg s6  }
0xab: {  	[dreg:$0x4] =	wrdreg $0xC0  }
0xac: {  	_ =	task [dreg:s8], $0x5FFFF  }
0xad: {  	[dreg:$0x1] =	wrdreg $0xFFFFFFFF  }
0xae: {  	[dreg:$0x0] =	wrdreg $0x60  }
0xaf: {  	[dreg:$0x2] =	wrdreg s24  }
0xb0: {  	[dreg:$0x3] =	wrdreg s2  }
0xb1: {  	[dreg:$0x4] =	wrdreg s18  }
0xb2: {  	[dreg:$0x5] =	wrdreg $0x0  }
0xb3: {  	[dreg:$0x6] =	wrdreg $0x9  }
0xb4: {  	_ =	task.clear_ibuf [dreg:s8], $0x7FFFF;
	_ =	strace $0x90000046  }
0xb5: {  	s29 =	simm.s32 $0x9;
	_ =	strace $0x80000048  }
0xb6: {  	_ =	swait.ge [sflag:s29], $0x1  }
0xb7: {  	[sflag:s29] =	ssyncadd.s32 $0xFFFFFFFF  }
0xb8: {  	_ =	strace $0x90000048  }
0xb9: {  	_ =	sfence  }
0xba: {  	s30 =	sld [smem:$0x0];
	_ =	sdelay $0x2  }
0xbb: {  	s31 =	sshll.u32 s1, $0xD;
	s1 =	sshrl.u32 s1, $0x2  }
0xbc: {  	s3 =	sand.u32 $0x4000, s31;
	s1 =	sadd.s32 s1, s30  }
0xbd: {  	s0 =	sor.u32 s3, s0;
	s1 =	sshll.u32 s1, $0x11  }
0xbe: {  	s0 =	sor.u32 s1, s0  }
0xbf: {  	s0 =	sadd.s32 $0x8F2B, s0  }
0xc0: {  	[sflag:s0] =	ssyncadd.remote.s32 $0x1  }
0xc1: {  	_ =	sfence.sel $0xFFFF  }
0xc2: {  	[dreg:$0x0] =	wrdreg $0xFFFFFFFF;
	(pc) =	sbr.abs _section_cstart, $3  }
0xc3: {  	[dreg:$0x1] =	wrdreg $0xFFFFFFFF  }
0xc4: {  	_ =	task.clear_ibuf [dreg:s8], $0x2FFFF;
	_ =	strace $0x9FFFFFFF  }
0xc5: {  	(tm) =	ssettm $0x7FFFFFFF  }
tec
execute0_lowered:
.L_overlay_start_1:
0x0: {  	(tag) =	ssettag $0x1  }
0x1: {  	s1 =	rddreg [dreg:$0x0]  }
0x2: {  	s0 =	rddreg [dreg:$0x1]  }
0x3: {  	s28 =	stileid.u32;
	s2 =	srdreg.scid  }
0x4: {  	s4 =	rddreg [dreg:$0x2];
	s5 =	smul.u32 $0x640, s28  }
0x5: {  	s29 =	rddreg [dreg:$0x4];
	s15 =	simm.s32 $0x0;
	s7 =	smul.u32 $0x7A000, s28  }
0x6: {  	s3 =	sand.u32 $0x1, s2;
	s2 =	rddreg [dreg:$0x3];
	s8 =	smul.u32 $0x3D000, s28  }
0x7: {  	[smem:$0x7FF] =	sst s15;
	s16 =	smul.u32 $0x19000, s28  }
0x8: {  	s23 =	sadd.s32 $0x10, s0;
	s6 =	smul.u32 $0xF42800, s3;
	_ =	strace $0x80000047  }
0x9: {  	s18 =	smul.u32 $0x320000, s3;
	s9 =	sadd.s32 $0xE4C00, s2;
	s19 =	sshll.u32 s3, $0x8  }
0xa: {  	s5 =	sadd.s32 s5, s1;
	s14 =	sshrl.u32 s8, $0x2;
	[dreg:$0x8] =	wrdreg s9  }
0xb: {  	s5 =	sadd.s32 $0x600, s5;
	s13 =	sadd.s32 s7, s6;
	s7 =	sadd.s32 s14, s2  }
0xc: {  	s6 =	sshrl.u32 s6, $0x3;
	[dreg:$0x5] =	wrdreg s5;
	s12 =	sshrl.u32 s13, $0x3  }
0xd: {  	[dreg:$0x6] =	wrdreg s7;
	s7 =	sadd.s32 s0, s6;
	s17 =	sadd.s32 s0, s12  }
0xe: {  	s1 =	sadd.s32 $0x400, s1;
	s6 =	sadd.s32 $0xE4C00, s7;
	[dreg:$0x7] =	wrdreg s17  }
0xf: {  	s5 =	sadd.s32 s16, s18;
	s20 =	sadd.s32 s12, s23;
	[dreg:$0x9] =	wrdreg s6  }
0x10: {  	s16 =	sadd.s32 s1, s19;
	s21 =	sadd.s32 $0xE4C10, s7;
	[dreg:$0xb] =	wrdreg s20  }
0x11: {  	s22 =	sadd.s32 $0x10, s16;
	[dreg:$0xc] =	wrdreg s21  }
0x12: {  	s26 =	sadd.s32 $0xE4C20, s7;
	[dreg:$0xd] =	wrdreg s22  }
0x13: {  	s30 =	sadd.s32 $0x20, s16;
	[dreg:$0x10] =	wrdreg s26  }
0x14: {  	s9 =	sadd.s32 $0xE4C30, s7;
	[dreg:$0x11] =	wrdreg s30  }
0x15: {  	s18 =	sshrl.u32 s5, $0x3;
	s10 =	sadd.s32 $0x30, s16;
	[dreg:$0x14] =	wrdreg s9  }
0x16: {  	s19 =	sadd.s32 $0x20, s4;
	s5 =	sadd.s32 s4, s18;
	[dreg:$0x15] =	wrdreg s10  }
0x17: {  	s13 =	sadd.s32 $0x30, s4;
	s6 =	sadd.s32 s18, s19;
	[dreg:$0xa] =	wrdreg s5  }
0x18: {  	s14 =	sadd.s32 $0x40, s0;
	s11 =	sadd.s32 s18, s13;
	[dreg:$0x12] =	wrdreg s6  }
0x19: {  	s21 =	sadd.s32 $0x10, s4;
	s17 =	sadd.s32 s12, s14;
	[dreg:$0x16] =	wrdreg s11  }
0x1a: {  	s22 =	sadd.s32 $0x20, s0;
	s24 =	sadd.s32 s18, s21;
	[dreg:$0x17] =	wrdreg s17  }
0x1b: {  	s20 =	sadd.s32 $0x30, s0;
	s25 =	sadd.s32 s12, s22;
	[dreg:$0xe] =	wrdreg s24  }
0x1c: {  	s10 =	sadd.s32 $0x40, s4;
	s8 =	sadd.s32 s12, s20;
	[dreg:$0xf] =	wrdreg s25  }
0x1d: {  	s26 =	sadd.s32 s18, s10;
	[dreg:$0x13] =	wrdreg s8  }
0x1e: {  	s9 =	sadd.s32 $0x50, s4;
	s6 =	sadd.s32 $0xE4C50, s7;
	[dreg:$0x1a] =	wrdreg s26  }
0x1f: {  	s17 =	sadd.s32 s18, s9;
	[dreg:$0x1c] =	wrdreg s6  }
0x20: {  	p1 =	por $0x0, $0x0;
	s24 =	sadd.s32 $0xE4C40, s7;
	[dreg:$0x1e] =	wrdreg s17  }
0x21: {  	s11 =	sadd.s32 $0x50, s0;
	s25 =	sadd.s32 $0x40, s16;
	[dreg:$0x18] =	wrdreg s24  }
0x22: {  	p0 =	seq.s32 s28, $0xF;
	s30 =	sadd.s32 s12, s11;
	[dreg:$0x19] =	wrdreg s25  }
0x23: {  	s31 =	sshll.u32 @!p0 s28, $0x6;
	s8 =	sadd.s32 $0x50, s16;
	[dreg:$0x1b] =	wrdreg s30  }
0x24: {  	s5 =	sadd.s32 $0x60, s4;
	s6 =	sadd.s32 $0x60, s16;
	[dreg:$0x1d] =	wrdreg s8  }
0x25: {  	s17 =	sshll.u32 s3, $0x4;
	s25 =	sadd.s32 $0xE4C60, s7;
	[smem:$0x7DA] =	sst s6  }
0x26: {  	s8 =	sadd.s32 $0x60, s0;
	s7 =	sadd.s32 $0xE4C70, s7;
	[smem:$0x7D9] =	sst s25  }
0x27: {  	s6 =	sadd.s32 $0x70, s0;
	s24 =	sadd.s32 s12, s8;
	[smem:$0x7DD] =	sst s7  }
0x28: {  	s26 =	sadd.s32 s12, s6;
	s25 =	sor.u32 $0x8, s17;
	[dreg:$0x1f] =	wrdreg s24  }
0x29: {  	s7 =	sadd.s32 $0x70, s4;
	s24 =	sadd.s32 s18, s5;
	[smem:$0x7DC] =	sst s26  }
0x2a: {  	s12 =	sadd.s32 $0xF4280, s12;
	s26 =	sadd.s32 $0x70, s16;
	[smem:$0x7DB] =	sst s24  }
0x2b: {  	s30 =	sshrl.u32 s25, $0x3;
	s23 =	sadd.s32 s12, s23;
	[smem:$0x7DE] =	sst s26  }
0x2c: {  	s25 =	sshll.u32 s25, $0x4;
	s20 =	sadd.s32 s12, s20;
	[smem:$0x7E4] =	sst s23  }
0x2d: {  	s24 =	smul.u32 $0x7A1400, s30;
	s26 =	sadd.s32 s18, s7;
	[smem:$0x7EC] =	sst s20  }
0x2e: {  	s30 =	sadd.s32 s0, s12;
	s18 =	sadd.s32 $0x32000, s18;
	[smem:$0x7DF] =	sst s26  }
0x2f: {  	s23 =	sor.u32 $0xA, s17;
	[smem:$0x7E0] =	sst s30;
	s26 =	sor.u32 $0x9, s17  }
0x30: {  	s4 =	sadd.s32 s4, s18;
	s19 =	sadd.s32 s18, s19;
	s20 =	sadd.s32 s18, s10  }
0x31: {  	s9 =	sadd.s32 s18, s9;
	s24 =	sshrl.u32 s24, $0x3;
	[smem:$0x7E3] =	sst s4  }
0x32: {  	s30 =	sshrl.u32 s26, $0x3;
	s26 =	sshll.u32 s26, $0x4;
	[smem:$0x7EB] =	sst s19  }
0x33: {  	s19 =	sor.u32 $0xC, s17;
	[smem:$0x7F3] =	sst s20;
	s24 =	sadd.s32 s0, s24  }
0x34: {  	[smem:$0x7F7] =	sst s9;
	s26 =	sadd.s32 s1, s26;
	s24 =	sadd.s32 $0xE4C00, s24  }
0x35: {  	[smem:$0x7E1] =	sst s24;
	s24 =	sadd.s32 s1, s25;
	s25 =	smul.u32 $0x7A1400, s30  }
0x36: {  	[smem:$0x7E6] =	sst s26;
	s26 =	sadd.s32 s12, s22;
	s30 =	sshrl.u32 s23, $0x3  }
0x37: {  	[smem:$0x7E2] =	sst s24;
	s30 =	smul.u32 $0x7A1400, s30;
	s24 =	sshrl.u32 s25, $0x3  }
0x38: {  	s9 =	simm.s32 $0x3200;
	[smem:$0x7E8] =	sst s26;
	s25 =	sadd.s32 s0, s24  }
0x39: {  	s30 =	sshrl.u32 s30, $0x3;
	s24 =	sshll.u32 s23, $0x4;
	s4 =	sadd.s32 $0xE4C10, s25  }
0x3a: {  	s25 =	sadd.s32 s18, s21;
	s22 =	sadd.s32 s0, s30;
	[smem:$0x7E5] =	sst s4  }
0x3b: {  	s21 =	sor.u32 $0xB, s17;
	s26 =	sadd.s32 s1, s24;
	[smem:$0x7E7] =	sst s25  }
0x3c: {  	s4 =	sadd.s32 $0xE4C20, s22;
	s25 =	sshrl.u32 s21, $0x3;
	[smem:$0x7EA] =	sst s26  }
0x3d: {  	s24 =	sshll.u32 s21, $0x4;
	s21 =	sadd.s32 s18, s13;
	[smem:$0x7E9] =	sst s4  }
0x3e: {  	s30 =	smul.u32 $0x7A1400, s25;
	s25 =	sshrl.u32 s19, $0x3;
	s26 =	sadd.s32 s1, s24  }
0x3f: {  	[smem:$0x7EF] =	sst s21;
	s21 =	sadd.s32 s12, s11;
	s11 =	ssub.s32 $0x2, s3  }
0x40: {  	s3 =	sshllo.u32 s3, $0x4;
	[smem:$0x7EE] =	sst s26;
	s26 =	sshll.u32 s19, $0x4  }
0x41: {  	[smem:$0x7F4] =	sst s21;
	s21 =	sshrl.u32 s3, $0x3;
	s3 =	sshll.u32 s3, $0x4  }
0x42: {  	s22 =	sshrl.u32 s30, $0x3;
	s30 =	smul.u32 $0x7A1400, s25;
	s25 =	sor.u32 $0xD, s17  }
0x43: {  	s13 =	sadd.s32 s1, s3;
	s3 =	sadd.s32 s18, s7;
	s7 =	simm.s32 $0x80  }
0x44: {  	s23 =	sadd.s32 s0, s22;
	s22 =	sadd.s32 s12, s14;
	s14 =	sadd.s32 s1, s26  }
0x45: {  	s4 =	sadd.s32 $0xE4C30, s23;
	s23 =	sshrl.u32 s30, $0x3;
	[smem:$0x7F0] =	sst s22  }
0x46: {  	s30 =	sshrl.u32 s25, $0x3;
	[smem:$0x7F2] =	sst s14;
	s14 =	sshrl.u32 s11, $0x1  }
0x47: {  	[smem:$0x7ED] =	sst s4;
	s24 =	sadd.s32 s0, s23;
	s19 =	smul.u32 $0x7A1400, s30  }
0x48: {  	s4 =	sadd.s32 $0xE4C40, s24;
	s24 =	sshll.u32 s25, $0x4;
	s25 =	sor.u32 $0xE, s17  }
0x49: {  	s17 =	sadd.s32 s12, s8;
	s8 =	smul.u32 $0x7A1400, s21;
	[smem:$0x7F1] =	sst s4  }
0x4a: {  	s22 =	sshrl.u32 s19, $0x3;
	s26 =	sadd.s32 s1, s24;
	s30 =	sshrl.u32 s25, $0x3  }
0x4b: {  	[smem:$0x7F8] =	sst s17;
	s24 =	sadd.s32 s18, s5;
	s10 =	smul.u32 $0x7A1400, s30  }
0x4c: {  	s5 =	simm.s32 $0xF428;
	s23 =	sadd.s32 s0, s22;
	[smem:$0x7F6] =	sst s26  }
0x4d: {  	s22 =	sshll.u32 s25, $0x4;
	s25 =	sshrl.u32 s8, $0x3;
	s19 =	sshrl.u32 s10, $0x3  }
0x4e: {  	s10 =	ssub.s32 s11, s14;
	s20 =	sadd.s32 s0, s19;
	s0 =	sadd.s32 s0, s25  }
0x4f: {  	[smem:$0x7FB] =	sst s24;
	s30 =	smax.u32 s10, $0x1;
	s0 =	sadd.s32 $0xE4C70, s0  }
0x50: {  	s26 =	sadd.s32 s12, s6;
	[smem:$0x7FD] =	sst s0;
	s0 =	sadd.s32 $0xFFFFFFFF, s30  }
0x51: {  	s4 =	sadd.s32 $0xE4C50, s23;
	[smem:$0x7FC] =	sst s26;
	p2 =	sne.s32 s0, $0x0  }
.Ltmp0:
0x52: {  	s23 =	sadd.s32 s1, s22;
	s1 =	rddreg [dreg:$0x5];
	(pc) =	sbr.rel @!p2 .LBB2_5-.Ltmp0, $4  }
0x53: {  	s18 =	simm.s32 $0x5;
	s12 =	sadd.s32 $0xF41C0, s2;
	[smem:$0x7F5] =	sst s4  }
0x54: {  	s6 =	simm.s32 $0x2;
	s8 =	simm.s32 $0x3;
	[smem:$0x7FA] =	sst s23  }
0x55: {  	s14 =	simm.s32 $0x12628;
	s11 =	simm.s32 $0x15828;
	s4 =	sadd.s32 $0xE4C60, s20  }
0x56: {  	s10 =	simm.s32 $0x400;
	[smem:$0x7F9] =	sst s4;
	s4 =	simm.s32 $0x4  }
0x57: {  	[tilespmem:s5], [sflag:$0x5] =	stream.linear.gather [hbm4b:s1+s15], $0x3200, $0x38;
	[tilespmem:$0x18AA8] =	vst v63  }
0x58: {  	s19 =	simm.s32 @p0 $0x18A28;
	s20 =	simm.s32 @p0 $0x80;
	s21 =	simm.s32 @p0 $0x1FC1  }
0x59: {  	s22 =	simm.s32 @p0 $0x0;
	s23 =	simm.s32 @p0 $0x1;
	_ =	swait.ge [sflag:s18], $0x3200  }
0x5a: {  	s24 =	simm.s32 @p0 $0x10;
	[sflag:s18] =	ssyncset.done $0x0;
	s1 =	rddreg [dreg:$0x8]  }
0x5b: {  	s25 =	rddreg [dreg:$0x9];
	[sflag:s18] =	ssyncadd.s32 $0xFFFFCE00;
	s1 =	sshrl.u32 @p0 s1, $0x3  }
0x5c: {  	[spmem:s1@s24], [sflag:s21] =	dma.strided @p0 [hbm:s25@s20], $0x1EC0, s23, $0x10   }
0x5d: {  	[tilespmem:s19], [sflag:$0x1] =	stream.linear.gather @p0 [hbm4b:s16+s22], $0x80, $0x38;
	[tilespmem:$0x18AA8] =	vst v63  }
0x5e: {  	_ =	swait.ge @p0 [sflag:s23], $0x1EC0  }
0x5f: {  	[sflag:s23] =	ssyncset.done @p0 $0x0  }
0x60: {  	[sflag:s23] =	ssyncadd.s32 @p0 $0xFFFFE140  }
0x61: {  	_ =	swait.ge @p0 [sflag:s23], $0x80  }
0x62: {  	[sflag:s23] =	ssyncset.done @p0 $0x0  }
0x63: {  	s25 =	simm.s32 @p0 $0x5;
	[sflag:s23] =	ssyncadd.s32 @p0 $0xFFFFFF80  }
0x64: {  	[spmem:s12] =	stream.linear.scatter @p0 [tilespmem:s19], [sflag:$0x5], $0x80, $0x38;
	[tilespmem:$0x18AA8] =	vst v63  }
0x65: {  	_ =	swait.ge @p0 [sflag:s25], $0x80  }
0x66: {  	s30 =	rddreg [dreg:$0x6]  }
0x67: {  	s26 =	simm.s32 @!p0 $0x10;
	s28 =	simm.s32 @!p0 $0x80;
	s17 =	rddreg [dreg:$0x7]  }
0x68: {  	s29 =	sor.u32 @!p0 $0x1C01, s31;
	[sflag:s25] =	ssyncset.done @p0 $0x0;
	[smem:$0x7D8] =	sst s31  }
0x69: {  	[sflag:s25] =	ssyncadd.s32 @p0 $0xFFFFFF80;
	s31 =	sshrl.u32 @!p0 s30, $0x3;
	s30 =	simm.s32 @!p0 $0x1  }
0x6a: {  	[spmem:s31@s26], [sflag:s29] =	dma.strided @!p0 [hbm:s17@s28], $0x1E80, s30, $0x10   }
0x6b: {  	_ =	swait.ge @!p0 [sflag:s30], $0x1E80  }
0x6c: {  	[sflag:s30] =	ssyncset.done @!p0 $0x0  }
0x6d: {  	[sflag:s30] =	ssyncadd.s32 @!p0 $0xFFFFE180  }
0x6e: {  	[bflag:$0x0] =	sbarrier.arrive $0xFFFF  }
0x6f: {  	[tilespmem:s14], [sflag:$0x2] =	stream.indirect.gather [spmem:s2], $0x1, s5, s9, $0xb8;
	[tilespmem:$0x18AA8] =	vst v63  }
0x70: {  	_ =	swait.ge [sflag:s6], $0x3200  }
0x71: {  	[sflag:s6] =	ssyncset.done $0x0  }
0x72: {  	s17 =	rddreg [dreg:$0xa];
	[sflag:s6] =	ssyncadd.s32 $0xFFFFCE00  }
0x73: {  	[hbm4b:s17+s7] =	stream.strided.scatter [tilespmem:s14], [sflag:$0x3], $0x3200, s10, s7, $0x38;
	[tilespmem:$0x18AA8] =	vst v63  }
0x74: {  	[bflag:$0x0] =	sbarrier.arrive $0xFFFF  }
0x75: {  	s17 =	rddreg [dreg:$0xc]  }
0x76: {  	[spmem:s1@s24], [sflag:s21] =	dma.strided @p0 [hbm:s17@s20], $0x1EC0, s23, $0x10   }
0x77: {  	s17 =	rddreg [dreg:$0xd]  }
0x78: {  	[tilespmem:s19], [sflag:$0x1] =	stream.linear.gather @p0 [hbm4b:s17+s22], $0x80, $0x38;
	[tilespmem:$0x18AA8] =	vst v63  }
0x79: {  	_ =	swait.ge @p0 [sflag:s23], $0x1EC0  }
0x7a: {  	[sflag:s23] =	ssyncset.done @p0 $0x0  }
0x7b: {  	[sflag:s23] =	ssyncadd.s32 @p0 $0xFFFFE140  }
0x7c: {  	_ =	swait.ge @p0 [sflag:s23], $0x80  }
0x7d: {  	[sflag:s23] =	ssyncset.done @p0 $0x0  }
0x7e: {  	[sflag:s23] =	ssyncadd.s32 @p0 $0xFFFFFF80  }
0x7f: {  	[spmem:s12] =	stream.linear.scatter @p0 [tilespmem:s19], [sflag:$0x5], $0x80, $0x38;
	[tilespmem:$0x18AA8] =	vst v63  }
0x80: {  	_ =	swait.ge @p0 [sflag:s25], $0x80  }
0x81: {  	[sflag:s25] =	ssyncset.done @p0 $0x0  }
0x82: {  	s17 =	rddreg [dreg:$0xb];
	[sflag:s25] =	ssyncadd.s32 @p0 $0xFFFFFF80  }
0x83: {  	[spmem:s31@s26], [sflag:s29] =	dma.strided @!p0 [hbm:s17@s28], $0x1E80, s30, $0x10   }
0x84: {  	_ =	swait.ge @!p0 [sflag:s30], $0x1E80  }
0x85: {  	[sflag:s30] =	ssyncset.done @!p0 $0x0  }
0x86: {  	[sflag:s30] =	ssyncadd.s32 @!p0 $0xFFFFE180  }
0x87: {  	[bflag:$0x0] =	sbarrier.arrive $0xFFFF  }
0x88: {  	[tilespmem:s11], [sflag:$0x2] =	stream.indirect.gather [spmem:s2], $0x1, s5, s9, $0xb8;
	[tilespmem:$0x18AA8] =	vst v63  }
0x89: {  	_ =	swait.ge [sflag:s6], $0x3200  }
0x8a: {  	[sflag:s6] =	ssyncset.done $0x0  }
0x8b: {  	s17 =	rddreg [dreg:$0xe];
	[sflag:s6] =	ssyncadd.s32 $0xFFFFCE00  }
0x8c: {  	[hbm4b:s17+s7] =	stream.strided.scatter [tilespmem:s11], [sflag:$0x4], $0x3200, s10, s7, $0x38;
	[tilespmem:$0x18AA8] =	vst v63  }
0x8d: {  	[bflag:$0x0] =	sbarrier.arrive $0xFFFF  }
0x8e: {  	s17 =	rddreg [dreg:$0x10]  }
0x8f: {  	[spmem:s1@s24], [sflag:s21] =	dma.strided @p0 [hbm:s17@s20], $0x1EC0, s23, $0x10   }
0x90: {  	s17 =	rddreg [dreg:$0x11]  }
0x91: {  	[tilespmem:s19], [sflag:$0x1] =	stream.linear.gather @p0 [hbm4b:s17+s22], $0x80, $0x38;
	[tilespmem:$0x18AA8] =	vst v63  }
0x92: {  	_ =	swait.ge @p0 [sflag:s23], $0x1EC0  }
0x93: {  	[sflag:s23] =	ssyncset.done @p0 $0x0  }
0x94: {  	[sflag:s23] =	ssyncadd.s32 @p0 $0xFFFFE140  }
0x95: {  	_ =	swait.ge @p0 [sflag:s23], $0x80  }
0x96: {  	[sflag:s23] =	ssyncset.done @p0 $0x0  }
0x97: {  	[sflag:s23] =	ssyncadd.s32 @p0 $0xFFFFFF80  }
0x98: {  	[spmem:s12] =	stream.linear.scatter @p0 [tilespmem:s19], [sflag:$0x5], $0x80, $0x38;
	[tilespmem:$0x18AA8] =	vst v63  }
0x99: {  	_ =	swait.ge @p0 [sflag:s25], $0x80  }
0x9a: {  	[sflag:s25] =	ssyncset.done @p0 $0x0  }
0x9b: {  	s17 =	rddreg [dreg:$0xf];
	[sflag:s25] =	ssyncadd.s32 @p0 $0xFFFFFF80  }
0x9c: {  	[spmem:s31@s26], [sflag:s29] =	dma.strided @!p0 [hbm:s17@s28], $0x1E80, s30, $0x10   }
0x9d: {  	_ =	swait.ge @!p0 [sflag:s30], $0x1E80  }
0x9e: {  	[sflag:s30] =	ssyncset.done @!p0 $0x0  }
0x9f: {  	[sflag:s30] =	ssyncadd.s32 @!p0 $0xFFFFE180  }
0xa0: {  	[bflag:$0x0] =	sbarrier.arrive $0xFFFF  }
0xa1: {  	_ =	swait.ge [sflag:s8], $0x3200  }
0xa2: {  	[sflag:s8] =	ssyncset.done $0x0  }
0xa3: {  	[sflag:s8] =	ssyncadd.s32 $0xFFFFCE00  }
0xa4: {  	[tilespmem:s14], [sflag:$0x2] =	stream.indirect.gather [spmem:s2], $0x1, s5, s9, $0xb8;
	[tilespmem:$0x18AA8] =	vst v63  }
0xa5: {  	_ =	swait.ge [sflag:s6], $0x3200  }
0xa6: {  	[sflag:s6] =	ssyncset.done $0x0  }
0xa7: {  	s17 =	rddreg [dreg:$0x12];
	[sflag:s6] =	ssyncadd.s32 $0xFFFFCE00  }
0xa8: {  	[hbm4b:s17+s7] =	stream.strided.scatter [tilespmem:s14], [sflag:$0x3], $0x3200, s10, s7, $0x38;
	[tilespmem:$0x18AA8] =	vst v63  }
0xa9: {  	[bflag:$0x0] =	sbarrier.arrive $0xFFFF  }
0xaa: {  	s17 =	rddreg [dreg:$0x14]  }
0xab: {  	[spmem:s1@s24], [sflag:s21] =	dma.strided @p0 [hbm:s17@s20], $0x1EC0, s23, $0x10   }
0xac: {  	s17 =	rddreg [dreg:$0x15]  }
0xad: {  	[tilespmem:s19], [sflag:$0x1] =	stream.linear.gather @p0 [hbm4b:s17+s22], $0x80, $0x38;
	[tilespmem:$0x18AA8] =	vst v63  }
0xae: {  	_ =	swait.ge @p0 [sflag:s23], $0x1EC0  }
0xaf: {  	[sflag:s23] =	ssyncset.done @p0 $0x0  }
0xb0: {  	[sflag:s23] =	ssyncadd.s32 @p0 $0xFFFFE140  }
0xb1: {  	_ =	swait.ge @p0 [sflag:s23], $0x80  }
0xb2: {  	[sflag:s23] =	ssyncset.done @p0 $0x0  }
0xb3: {  	[sflag:s23] =	ssyncadd.s32 @p0 $0xFFFFFF80  }
0xb4: {  	[spmem:s12] =	stream.linear.scatter @p0 [tilespmem:s19], [sflag:$0x5], $0x80, $0x38;
	[tilespmem:$0x18AA8] =	vst v63  }
0xb5: {  	_ =	swait.ge @p0 [sflag:s25], $0x80  }
0xb6: {  	[sflag:s25] =	ssyncset.done @p0 $0x0  }
0xb7: {  	s17 =	rddreg [dreg:$0x13];
	[sflag:s25] =	ssyncadd.s32 @p0 $0xFFFFFF80  }
0xb8: {  	[spmem:s31@s26], [sflag:s29] =	dma.strided @!p0 [hbm:s17@s28], $0x1E80, s30, $0x10   }
0xb9: {  	_ =	swait.ge @!p0 [sflag:s30], $0x1E80  }
0xba: {  	[sflag:s30] =	ssyncset.done @!p0 $0x0  }
0xbb: {  	[sflag:s30] =	ssyncadd.s32 @!p0 $0xFFFFE180  }
0xbc: {  	[bflag:$0x0] =	sbarrier.arrive $0xFFFF  }
0xbd: {  	_ =	swait.ge [sflag:s4], $0x3200  }
0xbe: {  	[sflag:s4] =	ssyncset.done $0x0  }
0xbf: {  	[sflag:s4] =	ssyncadd.s32 $0xFFFFCE00  }
0xc0: {  	[tilespmem:s11], [sflag:$0x2] =	stream.indirect.gather [spmem:s2], $0x1, s5, s9, $0xb8;
	[tilespmem:$0x18AA8] =	vst v63  }
0xc1: {  	_ =	swait.ge [sflag:s6], $0x3200  }
0xc2: {  	[sflag:s6] =	ssyncset.done $0x0  }
0xc3: {  	s17 =	rddreg [dreg:$0x16];
	[sflag:s6] =	ssyncadd.s32 $0xFFFFCE00  }
0xc4: {  	[hbm4b:s17+s7] =	stream.strided.scatter [tilespmem:s11], [sflag:$0x4], $0x3200, s10, s7, $0x38;
	[tilespmem:$0x18AA8] =	vst v63  }
0xc5: {  	[bflag:$0x0] =	sbarrier.arrive $0xFFFF  }
0xc6: {  	s17 =	rddreg [dreg:$0x18]  }
0xc7: {  	[spmem:s1@s24], [sflag:s21] =	dma.strided @p0 [hbm:s17@s20], $0x1EC0, s23, $0x10   }
0xc8: {  	s17 =	rddreg [dreg:$0x19]  }
0xc9: {  	[tilespmem:s19], [sflag:$0x1] =	stream.linear.gather @p0 [hbm4b:s17+s22], $0x80, $0x38;
	[tilespmem:$0x18AA8] =	vst v63  }
0xca: {  	_ =	swait.ge @p0 [sflag:s23], $0x1EC0  }
0xcb: {  	[sflag:s23] =	ssyncset.done @p0 $0x0  }
0xcc: {  	[sflag:s23] =	ssyncadd.s32 @p0 $0xFFFFE140  }
0xcd: {  	_ =	swait.ge @p0 [sflag:s23], $0x80  }
0xce: {  	[sflag:s23] =	ssyncset.done @p0 $0x0  }
0xcf: {  	[sflag:s23] =	ssyncadd.s32 @p0 $0xFFFFFF80  }
0xd0: {  	[spmem:s12] =	stream.linear.scatter @p0 [tilespmem:s19], [sflag:$0x5], $0x80, $0x38;
	[tilespmem:$0x18AA8] =	vst v63  }
0xd1: {  	_ =	swait.ge @p0 [sflag:s25], $0x80  }
0xd2: {  	[sflag:s25] =	ssyncset.done @p0 $0x0  }
0xd3: {  	s17 =	rddreg [dreg:$0x17];
	[sflag:s25] =	ssyncadd.s32 @p0 $0xFFFFFF80  }
0xd4: {  	[spmem:s31@s26], [sflag:s29] =	dma.strided @!p0 [hbm:s17@s28], $0x1E80, s30, $0x10   }
0xd5: {  	_ =	swait.ge @!p0 [sflag:s30], $0x1E80  }
0xd6: {  	[sflag:s30] =	ssyncset.done @!p0 $0x0  }
0xd7: {  	[sflag:s30] =	ssyncadd.s32 @!p0 $0xFFFFE180  }
0xd8: {  	[bflag:$0x0] =	sbarrier.arrive $0xFFFF  }
0xd9: {  	_ =	swait.ge [sflag:s8], $0x3200  }
0xda: {  	[sflag:s8] =	ssyncset.done $0x0  }
0xdb: {  	[sflag:s8] =	ssyncadd.s32 $0xFFFFCE00  }
0xdc: {  	[tilespmem:s14], [sflag:$0x2] =	stream.indirect.gather [spmem:s2], $0x1, s5, s9, $0xb8;
	[tilespmem:$0x18AA8] =	vst v63  }
0xdd: {  	_ =	swait.ge [sflag:s6], $0x3200  }
0xde: {  	[sflag:s6] =	ssyncset.done $0x0  }
0xdf: {  	s17 =	rddreg [dreg:$0x1a];
	[sflag:s6] =	ssyncadd.s32 $0xFFFFCE00  }
0xe0: {  	[hbm4b:s17+s7] =	stream.strided.scatter [tilespmem:s14], [sflag:$0x3], $0x3200, s10, s7, $0x38;
	[tilespmem:$0x18AA8] =	vst v63  }
0xe1: {  	[bflag:$0x0] =	sbarrier.arrive $0xFFFF  }
0xe2: {  	s17 =	rddreg [dreg:$0x1c]  }
0xe3: {  	[spmem:s1@s24], [sflag:s21] =	dma.strided @p0 [hbm:s17@s20], $0x1EC0, s23, $0x10   }
0xe4: {  	s17 =	rddreg [dreg:$0x1d]  }
0xe5: {  	[tilespmem:s19], [sflag:$0x1] =	stream.linear.gather @p0 [hbm4b:s17+s22], $0x80, $0x38;
	[tilespmem:$0x18AA8] =	vst v63  }
0xe6: {  	_ =	swait.ge @p0 [sflag:s23], $0x1EC0  }
0xe7: {  	[sflag:s23] =	ssyncset.done @p0 $0x0  }
0xe8: {  	[sflag:s23] =	ssyncadd.s32 @p0 $0xFFFFE140  }
0xe9: {  	_ =	swait.ge @p0 [sflag:s23], $0x80  }
0xea: {  	[sflag:s23] =	ssyncset.done @p0 $0x0  }
0xeb: {  	[sflag:s23] =	ssyncadd.s32 @p0 $0xFFFFFF80  }
0xec: {  	[spmem:s12] =	stream.linear.scatter @p0 [tilespmem:s19], [sflag:$0x5], $0x80, $0x38;
	[tilespmem:$0x18AA8] =	vst v63  }
0xed: {  	_ =	swait.ge @p0 [sflag:s25], $0x80  }
0xee: {  	[sflag:s25] =	ssyncset.done @p0 $0x0  }
0xef: {  	s17 =	rddreg [dreg:$0x1b];
	[sflag:s25] =	ssyncadd.s32 @p0 $0xFFFFFF80  }
0xf0: {  	[spmem:s31@s26], [sflag:s29] =	dma.strided @!p0 [hbm:s17@s28], $0x1E80, s30, $0x10   }
0xf1: {  	_ =	swait.ge @!p0 [sflag:s30], $0x1E80  }
0xf2: {  	[sflag:s30] =	ssyncset.done @!p0 $0x0  }
0xf3: {  	[sflag:s30] =	ssyncadd.s32 @!p0 $0xFFFFE180  }
0xf4: {  	[bflag:$0x0] =	sbarrier.arrive $0xFFFF  }
0xf5: {  	_ =	swait.ge [sflag:s4], $0x3200  }
0xf6: {  	[sflag:s4] =	ssyncset.done $0x0  }
0xf7: {  	[sflag:s4] =	ssyncadd.s32 $0xFFFFCE00  }
0xf8: {  	[tilespmem:s11], [sflag:$0x2] =	stream.indirect.gather [spmem:s2], $0x1, s5, s9, $0xb8;
	[tilespmem:$0x18AA8] =	vst v63  }
0xf9: {  	_ =	swait.ge [sflag:s6], $0x3200  }
0xfa: {  	[sflag:s6] =	ssyncset.done $0x0  }
0xfb: {  	s17 =	rddreg [dreg:$0x1e];
	[sflag:s6] =	ssyncadd.s32 $0xFFFFCE00  }
0xfc: {  	[hbm4b:s17+s7] =	stream.strided.scatter [tilespmem:s11], [sflag:$0x4], $0x3200, s10, s7, $0x38;
	[tilespmem:$0x18AA8] =	vst v63  }
0xfd: {  	[bflag:$0x0] =	sbarrier.arrive $0xFFFF  }
0xfe: {  	s17 =	sld [smem:$0x7D9];
	_ =	sdelay $0x2  }
0xff: {  	[spmem:s1@s24], [sflag:s21] =	dma.strided @p0 [hbm:s17@s20], $0x1EC0, s23, $0x10   }
0x100: {  	s17 =	sld [smem:$0x7DA];
	_ =	sdelay $0x2  }
0x101: {  	[tilespmem:s19], [sflag:$0x1] =	stream.linear.gather @p0 [hbm4b:s17+s22], $0x80, $0x38;
	[tilespmem:$0x18AA8] =	vst v63  }
0x102: {  	_ =	swait.ge @p0 [sflag:s23], $0x1EC0  }
0x103: {  	[sflag:s23] =	ssyncset.done @p0 $0x0  }
0x104: {  	[sflag:s23] =	ssyncadd.s32 @p0 $0xFFFFE140  }
0x105: {  	_ =	swait.ge @p0 [sflag:s23], $0x80  }
0x106: {  	[sflag:s23] =	ssyncset.done @p0 $0x0  }
0x107: {  	[sflag:s23] =	ssyncadd.s32 @p0 $0xFFFFFF80  }
0x108: {  	[spmem:s12] =	stream.linear.scatter @p0 [tilespmem:s19], [sflag:$0x5], $0x80, $0x38;
	[tilespmem:$0x18AA8] =	vst v63  }
0x109: {  	_ =	swait.ge @p0 [sflag:s25], $0x80  }
0x10a: {  	[sflag:s25] =	ssyncset.done @p0 $0x0  }
0x10b: {  	s17 =	rddreg [dreg:$0x1f];
	[sflag:s25] =	ssyncadd.s32 @p0 $0xFFFFFF80  }
0x10c: {  	[spmem:s31@s26], [sflag:s29] =	dma.strided @!p0 [hbm:s17@s28], $0x1E80, s30, $0x10   }
0x10d: {  	_ =	swait.ge @!p0 [sflag:s30], $0x1E80  }
0x10e: {  	[sflag:s30] =	ssyncset.done @!p0 $0x0  }
0x10f: {  	[sflag:s30] =	ssyncadd.s32 @!p0 $0xFFFFE180  }
0x110: {  	[bflag:$0x0] =	sbarrier.arrive $0xFFFF  }
0x111: {  	_ =	swait.ge [sflag:s8], $0x3200  }
0x112: {  	[sflag:s8] =	ssyncset.done $0x0  }
0x113: {  	[sflag:s8] =	ssyncadd.s32 $0xFFFFCE00  }
0x114: {  	[tilespmem:s14], [sflag:$0x2] =	stream.indirect.gather [spmem:s2], $0x1, s5, s9, $0xb8;
	[tilespmem:$0x18AA8] =	vst v63  }
0x115: {  	_ =	swait.ge [sflag:s6], $0x3200  }
0x116: {  	s17 =	sld [smem:$0x7DB]  }
0x117: {  	[sflag:s6] =	ssyncset.done $0x0  }
0x118: {  	[sflag:s6] =	ssyncadd.s32 $0xFFFFCE00  }
0x119: {  	[hbm4b:s17+s7] =	stream.strided.scatter [tilespmem:s14], [sflag:$0x3], $0x3200, s10, s7, $0x38;
	[tilespmem:$0x18AA8] =	vst v63  }
0x11a: {  	[bflag:$0x0] =	sbarrier.arrive $0xFFFF  }
0x11b: {  	s17 =	sld [smem:$0x7DD];
	_ =	sdelay $0x2  }
0x11c: {  	[spmem:s1@s24], [sflag:s21] =	dma.strided @p0 [hbm:s17@s20], $0x1EC0, s23, $0x10   }
0x11d: {  	s17 =	sld [smem:$0x7DE];
	_ =	sdelay $0x2  }
0x11e: {  	[tilespmem:s19], [sflag:$0x1] =	stream.linear.gather @p0 [hbm4b:s17+s22], $0x80, $0x38;
	[tilespmem:$0x18AA8] =	vst v63  }
0x11f: {  	_ =	swait.ge @p0 [sflag:s23], $0x1EC0  }
0x120: {  	[sflag:s23] =	ssyncset.done @p0 $0x0  }
0x121: {  	[sflag:s23] =	ssyncadd.s32 @p0 $0xFFFFE140  }
0x122: {  	_ =	swait.ge @p0 [sflag:s23], $0x80  }
0x123: {  	[sflag:s23] =	ssyncset.done @p0 $0x0  }
0x124: {  	[sflag:s23] =	ssyncadd.s32 @p0 $0xFFFFFF80  }
0x125: {  	[spmem:s12] =	stream.linear.scatter @p0 [tilespmem:s19], [sflag:$0x5], $0x80, $0x38;
	[tilespmem:$0x18AA8] =	vst v63  }
0x126: {  	_ =	swait.ge @p0 [sflag:s25], $0x80  }
0x127: {  	s17 =	sld [smem:$0x7DC]  }
0x128: {  	[sflag:s25] =	ssyncset.done @p0 $0x0  }
0x129: {  	[sflag:s25] =	ssyncadd.s32 @p0 $0xFFFFFF80  }
0x12a: {  	[spmem:s31@s26], [sflag:s29] =	dma.strided @!p0 [hbm:s17@s28], $0x1E80, s30, $0x10   }
0x12b: {  	_ =	swait.ge @!p0 [sflag:s30], $0x1E80  }
0x12c: {  	[sflag:s30] =	ssyncset.done @!p0 $0x0  }
0x12d: {  	[sflag:s30] =	ssyncadd.s32 @!p0 $0xFFFFE180  }
0x12e: {  	[bflag:$0x0] =	sbarrier.arrive $0xFFFF  }
0x12f: {  	_ =	swait.ge [sflag:s4], $0x3200  }
0x130: {  	[sflag:s4] =	ssyncset.done $0x0  }
0x131: {  	[sflag:s4] =	ssyncadd.s32 $0xFFFFCE00  }
0x132: {  	[tilespmem:s11], [sflag:$0x2] =	stream.indirect.gather [spmem:s2], $0x1, s5, s9, $0xb8;
	[tilespmem:$0x18AA8] =	vst v63  }
0x133: {  	_ =	swait.ge [sflag:s6], $0x3200  }
0x134: {  	s17 =	sld [smem:$0x7DF]  }
0x135: {  	[sflag:s6] =	ssyncset.done $0x0  }
0x136: {  	[sflag:s6] =	ssyncadd.s32 $0xFFFFCE00  }
0x137: {  	[hbm4b:s17+s7] =	stream.strided.scatter [tilespmem:s11], [sflag:$0x4], $0x3200, s10, s7, $0x38;
	[tilespmem:$0x18AA8] =	vst v63  }
0x138: {  	[bflag:$0x0] =	sbarrier.arrive $0xFFFF  }
0x139: {  	s17 =	sld [smem:$0x7E1];
	_ =	sdelay $0x2  }
0x13a: {  	[spmem:s1@s24], [sflag:s21] =	dma.strided @p0 [hbm:s17@s20], $0x1EC0, s23, $0x10   }
0x13b: {  	s17 =	sld [smem:$0x7E2];
	_ =	sdelay $0x2  }
0x13c: {  	[tilespmem:s19], [sflag:$0x1] =	stream.linear.gather @p0 [hbm4b:s17+s22], $0x80, $0x38;
	[tilespmem:$0x18AA8] =	vst v63  }
0x13d: {  	_ =	swait.ge @p0 [sflag:s23], $0x1EC0  }
0x13e: {  	[sflag:s23] =	ssyncset.done @p0 $0x0  }
0x13f: {  	[sflag:s23] =	ssyncadd.s32 @p0 $0xFFFFE140  }
0x140: {  	_ =	swait.ge @p0 [sflag:s23], $0x80  }
0x141: {  	[sflag:s23] =	ssyncset.done @p0 $0x0  }
0x142: {  	[sflag:s23] =	ssyncadd.s32 @p0 $0xFFFFFF80  }
0x143: {  	[spmem:s12] =	stream.linear.scatter @p0 [tilespmem:s19], [sflag:$0x5], $0x80, $0x38;
	[tilespmem:$0x18AA8] =	vst v63  }
0x144: {  	_ =	swait.ge @p0 [sflag:s25], $0x80  }
0x145: {  	s17 =	sld [smem:$0x7E0]  }
0x146: {  	[sflag:s25] =	ssyncset.done @p0 $0x0  }
0x147: {  	[sflag:s25] =	ssyncadd.s32 @p0 $0xFFFFFF80  }
0x148: {  	[spmem:s31@s26], [sflag:s29] =	dma.strided @!p0 [hbm:s17@s28], $0x1E80, s30, $0x10   }
0x149: {  	_ =	swait.ge @!p0 [sflag:s30], $0x1E80  }
0x14a: {  	[sflag:s30] =	ssyncset.done @!p0 $0x0  }
0x14b: {  	[sflag:s30] =	ssyncadd.s32 @!p0 $0xFFFFE180  }
0x14c: {  	[bflag:$0x0] =	sbarrier.arrive $0xFFFF  }
0x14d: {  	_ =	swait.ge [sflag:s8], $0x3200  }
0x14e: {  	[sflag:s8] =	ssyncset.done $0x0  }
0x14f: {  	[sflag:s8] =	ssyncadd.s32 $0xFFFFCE00  }
0x150: {  	[tilespmem:s14], [sflag:$0x2] =	stream.indirect.gather [spmem:s2], $0x1, s5, s9, $0xb8;
	[tilespmem:$0x18AA8] =	vst v63  }
0x151: {  	_ =	swait.ge [sflag:s6], $0x3200  }
0x152: {  	s17 =	sld [smem:$0x7E3]  }
0x153: {  	[sflag:s6] =	ssyncset.done $0x0  }
0x154: {  	[sflag:s6] =	ssyncadd.s32 $0xFFFFCE00  }
0x155: {  	[hbm4b:s17+s7] =	stream.strided.scatter [tilespmem:s14], [sflag:$0x3], $0x3200, s10, s7, $0x38;
	[tilespmem:$0x18AA8] =	vst v63  }
0x156: {  	[bflag:$0x0] =	sbarrier.arrive $0xFFFF  }
0x157: {  	s17 =	sld [smem:$0x7E5];
	_ =	sdelay $0x2  }
0x158: {  	[spmem:s1@s24], [sflag:s21] =	dma.strided @p0 [hbm:s17@s20], $0x1EC0, s23, $0x10   }
0x159: {  	s17 =	sld [smem:$0x7E6];
	_ =	sdelay $0x2  }
0x15a: {  	[tilespmem:s19], [sflag:$0x1] =	stream.linear.gather @p0 [hbm4b:s17+s22], $0x80, $0x38;
	[tilespmem:$0x18AA8] =	vst v63  }
0x15b: {  	_ =	swait.ge @p0 [sflag:s23], $0x1EC0  }
0x15c: {  	[sflag:s23] =	ssyncset.done @p0 $0x0  }
0x15d: {  	[sflag:s23] =	ssyncadd.s32 @p0 $0xFFFFE140  }
0x15e: {  	_ =	swait.ge @p0 [sflag:s23], $0x80  }
0x15f: {  	[sflag:s23] =	ssyncset.done @p0 $0x0  }
0x160: {  	[sflag:s23] =	ssyncadd.s32 @p0 $0xFFFFFF80  }
0x161: {  	[spmem:s12] =	stream.linear.scatter @p0 [tilespmem:s19], [sflag:$0x5], $0x80, $0x38;
	[tilespmem:$0x18AA8] =	vst v63  }
0x162: {  	_ =	swait.ge @p0 [sflag:s25], $0x80  }
0x163: {  	s17 =	sld [smem:$0x7E4]  }
0x164: {  	[sflag:s25] =	ssyncset.done @p0 $0x0  }
0x165: {  	[sflag:s25] =	ssyncadd.s32 @p0 $0xFFFFFF80  }
0x166: {  	[spmem:s31@s26], [sflag:s29] =	dma.strided @!p0 [hbm:s17@s28], $0x1E80, s30, $0x10   }
0x167: {  	_ =	swait.ge @!p0 [sflag:s30], $0x1E80  }
0x168: {  	[sflag:s30] =	ssyncset.done @!p0 $0x0  }
0x169: {  	[sflag:s30] =	ssyncadd.s32 @!p0 $0xFFFFE180  }
0x16a: {  	[bflag:$0x0] =	sbarrier.arrive $0xFFFF  }
0x16b: {  	_ =	swait.ge [sflag:s4], $0x3200  }
0x16c: {  	[sflag:s4] =	ssyncset.done $0x0  }
0x16d: {  	[sflag:s4] =	ssyncadd.s32 $0xFFFFCE00  }
0x16e: {  	[tilespmem:s11], [sflag:$0x2] =	stream.indirect.gather [spmem:s2], $0x1, s5, s9, $0xb8;
	[tilespmem:$0x18AA8] =	vst v63  }
0x16f: {  	_ =	swait.ge [sflag:s6], $0x3200  }
0x170: {  	s17 =	sld [smem:$0x7E7]  }
0x171: {  	[sflag:s6] =	ssyncset.done $0x0  }
0x172: {  	[sflag:s6] =	ssyncadd.s32 $0xFFFFCE00  }
0x173: {  	[hbm4b:s17+s7] =	stream.strided.scatter [tilespmem:s11], [sflag:$0x4], $0x3200, s10, s7, $0x38;
	[tilespmem:$0x18AA8] =	vst v63  }
0x174: {  	[bflag:$0x0] =	sbarrier.arrive $0xFFFF  }
0x175: {  	s17 =	sld [smem:$0x7E9];
	_ =	sdelay $0x2  }
0x176: {  	[spmem:s1@s24], [sflag:s21] =	dma.strided @p0 [hbm:s17@s20], $0x1EC0, s23, $0x10   }
0x177: {  	s17 =	sld [smem:$0x7EA];
	_ =	sdelay $0x2  }
0x178: {  	[tilespmem:s19], [sflag:$0x1] =	stream.linear.gather @p0 [hbm4b:s17+s22], $0x80, $0x38;
	[tilespmem:$0x18AA8] =	vst v63  }
0x179: {  	_ =	swait.ge @p0 [sflag:s23], $0x1EC0  }
0x17a: {  	[sflag:s23] =	ssyncset.done @p0 $0x0  }
0x17b: {  	[sflag:s23] =	ssyncadd.s32 @p0 $0xFFFFE140  }
0x17c: {  	_ =	swait.ge @p0 [sflag:s23], $0x80  }
0x17d: {  	[sflag:s23] =	ssyncset.done @p0 $0x0  }
0x17e: {  	[sflag:s23] =	ssyncadd.s32 @p0 $0xFFFFFF80  }
0x17f: {  	[spmem:s12] =	stream.linear.scatter @p0 [tilespmem:s19], [sflag:$0x5], $0x80, $0x38;
	[tilespmem:$0x18AA8] =	vst v63  }
0x180: {  	_ =	swait.ge @p0 [sflag:s25], $0x80  }
0x181: {  	s17 =	sld [smem:$0x7E8]  }
0x182: {  	[sflag:s25] =	ssyncset.done @p0 $0x0  }
0x183: {  	[sflag:s25] =	ssyncadd.s32 @p0 $0xFFFFFF80  }
0x184: {  	[spmem:s31@s26], [sflag:s29] =	dma.strided @!p0 [hbm:s17@s28], $0x1E80, s30, $0x10   }
0x185: {  	_ =	swait.ge @!p0 [sflag:s30], $0x1E80  }
0x186: {  	[sflag:s30] =	ssyncset.done @!p0 $0x0  }
0x187: {  	[sflag:s30] =	ssyncadd.s32 @!p0 $0xFFFFE180  }
0x188: {  	[bflag:$0x0] =	sbarrier.arrive $0xFFFF  }
0x189: {  	_ =	swait.ge [sflag:s8], $0x3200  }
0x18a: {  	[sflag:s8] =	ssyncset.done $0x0  }
0x18b: {  	[sflag:s8] =	ssyncadd.s32 $0xFFFFCE00  }
0x18c: {  	[tilespmem:s14], [sflag:$0x2] =	stream.indirect.gather [spmem:s2], $0x1, s5, s9, $0xb8;
	[tilespmem:$0x18AA8] =	vst v63  }
0x18d: {  	_ =	swait.ge [sflag:s6], $0x3200  }
0x18e: {  	s17 =	sld [smem:$0x7EB]  }
0x18f: {  	[sflag:s6] =	ssyncset.done $0x0  }
0x190: {  	[sflag:s6] =	ssyncadd.s32 $0xFFFFCE00  }
0x191: {  	[hbm4b:s17+s7] =	stream.strided.scatter [tilespmem:s14], [sflag:$0x3], $0x3200, s10, s7, $0x38;
	[tilespmem:$0x18AA8] =	vst v63  }
0x192: {  	[bflag:$0x0] =	sbarrier.arrive $0xFFFF  }
0x193: {  	s17 =	sld [smem:$0x7ED];
	_ =	sdelay $0x2  }
0x194: {  	[spmem:s1@s24], [sflag:s21] =	dma.strided @p0 [hbm:s17@s20], $0x1EC0, s23, $0x10   }
0x195: {  	s17 =	sld [smem:$0x7EE];
	_ =	sdelay $0x2  }
0x196: {  	[tilespmem:s19], [sflag:$0x1] =	stream.linear.gather @p0 [hbm4b:s17+s22], $0x80, $0x38;
	[tilespmem:$0x18AA8] =	vst v63  }
0x197: {  	_ =	swait.ge @p0 [sflag:s23], $0x1EC0  }
0x198: {  	[sflag:s23] =	ssyncset.done @p0 $0x0  }
0x199: {  	[sflag:s23] =	ssyncadd.s32 @p0 $0xFFFFE140  }
0x19a: {  	_ =	swait.ge @p0 [sflag:s23], $0x80  }
0x19b: {  	[sflag:s23] =	ssyncset.done @p0 $0x0  }
0x19c: {  	[sflag:s23] =	ssyncadd.s32 @p0 $0xFFFFFF80  }
0x19d: {  	[spmem:s12] =	stream.linear.scatter @p0 [tilespmem:s19], [sflag:$0x5], $0x80, $0x38;
	[tilespmem:$0x18AA8] =	vst v63  }
0x19e: {  	_ =	swait.ge @p0 [sflag:s25], $0x80  }
0x19f: {  	s17 =	sld [smem:$0x7EC]  }
0x1a0: {  	[sflag:s25] =	ssyncset.done @p0 $0x0  }
0x1a1: {  	[sflag:s25] =	ssyncadd.s32 @p0 $0xFFFFFF80  }
0x1a2: {  	[spmem:s31@s26], [sflag:s29] =	dma.strided @!p0 [hbm:s17@s28], $0x1E80, s30, $0x10   }
0x1a3: {  	_ =	swait.ge @!p0 [sflag:s30], $0x1E80  }
0x1a4: {  	[sflag:s30] =	ssyncset.done @!p0 $0x0  }
0x1a5: {  	[sflag:s30] =	ssyncadd.s32 @!p0 $0xFFFFE180  }
0x1a6: {  	[bflag:$0x0] =	sbarrier.arrive $0xFFFF  }
0x1a7: {  	_ =	swait.ge [sflag:s4], $0x3200  }
0x1a8: {  	[sflag:s4] =	ssyncset.done $0x0  }
0x1a9: {  	[sflag:s4] =	ssyncadd.s32 $0xFFFFCE00  }
0x1aa: {  	[tilespmem:s11], [sflag:$0x2] =	stream.indirect.gather [spmem:s2], $0x1, s5, s9, $0xb8;
	[tilespmem:$0x18AA8] =	vst v63  }
0x1ab: {  	_ =	swait.ge [sflag:s6], $0x3200  }
0x1ac: {  	s17 =	sld [smem:$0x7EF]  }
0x1ad: {  	[sflag:s6] =	ssyncset.done $0x0  }
0x1ae: {  	[sflag:s6] =	ssyncadd.s32 $0xFFFFCE00  }
0x1af: {  	[hbm4b:s17+s7] =	stream.strided.scatter [tilespmem:s11], [sflag:$0x4], $0x3200, s10, s7, $0x38;
	[tilespmem:$0x18AA8] =	vst v63  }
0x1b0: {  	[bflag:$0x0] =	sbarrier.arrive $0xFFFF  }
0x1b1: {  	s17 =	sld [smem:$0x7F1];
	_ =	sdelay $0x2  }
0x1b2: {  	[spmem:s1@s24], [sflag:s21] =	dma.strided @p0 [hbm:s17@s20], $0x1EC0, s23, $0x10   }
0x1b3: {  	s17 =	sld [smem:$0x7F2];
	_ =	sdelay $0x2  }
0x1b4: {  	[tilespmem:s19], [sflag:$0x1] =	stream.linear.gather @p0 [hbm4b:s17+s22], $0x80, $0x38;
	[tilespmem:$0x18AA8] =	vst v63  }
0x1b5: {  	_ =	swait.ge @p0 [sflag:s23], $0x1EC0  }
0x1b6: {  	[sflag:s23] =	ssyncset.done @p0 $0x0  }
0x1b7: {  	[sflag:s23] =	ssyncadd.s32 @p0 $0xFFFFE140  }
0x1b8: {  	_ =	swait.ge @p0 [sflag:s23], $0x80  }
0x1b9: {  	[sflag:s23] =	ssyncset.done @p0 $0x0  }
0x1ba: {  	[sflag:s23] =	ssyncadd.s32 @p0 $0xFFFFFF80  }
0x1bb: {  	[spmem:s12] =	stream.linear.scatter @p0 [tilespmem:s19], [sflag:$0x5], $0x80, $0x38;
	[tilespmem:$0x18AA8] =	vst v63  }
0x1bc: {  	_ =	swait.ge @p0 [sflag:s25], $0x80  }
0x1bd: {  	s17 =	sld [smem:$0x7F0]  }
0x1be: {  	[sflag:s25] =	ssyncset.done @p0 $0x0  }
0x1bf: {  	[sflag:s25] =	ssyncadd.s32 @p0 $0xFFFFFF80  }
0x1c0: {  	[spmem:s31@s26], [sflag:s29] =	dma.strided @!p0 [hbm:s17@s28], $0x1E80, s30, $0x10   }
0x1c1: {  	_ =	swait.ge @!p0 [sflag:s30], $0x1E80  }
0x1c2: {  	[sflag:s30] =	ssyncset.done @!p0 $0x0  }
0x1c3: {  	[sflag:s30] =	ssyncadd.s32 @!p0 $0xFFFFE180  }
0x1c4: {  	[bflag:$0x0] =	sbarrier.arrive $0xFFFF  }
0x1c5: {  	_ =	swait.ge [sflag:s8], $0x3200  }
0x1c6: {  	[sflag:s8] =	ssyncset.done $0x0  }
0x1c7: {  	[sflag:s8] =	ssyncadd.s32 $0xFFFFCE00  }
0x1c8: {  	[tilespmem:s14], [sflag:$0x2] =	stream.indirect.gather [spmem:s2], $0x1, s5, s9, $0xb8;
	[tilespmem:$0x18AA8] =	vst v63  }
0x1c9: {  	_ =	swait.ge [sflag:s6], $0x3200  }
0x1ca: {  	s17 =	sld [smem:$0x7F3]  }
0x1cb: {  	[sflag:s6] =	ssyncset.done $0x0  }
0x1cc: {  	[sflag:s6] =	ssyncadd.s32 $0xFFFFCE00  }
0x1cd: {  	[hbm4b:s17+s7] =	stream.strided.scatter [tilespmem:s14], [sflag:$0x3], $0x3200, s10, s7, $0x38;
	[tilespmem:$0x18AA8] =	vst v63  }
0x1ce: {  	[bflag:$0x0] =	sbarrier.arrive $0xFFFF  }
0x1cf: {  	s17 =	sld [smem:$0x7F5];
	_ =	sdelay $0x2  }
0x1d0: {  	[spmem:s1@s24], [sflag:s21] =	dma.strided @p0 [hbm:s17@s20], $0x1EC0, s23, $0x10   }
0x1d1: {  	s17 =	sld [smem:$0x7F6];
	_ =	sdelay $0x2  }
0x1d2: {  	[tilespmem:s19], [sflag:$0x1] =	stream.linear.gather @p0 [hbm4b:s17+s22], $0x80, $0x38;
	[tilespmem:$0x18AA8] =	vst v63  }
0x1d3: {  	_ =	swait.ge @p0 [sflag:s23], $0x1EC0  }
0x1d4: {  	[sflag:s23] =	ssyncset.done @p0 $0x0  }
0x1d5: {  	[sflag:s23] =	ssyncadd.s32 @p0 $0xFFFFE140  }
0x1d6: {  	_ =	swait.ge @p0 [sflag:s23], $0x80  }
0x1d7: {  	[sflag:s23] =	ssyncset.done @p0 $0x0  }
0x1d8: {  	[sflag:s23] =	ssyncadd.s32 @p0 $0xFFFFFF80  }
0x1d9: {  	[spmem:s12] =	stream.linear.scatter @p0 [tilespmem:s19], [sflag:$0x5], $0x80, $0x38;
	[tilespmem:$0x18AA8] =	vst v63  }
0x1da: {  	_ =	swait.ge @p0 [sflag:s25], $0x80  }
0x1db: {  	s17 =	sld [smem:$0x7F4]  }
0x1dc: {  	[sflag:s25] =	ssyncset.done @p0 $0x0  }
0x1dd: {  	[sflag:s25] =	ssyncadd.s32 @p0 $0xFFFFFF80  }
0x1de: {  	[spmem:s31@s26], [sflag:s29] =	dma.strided @!p0 [hbm:s17@s28], $0x1E80, s30, $0x10   }
0x1df: {  	_ =	swait.ge @!p0 [sflag:s30], $0x1E80  }
0x1e0: {  	[sflag:s30] =	ssyncset.done @!p0 $0x0  }
0x1e1: {  	[sflag:s30] =	ssyncadd.s32 @!p0 $0xFFFFE180  }
0x1e2: {  	[bflag:$0x0] =	sbarrier.arrive $0xFFFF  }
0x1e3: {  	_ =	swait.ge [sflag:s4], $0x3200  }
0x1e4: {  	[sflag:s4] =	ssyncset.done $0x0  }
0x1e5: {  	[sflag:s4] =	ssyncadd.s32 $0xFFFFCE00  }
0x1e6: {  	[tilespmem:s11], [sflag:$0x2] =	stream.indirect.gather [spmem:s2], $0x1, s5, s9, $0xb8;
	[tilespmem:$0x18AA8] =	vst v63  }
0x1e7: {  	_ =	swait.ge [sflag:s6], $0x3200  }
0x1e8: {  	s17 =	sld [smem:$0x7F7]  }
0x1e9: {  	[sflag:s6] =	ssyncset.done $0x0  }
0x1ea: {  	[sflag:s6] =	ssyncadd.s32 $0xFFFFCE00  }
0x1eb: {  	[hbm4b:s17+s7] =	stream.strided.scatter [tilespmem:s11], [sflag:$0x4], $0x3200, s10, s7, $0x38;
	[tilespmem:$0x18AA8] =	vst v63  }
0x1ec: {  	[bflag:$0x0] =	sbarrier.arrive $0xFFFF  }
0x1ed: {  	s17 =	sld [smem:$0x7F9];
	_ =	sdelay $0x2  }
0x1ee: {  	[spmem:s1@s24], [sflag:s21] =	dma.strided @p0 [hbm:s17@s20], $0x1EC0, s23, $0x10   }
0x1ef: {  	s17 =	sld [smem:$0x7FA];
	_ =	sdelay $0x2  }
0x1f0: {  	[tilespmem:s19], [sflag:$0x1] =	stream.linear.gather @p0 [hbm4b:s17+s22], $0x80, $0x38;
	[tilespmem:$0x18AA8] =	vst v63  }
0x1f1: {  	_ =	swait.ge @p0 [sflag:s23], $0x1EC0  }
0x1f2: {  	[sflag:s23] =	ssyncset.done @p0 $0x0  }
0x1f3: {  	[sflag:s23] =	ssyncadd.s32 @p0 $0xFFFFE140  }
0x1f4: {  	_ =	swait.ge @p0 [sflag:s23], $0x80  }
0x1f5: {  	[sflag:s23] =	ssyncset.done @p0 $0x0  }
0x1f6: {  	[sflag:s23] =	ssyncadd.s32 @p0 $0xFFFFFF80  }
0x1f7: {  	[spmem:s12] =	stream.linear.scatter @p0 [tilespmem:s19], [sflag:$0x5], $0x80, $0x38;
	[tilespmem:$0x18AA8] =	vst v63  }
0x1f8: {  	_ =	swait.ge @p0 [sflag:s25], $0x80  }
0x1f9: {  	s17 =	sld [smem:$0x7F8]  }
0x1fa: {  	[sflag:s25] =	ssyncset.done @p0 $0x0  }
0x1fb: {  	[sflag:s25] =	ssyncadd.s32 @p0 $0xFFFFFF80  }
0x1fc: {  	[spmem:s31@s26], [sflag:s29] =	dma.strided @!p0 [hbm:s17@s28], $0x1E80, s30, $0x10   }
0x1fd: {  	_ =	swait.ge @!p0 [sflag:s30], $0x1E80  }
0x1fe: {  	[sflag:s30] =	ssyncset.done @!p0 $0x0  }
0x1ff: {  	[sflag:s30] =	ssyncadd.s32 @!p0 $0xFFFFE180  }
0x200: {  	[bflag:$0x0] =	sbarrier.arrive $0xFFFF  }
0x201: {  	_ =	swait.ge [sflag:s8], $0x3200  }
0x202: {  	[sflag:s8] =	ssyncset.done $0x0  }
0x203: {  	[sflag:s8] =	ssyncadd.s32 $0xFFFFCE00  }
0x204: {  	[tilespmem:s14], [sflag:$0x2] =	stream.indirect.gather [spmem:s2], $0x1, s5, s9, $0xb8;
	[tilespmem:$0x18AA8] =	vst v63  }
0x205: {  	_ =	swait.ge [sflag:s6], $0x3200  }
0x206: {  	s17 =	sld [smem:$0x7FB]  }
0x207: {  	[sflag:s6] =	ssyncset.done $0x0  }
0x208: {  	[sflag:s6] =	ssyncadd.s32 $0xFFFFCE00  }
0x209: {  	[hbm4b:s17+s7] =	stream.strided.scatter [tilespmem:s14], [sflag:$0x3], $0x3200, s10, s7, $0x38;
	[tilespmem:$0x18AA8] =	vst v63  }
0x20a: {  	[bflag:$0x0] =	sbarrier.arrive $0xFFFF  }
0x20b: {  	s17 =	sld [smem:$0x7FD];
	_ =	sdelay $0x2  }
0x20c: {  	[spmem:s1@s24], [sflag:s21] =	dma.strided @p0 [hbm:s17@s20], $0x1EC0, s23, $0x10   }
0x20d: {  	[tilespmem:s19], [sflag:$0x1] =	stream.linear.gather @p0 [hbm4b:s13+s22], $0x80, $0x38;
	[tilespmem:$0x18AA8] =	vst v63  }
0x20e: {  	_ =	swait.ge @p0 [sflag:s23], $0x1EC0  }
0x20f: {  	[sflag:s23] =	ssyncset.done @p0 $0x0  }
0x210: {  	[sflag:s23] =	ssyncadd.s32 @p0 $0xFFFFE140  }
0x211: {  	_ =	swait.ge @p0 [sflag:s23], $0x80  }
0x212: {  	[sflag:s23] =	ssyncset.done @p0 $0x0  }
0x213: {  	[sflag:s23] =	ssyncadd.s32 @p0 $0xFFFFFF80  }
0x214: {  	[spmem:s12] =	stream.linear.scatter @p0 [tilespmem:s19], [sflag:$0x5], $0x80, $0x38;
	[tilespmem:$0x18AA8] =	vst v63  }
0x215: {  	_ =	swait.ge @p0 [sflag:s25], $0x80  }
0x216: {  	s1 =	sld [smem:$0x7FC]  }
0x217: {  	[sflag:s25] =	ssyncset.done @p0 $0x0  }
0x218: {  	[sflag:s25] =	ssyncadd.s32 @p0 $0xFFFFFF80  }
0x219: {  	[spmem:s31@s26], [sflag:s29] =	dma.strided @!p0 [hbm:s1@s28], $0x1E80, s30, $0x10   }
0x21a: {  	_ =	swait.ge @!p0 [sflag:s30], $0x1E80  }
0x21b: {  	[sflag:s30] =	ssyncset.done @!p0 $0x0  }
0x21c: {  	[sflag:s30] =	ssyncadd.s32 @!p0 $0xFFFFE180  }
0x21d: {  	[bflag:$0x0] =	sbarrier.arrive $0xFFFF  }
0x21e: {  	_ =	swait.ge [sflag:s4], $0x3200  }
0x21f: {  	[sflag:s4] =	ssyncset.done $0x0  }
0x220: {  	[sflag:s4] =	ssyncadd.s32 $0xFFFFCE00  }
0x221: {  	[tilespmem:s11], [sflag:$0x2] =	stream.indirect.gather [spmem:s2], $0x1, s5, s9, $0xb8;
	[tilespmem:$0x18AA8] =	vst v63  }
0x222: {  	_ =	swait.ge [sflag:s6], $0x3200  }
0x223: {  	[sflag:s6] =	ssyncset.done $0x0  }
0x224: {  	s31 =	sadd.s32 $0xFFFFFFFF, s0;
	[sflag:s6] =	ssyncadd.s32 $0xFFFFCE00  }
0x225: {  	[hbm4b:s3+s7] =	stream.strided.scatter [tilespmem:s11], [sflag:$0x4], $0x3200, s10, s7, $0x38;
	[tilespmem:$0x18AA8] =	vst v63  }
0x226: {  	p2 =	sne.s32 s31, $0x0;
	[bflag:$0x0] =	sbarrier.arrive $0xFFFF  }
.Ltmp1:
0x227: {  	_ =	swait.ge [sflag:s8], $0x3200;
	(pc) =	sbr.rel @!p2 .LBB2_2-.Ltmp1, $4  }
0x228: {  	[sflag:s8] =	ssyncset.done $0x0  }
0x229: {  	[sflag:s8] =	ssyncadd.s32 $0xFFFFCE00  }
0x22a: {  	_ =	swait.ge [sflag:s4], $0x3200  }
0x22b: {  	p1 =	por $0x1, $0x1;
	s1 =	rddreg [dreg:$0x5];
	[sflag:s4] =	ssyncset.done $0x0  }
.LBB2_3:
0x22c: {  	[sflag:s4] =	ssyncadd.s32 $0xFFFFCE00  }
0x22d: {  	[tilespmem:s5], [sflag:$0x5] =	stream.linear.gather [hbm4b:s1+s15], $0x3200, $0x38;
	[tilespmem:$0x18AA8] =	vst v63  }
0x22e: {  	_ =	swait.ge [sflag:s18], $0x3200  }
0x22f: {  	[sflag:s18] =	ssyncset.done $0x0;
	s0 =	rddreg [dreg:$0x8]  }
0x230: {  	s17 =	rddreg [dreg:$0x9];
	[sflag:s18] =	ssyncadd.s32 $0xFFFFCE00;
	s1 =	sshrl.u32 @p0 s0, $0x3  }
0x231: {  	[spmem:s1@s24], [sflag:s21] =	dma.strided @p0 [hbm:s17@s20], $0x1EC0, s23, $0x10   }
0x232: {  	[tilespmem:s19], [sflag:$0x1] =	stream.linear.gather @p0 [hbm4b:s16+s22], $0x80, $0x38;
	[tilespmem:$0x18AA8] =	vst v63  }
0x233: {  	_ =	swait.ge @p0 [sflag:s23], $0x1EC0  }
0x234: {  	[sflag:s23] =	ssyncset.done @p0 $0x0  }
0x235: {  	[sflag:s23] =	ssyncadd.s32 @p0 $0xFFFFE140  }
0x236: {  	_ =	swait.ge @p0 [sflag:s23], $0x80  }
0x237: {  	[sflag:s23] =	ssyncset.done @p0 $0x0  }
0x238: {  	[sflag:s23] =	ssyncadd.s32 @p0 $0xFFFFFF80  }
0x239: {  	[spmem:s12] =	stream.linear.scatter @p0 [tilespmem:s19], [sflag:$0x5], $0x80, $0x38;
	[tilespmem:$0x18AA8] =	vst v63  }
0x23a: {  	_ =	swait.ge @p0 [sflag:s25], $0x80  }
0x23b: {  	[sflag:s25] =	ssyncset.done @p0 $0x0;
	s0 =	rddreg [dreg:$0x6]  }
0x23c: {  	s17 =	rddreg [dreg:$0x7];
	[sflag:s25] =	ssyncadd.s32 @p0 $0xFFFFFF80;
	s0 =	sshrl.u32 @!p0 s0, $0x3  }
0x23d: {  	[spmem:s0@s26], [sflag:s29] =	dma.strided @!p0 [hbm:s17@s28], $0x1E80, s30, $0x10   }
0x23e: {  	_ =	swait.ge @!p0 [sflag:s30], $0x1E80  }
0x23f: {  	[sflag:s30] =	ssyncset.done @!p0 $0x0  }
0x240: {  	[sflag:s30] =	ssyncadd.s32 @!p0 $0xFFFFE180  }
0x241: {  	[bflag:$0x0] =	sbarrier.arrive $0xFFFF  }
0x242: {  	[tilespmem:s14], [sflag:$0x2] =	stream.indirect.gather [spmem:s2], $0x1, s5, s9, $0xb8;
	[tilespmem:$0x18AA8] =	vst v63  }
0x243: {  	_ =	swait.ge [sflag:s6], $0x3200  }
0x244: {  	[sflag:s6] =	ssyncset.done $0x0  }
0x245: {  	s17 =	rddreg [dreg:$0xa];
	[sflag:s6] =	ssyncadd.s32 $0xFFFFCE00  }
0x246: {  	[hbm4b:s17+s7] =	stream.strided.scatter [tilespmem:s14], [sflag:$0x3], $0x3200, s10, s7, $0x38;
	[tilespmem:$0x18AA8] =	vst v63  }
0x247: {  	[bflag:$0x0] =	sbarrier.arrive $0xFFFF  }
0x248: {  	s17 =	rddreg [dreg:$0xc]  }
0x249: {  	[spmem:s1@s24], [sflag:s21] =	dma.strided @p0 [hbm:s17@s20], $0x1EC0, s23, $0x10   }
0x24a: {  	s17 =	rddreg [dreg:$0xd]  }
0x24b: {  	[tilespmem:s19], [sflag:$0x1] =	stream.linear.gather @p0 [hbm4b:s17+s22], $0x80, $0x38;
	[tilespmem:$0x18AA8] =	vst v63  }
0x24c: {  	_ =	swait.ge @p0 [sflag:s23], $0x1EC0  }
0x24d: {  	[sflag:s23] =	ssyncset.done @p0 $0x0  }
0x24e: {  	[sflag:s23] =	ssyncadd.s32 @p0 $0xFFFFE140  }
0x24f: {  	_ =	swait.ge @p0 [sflag:s23], $0x80  }
0x250: {  	[sflag:s23] =	ssyncset.done @p0 $0x0  }
0x251: {  	[sflag:s23] =	ssyncadd.s32 @p0 $0xFFFFFF80  }
0x252: {  	[spmem:s12] =	stream.linear.scatter @p0 [tilespmem:s19], [sflag:$0x5], $0x80, $0x38;
	[tilespmem:$0x18AA8] =	vst v63  }
0x253: {  	_ =	swait.ge @p0 [sflag:s25], $0x80  }
0x254: {  	[sflag:s25] =	ssyncset.done @p0 $0x0  }
0x255: {  	s17 =	rddreg [dreg:$0xb];
	[sflag:s25] =	ssyncadd.s32 @p0 $0xFFFFFF80  }
0x256: {  	[spmem:s0@s26], [sflag:s29] =	dma.strided @!p0 [hbm:s17@s28], $0x1E80, s30, $0x10   }
0x257: {  	_ =	swait.ge @!p0 [sflag:s30], $0x1E80  }
0x258: {  	[sflag:s30] =	ssyncset.done @!p0 $0x0  }
0x259: {  	[sflag:s30] =	ssyncadd.s32 @!p0 $0xFFFFE180  }
0x25a: {  	[bflag:$0x0] =	sbarrier.arrive $0xFFFF  }
0x25b: {  	[tilespmem:s11], [sflag:$0x2] =	stream.indirect.gather [spmem:s2], $0x1, s5, s9, $0xb8;
	[tilespmem:$0x18AA8] =	vst v63  }
0x25c: {  	_ =	swait.ge [sflag:s6], $0x3200  }
0x25d: {  	[sflag:s6] =	ssyncset.done $0x0  }
0x25e: {  	s17 =	rddreg [dreg:$0xe];
	[sflag:s6] =	ssyncadd.s32 $0xFFFFCE00  }
0x25f: {  	[hbm4b:s17+s7] =	stream.strided.scatter [tilespmem:s11], [sflag:$0x4], $0x3200, s10, s7, $0x38;
	[tilespmem:$0x18AA8] =	vst v63  }
0x260: {  	[bflag:$0x0] =	sbarrier.arrive $0xFFFF  }
0x261: {  	s17 =	rddreg [dreg:$0x10]  }
0x262: {  	[spmem:s1@s24], [sflag:s21] =	dma.strided @p0 [hbm:s17@s20], $0x1EC0, s23, $0x10   }
0x263: {  	s17 =	rddreg [dreg:$0x11]  }
0x264: {  	[tilespmem:s19], [sflag:$0x1] =	stream.linear.gather @p0 [hbm4b:s17+s22], $0x80, $0x38;
	[tilespmem:$0x18AA8] =	vst v63  }
0x265: {  	_ =	swait.ge @p0 [sflag:s23], $0x1EC0  }
0x266: {  	[sflag:s23] =	ssyncset.done @p0 $0x0  }
0x267: {  	[sflag:s23] =	ssyncadd.s32 @p0 $0xFFFFE140  }
0x268: {  	_ =	swait.ge @p0 [sflag:s23], $0x80  }
0x269: {  	[sflag:s23] =	ssyncset.done @p0 $0x0  }
0x26a: {  	[sflag:s23] =	ssyncadd.s32 @p0 $0xFFFFFF80  }
0x26b: {  	[spmem:s12] =	stream.linear.scatter @p0 [tilespmem:s19], [sflag:$0x5], $0x80, $0x38;
	[tilespmem:$0x18AA8] =	vst v63  }
0x26c: {  	_ =	swait.ge @p0 [sflag:s25], $0x80  }
0x26d: {  	[sflag:s25] =	ssyncset.done @p0 $0x0  }
0x26e: {  	s17 =	rddreg [dreg:$0xf];
	[sflag:s25] =	ssyncadd.s32 @p0 $0xFFFFFF80  }
0x26f: {  	[spmem:s0@s26], [sflag:s29] =	dma.strided @!p0 [hbm:s17@s28], $0x1E80, s30, $0x10   }
0x270: {  	_ =	swait.ge @!p0 [sflag:s30], $0x1E80  }
0x271: {  	[sflag:s30] =	ssyncset.done @!p0 $0x0  }
0x272: {  	[sflag:s30] =	ssyncadd.s32 @!p0 $0xFFFFE180  }
0x273: {  	[bflag:$0x0] =	sbarrier.arrive $0xFFFF  }
0x274: {  	_ =	swait.ge [sflag:s8], $0x3200  }
0x275: {  	[sflag:s8] =	ssyncset.done $0x0  }
0x276: {  	[sflag:s8] =	ssyncadd.s32 $0xFFFFCE00  }
0x277: {  	[tilespmem:s14], [sflag:$0x2] =	stream.indirect.gather [spmem:s2], $0x1, s5, s9, $0xb8;
	[tilespmem:$0x18AA8] =	vst v63  }
0x278: {  	_ =	swait.ge [sflag:s6], $0x3200  }
0x279: {  	[sflag:s6] =	ssyncset.done $0x0  }
0x27a: {  	s17 =	rddreg [dreg:$0x12];
	[sflag:s6] =	ssyncadd.s32 $0xFFFFCE00  }
0x27b: {  	[hbm4b:s17+s7] =	stream.strided.scatter [tilespmem:s14], [sflag:$0x3], $0x3200, s10, s7, $0x38;
	[tilespmem:$0x18AA8] =	vst v63  }
0x27c: {  	[bflag:$0x0] =	sbarrier.arrive $0xFFFF  }
0x27d: {  	s17 =	rddreg [dreg:$0x14]  }
0x27e: {  	[spmem:s1@s24], [sflag:s21] =	dma.strided @p0 [hbm:s17@s20], $0x1EC0, s23, $0x10   }
0x27f: {  	s17 =	rddreg [dreg:$0x15]  }
0x280: {  	[tilespmem:s19], [sflag:$0x1] =	stream.linear.gather @p0 [hbm4b:s17+s22], $0x80, $0x38;
	[tilespmem:$0x18AA8] =	vst v63  }
0x281: {  	_ =	swait.ge @p0 [sflag:s23], $0x1EC0  }
0x282: {  	[sflag:s23] =	ssyncset.done @p0 $0x0  }
0x283: {  	[sflag:s23] =	ssyncadd.s32 @p0 $0xFFFFE140  }
0x284: {  	_ =	swait.ge @p0 [sflag:s23], $0x80  }
0x285: {  	[sflag:s23] =	ssyncset.done @p0 $0x0  }
0x286: {  	[sflag:s23] =	ssyncadd.s32 @p0 $0xFFFFFF80  }
0x287: {  	[spmem:s12] =	stream.linear.scatter @p0 [tilespmem:s19], [sflag:$0x5], $0x80, $0x38;
	[tilespmem:$0x18AA8] =	vst v63  }
0x288: {  	_ =	swait.ge @p0 [sflag:s25], $0x80  }
0x289: {  	[sflag:s25] =	ssyncset.done @p0 $0x0  }
0x28a: {  	s17 =	rddreg [dreg:$0x13];
	[sflag:s25] =	ssyncadd.s32 @p0 $0xFFFFFF80  }
0x28b: {  	[spmem:s0@s26], [sflag:s29] =	dma.strided @!p0 [hbm:s17@s28], $0x1E80, s30, $0x10   }
0x28c: {  	_ =	swait.ge @!p0 [sflag:s30], $0x1E80  }
0x28d: {  	[sflag:s30] =	ssyncset.done @!p0 $0x0  }
0x28e: {  	[sflag:s30] =	ssyncadd.s32 @!p0 $0xFFFFE180  }
0x28f: {  	[bflag:$0x0] =	sbarrier.arrive $0xFFFF  }
0x290: {  	_ =	swait.ge [sflag:s4], $0x3200  }
0x291: {  	[sflag:s4] =	ssyncset.done $0x0  }
0x292: {  	[sflag:s4] =	ssyncadd.s32 $0xFFFFCE00  }
0x293: {  	[tilespmem:s11], [sflag:$0x2] =	stream.indirect.gather [spmem:s2], $0x1, s5, s9, $0xb8;
	[tilespmem:$0x18AA8] =	vst v63  }
0x294: {  	_ =	swait.ge [sflag:s6], $0x3200  }
0x295: {  	[sflag:s6] =	ssyncset.done $0x0  }
0x296: {  	s17 =	rddreg [dreg:$0x16];
	[sflag:s6] =	ssyncadd.s32 $0xFFFFCE00  }
0x297: {  	[hbm4b:s17+s7] =	stream.strided.scatter [tilespmem:s11], [sflag:$0x4], $0x3200, s10, s7, $0x38;
	[tilespmem:$0x18AA8] =	vst v63  }
0x298: {  	[bflag:$0x0] =	sbarrier.arrive $0xFFFF  }
0x299: {  	s17 =	rddreg [dreg:$0x18]  }
0x29a: {  	[spmem:s1@s24], [sflag:s21] =	dma.strided @p0 [hbm:s17@s20], $0x1EC0, s23, $0x10   }
0x29b: {  	s17 =	rddreg [dreg:$0x19]  }
0x29c: {  	[tilespmem:s19], [sflag:$0x1] =	stream.linear.gather @p0 [hbm4b:s17+s22], $0x80, $0x38;
	[tilespmem:$0x18AA8] =	vst v63  }
0x29d: {  	_ =	swait.ge @p0 [sflag:s23], $0x1EC0  }
0x29e: {  	[sflag:s23] =	ssyncset.done @p0 $0x0  }
0x29f: {  	[sflag:s23] =	ssyncadd.s32 @p0 $0xFFFFE140  }
0x2a0: {  	_ =	swait.ge @p0 [sflag:s23], $0x80  }
0x2a1: {  	[sflag:s23] =	ssyncset.done @p0 $0x0  }
0x2a2: {  	[sflag:s23] =	ssyncadd.s32 @p0 $0xFFFFFF80  }
0x2a3: {  	[spmem:s12] =	stream.linear.scatter @p0 [tilespmem:s19], [sflag:$0x5], $0x80, $0x38;
	[tilespmem:$0x18AA8] =	vst v63  }
0x2a4: {  	_ =	swait.ge @p0 [sflag:s25], $0x80  }
0x2a5: {  	[sflag:s25] =	ssyncset.done @p0 $0x0  }
0x2a6: {  	s17 =	rddreg [dreg:$0x17];
	[sflag:s25] =	ssyncadd.s32 @p0 $0xFFFFFF80  }
0x2a7: {  	[spmem:s0@s26], [sflag:s29] =	dma.strided @!p0 [hbm:s17@s28], $0x1E80, s30, $0x10   }
0x2a8: {  	_ =	swait.ge @!p0 [sflag:s30], $0x1E80  }
0x2a9: {  	[sflag:s30] =	ssyncset.done @!p0 $0x0  }
0x2aa: {  	[sflag:s30] =	ssyncadd.s32 @!p0 $0xFFFFE180  }
0x2ab: {  	[bflag:$0x0] =	sbarrier.arrive $0xFFFF  }
0x2ac: {  	_ =	swait.ge [sflag:s8], $0x3200  }
0x2ad: {  	[sflag:s8] =	ssyncset.done $0x0  }
0x2ae: {  	[sflag:s8] =	ssyncadd.s32 $0xFFFFCE00  }
0x2af: {  	[tilespmem:s14], [sflag:$0x2] =	stream.indirect.gather [spmem:s2], $0x1, s5, s9, $0xb8;
	[tilespmem:$0x18AA8] =	vst v63  }
0x2b0: {  	_ =	swait.ge [sflag:s6], $0x3200  }
0x2b1: {  	[sflag:s6] =	ssyncset.done $0x0  }
0x2b2: {  	s17 =	rddreg [dreg:$0x1a];
	[sflag:s6] =	ssyncadd.s32 $0xFFFFCE00  }
0x2b3: {  	[hbm4b:s17+s7] =	stream.strided.scatter [tilespmem:s14], [sflag:$0x3], $0x3200, s10, s7, $0x38;
	[tilespmem:$0x18AA8] =	vst v63  }
0x2b4: {  	[bflag:$0x0] =	sbarrier.arrive $0xFFFF  }
0x2b5: {  	s17 =	rddreg [dreg:$0x1c]  }
0x2b6: {  	[spmem:s1@s24], [sflag:s21] =	dma.strided @p0 [hbm:s17@s20], $0x1EC0, s23, $0x10   }
0x2b7: {  	s17 =	rddreg [dreg:$0x1d]  }
0x2b8: {  	[tilespmem:s19], [sflag:$0x1] =	stream.linear.gather @p0 [hbm4b:s17+s22], $0x80, $0x38;
	[tilespmem:$0x18AA8] =	vst v63  }
0x2b9: {  	_ =	swait.ge @p0 [sflag:s23], $0x1EC0  }
0x2ba: {  	[sflag:s23] =	ssyncset.done @p0 $0x0  }
0x2bb: {  	[sflag:s23] =	ssyncadd.s32 @p0 $0xFFFFE140  }
0x2bc: {  	_ =	swait.ge @p0 [sflag:s23], $0x80  }
0x2bd: {  	[sflag:s23] =	ssyncset.done @p0 $0x0  }
0x2be: {  	[sflag:s23] =	ssyncadd.s32 @p0 $0xFFFFFF80  }
0x2bf: {  	[spmem:s12] =	stream.linear.scatter @p0 [tilespmem:s19], [sflag:$0x5], $0x80, $0x38;
	[tilespmem:$0x18AA8] =	vst v63  }
0x2c0: {  	_ =	swait.ge @p0 [sflag:s25], $0x80  }
0x2c1: {  	[sflag:s25] =	ssyncset.done @p0 $0x0  }
0x2c2: {  	s17 =	rddreg [dreg:$0x1b];
	[sflag:s25] =	ssyncadd.s32 @p0 $0xFFFFFF80  }
0x2c3: {  	[spmem:s0@s26], [sflag:s29] =	dma.strided @!p0 [hbm:s17@s28], $0x1E80, s30, $0x10   }
0x2c4: {  	_ =	swait.ge @!p0 [sflag:s30], $0x1E80  }
0x2c5: {  	[sflag:s30] =	ssyncset.done @!p0 $0x0  }
0x2c6: {  	[sflag:s30] =	ssyncadd.s32 @!p0 $0xFFFFE180  }
0x2c7: {  	[bflag:$0x0] =	sbarrier.arrive $0xFFFF  }
0x2c8: {  	_ =	swait.ge [sflag:s4], $0x3200  }
0x2c9: {  	[sflag:s4] =	ssyncset.done $0x0  }
0x2ca: {  	[sflag:s4] =	ssyncadd.s32 $0xFFFFCE00  }
0x2cb: {  	[tilespmem:s11], [sflag:$0x2] =	stream.indirect.gather [spmem:s2], $0x1, s5, s9, $0xb8;
	[tilespmem:$0x18AA8] =	vst v63  }
0x2cc: {  	_ =	swait.ge [sflag:s6], $0x3200  }
0x2cd: {  	[sflag:s6] =	ssyncset.done $0x0  }
0x2ce: {  	s17 =	rddreg [dreg:$0x1e];
	[sflag:s6] =	ssyncadd.s32 $0xFFFFCE00  }
0x2cf: {  	[hbm4b:s17+s7] =	stream.strided.scatter [tilespmem:s11], [sflag:$0x4], $0x3200, s10, s7, $0x38;
	[tilespmem:$0x18AA8] =	vst v63  }
0x2d0: {  	[bflag:$0x0] =	sbarrier.arrive $0xFFFF  }
0x2d1: {  	s17 =	sld [smem:$0x7D9];
	_ =	sdelay $0x2  }
0x2d2: {  	[spmem:s1@s24], [sflag:s21] =	dma.strided @p0 [hbm:s17@s20], $0x1EC0, s23, $0x10   }
0x2d3: {  	s17 =	sld [smem:$0x7DA];
	_ =	sdelay $0x2  }
0x2d4: {  	[tilespmem:s19], [sflag:$0x1] =	stream.linear.gather @p0 [hbm4b:s17+s22], $0x80, $0x38;
	[tilespmem:$0x18AA8] =	vst v63  }
0x2d5: {  	_ =	swait.ge @p0 [sflag:s23], $0x1EC0  }
0x2d6: {  	[sflag:s23] =	ssyncset.done @p0 $0x0  }
0x2d7: {  	[sflag:s23] =	ssyncadd.s32 @p0 $0xFFFFE140  }
0x2d8: {  	_ =	swait.ge @p0 [sflag:s23], $0x80  }
0x2d9: {  	[sflag:s23] =	ssyncset.done @p0 $0x0  }
0x2da: {  	[sflag:s23] =	ssyncadd.s32 @p0 $0xFFFFFF80  }
0x2db: {  	[spmem:s12] =	stream.linear.scatter @p0 [tilespmem:s19], [sflag:$0x5], $0x80, $0x38;
	[tilespmem:$0x18AA8] =	vst v63  }
0x2dc: {  	_ =	swait.ge @p0 [sflag:s25], $0x80  }
0x2dd: {  	[sflag:s25] =	ssyncset.done @p0 $0x0  }
0x2de: {  	s17 =	rddreg [dreg:$0x1f];
	[sflag:s25] =	ssyncadd.s32 @p0 $0xFFFFFF80  }
0x2df: {  	[spmem:s0@s26], [sflag:s29] =	dma.strided @!p0 [hbm:s17@s28], $0x1E80, s30, $0x10   }
0x2e0: {  	_ =	swait.ge @!p0 [sflag:s30], $0x1E80  }
0x2e1: {  	[sflag:s30] =	ssyncset.done @!p0 $0x0  }
0x2e2: {  	[sflag:s30] =	ssyncadd.s32 @!p0 $0xFFFFE180  }
0x2e3: {  	[bflag:$0x0] =	sbarrier.arrive $0xFFFF  }
0x2e4: {  	_ =	swait.ge [sflag:s8], $0x3200  }
0x2e5: {  	[sflag:s8] =	ssyncset.done $0x0  }
0x2e6: {  	[sflag:s8] =	ssyncadd.s32 $0xFFFFCE00  }
0x2e7: {  	[tilespmem:s14], [sflag:$0x2] =	stream.indirect.gather [spmem:s2], $0x1, s5, s9, $0xb8;
	[tilespmem:$0x18AA8] =	vst v63  }
0x2e8: {  	_ =	swait.ge [sflag:s6], $0x3200  }
0x2e9: {  	s17 =	sld [smem:$0x7DB]  }
0x2ea: {  	[sflag:s6] =	ssyncset.done $0x0  }
0x2eb: {  	[sflag:s6] =	ssyncadd.s32 $0xFFFFCE00  }
0x2ec: {  	[hbm4b:s17+s7] =	stream.strided.scatter [tilespmem:s14], [sflag:$0x3], $0x3200, s10, s7, $0x38;
	[tilespmem:$0x18AA8] =	vst v63  }
0x2ed: {  	[bflag:$0x0] =	sbarrier.arrive $0xFFFF  }
0x2ee: {  	s17 =	sld [smem:$0x7DD];
	_ =	sdelay $0x2  }
0x2ef: {  	[spmem:s1@s24], [sflag:s21] =	dma.strided @p0 [hbm:s17@s20], $0x1EC0, s23, $0x10   }
0x2f0: {  	s17 =	sld [smem:$0x7DE];
	_ =	sdelay $0x2  }
0x2f1: {  	[tilespmem:s19], [sflag:$0x1] =	stream.linear.gather @p0 [hbm4b:s17+s22], $0x80, $0x38;
	[tilespmem:$0x18AA8] =	vst v63  }
0x2f2: {  	_ =	swait.ge @p0 [sflag:s23], $0x1EC0  }
0x2f3: {  	[sflag:s23] =	ssyncset.done @p0 $0x0  }
0x2f4: {  	[sflag:s23] =	ssyncadd.s32 @p0 $0xFFFFE140  }
0x2f5: {  	_ =	swait.ge @p0 [sflag:s23], $0x80  }
0x2f6: {  	[sflag:s23] =	ssyncset.done @p0 $0x0  }
0x2f7: {  	[sflag:s23] =	ssyncadd.s32 @p0 $0xFFFFFF80  }
0x2f8: {  	[spmem:s12] =	stream.linear.scatter @p0 [tilespmem:s19], [sflag:$0x5], $0x80, $0x38;
	[tilespmem:$0x18AA8] =	vst v63  }
0x2f9: {  	_ =	swait.ge @p0 [sflag:s25], $0x80  }
0x2fa: {  	s17 =	sld [smem:$0x7DC]  }
0x2fb: {  	[sflag:s25] =	ssyncset.done @p0 $0x0  }
0x2fc: {  	[sflag:s25] =	ssyncadd.s32 @p0 $0xFFFFFF80  }
0x2fd: {  	[spmem:s0@s26], [sflag:s29] =	dma.strided @!p0 [hbm:s17@s28], $0x1E80, s30, $0x10   }
0x2fe: {  	_ =	swait.ge @!p0 [sflag:s30], $0x1E80  }
0x2ff: {  	[sflag:s30] =	ssyncset.done @!p0 $0x0  }
0x300: {  	[sflag:s30] =	ssyncadd.s32 @!p0 $0xFFFFE180  }
0x301: {  	[bflag:$0x0] =	sbarrier.arrive $0xFFFF  }
0x302: {  	_ =	swait.ge [sflag:s4], $0x3200  }
0x303: {  	[sflag:s4] =	ssyncset.done $0x0  }
0x304: {  	[sflag:s4] =	ssyncadd.s32 $0xFFFFCE00  }
0x305: {  	[tilespmem:s11], [sflag:$0x2] =	stream.indirect.gather [spmem:s2], $0x1, s5, s9, $0xb8;
	[tilespmem:$0x18AA8] =	vst v63  }
0x306: {  	_ =	swait.ge [sflag:s6], $0x3200  }
0x307: {  	s17 =	sld [smem:$0x7DF]  }
0x308: {  	[sflag:s6] =	ssyncset.done $0x0  }
0x309: {  	[sflag:s6] =	ssyncadd.s32 $0xFFFFCE00  }
0x30a: {  	[hbm4b:s17+s7] =	stream.strided.scatter [tilespmem:s11], [sflag:$0x4], $0x3200, s10, s7, $0x38;
	[tilespmem:$0x18AA8] =	vst v63  }
0x30b: {  	[bflag:$0x0] =	sbarrier.arrive $0xFFFF  }
0x30c: {  	s17 =	sld [smem:$0x7E1];
	_ =	sdelay $0x2  }
0x30d: {  	[spmem:s1@s24], [sflag:s21] =	dma.strided @p0 [hbm:s17@s20], $0x1EC0, s23, $0x10   }
0x30e: {  	s17 =	sld [smem:$0x7E2];
	_ =	sdelay $0x2  }
0x30f: {  	[tilespmem:s19], [sflag:$0x1] =	stream.linear.gather @p0 [hbm4b:s17+s22], $0x80, $0x38;
	[tilespmem:$0x18AA8] =	vst v63  }
0x310: {  	_ =	swait.ge @p0 [sflag:s23], $0x1EC0  }
0x311: {  	[sflag:s23] =	ssyncset.done @p0 $0x0  }
0x312: {  	[sflag:s23] =	ssyncadd.s32 @p0 $0xFFFFE140  }
0x313: {  	_ =	swait.ge @p0 [sflag:s23], $0x80  }
0x314: {  	[sflag:s23] =	ssyncset.done @p0 $0x0  }
0x315: {  	[sflag:s23] =	ssyncadd.s32 @p0 $0xFFFFFF80  }
0x316: {  	[spmem:s12] =	stream.linear.scatter @p0 [tilespmem:s19], [sflag:$0x5], $0x80, $0x38;
	[tilespmem:$0x18AA8] =	vst v63  }
0x317: {  	_ =	swait.ge @p0 [sflag:s25], $0x80  }
0x318: {  	s17 =	sld [smem:$0x7E0]  }
0x319: {  	[sflag:s25] =	ssyncset.done @p0 $0x0  }
0x31a: {  	[sflag:s25] =	ssyncadd.s32 @p0 $0xFFFFFF80  }
0x31b: {  	[spmem:s0@s26], [sflag:s29] =	dma.strided @!p0 [hbm:s17@s28], $0x1E80, s30, $0x10   }
0x31c: {  	_ =	swait.ge @!p0 [sflag:s30], $0x1E80  }
0x31d: {  	[sflag:s30] =	ssyncset.done @!p0 $0x0  }
0x31e: {  	[sflag:s30] =	ssyncadd.s32 @!p0 $0xFFFFE180  }
0x31f: {  	[bflag:$0x0] =	sbarrier.arrive $0xFFFF  }
0x320: {  	_ =	swait.ge [sflag:s8], $0x3200  }
0x321: {  	[sflag:s8] =	ssyncset.done $0x0  }
0x322: {  	[sflag:s8] =	ssyncadd.s32 $0xFFFFCE00  }
0x323: {  	[tilespmem:s14], [sflag:$0x2] =	stream.indirect.gather [spmem:s2], $0x1, s5, s9, $0xb8;
	[tilespmem:$0x18AA8] =	vst v63  }
0x324: {  	_ =	swait.ge [sflag:s6], $0x3200  }
0x325: {  	s17 =	sld [smem:$0x7E3]  }
0x326: {  	[sflag:s6] =	ssyncset.done $0x0  }
0x327: {  	[sflag:s6] =	ssyncadd.s32 $0xFFFFCE00  }
0x328: {  	[hbm4b:s17+s7] =	stream.strided.scatter [tilespmem:s14], [sflag:$0x3], $0x3200, s10, s7, $0x38;
	[tilespmem:$0x18AA8] =	vst v63  }
0x329: {  	[bflag:$0x0] =	sbarrier.arrive $0xFFFF  }
0x32a: {  	s17 =	sld [smem:$0x7E5];
	_ =	sdelay $0x2  }
0x32b: {  	[spmem:s1@s24], [sflag:s21] =	dma.strided @p0 [hbm:s17@s20], $0x1EC0, s23, $0x10   }
0x32c: {  	s17 =	sld [smem:$0x7E6];
	_ =	sdelay $0x2  }
0x32d: {  	[tilespmem:s19], [sflag:$0x1] =	stream.linear.gather @p0 [hbm4b:s17+s22], $0x80, $0x38;
	[tilespmem:$0x18AA8] =	vst v63  }
0x32e: {  	_ =	swait.ge @p0 [sflag:s23], $0x1EC0  }
0x32f: {  	[sflag:s23] =	ssyncset.done @p0 $0x0  }
0x330: {  	[sflag:s23] =	ssyncadd.s32 @p0 $0xFFFFE140  }
0x331: {  	_ =	swait.ge @p0 [sflag:s23], $0x80  }
0x332: {  	[sflag:s23] =	ssyncset.done @p0 $0x0  }
0x333: {  	[sflag:s23] =	ssyncadd.s32 @p0 $0xFFFFFF80  }
0x334: {  	[spmem:s12] =	stream.linear.scatter @p0 [tilespmem:s19], [sflag:$0x5], $0x80, $0x38;
	[tilespmem:$0x18AA8] =	vst v63  }
0x335: {  	_ =	swait.ge @p0 [sflag:s25], $0x80  }
0x336: {  	s17 =	sld [smem:$0x7E4]  }
0x337: {  	[sflag:s25] =	ssyncset.done @p0 $0x0  }
0x338: {  	[sflag:s25] =	ssyncadd.s32 @p0 $0xFFFFFF80  }
0x339: {  	[spmem:s0@s26], [sflag:s29] =	dma.strided @!p0 [hbm:s17@s28], $0x1E80, s30, $0x10   }
0x33a: {  	_ =	swait.ge @!p0 [sflag:s30], $0x1E80  }
0x33b: {  	[sflag:s30] =	ssyncset.done @!p0 $0x0  }
0x33c: {  	[sflag:s30] =	ssyncadd.s32 @!p0 $0xFFFFE180  }
0x33d: {  	[bflag:$0x0] =	sbarrier.arrive $0xFFFF  }
0x33e: {  	_ =	swait.ge [sflag:s4], $0x3200  }
0x33f: {  	[sflag:s4] =	ssyncset.done $0x0  }
0x340: {  	[sflag:s4] =	ssyncadd.s32 $0xFFFFCE00  }
0x341: {  	[tilespmem:s11], [sflag:$0x2] =	stream.indirect.gather [spmem:s2], $0x1, s5, s9, $0xb8;
	[tilespmem:$0x18AA8] =	vst v63  }
0x342: {  	_ =	swait.ge [sflag:s6], $0x3200  }
0x343: {  	s17 =	sld [smem:$0x7E7]  }
0x344: {  	[sflag:s6] =	ssyncset.done $0x0  }
0x345: {  	[sflag:s6] =	ssyncadd.s32 $0xFFFFCE00  }
0x346: {  	[hbm4b:s17+s7] =	stream.strided.scatter [tilespmem:s11], [sflag:$0x4], $0x3200, s10, s7, $0x38;
	[tilespmem:$0x18AA8] =	vst v63  }
0x347: {  	[bflag:$0x0] =	sbarrier.arrive $0xFFFF  }
0x348: {  	s17 =	sld [smem:$0x7E9];
	_ =	sdelay $0x2  }
0x349: {  	[spmem:s1@s24], [sflag:s21] =	dma.strided @p0 [hbm:s17@s20], $0x1EC0, s23, $0x10   }
0x34a: {  	s17 =	sld [smem:$0x7EA];
	_ =	sdelay $0x2  }
0x34b: {  	[tilespmem:s19], [sflag:$0x1] =	stream.linear.gather @p0 [hbm4b:s17+s22], $0x80, $0x38;
	[tilespmem:$0x18AA8] =	vst v63  }
0x34c: {  	_ =	swait.ge @p0 [sflag:s23], $0x1EC0  }
0x34d: {  	[sflag:s23] =	ssyncset.done @p0 $0x0  }
0x34e: {  	[sflag:s23] =	ssyncadd.s32 @p0 $0xFFFFE140  }
0x34f: {  	_ =	swait.ge @p0 [sflag:s23], $0x80  }
0x350: {  	[sflag:s23] =	ssyncset.done @p0 $0x0  }
0x351: {  	[sflag:s23] =	ssyncadd.s32 @p0 $0xFFFFFF80  }
0x352: {  	[spmem:s12] =	stream.linear.scatter @p0 [tilespmem:s19], [sflag:$0x5], $0x80, $0x38;
	[tilespmem:$0x18AA8] =	vst v63  }
0x353: {  	_ =	swait.ge @p0 [sflag:s25], $0x80  }
0x354: {  	s17 =	sld [smem:$0x7E8]  }
0x355: {  	[sflag:s25] =	ssyncset.done @p0 $0x0  }
0x356: {  	[sflag:s25] =	ssyncadd.s32 @p0 $0xFFFFFF80  }
0x357: {  	[spmem:s0@s26], [sflag:s29] =	dma.strided @!p0 [hbm:s17@s28], $0x1E80, s30, $0x10   }
0x358: {  	_ =	swait.ge @!p0 [sflag:s30], $0x1E80  }
0x359: {  	[sflag:s30] =	ssyncset.done @!p0 $0x0  }
0x35a: {  	[sflag:s30] =	ssyncadd.s32 @!p0 $0xFFFFE180  }
0x35b: {  	[bflag:$0x0] =	sbarrier.arrive $0xFFFF  }
0x35c: {  	_ =	swait.ge [sflag:s8], $0x3200  }
0x35d: {  	[sflag:s8] =	ssyncset.done $0x0  }
0x35e: {  	[sflag:s8] =	ssyncadd.s32 $0xFFFFCE00  }
0x35f: {  	[tilespmem:s14], [sflag:$0x2] =	stream.indirect.gather [spmem:s2], $0x1, s5, s9, $0xb8;
	[tilespmem:$0x18AA8] =	vst v63  }
0x360: {  	_ =	swait.ge [sflag:s6], $0x3200  }
0x361: {  	s17 =	sld [smem:$0x7EB]  }
0x362: {  	[sflag:s6] =	ssyncset.done $0x0  }
0x363: {  	[sflag:s6] =	ssyncadd.s32 $0xFFFFCE00  }
0x364: {  	[hbm4b:s17+s7] =	stream.strided.scatter [tilespmem:s14], [sflag:$0x3], $0x3200, s10, s7, $0x38;
	[tilespmem:$0x18AA8] =	vst v63  }
0x365: {  	[bflag:$0x0] =	sbarrier.arrive $0xFFFF  }
0x366: {  	s17 =	sld [smem:$0x7ED];
	_ =	sdelay $0x2  }
0x367: {  	[spmem:s1@s24], [sflag:s21] =	dma.strided @p0 [hbm:s17@s20], $0x1EC0, s23, $0x10   }
0x368: {  	s17 =	sld [smem:$0x7EE];
	_ =	sdelay $0x2  }
0x369: {  	[tilespmem:s19], [sflag:$0x1] =	stream.linear.gather @p0 [hbm4b:s17+s22], $0x80, $0x38;
	[tilespmem:$0x18AA8] =	vst v63  }
0x36a: {  	_ =	swait.ge @p0 [sflag:s23], $0x1EC0  }
0x36b: {  	[sflag:s23] =	ssyncset.done @p0 $0x0  }
0x36c: {  	[sflag:s23] =	ssyncadd.s32 @p0 $0xFFFFE140  }
0x36d: {  	_ =	swait.ge @p0 [sflag:s23], $0x80  }
0x36e: {  	[sflag:s23] =	ssyncset.done @p0 $0x0  }
0x36f: {  	[sflag:s23] =	ssyncadd.s32 @p0 $0xFFFFFF80  }
0x370: {  	[spmem:s12] =	stream.linear.scatter @p0 [tilespmem:s19], [sflag:$0x5], $0x80, $0x38;
	[tilespmem:$0x18AA8] =	vst v63  }
0x371: {  	_ =	swait.ge @p0 [sflag:s25], $0x80  }
0x372: {  	s17 =	sld [smem:$0x7EC]  }
0x373: {  	[sflag:s25] =	ssyncset.done @p0 $0x0  }
0x374: {  	[sflag:s25] =	ssyncadd.s32 @p0 $0xFFFFFF80  }
0x375: {  	[spmem:s0@s26], [sflag:s29] =	dma.strided @!p0 [hbm:s17@s28], $0x1E80, s30, $0x10   }
0x376: {  	_ =	swait.ge @!p0 [sflag:s30], $0x1E80  }
0x377: {  	[sflag:s30] =	ssyncset.done @!p0 $0x0  }
0x378: {  	[sflag:s30] =	ssyncadd.s32 @!p0 $0xFFFFE180  }
0x379: {  	[bflag:$0x0] =	sbarrier.arrive $0xFFFF  }
0x37a: {  	_ =	swait.ge [sflag:s4], $0x3200  }
0x37b: {  	[sflag:s4] =	ssyncset.done $0x0  }
0x37c: {  	[sflag:s4] =	ssyncadd.s32 $0xFFFFCE00  }
0x37d: {  	[tilespmem:s11], [sflag:$0x2] =	stream.indirect.gather [spmem:s2], $0x1, s5, s9, $0xb8;
	[tilespmem:$0x18AA8] =	vst v63  }
0x37e: {  	_ =	swait.ge [sflag:s6], $0x3200  }
0x37f: {  	s17 =	sld [smem:$0x7EF]  }
0x380: {  	[sflag:s6] =	ssyncset.done $0x0  }
0x381: {  	[sflag:s6] =	ssyncadd.s32 $0xFFFFCE00  }
0x382: {  	[hbm4b:s17+s7] =	stream.strided.scatter [tilespmem:s11], [sflag:$0x4], $0x3200, s10, s7, $0x38;
	[tilespmem:$0x18AA8] =	vst v63  }
0x383: {  	[bflag:$0x0] =	sbarrier.arrive $0xFFFF  }
0x384: {  	s17 =	sld [smem:$0x7F1];
	_ =	sdelay $0x2  }
0x385: {  	[spmem:s1@s24], [sflag:s21] =	dma.strided @p0 [hbm:s17@s20], $0x1EC0, s23, $0x10   }
0x386: {  	s17 =	sld [smem:$0x7F2];
	_ =	sdelay $0x2  }
0x387: {  	[tilespmem:s19], [sflag:$0x1] =	stream.linear.gather @p0 [hbm4b:s17+s22], $0x80, $0x38;
	[tilespmem:$0x18AA8] =	vst v63  }
0x388: {  	_ =	swait.ge @p0 [sflag:s23], $0x1EC0  }
0x389: {  	[sflag:s23] =	ssyncset.done @p0 $0x0  }
0x38a: {  	[sflag:s23] =	ssyncadd.s32 @p0 $0xFFFFE140  }
0x38b: {  	_ =	swait.ge @p0 [sflag:s23], $0x80  }
0x38c: {  	[sflag:s23] =	ssyncset.done @p0 $0x0  }
0x38d: {  	[sflag:s23] =	ssyncadd.s32 @p0 $0xFFFFFF80  }
0x38e: {  	[spmem:s12] =	stream.linear.scatter @p0 [tilespmem:s19], [sflag:$0x5], $0x80, $0x38;
	[tilespmem:$0x18AA8] =	vst v63  }
0x38f: {  	_ =	swait.ge @p0 [sflag:s25], $0x80  }
0x390: {  	s17 =	sld [smem:$0x7F0]  }
0x391: {  	[sflag:s25] =	ssyncset.done @p0 $0x0  }
0x392: {  	[sflag:s25] =	ssyncadd.s32 @p0 $0xFFFFFF80  }
0x393: {  	[spmem:s0@s26], [sflag:s29] =	dma.strided @!p0 [hbm:s17@s28], $0x1E80, s30, $0x10   }
0x394: {  	_ =	swait.ge @!p0 [sflag:s30], $0x1E80  }
0x395: {  	[sflag:s30] =	ssyncset.done @!p0 $0x0  }
0x396: {  	[sflag:s30] =	ssyncadd.s32 @!p0 $0xFFFFE180  }
0x397: {  	[bflag:$0x0] =	sbarrier.arrive $0xFFFF  }
0x398: {  	_ =	swait.ge [sflag:s8], $0x3200  }
0x399: {  	[sflag:s8] =	ssyncset.done $0x0  }
0x39a: {  	[sflag:s8] =	ssyncadd.s32 $0xFFFFCE00  }
0x39b: {  	[tilespmem:s14], [sflag:$0x2] =	stream.indirect.gather [spmem:s2], $0x1, s5, s9, $0xb8;
	[tilespmem:$0x18AA8] =	vst v63  }
0x39c: {  	_ =	swait.ge [sflag:s6], $0x3200  }
0x39d: {  	s17 =	sld [smem:$0x7F3]  }
0x39e: {  	[sflag:s6] =	ssyncset.done $0x0  }
0x39f: {  	[sflag:s6] =	ssyncadd.s32 $0xFFFFCE00  }
0x3a0: {  	[hbm4b:s17+s7] =	stream.strided.scatter [tilespmem:s14], [sflag:$0x3], $0x3200, s10, s7, $0x38;
	[tilespmem:$0x18AA8] =	vst v63  }
0x3a1: {  	[bflag:$0x0] =	sbarrier.arrive $0xFFFF  }
0x3a2: {  	s17 =	sld [smem:$0x7F5];
	_ =	sdelay $0x2  }
0x3a3: {  	[spmem:s1@s24], [sflag:s21] =	dma.strided @p0 [hbm:s17@s20], $0x1EC0, s23, $0x10   }
0x3a4: {  	s17 =	sld [smem:$0x7F6];
	_ =	sdelay $0x2  }
0x3a5: {  	[tilespmem:s19], [sflag:$0x1] =	stream.linear.gather @p0 [hbm4b:s17+s22], $0x80, $0x38;
	[tilespmem:$0x18AA8] =	vst v63  }
0x3a6: {  	_ =	swait.ge @p0 [sflag:s23], $0x1EC0  }
0x3a7: {  	[sflag:s23] =	ssyncset.done @p0 $0x0  }
0x3a8: {  	[sflag:s23] =	ssyncadd.s32 @p0 $0xFFFFE140  }
0x3a9: {  	_ =	swait.ge @p0 [sflag:s23], $0x80  }
0x3aa: {  	[sflag:s23] =	ssyncset.done @p0 $0x0  }
0x3ab: {  	[sflag:s23] =	ssyncadd.s32 @p0 $0xFFFFFF80  }
0x3ac: {  	[spmem:s12] =	stream.linear.scatter @p0 [tilespmem:s19], [sflag:$0x5], $0x80, $0x38;
	[tilespmem:$0x18AA8] =	vst v63  }
0x3ad: {  	_ =	swait.ge @p0 [sflag:s25], $0x80  }
0x3ae: {  	s17 =	sld [smem:$0x7F4]  }
0x3af: {  	[sflag:s25] =	ssyncset.done @p0 $0x0  }
0x3b0: {  	[sflag:s25] =	ssyncadd.s32 @p0 $0xFFFFFF80  }
0x3b1: {  	[spmem:s0@s26], [sflag:s29] =	dma.strided @!p0 [hbm:s17@s28], $0x1E80, s30, $0x10   }
0x3b2: {  	_ =	swait.ge @!p0 [sflag:s30], $0x1E80  }
0x3b3: {  	[sflag:s30] =	ssyncset.done @!p0 $0x0  }
0x3b4: {  	[sflag:s30] =	ssyncadd.s32 @!p0 $0xFFFFE180  }
0x3b5: {  	[bflag:$0x0] =	sbarrier.arrive $0xFFFF  }
0x3b6: {  	_ =	swait.ge [sflag:s4], $0x3200  }
0x3b7: {  	[sflag:s4] =	ssyncset.done $0x0  }
0x3b8: {  	[sflag:s4] =	ssyncadd.s32 $0xFFFFCE00  }
0x3b9: {  	[tilespmem:s11], [sflag:$0x2] =	stream.indirect.gather [spmem:s2], $0x1, s5, s9, $0xb8;
	[tilespmem:$0x18AA8] =	vst v63  }
0x3ba: {  	_ =	swait.ge [sflag:s6], $0x3200  }
0x3bb: {  	s17 =	sld [smem:$0x7F7]  }
0x3bc: {  	[sflag:s6] =	ssyncset.done $0x0  }
0x3bd: {  	[sflag:s6] =	ssyncadd.s32 $0xFFFFCE00  }
0x3be: {  	[hbm4b:s17+s7] =	stream.strided.scatter [tilespmem:s11], [sflag:$0x4], $0x3200, s10, s7, $0x38;
	[tilespmem:$0x18AA8] =	vst v63  }
0x3bf: {  	[bflag:$0x0] =	sbarrier.arrive $0xFFFF  }
0x3c0: {  	s17 =	sld [smem:$0x7F9];
	_ =	sdelay $0x2  }
0x3c1: {  	[spmem:s1@s24], [sflag:s21] =	dma.strided @p0 [hbm:s17@s20], $0x1EC0, s23, $0x10   }
0x3c2: {  	s17 =	sld [smem:$0x7FA];
	_ =	sdelay $0x2  }
0x3c3: {  	[tilespmem:s19], [sflag:$0x1] =	stream.linear.gather @p0 [hbm4b:s17+s22], $0x80, $0x38;
	[tilespmem:$0x18AA8] =	vst v63  }
0x3c4: {  	_ =	swait.ge @p0 [sflag:s23], $0x1EC0  }
0x3c5: {  	[sflag:s23] =	ssyncset.done @p0 $0x0  }
0x3c6: {  	[sflag:s23] =	ssyncadd.s32 @p0 $0xFFFFE140  }
0x3c7: {  	_ =	swait.ge @p0 [sflag:s23], $0x80  }
0x3c8: {  	[sflag:s23] =	ssyncset.done @p0 $0x0  }
0x3c9: {  	[sflag:s23] =	ssyncadd.s32 @p0 $0xFFFFFF80  }
0x3ca: {  	[spmem:s12] =	stream.linear.scatter @p0 [tilespmem:s19], [sflag:$0x5], $0x80, $0x38;
	[tilespmem:$0x18AA8] =	vst v63  }
0x3cb: {  	_ =	swait.ge @p0 [sflag:s25], $0x80  }
0x3cc: {  	s17 =	sld [smem:$0x7F8]  }
0x3cd: {  	[sflag:s25] =	ssyncset.done @p0 $0x0  }
0x3ce: {  	[sflag:s25] =	ssyncadd.s32 @p0 $0xFFFFFF80  }
0x3cf: {  	[spmem:s0@s26], [sflag:s29] =	dma.strided @!p0 [hbm:s17@s28], $0x1E80, s30, $0x10   }
0x3d0: {  	_ =	swait.ge @!p0 [sflag:s30], $0x1E80  }
0x3d1: {  	[sflag:s30] =	ssyncset.done @!p0 $0x0  }
0x3d2: {  	[sflag:s30] =	ssyncadd.s32 @!p0 $0xFFFFE180  }
0x3d3: {  	[bflag:$0x0] =	sbarrier.arrive $0xFFFF  }
0x3d4: {  	_ =	swait.ge [sflag:s8], $0x3200  }
0x3d5: {  	[sflag:s8] =	ssyncset.done $0x0  }
0x3d6: {  	[sflag:s8] =	ssyncadd.s32 $0xFFFFCE00  }
0x3d7: {  	[tilespmem:s14], [sflag:$0x2] =	stream.indirect.gather [spmem:s2], $0x1, s5, s9, $0xb8;
	[tilespmem:$0x18AA8] =	vst v63  }
0x3d8: {  	_ =	swait.ge [sflag:s6], $0x3200  }
0x3d9: {  	s17 =	sld [smem:$0x7FB]  }
0x3da: {  	[sflag:s6] =	ssyncset.done $0x0  }
0x3db: {  	[sflag:s6] =	ssyncadd.s32 $0xFFFFCE00  }
0x3dc: {  	[hbm4b:s17+s7] =	stream.strided.scatter [tilespmem:s14], [sflag:$0x3], $0x3200, s10, s7, $0x38;
	[tilespmem:$0x18AA8] =	vst v63  }
0x3dd: {  	[bflag:$0x0] =	sbarrier.arrive $0xFFFF  }
0x3de: {  	s17 =	sld [smem:$0x7FD];
	_ =	sdelay $0x2  }
0x3df: {  	[spmem:s1@s24], [sflag:s21] =	dma.strided @p0 [hbm:s17@s20], $0x1EC0, s23, $0x10   }
0x3e0: {  	[tilespmem:s19], [sflag:$0x1] =	stream.linear.gather @p0 [hbm4b:s13+s22], $0x80, $0x38;
	[tilespmem:$0x18AA8] =	vst v63  }
0x3e1: {  	_ =	swait.ge @p0 [sflag:s23], $0x1EC0  }
0x3e2: {  	[sflag:s23] =	ssyncset.done @p0 $0x0  }
0x3e3: {  	[sflag:s23] =	ssyncadd.s32 @p0 $0xFFFFE140  }
0x3e4: {  	_ =	swait.ge @p0 [sflag:s23], $0x80  }
0x3e5: {  	[sflag:s23] =	ssyncset.done @p0 $0x0  }
0x3e6: {  	[sflag:s23] =	ssyncadd.s32 @p0 $0xFFFFFF80  }
0x3e7: {  	[spmem:s12] =	stream.linear.scatter @p0 [tilespmem:s19], [sflag:$0x5], $0x80, $0x38;
	[tilespmem:$0x18AA8] =	vst v63  }
0x3e8: {  	_ =	swait.ge @p0 [sflag:s25], $0x80  }
0x3e9: {  	s1 =	sld [smem:$0x7FC]  }
0x3ea: {  	[sflag:s25] =	ssyncset.done @p0 $0x0  }
0x3eb: {  	[sflag:s25] =	ssyncadd.s32 @p0 $0xFFFFFF80  }
0x3ec: {  	[spmem:s0@s26], [sflag:s29] =	dma.strided @!p0 [hbm:s1@s28], $0x1E80, s30, $0x10   }
0x3ed: {  	_ =	swait.ge @!p0 [sflag:s30], $0x1E80  }
0x3ee: {  	[sflag:s30] =	ssyncset.done @!p0 $0x0  }
0x3ef: {  	[sflag:s30] =	ssyncadd.s32 @!p0 $0xFFFFE180  }
0x3f0: {  	[bflag:$0x0] =	sbarrier.arrive $0xFFFF  }
0x3f1: {  	_ =	swait.ge [sflag:s4], $0x3200  }
0x3f2: {  	[sflag:s4] =	ssyncset.done $0x0  }
0x3f3: {  	[sflag:s4] =	ssyncadd.s32 $0xFFFFCE00  }
0x3f4: {  	[tilespmem:s11], [sflag:$0x2] =	stream.indirect.gather [spmem:s2], $0x1, s5, s9, $0xb8;
	[tilespmem:$0x18AA8] =	vst v63  }
0x3f5: {  	_ =	swait.ge [sflag:s6], $0x3200  }
0x3f6: {  	[sflag:s6] =	ssyncset.done $0x0  }
0x3f7: {  	s31 =	sadd.s32 $0xFFFFFFFF, s31;
	[sflag:s6] =	ssyncadd.s32 $0xFFFFCE00  }
0x3f8: {  	[hbm4b:s3+s7] =	stream.strided.scatter [tilespmem:s11], [sflag:$0x4], $0x3200, s10, s7, $0x38;
	[tilespmem:$0x18AA8] =	vst v63  }
0x3f9: {  	p2 =	sne.s32 s31, $0x0;
	[bflag:$0x0] =	sbarrier.arrive $0xFFFF  }
.Ltmp2:
0x3fa: {  	_ =	swait.ge [sflag:s8], $0x3200;
	(pc) =	sbr.rel @p2 .LBB2_3-.Ltmp2, $4  }
0x3fb: {  	[sflag:s8] =	ssyncset.done $0x0  }
0x3fc: {  	[sflag:s8] =	ssyncadd.s32 $0xFFFFCE00  }
0x3fd: {  	_ =	swait.ge [sflag:s4], $0x3200  }
0x3fe: {  	s1 =	rddreg [dreg:$0x5];
	[sflag:s4] =	ssyncset.done $0x0  }
0x3ff: {  	s29 =	rddreg [dreg:$0x4]  }
0x400: {  	s28 =	stileid.u32;
	s31 =	sld [smem:$0x7D8]  }
.LBB2_5:
0x401: {  	[sflag:s4] =	ssyncadd.s32 @p1 $0xFFFFCE00  }
0x402: {  	[tilespmem:s5], [sflag:$0x5] =	stream.linear.gather [hbm4b:s1+s15], $0x3200, $0x38;
	[tilespmem:$0x18AA8] =	vst v63  }
0x403: {  	s0 =	simm.s32 @p0 $0x18A28;
	s19 =	simm.s32 @p0 $0x0;
	_ =	swait.ge [sflag:s18], $0x3200  }
0x404: {  	s21 =	simm.s32 @p0 $0x10;
	[sflag:s18] =	ssyncset.done $0x0;
	s1 =	rddreg [dreg:$0x8]  }
0x405: {  	s15 =	simm.s32 @p0 $0x80;
	s17 =	rddreg [dreg:$0x9];
	[sflag:s18] =	ssyncadd.s32 $0xFFFFCE00  }
0x406: {  	s18 =	simm.s32 @p0 $0x1FC1;
	s20 =	sshrl.u32 @p0 s1, $0x3;
	s1 =	simm.s32 @p0 $0x1  }
0x407: {  	[spmem:s20@s21], [sflag:s18] =	dma.strided @p0 [hbm:s17@s15], $0x1EC0, s1, $0x10   }
0x408: {  	[tilespmem:s0], [sflag:$0x1] =	stream.linear.gather @p0 [hbm4b:s16+s19], $0x80, $0x38;
	[tilespmem:$0x18AA8] =	vst v63  }
0x409: {  	_ =	swait.ge @p0 [sflag:s1], $0x1EC0  }
0x40a: {  	[sflag:s1] =	ssyncset.done @p0 $0x0  }
0x40b: {  	[sflag:s1] =	ssyncadd.s32 @p0 $0xFFFFE140  }
0x40c: {  	_ =	swait.ge @p0 [sflag:s1], $0x80  }
0x40d: {  	[sflag:s1] =	ssyncset.done @p0 $0x0  }
0x40e: {  	s24 =	simm.s32 @!p0 $0x10;
	s16 =	simm.s32 @p0 $0x5;
	[sflag:s1] =	ssyncadd.s32 @p0 $0xFFFFFF80  }
0x40f: {  	[spmem:s12] =	stream.linear.scatter @p0 [tilespmem:s0], [sflag:$0x5], $0x80, $0x38;
	[tilespmem:$0x18AA8] =	vst v63  }
0x410: {  	s25 =	simm.s32 @!p0 $0x80;
	s23 =	simm.s32 @!p0 $0x1;
	_ =	swait.ge @p0 [sflag:s16], $0x80  }
0x411: {  	s17 =	sor.u32 @!p0 $0x1C01, s31;
	s22 =	rddreg [dreg:$0x6];
	[sflag:s16] =	ssyncset.done @p0 $0x0  }
0x412: {  	s26 =	rddreg [dreg:$0x7];
	[sflag:s16] =	ssyncadd.s32 @p0 $0xFFFFFF80;
	s22 =	sshrl.u32 @!p0 s22, $0x3  }
0x413: {  	[spmem:s22@s24], [sflag:s17] =	dma.strided @!p0 [hbm:s26@s25], $0x1E80, s23, $0x10   }
0x414: {  	_ =	swait.ge @!p0 [sflag:s23], $0x1E80  }
0x415: {  	[sflag:s23] =	ssyncset.done @!p0 $0x0  }
0x416: {  	[sflag:s23] =	ssyncadd.s32 @!p0 $0xFFFFE180  }
0x417: {  	[bflag:$0x0] =	sbarrier.arrive $0xFFFF  }
0x418: {  	[tilespmem:s14], [sflag:$0x2] =	stream.indirect.gather [spmem:s2], $0x1, s5, s9, $0xb8;
	[tilespmem:$0x18AA8] =	vst v63  }
0x419: {  	_ =	swait.ge [sflag:s6], $0x3200  }
0x41a: {  	[sflag:s6] =	ssyncset.done $0x0  }
0x41b: {  	s31 =	rddreg [dreg:$0xa];
	[sflag:s6] =	ssyncadd.s32 $0xFFFFCE00  }
0x41c: {  	[hbm4b:s31+s7] =	stream.strided.scatter [tilespmem:s14], [sflag:$0x3], $0x3200, s10, s7, $0x38;
	[tilespmem:$0x18AA8] =	vst v63  }
0x41d: {  	[bflag:$0x0] =	sbarrier.arrive $0xFFFF  }
0x41e: {  	s26 =	rddreg [dreg:$0xc]  }
0x41f: {  	[spmem:s20@s21], [sflag:s18] =	dma.strided @p0 [hbm:s26@s15], $0x1EC0, s1, $0x10   }
0x420: {  	s26 =	rddreg [dreg:$0xd]  }
0x421: {  	[tilespmem:s0], [sflag:$0x1] =	stream.linear.gather @p0 [hbm4b:s26+s19], $0x80, $0x38;
	[tilespmem:$0x18AA8] =	vst v63  }
0x422: {  	_ =	swait.ge @p0 [sflag:s1], $0x1EC0  }
0x423: {  	[sflag:s1] =	ssyncset.done @p0 $0x0  }
0x424: {  	[sflag:s1] =	ssyncadd.s32 @p0 $0xFFFFE140  }
0x425: {  	_ =	swait.ge @p0 [sflag:s1], $0x80  }
0x426: {  	[sflag:s1] =	ssyncset.done @p0 $0x0  }
0x427: {  	[sflag:s1] =	ssyncadd.s32 @p0 $0xFFFFFF80  }
0x428: {  	[spmem:s12] =	stream.linear.scatter @p0 [tilespmem:s0], [sflag:$0x5], $0x80, $0x38;
	[tilespmem:$0x18AA8] =	vst v63  }
0x429: {  	_ =	swait.ge @p0 [sflag:s16], $0x80  }
0x42a: {  	[sflag:s16] =	ssyncset.done @p0 $0x0  }
0x42b: {  	s26 =	rddreg [dreg:$0xb];
	[sflag:s16] =	ssyncadd.s32 @p0 $0xFFFFFF80  }
0x42c: {  	[spmem:s22@s24], [sflag:s17] =	dma.strided @!p0 [hbm:s26@s25], $0x1E80, s23, $0x10   }
0x42d: {  	_ =	swait.ge @!p0 [sflag:s23], $0x1E80  }
0x42e: {  	[sflag:s23] =	ssyncset.done @!p0 $0x0  }
0x42f: {  	[sflag:s23] =	ssyncadd.s32 @!p0 $0xFFFFE180  }
0x430: {  	[bflag:$0x0] =	sbarrier.arrive $0xFFFF  }
0x431: {  	[tilespmem:s11], [sflag:$0x2] =	stream.indirect.gather [spmem:s2], $0x1, s5, s9, $0xb8;
	[tilespmem:$0x18AA8] =	vst v63  }
0x432: {  	_ =	swait.ge [sflag:s6], $0x3200  }
0x433: {  	[sflag:s6] =	ssyncset.done $0x0  }
0x434: {  	s30 =	rddreg [dreg:$0xe];
	[sflag:s6] =	ssyncadd.s32 $0xFFFFCE00  }
0x435: {  	[hbm4b:s30+s7] =	stream.strided.scatter [tilespmem:s11], [sflag:$0x4], $0x3200, s10, s7, $0x38;
	[tilespmem:$0x18AA8] =	vst v63  }
0x436: {  	[bflag:$0x0] =	sbarrier.arrive $0xFFFF  }
0x437: {  	s26 =	rddreg [dreg:$0x10]  }
0x438: {  	[spmem:s20@s21], [sflag:s18] =	dma.strided @p0 [hbm:s26@s15], $0x1EC0, s1, $0x10   }
0x439: {  	s26 =	rddreg [dreg:$0x11]  }
0x43a: {  	[tilespmem:s0], [sflag:$0x1] =	stream.linear.gather @p0 [hbm4b:s26+s19], $0x80, $0x38;
	[tilespmem:$0x18AA8] =	vst v63  }
0x43b: {  	_ =	swait.ge @p0 [sflag:s1], $0x1EC0  }
0x43c: {  	[sflag:s1] =	ssyncset.done @p0 $0x0  }
0x43d: {  	[sflag:s1] =	ssyncadd.s32 @p0 $0xFFFFE140  }
0x43e: {  	_ =	swait.ge @p0 [sflag:s1], $0x80  }
0x43f: {  	[sflag:s1] =	ssyncset.done @p0 $0x0  }
0x440: {  	[sflag:s1] =	ssyncadd.s32 @p0 $0xFFFFFF80  }
0x441: {  	[spmem:s12] =	stream.linear.scatter @p0 [tilespmem:s0], [sflag:$0x5], $0x80, $0x38;
	[tilespmem:$0x18AA8] =	vst v63  }
0x442: {  	_ =	swait.ge @p0 [sflag:s16], $0x80  }
0x443: {  	[sflag:s16] =	ssyncset.done @p0 $0x0  }
0x444: {  	s26 =	rddreg [dreg:$0xf];
	[sflag:s16] =	ssyncadd.s32 @p0 $0xFFFFFF80  }
0x445: {  	[spmem:s22@s24], [sflag:s17] =	dma.strided @!p0 [hbm:s26@s25], $0x1E80, s23, $0x10   }
0x446: {  	_ =	swait.ge @!p0 [sflag:s23], $0x1E80  }
0x447: {  	[sflag:s23] =	ssyncset.done @!p0 $0x0  }
0x448: {  	[sflag:s23] =	ssyncadd.s32 @!p0 $0xFFFFE180  }
0x449: {  	[bflag:$0x0] =	sbarrier.arrive $0xFFFF  }
0x44a: {  	_ =	swait.ge [sflag:s8], $0x3200  }
0x44b: {  	[sflag:s8] =	ssyncset.done $0x0  }
0x44c: {  	[sflag:s8] =	ssyncadd.s32 $0xFFFFCE00  }
0x44d: {  	[tilespmem:s14], [sflag:$0x2] =	stream.indirect.gather [spmem:s2], $0x1, s5, s9, $0xb8;
	[tilespmem:$0x18AA8] =	vst v63  }
0x44e: {  	_ =	swait.ge [sflag:s6], $0x3200  }
0x44f: {  	[sflag:s6] =	ssyncset.done $0x0  }
0x450: {  	s31 =	rddreg [dreg:$0x12];
	[sflag:s6] =	ssyncadd.s32 $0xFFFFCE00  }
0x451: {  	[hbm4b:s31+s7] =	stream.strided.scatter [tilespmem:s14], [sflag:$0x3], $0x3200, s10, s7, $0x38;
	[tilespmem:$0x18AA8] =	vst v63  }
0x452: {  	[bflag:$0x0] =	sbarrier.arrive $0xFFFF  }
0x453: {  	s26 =	rddreg [dreg:$0x14]  }
0x454: {  	[spmem:s20@s21], [sflag:s18] =	dma.strided @p0 [hbm:s26@s15], $0x1EC0, s1, $0x10   }
0x455: {  	s26 =	rddreg [dreg:$0x15]  }
0x456: {  	[tilespmem:s0], [sflag:$0x1] =	stream.linear.gather @p0 [hbm4b:s26+s19], $0x80, $0x38;
	[tilespmem:$0x18AA8] =	vst v63  }
0x457: {  	_ =	swait.ge @p0 [sflag:s1], $0x1EC0  }
0x458: {  	[sflag:s1] =	ssyncset.done @p0 $0x0  }
0x459: {  	[sflag:s1] =	ssyncadd.s32 @p0 $0xFFFFE140  }
0x45a: {  	_ =	swait.ge @p0 [sflag:s1], $0x80  }
0x45b: {  	[sflag:s1] =	ssyncset.done @p0 $0x0  }
0x45c: {  	[sflag:s1] =	ssyncadd.s32 @p0 $0xFFFFFF80  }
0x45d: {  	[spmem:s12] =	stream.linear.scatter @p0 [tilespmem:s0], [sflag:$0x5], $0x80, $0x38;
	[tilespmem:$0x18AA8] =	vst v63  }
0x45e: {  	_ =	swait.ge @p0 [sflag:s16], $0x80  }
0x45f: {  	[sflag:s16] =	ssyncset.done @p0 $0x0  }
0x460: {  	s26 =	rddreg [dreg:$0x13];
	[sflag:s16] =	ssyncadd.s32 @p0 $0xFFFFFF80  }
0x461: {  	[spmem:s22@s24], [sflag:s17] =	dma.strided @!p0 [hbm:s26@s25], $0x1E80, s23, $0x10   }
0x462: {  	_ =	swait.ge @!p0 [sflag:s23], $0x1E80  }
0x463: {  	[sflag:s23] =	ssyncset.done @!p0 $0x0  }
0x464: {  	[sflag:s23] =	ssyncadd.s32 @!p0 $0xFFFFE180  }
0x465: {  	[bflag:$0x0] =	sbarrier.arrive $0xFFFF  }
0x466: {  	_ =	swait.ge [sflag:s4], $0x3200  }
0x467: {  	[sflag:s4] =	ssyncset.done $0x0  }
0x468: {  	[sflag:s4] =	ssyncadd.s32 $0xFFFFCE00  }
0x469: {  	[tilespmem:s11], [sflag:$0x2] =	stream.indirect.gather [spmem:s2], $0x1, s5, s9, $0xb8;
	[tilespmem:$0x18AA8] =	vst v63  }
0x46a: {  	_ =	swait.ge [sflag:s6], $0x3200  }
0x46b: {  	[sflag:s6] =	ssyncset.done $0x0  }
0x46c: {  	s30 =	rddreg [dreg:$0x16];
	[sflag:s6] =	ssyncadd.s32 $0xFFFFCE00  }
0x46d: {  	[hbm4b:s30+s7] =	stream.strided.scatter [tilespmem:s11], [sflag:$0x4], $0x3200, s10, s7, $0x38;
	[tilespmem:$0x18AA8] =	vst v63  }
0x46e: {  	[bflag:$0x0] =	sbarrier.arrive $0xFFFF  }
0x46f: {  	s26 =	rddreg [dreg:$0x18]  }
0x470: {  	[spmem:s20@s21], [sflag:s18] =	dma.strided @p0 [hbm:s26@s15], $0x1EC0, s1, $0x10   }
0x471: {  	s26 =	rddreg [dreg:$0x19]  }
0x472: {  	[tilespmem:s0], [sflag:$0x1] =	stream.linear.gather @p0 [hbm4b:s26+s19], $0x80, $0x38;
	[tilespmem:$0x18AA8] =	vst v63  }
0x473: {  	_ =	swait.ge @p0 [sflag:s1], $0x1EC0  }
0x474: {  	[sflag:s1] =	ssyncset.done @p0 $0x0  }
0x475: {  	[sflag:s1] =	ssyncadd.s32 @p0 $0xFFFFE140  }
0x476: {  	_ =	swait.ge @p0 [sflag:s1], $0x80  }
0x477: {  	[sflag:s1] =	ssyncset.done @p0 $0x0  }
0x478: {  	[sflag:s1] =	ssyncadd.s32 @p0 $0xFFFFFF80  }
0x479: {  	[spmem:s12] =	stream.linear.scatter @p0 [tilespmem:s0], [sflag:$0x5], $0x80, $0x38;
	[tilespmem:$0x18AA8] =	vst v63  }
0x47a: {  	_ =	swait.ge @p0 [sflag:s16], $0x80  }
0x47b: {  	[sflag:s16] =	ssyncset.done @p0 $0x0  }
0x47c: {  	s26 =	rddreg [dreg:$0x17];
	[sflag:s16] =	ssyncadd.s32 @p0 $0xFFFFFF80  }
0x47d: {  	[spmem:s22@s24], [sflag:s17] =	dma.strided @!p0 [hbm:s26@s25], $0x1E80, s23, $0x10   }
0x47e: {  	_ =	swait.ge @!p0 [sflag:s23], $0x1E80  }
0x47f: {  	[sflag:s23] =	ssyncset.done @!p0 $0x0  }
0x480: {  	[sflag:s23] =	ssyncadd.s32 @!p0 $0xFFFFE180  }
0x481: {  	[bflag:$0x0] =	sbarrier.arrive $0xFFFF  }
0x482: {  	_ =	swait.ge [sflag:s8], $0x3200  }
0x483: {  	[sflag:s8] =	ssyncset.done $0x0  }
0x484: {  	[sflag:s8] =	ssyncadd.s32 $0xFFFFCE00  }
0x485: {  	[tilespmem:s14], [sflag:$0x2] =	stream.indirect.gather [spmem:s2], $0x1, s5, s9, $0xb8;
	[tilespmem:$0x18AA8] =	vst v63  }
0x486: {  	_ =	swait.ge [sflag:s6], $0x3200  }
0x487: {  	[sflag:s6] =	ssyncset.done $0x0  }
0x488: {  	s31 =	rddreg [dreg:$0x1a];
	[sflag:s6] =	ssyncadd.s32 $0xFFFFCE00  }
0x489: {  	[hbm4b:s31+s7] =	stream.strided.scatter [tilespmem:s14], [sflag:$0x3], $0x3200, s10, s7, $0x38;
	[tilespmem:$0x18AA8] =	vst v63  }
0x48a: {  	[bflag:$0x0] =	sbarrier.arrive $0xFFFF  }
0x48b: {  	s26 =	rddreg [dreg:$0x1c]  }
0x48c: {  	[spmem:s20@s21], [sflag:s18] =	dma.strided @p0 [hbm:s26@s15], $0x1EC0, s1, $0x10   }
0x48d: {  	s26 =	rddreg [dreg:$0x1d]  }
0x48e: {  	[tilespmem:s0], [sflag:$0x1] =	stream.linear.gather @p0 [hbm4b:s26+s19], $0x80, $0x38;
	[tilespmem:$0x18AA8] =	vst v63  }
0x48f: {  	_ =	swait.ge @p0 [sflag:s1], $0x1EC0  }
0x490: {  	[sflag:s1] =	ssyncset.done @p0 $0x0  }
0x491: {  	[sflag:s1] =	ssyncadd.s32 @p0 $0xFFFFE140  }
0x492: {  	_ =	swait.ge @p0 [sflag:s1], $0x80  }
0x493: {  	[sflag:s1] =	ssyncset.done @p0 $0x0  }
0x494: {  	[sflag:s1] =	ssyncadd.s32 @p0 $0xFFFFFF80  }
0x495: {  	[spmem:s12] =	stream.linear.scatter @p0 [tilespmem:s0], [sflag:$0x5], $0x80, $0x38;
	[tilespmem:$0x18AA8] =	vst v63  }
0x496: {  	_ =	swait.ge @p0 [sflag:s16], $0x80  }
0x497: {  	[sflag:s16] =	ssyncset.done @p0 $0x0  }
0x498: {  	s26 =	rddreg [dreg:$0x1b];
	[sflag:s16] =	ssyncadd.s32 @p0 $0xFFFFFF80  }
0x499: {  	[spmem:s22@s24], [sflag:s17] =	dma.strided @!p0 [hbm:s26@s25], $0x1E80, s23, $0x10   }
0x49a: {  	_ =	swait.ge @!p0 [sflag:s23], $0x1E80  }
0x49b: {  	[sflag:s23] =	ssyncset.done @!p0 $0x0  }
0x49c: {  	[sflag:s23] =	ssyncadd.s32 @!p0 $0xFFFFE180  }
0x49d: {  	[bflag:$0x0] =	sbarrier.arrive $0xFFFF  }
0x49e: {  	_ =	swait.ge [sflag:s4], $0x3200  }
0x49f: {  	[sflag:s4] =	ssyncset.done $0x0  }
0x4a0: {  	[sflag:s4] =	ssyncadd.s32 $0xFFFFCE00  }
0x4a1: {  	[tilespmem:s11], [sflag:$0x2] =	stream.indirect.gather [spmem:s2], $0x1, s5, s9, $0xb8;
	[tilespmem:$0x18AA8] =	vst v63  }
0x4a2: {  	_ =	swait.ge [sflag:s6], $0x3200  }
0x4a3: {  	[sflag:s6] =	ssyncset.done $0x0  }
0x4a4: {  	s30 =	rddreg [dreg:$0x1e];
	[sflag:s6] =	ssyncadd.s32 $0xFFFFCE00  }
0x4a5: {  	[hbm4b:s30+s7] =	stream.strided.scatter [tilespmem:s11], [sflag:$0x4], $0x3200, s10, s7, $0x38;
	[tilespmem:$0x18AA8] =	vst v63  }
0x4a6: {  	[bflag:$0x0] =	sbarrier.arrive $0xFFFF  }
0x4a7: {  	s26 =	sld [smem:$0x7D9];
	_ =	sdelay $0x2  }
0x4a8: {  	[spmem:s20@s21], [sflag:s18] =	dma.strided @p0 [hbm:s26@s15], $0x1EC0, s1, $0x10   }
0x4a9: {  	s26 =	sld [smem:$0x7DA];
	_ =	sdelay $0x2  }
0x4aa: {  	[tilespmem:s0], [sflag:$0x1] =	stream.linear.gather @p0 [hbm4b:s26+s19], $0x80, $0x38;
	[tilespmem:$0x18AA8] =	vst v63  }
0x4ab: {  	_ =	swait.ge @p0 [sflag:s1], $0x1EC0  }
0x4ac: {  	[sflag:s1] =	ssyncset.done @p0 $0x0  }
0x4ad: {  	[sflag:s1] =	ssyncadd.s32 @p0 $0xFFFFE140  }
0x4ae: {  	_ =	swait.ge @p0 [sflag:s1], $0x80  }
0x4af: {  	[sflag:s1] =	ssyncset.done @p0 $0x0  }
0x4b0: {  	[sflag:s1] =	ssyncadd.s32 @p0 $0xFFFFFF80  }
0x4b1: {  	[spmem:s12] =	stream.linear.scatter @p0 [tilespmem:s0], [sflag:$0x5], $0x80, $0x38;
	[tilespmem:$0x18AA8] =	vst v63  }
0x4b2: {  	_ =	swait.ge @p0 [sflag:s16], $0x80  }
0x4b3: {  	[sflag:s16] =	ssyncset.done @p0 $0x0  }
0x4b4: {  	s26 =	rddreg [dreg:$0x1f];
	[sflag:s16] =	ssyncadd.s32 @p0 $0xFFFFFF80  }
0x4b5: {  	[spmem:s22@s24], [sflag:s17] =	dma.strided @!p0 [hbm:s26@s25], $0x1E80, s23, $0x10   }
0x4b6: {  	_ =	swait.ge @!p0 [sflag:s23], $0x1E80  }
0x4b7: {  	[sflag:s23] =	ssyncset.done @!p0 $0x0  }
0x4b8: {  	[sflag:s23] =	ssyncadd.s32 @!p0 $0xFFFFE180  }
0x4b9: {  	[bflag:$0x0] =	sbarrier.arrive $0xFFFF  }
0x4ba: {  	_ =	swait.ge [sflag:s8], $0x3200  }
0x4bb: {  	[sflag:s8] =	ssyncset.done $0x0  }
0x4bc: {  	[sflag:s8] =	ssyncadd.s32 $0xFFFFCE00  }
0x4bd: {  	[tilespmem:s14], [sflag:$0x2] =	stream.indirect.gather [spmem:s2], $0x1, s5, s9, $0xb8;
	[tilespmem:$0x18AA8] =	vst v63  }
0x4be: {  	_ =	swait.ge [sflag:s6], $0x3200  }
0x4bf: {  	s31 =	sld [smem:$0x7DB]  }
0x4c0: {  	[sflag:s6] =	ssyncset.done $0x0  }
0x4c1: {  	[sflag:s6] =	ssyncadd.s32 $0xFFFFCE00  }
0x4c2: {  	[hbm4b:s31+s7] =	stream.strided.scatter [tilespmem:s14], [sflag:$0x3], $0x3200, s10, s7, $0x38;
	[tilespmem:$0x18AA8] =	vst v63  }
0x4c3: {  	[bflag:$0x0] =	sbarrier.arrive $0xFFFF  }
0x4c4: {  	s26 =	sld [smem:$0x7DD];
	_ =	sdelay $0x2  }
0x4c5: {  	[spmem:s20@s21], [sflag:s18] =	dma.strided @p0 [hbm:s26@s15], $0x1EC0, s1, $0x10   }
0x4c6: {  	s26 =	sld [smem:$0x7DE];
	_ =	sdelay $0x2  }
0x4c7: {  	[tilespmem:s0], [sflag:$0x1] =	stream.linear.gather @p0 [hbm4b:s26+s19], $0x80, $0x38;
	[tilespmem:$0x18AA8] =	vst v63  }
0x4c8: {  	_ =	swait.ge @p0 [sflag:s1], $0x1EC0  }
0x4c9: {  	[sflag:s1] =	ssyncset.done @p0 $0x0  }
0x4ca: {  	[sflag:s1] =	ssyncadd.s32 @p0 $0xFFFFE140  }
0x4cb: {  	_ =	swait.ge @p0 [sflag:s1], $0x80  }
0x4cc: {  	[sflag:s1] =	ssyncset.done @p0 $0x0  }
0x4cd: {  	[sflag:s1] =	ssyncadd.s32 @p0 $0xFFFFFF80  }
0x4ce: {  	[spmem:s12] =	stream.linear.scatter @p0 [tilespmem:s0], [sflag:$0x5], $0x80, $0x38;
	[tilespmem:$0x18AA8] =	vst v63  }
0x4cf: {  	_ =	swait.ge @p0 [sflag:s16], $0x80  }
0x4d0: {  	s26 =	sld [smem:$0x7DC]  }
0x4d1: {  	[sflag:s16] =	ssyncset.done @p0 $0x0  }
0x4d2: {  	[sflag:s16] =	ssyncadd.s32 @p0 $0xFFFFFF80  }
0x4d3: {  	[spmem:s22@s24], [sflag:s17] =	dma.strided @!p0 [hbm:s26@s25], $0x1E80, s23, $0x10   }
0x4d4: {  	_ =	swait.ge @!p0 [sflag:s23], $0x1E80  }
0x4d5: {  	[sflag:s23] =	ssyncset.done @!p0 $0x0  }
0x4d6: {  	[sflag:s23] =	ssyncadd.s32 @!p0 $0xFFFFE180  }
0x4d7: {  	[bflag:$0x0] =	sbarrier.arrive $0xFFFF  }
0x4d8: {  	_ =	swait.ge [sflag:s4], $0x3200  }
0x4d9: {  	[sflag:s4] =	ssyncset.done $0x0  }
0x4da: {  	[sflag:s4] =	ssyncadd.s32 $0xFFFFCE00  }
0x4db: {  	[tilespmem:s11], [sflag:$0x2] =	stream.indirect.gather [spmem:s2], $0x1, s5, s9, $0xb8;
	[tilespmem:$0x18AA8] =	vst v63  }
0x4dc: {  	_ =	swait.ge [sflag:s6], $0x3200  }
0x4dd: {  	s30 =	sld [smem:$0x7DF]  }
0x4de: {  	[sflag:s6] =	ssyncset.done $0x0  }
0x4df: {  	[sflag:s6] =	ssyncadd.s32 $0xFFFFCE00  }
0x4e0: {  	[hbm4b:s30+s7] =	stream.strided.scatter [tilespmem:s11], [sflag:$0x4], $0x3200, s10, s7, $0x38;
	[tilespmem:$0x18AA8] =	vst v63  }
0x4e1: {  	[bflag:$0x0] =	sbarrier.arrive $0xFFFF  }
0x4e2: {  	s26 =	sld [smem:$0x7E1];
	_ =	sdelay $0x2  }
0x4e3: {  	[spmem:s20@s21], [sflag:s18] =	dma.strided @p0 [hbm:s26@s15], $0x1EC0, s1, $0x10   }
0x4e4: {  	s26 =	sld [smem:$0x7E2];
	_ =	sdelay $0x2  }
0x4e5: {  	[tilespmem:s0], [sflag:$0x1] =	stream.linear.gather @p0 [hbm4b:s26+s19], $0x80, $0x38;
	[tilespmem:$0x18AA8] =	vst v63  }
0x4e6: {  	_ =	swait.ge @p0 [sflag:s1], $0x1EC0  }
0x4e7: {  	[sflag:s1] =	ssyncset.done @p0 $0x0  }
0x4e8: {  	[sflag:s1] =	ssyncadd.s32 @p0 $0xFFFFE140  }
0x4e9: {  	_ =	swait.ge @p0 [sflag:s1], $0x80  }
0x4ea: {  	[sflag:s1] =	ssyncset.done @p0 $0x0  }
0x4eb: {  	[sflag:s1] =	ssyncadd.s32 @p0 $0xFFFFFF80  }
0x4ec: {  	[spmem:s12] =	stream.linear.scatter @p0 [tilespmem:s0], [sflag:$0x5], $0x80, $0x38;
	[tilespmem:$0x18AA8] =	vst v63  }
0x4ed: {  	_ =	swait.ge @p0 [sflag:s16], $0x80  }
0x4ee: {  	s26 =	sld [smem:$0x7E0]  }
0x4ef: {  	[sflag:s16] =	ssyncset.done @p0 $0x0  }
0x4f0: {  	[sflag:s16] =	ssyncadd.s32 @p0 $0xFFFFFF80  }
0x4f1: {  	[spmem:s22@s24], [sflag:s17] =	dma.strided @!p0 [hbm:s26@s25], $0x1E80, s23, $0x10   }
0x4f2: {  	_ =	swait.ge @!p0 [sflag:s23], $0x1E80  }
0x4f3: {  	[sflag:s23] =	ssyncset.done @!p0 $0x0  }
0x4f4: {  	[sflag:s23] =	ssyncadd.s32 @!p0 $0xFFFFE180  }
0x4f5: {  	[bflag:$0x0] =	sbarrier.arrive $0xFFFF  }
0x4f6: {  	_ =	swait.ge [sflag:s8], $0x3200  }
0x4f7: {  	[sflag:s8] =	ssyncset.done $0x0  }
0x4f8: {  	[sflag:s8] =	ssyncadd.s32 $0xFFFFCE00  }
0x4f9: {  	[tilespmem:s14], [sflag:$0x2] =	stream.indirect.gather [spmem:s2], $0x1, s5, s9, $0xb8;
	[tilespmem:$0x18AA8] =	vst v63  }
0x4fa: {  	_ =	swait.ge [sflag:s6], $0x3200  }
0x4fb: {  	s31 =	sld [smem:$0x7E3]  }
0x4fc: {  	[sflag:s6] =	ssyncset.done $0x0  }
0x4fd: {  	[sflag:s6] =	ssyncadd.s32 $0xFFFFCE00  }
0x4fe: {  	[hbm4b:s31+s7] =	stream.strided.scatter [tilespmem:s14], [sflag:$0x3], $0x3200, s10, s7, $0x38;
	[tilespmem:$0x18AA8] =	vst v63  }
0x4ff: {  	[bflag:$0x0] =	sbarrier.arrive $0xFFFF  }
0x500: {  	s26 =	sld [smem:$0x7E5];
	_ =	sdelay $0x2  }
0x501: {  	[spmem:s20@s21], [sflag:s18] =	dma.strided @p0 [hbm:s26@s15], $0x1EC0, s1, $0x10   }
0x502: {  	s26 =	sld [smem:$0x7E6];
	_ =	sdelay $0x2  }
0x503: {  	[tilespmem:s0], [sflag:$0x1] =	stream.linear.gather @p0 [hbm4b:s26+s19], $0x80, $0x38;
	[tilespmem:$0x18AA8] =	vst v63  }
0x504: {  	_ =	swait.ge @p0 [sflag:s1], $0x1EC0  }
0x505: {  	[sflag:s1] =	ssyncset.done @p0 $0x0  }
0x506: {  	[sflag:s1] =	ssyncadd.s32 @p0 $0xFFFFE140  }
0x507: {  	_ =	swait.ge @p0 [sflag:s1], $0x80  }
0x508: {  	[sflag:s1] =	ssyncset.done @p0 $0x0  }
0x509: {  	[sflag:s1] =	ssyncadd.s32 @p0 $0xFFFFFF80  }
0x50a: {  	[spmem:s12] =	stream.linear.scatter @p0 [tilespmem:s0], [sflag:$0x5], $0x80, $0x38;
	[tilespmem:$0x18AA8] =	vst v63  }
0x50b: {  	_ =	swait.ge @p0 [sflag:s16], $0x80  }
0x50c: {  	s26 =	sld [smem:$0x7E4]  }
0x50d: {  	[sflag:s16] =	ssyncset.done @p0 $0x0  }
0x50e: {  	[sflag:s16] =	ssyncadd.s32 @p0 $0xFFFFFF80  }
0x50f: {  	[spmem:s22@s24], [sflag:s17] =	dma.strided @!p0 [hbm:s26@s25], $0x1E80, s23, $0x10   }
0x510: {  	_ =	swait.ge @!p0 [sflag:s23], $0x1E80  }
0x511: {  	[sflag:s23] =	ssyncset.done @!p0 $0x0  }
0x512: {  	[sflag:s23] =	ssyncadd.s32 @!p0 $0xFFFFE180  }
0x513: {  	[bflag:$0x0] =	sbarrier.arrive $0xFFFF  }
0x514: {  	_ =	swait.ge [sflag:s4], $0x3200  }
0x515: {  	[sflag:s4] =	ssyncset.done $0x0  }
0x516: {  	[sflag:s4] =	ssyncadd.s32 $0xFFFFCE00  }
0x517: {  	[tilespmem:s11], [sflag:$0x2] =	stream.indirect.gather [spmem:s2], $0x1, s5, s9, $0xb8;
	[tilespmem:$0x18AA8] =	vst v63  }
0x518: {  	_ =	swait.ge [sflag:s6], $0x3200  }
0x519: {  	s30 =	sld [smem:$0x7E7]  }
0x51a: {  	[sflag:s6] =	ssyncset.done $0x0  }
0x51b: {  	[sflag:s6] =	ssyncadd.s32 $0xFFFFCE00  }
0x51c: {  	[hbm4b:s30+s7] =	stream.strided.scatter [tilespmem:s11], [sflag:$0x4], $0x3200, s10, s7, $0x38;
	[tilespmem:$0x18AA8] =	vst v63  }
0x51d: {  	[bflag:$0x0] =	sbarrier.arrive $0xFFFF  }
0x51e: {  	s26 =	sld [smem:$0x7E9];
	_ =	sdelay $0x2  }
0x51f: {  	[spmem:s20@s21], [sflag:s18] =	dma.strided @p0 [hbm:s26@s15], $0x1EC0, s1, $0x10   }
0x520: {  	s26 =	sld [smem:$0x7EA];
	_ =	sdelay $0x2  }
0x521: {  	[tilespmem:s0], [sflag:$0x1] =	stream.linear.gather @p0 [hbm4b:s26+s19], $0x80, $0x38;
	[tilespmem:$0x18AA8] =	vst v63  }
0x522: {  	_ =	swait.ge @p0 [sflag:s1], $0x1EC0  }
0x523: {  	[sflag:s1] =	ssyncset.done @p0 $0x0  }
0x524: {  	[sflag:s1] =	ssyncadd.s32 @p0 $0xFFFFE140  }
0x525: {  	_ =	swait.ge @p0 [sflag:s1], $0x80  }
0x526: {  	[sflag:s1] =	ssyncset.done @p0 $0x0  }
0x527: {  	[sflag:s1] =	ssyncadd.s32 @p0 $0xFFFFFF80  }
0x528: {  	[spmem:s12] =	stream.linear.scatter @p0 [tilespmem:s0], [sflag:$0x5], $0x80, $0x38;
	[tilespmem:$0x18AA8] =	vst v63  }
0x529: {  	_ =	swait.ge @p0 [sflag:s16], $0x80  }
0x52a: {  	s26 =	sld [smem:$0x7E8]  }
0x52b: {  	[sflag:s16] =	ssyncset.done @p0 $0x0  }
0x52c: {  	[sflag:s16] =	ssyncadd.s32 @p0 $0xFFFFFF80  }
0x52d: {  	[spmem:s22@s24], [sflag:s17] =	dma.strided @!p0 [hbm:s26@s25], $0x1E80, s23, $0x10   }
0x52e: {  	_ =	swait.ge @!p0 [sflag:s23], $0x1E80  }
0x52f: {  	[sflag:s23] =	ssyncset.done @!p0 $0x0  }
0x530: {  	[sflag:s23] =	ssyncadd.s32 @!p0 $0xFFFFE180  }
0x531: {  	[bflag:$0x0] =	sbarrier.arrive $0xFFFF  }
0x532: {  	_ =	swait.ge [sflag:s8], $0x3200  }
0x533: {  	[sflag:s8] =	ssyncset.done $0x0  }
0x534: {  	[sflag:s8] =	ssyncadd.s32 $0xFFFFCE00  }
0x535: {  	[tilespmem:s14], [sflag:$0x2] =	stream.indirect.gather [spmem:s2], $0x1, s5, s9, $0xb8;
	[tilespmem:$0x18AA8] =	vst v63  }
0x536: {  	_ =	swait.ge [sflag:s6], $0x3200  }
0x537: {  	s31 =	sld [smem:$0x7EB]  }
0x538: {  	[sflag:s6] =	ssyncset.done $0x0  }
0x539: {  	[sflag:s6] =	ssyncadd.s32 $0xFFFFCE00  }
0x53a: {  	[hbm4b:s31+s7] =	stream.strided.scatter [tilespmem:s14], [sflag:$0x3], $0x3200, s10, s7, $0x38;
	[tilespmem:$0x18AA8] =	vst v63  }
0x53b: {  	[bflag:$0x0] =	sbarrier.arrive $0xFFFF  }
0x53c: {  	s26 =	sld [smem:$0x7ED];
	_ =	sdelay $0x2  }
0x53d: {  	[spmem:s20@s21], [sflag:s18] =	dma.strided @p0 [hbm:s26@s15], $0x1EC0, s1, $0x10   }
0x53e: {  	s26 =	sld [smem:$0x7EE];
	_ =	sdelay $0x2  }
0x53f: {  	[tilespmem:s0], [sflag:$0x1] =	stream.linear.gather @p0 [hbm4b:s26+s19], $0x80, $0x38;
	[tilespmem:$0x18AA8] =	vst v63  }
0x540: {  	_ =	swait.ge @p0 [sflag:s1], $0x1EC0  }
0x541: {  	[sflag:s1] =	ssyncset.done @p0 $0x0  }
0x542: {  	[sflag:s1] =	ssyncadd.s32 @p0 $0xFFFFE140  }
0x543: {  	_ =	swait.ge @p0 [sflag:s1], $0x80  }
0x544: {  	[sflag:s1] =	ssyncset.done @p0 $0x0  }
0x545: {  	[sflag:s1] =	ssyncadd.s32 @p0 $0xFFFFFF80  }
0x546: {  	[spmem:s12] =	stream.linear.scatter @p0 [tilespmem:s0], [sflag:$0x5], $0x80, $0x38;
	[tilespmem:$0x18AA8] =	vst v63  }
0x547: {  	_ =	swait.ge @p0 [sflag:s16], $0x80  }
0x548: {  	s26 =	sld [smem:$0x7EC]  }
0x549: {  	[sflag:s16] =	ssyncset.done @p0 $0x0  }
0x54a: {  	[sflag:s16] =	ssyncadd.s32 @p0 $0xFFFFFF80  }
0x54b: {  	[spmem:s22@s24], [sflag:s17] =	dma.strided @!p0 [hbm:s26@s25], $0x1E80, s23, $0x10   }
0x54c: {  	_ =	swait.ge @!p0 [sflag:s23], $0x1E80  }
0x54d: {  	[sflag:s23] =	ssyncset.done @!p0 $0x0  }
0x54e: {  	[sflag:s23] =	ssyncadd.s32 @!p0 $0xFFFFE180  }
0x54f: {  	[bflag:$0x0] =	sbarrier.arrive $0xFFFF  }
0x550: {  	_ =	swait.ge [sflag:s4], $0x3200  }
0x551: {  	[sflag:s4] =	ssyncset.done $0x0  }
0x552: {  	[sflag:s4] =	ssyncadd.s32 $0xFFFFCE00  }
0x553: {  	[tilespmem:s11], [sflag:$0x2] =	stream.indirect.gather [spmem:s2], $0x1, s5, s9, $0xb8;
	[tilespmem:$0x18AA8] =	vst v63  }
0x554: {  	_ =	swait.ge [sflag:s6], $0x3200  }
0x555: {  	s30 =	sld [smem:$0x7EF]  }
0x556: {  	[sflag:s6] =	ssyncset.done $0x0  }
0x557: {  	[sflag:s6] =	ssyncadd.s32 $0xFFFFCE00  }
0x558: {  	[hbm4b:s30+s7] =	stream.strided.scatter [tilespmem:s11], [sflag:$0x4], $0x3200, s10, s7, $0x38;
	[tilespmem:$0x18AA8] =	vst v63  }
0x559: {  	[bflag:$0x0] =	sbarrier.arrive $0xFFFF  }
0x55a: {  	s26 =	sld [smem:$0x7F1];
	_ =	sdelay $0x2  }
0x55b: {  	[spmem:s20@s21], [sflag:s18] =	dma.strided @p0 [hbm:s26@s15], $0x1EC0, s1, $0x10   }
0x55c: {  	s26 =	sld [smem:$0x7F2];
	_ =	sdelay $0x2  }
0x55d: {  	[tilespmem:s0], [sflag:$0x1] =	stream.linear.gather @p0 [hbm4b:s26+s19], $0x80, $0x38;
	[tilespmem:$0x18AA8] =	vst v63  }
0x55e: {  	_ =	swait.ge @p0 [sflag:s1], $0x1EC0  }
0x55f: {  	[sflag:s1] =	ssyncset.done @p0 $0x0  }
0x560: {  	[sflag:s1] =	ssyncadd.s32 @p0 $0xFFFFE140  }
0x561: {  	_ =	swait.ge @p0 [sflag:s1], $0x80  }
0x562: {  	[sflag:s1] =	ssyncset.done @p0 $0x0  }
0x563: {  	[sflag:s1] =	ssyncadd.s32 @p0 $0xFFFFFF80  }
0x564: {  	[spmem:s12] =	stream.linear.scatter @p0 [tilespmem:s0], [sflag:$0x5], $0x80, $0x38;
	[tilespmem:$0x18AA8] =	vst v63  }
0x565: {  	_ =	swait.ge @p0 [sflag:s16], $0x80  }
0x566: {  	s26 =	sld [smem:$0x7F0]  }
0x567: {  	[sflag:s16] =	ssyncset.done @p0 $0x0  }
0x568: {  	[sflag:s16] =	ssyncadd.s32 @p0 $0xFFFFFF80  }
0x569: {  	[spmem:s22@s24], [sflag:s17] =	dma.strided @!p0 [hbm:s26@s25], $0x1E80, s23, $0x10   }
0x56a: {  	_ =	swait.ge @!p0 [sflag:s23], $0x1E80  }
0x56b: {  	[sflag:s23] =	ssyncset.done @!p0 $0x0  }
0x56c: {  	[sflag:s23] =	ssyncadd.s32 @!p0 $0xFFFFE180  }
0x56d: {  	[bflag:$0x0] =	sbarrier.arrive $0xFFFF  }
0x56e: {  	_ =	swait.ge [sflag:s8], $0x3200  }
0x56f: {  	[sflag:s8] =	ssyncset.done $0x0  }
0x570: {  	[sflag:s8] =	ssyncadd.s32 $0xFFFFCE00  }
0x571: {  	[tilespmem:s14], [sflag:$0x2] =	stream.indirect.gather [spmem:s2], $0x1, s5, s9, $0xb8;
	[tilespmem:$0x18AA8] =	vst v63  }
0x572: {  	_ =	swait.ge [sflag:s6], $0x3200  }
0x573: {  	s31 =	sld [smem:$0x7F3]  }
0x574: {  	[sflag:s6] =	ssyncset.done $0x0  }
0x575: {  	[sflag:s6] =	ssyncadd.s32 $0xFFFFCE00  }
0x576: {  	[hbm4b:s31+s7] =	stream.strided.scatter [tilespmem:s14], [sflag:$0x3], $0x3200, s10, s7, $0x38;
	[tilespmem:$0x18AA8] =	vst v63  }
0x577: {  	[bflag:$0x0] =	sbarrier.arrive $0xFFFF  }
0x578: {  	s26 =	sld [smem:$0x7F5];
	_ =	sdelay $0x2  }
0x579: {  	[spmem:s20@s21], [sflag:s18] =	dma.strided @p0 [hbm:s26@s15], $0x1EC0, s1, $0x10   }
0x57a: {  	s26 =	sld [smem:$0x7F6];
	_ =	sdelay $0x2  }
0x57b: {  	[tilespmem:s0], [sflag:$0x1] =	stream.linear.gather @p0 [hbm4b:s26+s19], $0x80, $0x38;
	[tilespmem:$0x18AA8] =	vst v63  }
0x57c: {  	_ =	swait.ge @p0 [sflag:s1], $0x1EC0  }
0x57d: {  	[sflag:s1] =	ssyncset.done @p0 $0x0  }
0x57e: {  	[sflag:s1] =	ssyncadd.s32 @p0 $0xFFFFE140  }
0x57f: {  	_ =	swait.ge @p0 [sflag:s1], $0x80  }
0x580: {  	[sflag:s1] =	ssyncset.done @p0 $0x0  }
0x581: {  	[sflag:s1] =	ssyncadd.s32 @p0 $0xFFFFFF80  }
0x582: {  	[spmem:s12] =	stream.linear.scatter @p0 [tilespmem:s0], [sflag:$0x5], $0x80, $0x38;
	[tilespmem:$0x18AA8] =	vst v63  }
0x583: {  	_ =	swait.ge @p0 [sflag:s16], $0x80  }
0x584: {  	s26 =	sld [smem:$0x7F4]  }
0x585: {  	[sflag:s16] =	ssyncset.done @p0 $0x0  }
0x586: {  	[sflag:s16] =	ssyncadd.s32 @p0 $0xFFFFFF80  }
0x587: {  	[spmem:s22@s24], [sflag:s17] =	dma.strided @!p0 [hbm:s26@s25], $0x1E80, s23, $0x10   }
0x588: {  	_ =	swait.ge @!p0 [sflag:s23], $0x1E80  }
0x589: {  	[sflag:s23] =	ssyncset.done @!p0 $0x0  }
0x58a: {  	[sflag:s23] =	ssyncadd.s32 @!p0 $0xFFFFE180  }
0x58b: {  	[bflag:$0x0] =	sbarrier.arrive $0xFFFF  }
0x58c: {  	_ =	swait.ge [sflag:s4], $0x3200  }
0x58d: {  	[sflag:s4] =	ssyncset.done $0x0  }
0x58e: {  	[sflag:s4] =	ssyncadd.s32 $0xFFFFCE00  }
0x58f: {  	[tilespmem:s11], [sflag:$0x2] =	stream.indirect.gather [spmem:s2], $0x1, s5, s9, $0xb8;
	[tilespmem:$0x18AA8] =	vst v63  }
0x590: {  	_ =	swait.ge [sflag:s6], $0x3200  }
0x591: {  	s30 =	sld [smem:$0x7F7]  }
0x592: {  	[sflag:s6] =	ssyncset.done $0x0  }
0x593: {  	[sflag:s6] =	ssyncadd.s32 $0xFFFFCE00  }
0x594: {  	[hbm4b:s30+s7] =	stream.strided.scatter [tilespmem:s11], [sflag:$0x4], $0x3200, s10, s7, $0x38;
	[tilespmem:$0x18AA8] =	vst v63  }
0x595: {  	[bflag:$0x0] =	sbarrier.arrive $0xFFFF  }
0x596: {  	s26 =	sld [smem:$0x7F9];
	_ =	sdelay $0x2  }
0x597: {  	[spmem:s20@s21], [sflag:s18] =	dma.strided @p0 [hbm:s26@s15], $0x1EC0, s1, $0x10   }
0x598: {  	s26 =	sld [smem:$0x7FA];
	_ =	sdelay $0x2  }
0x599: {  	[tilespmem:s0], [sflag:$0x1] =	stream.linear.gather @p0 [hbm4b:s26+s19], $0x80, $0x38;
	[tilespmem:$0x18AA8] =	vst v63  }
0x59a: {  	_ =	swait.ge @p0 [sflag:s1], $0x1EC0  }
0x59b: {  	[sflag:s1] =	ssyncset.done @p0 $0x0  }
0x59c: {  	[sflag:s1] =	ssyncadd.s32 @p0 $0xFFFFE140  }
0x59d: {  	_ =	swait.ge @p0 [sflag:s1], $0x80  }
0x59e: {  	[sflag:s1] =	ssyncset.done @p0 $0x0  }
0x59f: {  	[sflag:s1] =	ssyncadd.s32 @p0 $0xFFFFFF80  }
0x5a0: {  	[spmem:s12] =	stream.linear.scatter @p0 [tilespmem:s0], [sflag:$0x5], $0x80, $0x38;
	[tilespmem:$0x18AA8] =	vst v63  }
0x5a1: {  	_ =	swait.ge @p0 [sflag:s16], $0x80  }
0x5a2: {  	s26 =	sld [smem:$0x7F8]  }
0x5a3: {  	[sflag:s16] =	ssyncset.done @p0 $0x0  }
0x5a4: {  	[sflag:s16] =	ssyncadd.s32 @p0 $0xFFFFFF80  }
0x5a5: {  	[spmem:s22@s24], [sflag:s17] =	dma.strided @!p0 [hbm:s26@s25], $0x1E80, s23, $0x10   }
0x5a6: {  	_ =	swait.ge @!p0 [sflag:s23], $0x1E80  }
0x5a7: {  	[sflag:s23] =	ssyncset.done @!p0 $0x0  }
0x5a8: {  	[sflag:s23] =	ssyncadd.s32 @!p0 $0xFFFFE180  }
0x5a9: {  	[bflag:$0x0] =	sbarrier.arrive $0xFFFF  }
0x5aa: {  	_ =	swait.ge [sflag:s8], $0x3200  }
0x5ab: {  	[sflag:s8] =	ssyncset.done $0x0  }
0x5ac: {  	[sflag:s8] =	ssyncadd.s32 $0xFFFFCE00  }
0x5ad: {  	[tilespmem:s14], [sflag:$0x2] =	stream.indirect.gather [spmem:s2], $0x1, s5, s9, $0xb8;
	[tilespmem:$0x18AA8] =	vst v63  }
0x5ae: {  	_ =	swait.ge [sflag:s6], $0x3200  }
0x5af: {  	s31 =	sld [smem:$0x7FB]  }
0x5b0: {  	[sflag:s6] =	ssyncset.done $0x0  }
0x5b1: {  	[sflag:s6] =	ssyncadd.s32 $0xFFFFCE00  }
0x5b2: {  	[hbm4b:s31+s7] =	stream.strided.scatter [tilespmem:s14], [sflag:$0x3], $0x3200, s10, s7, $0x38;
	[tilespmem:$0x18AA8] =	vst v63  }
0x5b3: {  	[bflag:$0x0] =	sbarrier.arrive $0xFFFF  }
0x5b4: {  	s14 =	sld [smem:$0x7FD];
	_ =	sdelay $0x2  }
0x5b5: {  	[spmem:s20@s21], [sflag:s18] =	dma.strided @p0 [hbm:s14@s15], $0x1EC0, s1, $0x10   }
0x5b6: {  	[tilespmem:s0], [sflag:$0x1] =	stream.linear.gather @p0 [hbm4b:s13+s19], $0x80, $0x38;
	[tilespmem:$0x18AA8] =	vst v63  }
0x5b7: {  	_ =	swait.ge @p0 [sflag:s1], $0x1EC0  }
0x5b8: {  	[sflag:s1] =	ssyncset.done @p0 $0x0  }
0x5b9: {  	[sflag:s1] =	ssyncadd.s32 @p0 $0xFFFFE140  }
0x5ba: {  	_ =	swait.ge @p0 [sflag:s1], $0x80  }
0x5bb: {  	[sflag:s1] =	ssyncset.done @p0 $0x0  }
0x5bc: {  	[sflag:s1] =	ssyncadd.s32 @p0 $0xFFFFFF80  }
0x5bd: {  	[spmem:s12] =	stream.linear.scatter @p0 [tilespmem:s0], [sflag:$0x5], $0x80, $0x38;
	[tilespmem:$0x18AA8] =	vst v63  }
0x5be: {  	_ =	swait.ge @p0 [sflag:s16], $0x80  }
0x5bf: {  	s0 =	sld [smem:$0x7FC]  }
0x5c0: {  	[sflag:s16] =	ssyncset.done @p0 $0x0  }
0x5c1: {  	[sflag:s16] =	ssyncadd.s32 @p0 $0xFFFFFF80  }
0x5c2: {  	[spmem:s22@s24], [sflag:s17] =	dma.strided @!p0 [hbm:s0@s25], $0x1E80, s23, $0x10   }
0x5c3: {  	_ =	swait.ge @!p0 [sflag:s23], $0x1E80  }
0x5c4: {  	[sflag:s23] =	ssyncset.done @!p0 $0x0  }
0x5c5: {  	[sflag:s23] =	ssyncadd.s32 @!p0 $0xFFFFE180  }
0x5c6: {  	[bflag:$0x0] =	sbarrier.arrive $0xFFFF  }
0x5c7: {  	_ =	swait.ge [sflag:s4], $0x3200  }
0x5c8: {  	[sflag:s4] =	ssyncset.done $0x0  }
0x5c9: {  	[sflag:s4] =	ssyncadd.s32 $0xFFFFCE00  }
0x5ca: {  	[tilespmem:s11], [sflag:$0x2] =	stream.indirect.gather [spmem:s2], $0x1, s5, s9, $0xb8;
	[tilespmem:$0x18AA8] =	vst v63  }
0x5cb: {  	_ =	swait.ge [sflag:s6], $0x3200  }
0x5cc: {  	[sflag:s6] =	ssyncset.done $0x0  }
0x5cd: {  	[sflag:s6] =	ssyncadd.s32 $0xFFFFCE00  }
0x5ce: {  	[hbm4b:s3+s7] =	stream.strided.scatter [tilespmem:s11], [sflag:$0x4], $0x3200, s10, s7, $0x38;
	[tilespmem:$0x18AA8] =	vst v63  }
0x5cf: {  	[bflag:$0x0] =	sbarrier.arrive $0xFFFF  }
0x5d0: {  	_ =	swait.ge [sflag:s8], $0x3200  }
0x5d1: {  	[sflag:s8] =	ssyncset.done $0x0  }
0x5d2: {  	[sflag:s8] =	ssyncadd.s32 $0xFFFFCE00  }
0x5d3: {  	_ =	swait.ge [sflag:s4], $0x3200  }
0x5d4: {  	[sflag:s4] =	ssyncset.done $0x0  }
0x5d5: {  	[sflag:s4] =	ssyncadd.s32 $0xFFFFCE00  }
0x5d6: {  	_ =	sfence.sel $0x180000  }
0x5d7: {  	[bflag:$0x0] =	sbarrier.arrive $0xFFFF  }
0x5d8: {  	p0 =	sne.s32 s28, $0x0;
	_ =	strace $0x90000047  }
0x5d9: {  	s0 =	sadd.s32 @!p0 $0x100000, s29;
	[bflag:$0x2] =	sbarrier.arrive $0xFFFF  }
0x5da: {  	[sflag:s0] =	ssyncadd.tile.s32 @!p0 $0x1;
	_ =	shalt  }
.LBB2_2:
.Ltmp3:
0x5db: {  	(pc) =	sbr.rel .LBB2_5-.Ltmp3, $3  }
0x5dc: {  	_ =	sdelay $0x1  }
0x5dd: {  	s29 =	rddreg [dreg:$0x4]  }
0x5de: {  	s28 =	stileid.u32;
	s31 =	sld [smem:$0x7D8]  }
.Lfunc_end2:
_tile_overlayer_lowered:
.L_overlay_start_2:
0x5df: {  	(tag) =	ssettag $0x2  }
0x5e0: {  	s0 =	rddreg [dreg:$0x0];
	s2 =	stileid.u32  }
0x5e1: {  	s1 =	rddreg [dreg:$0x1];
	p0 =	sne.s32 s2, $0x0  }
0x5e2: {  	s3 =	rddreg [dreg:$0x2];
	[bflag:$0x3] =	sbarrier.arrive $0xFFFF;
	s2 =	simm.s32 @!p0 $0x1C05  }
0x5e3: {  	[timem:s3], [sflag:s2] =	dma.local @!p0 [hbm:s0], s1  }
0x5e4: {  	s0 =	simm.s32 @!p0 $0x5  }
0x5e5: {  	_ =	swait.ge @!p0 [sflag:s0], s1  }
0x5e6: {  	s1 =	ssub.s32 @!p0 $0x0, s1;
	[sflag:s0] =	ssyncset.done @!p0 $0x0  }
0x5e7: {  	[sflag:s0] =	ssyncadd.s32 @!p0 s1  }
0x5e8: {  	[bflag:$0x3] =	sbarrier.arrive $0xFFFF  }
0x5e9: {  	_ =	shalt  }

</sc_bundles>
